<compile_context>
chip_gen: v7x
topology: tpu7x:2x2x1
jax: 0.10.2.dev20260603
libtpu: 0.0.44.dev20260713+nightly
codegen_flags: <defaults>
</compile_context>

<pallas_src>
import jax
import jax.numpy as jnp
from jax import lax
from jax.experimental import pallas as pl
from jax.experimental.pallas import tpu as pltpu
from jax.experimental.pallas import tpu_sc as plsc

BATCH = 16384
NF = 26
VOCAB = 100000
D = 32

NC = 2
NS = 16
L = 16
NW = NC * NS

R = BATCH * NF
RW = R // NW
JROWS = RW // 128
CROWS = 1664
NGRP = RW // CROWS
KJ = CROWS // 128

VB = 8192
NVB = -(-VOCAB // VB)
FR = 7
TW = FR * NVB * VB


def _transpose_body(in_ref, out_ref):
    out_ref[...] = in_ref[...].T


def _emb_body(x_hbm, tab_hbm, out_hbm, xidx, rows, semA, semB, semSA, semSB):
    wid = lax.axis_index("s") * NC + lax.axis_index("c")

    pltpu.sync_copy(x_hbm.at[pl.ds(wid * JROWS, JROWS), :], xidx)

    def cvt(j, carry):
        for o in range(128 // L):
            pos = j * 128 + o * L + lax.iota(jnp.int32, L)
            fid = pos % NF
            vloc = xidx[j, pl.ds(o * L, L)]
            q = vloc >> 13
            vl = vloc & (VB - 1)
            xidx[j, pl.ds(o * L, L)] = (
                (((fid >> 2) * NVB + q) << 15) + (vl << 2) + (fid & 3))
        return carry

    lax.fori_loop(0, JROWS, cvt, 0)

    gsem = [semA, semB]
    ssem = [semSA, semSB]

    def fire(g):
        buf, sem = g % 2, gsem[g % 2]
        return [
            pltpu.async_copy(tab_hbm.at[xidx.at[g * KJ + k]],
                             rows.at[buf, pl.ds(k * 128, 128), :], sem)
            for k in range(KJ)
        ]

    def fire_store(g):
        buf = g % 2
        return pltpu.async_copy(
            rows.at[buf],
            out_hbm.at[pl.ds(wid * RW + g * CROWS, CROWS), :], ssem[buf])

    gathers = {0: fire(0)}
    stores = {}
    for g in range(1, NGRP):
        if g >= 2:
            stores[g - 2].wait()
        gathers[g] = fire(g)
        for h in gathers[g - 1]:
            h.wait()
        stores[g - 1] = fire_store(g - 1)
    for h in gathers[NGRP - 1]:
        h.wait()
    stores[NGRP - 1] = fire_store(NGRP - 1)
    stores[NGRP - 2].wait()
    stores[NGRP - 1].wait()


@jax.jit
def kernel(x, tables):
    x2d = x.reshape(R // 128, 128)
    y = tables.transpose(0, 2, 1).reshape(NF * D, VOCAB)
    lin = pl.pallas_call(
        _transpose_body,
        grid=(FR, NVB),
        in_specs=[pl.BlockSpec((128, VB), lambda fr, vb: (fr, vb))],
        out_specs=pl.BlockSpec((VB, 128), lambda fr, vb: (fr * NVB + vb, 0)),
        out_shape=jax.ShapeDtypeStruct((TW, 128), jnp.float32),
    )(y)
    tab = lin.reshape(TW * 4, D)
    mesh = plsc.VectorSubcoreMesh(core_axis_name="c", subcore_axis_name="s")
    out = pl.kernel(
        _emb_body,
        out_type=jax.ShapeDtypeStruct((R, D), jnp.float32),
        mesh=mesh,
        scratch_types=[
            pltpu.VMEM((JROWS, 128), jnp.int32),
            pltpu.VMEM((2, CROWS, D), jnp.float32),
            pltpu.SemaphoreType.DMA,
            pltpu.SemaphoreType.DMA,
            pltpu.SemaphoreType.DMA,
            pltpu.SemaphoreType.DMA,
        ],
        compiler_params=pltpu.CompilerParams(use_tc_tiling_on_sc=False),
    )(x2d, tab)
    return out.reshape(BATCH, NF * D)

# --- scband reference (transcript-rebuilt; emitter-appended) ---
"""Pipeline reference for scband-embedding-layer-35072702939348 (READ-ONLY COPY).

The authoritative reference and input builder live on the scoring server;
editing this copy changes nothing except your own understanding.
"""

import jax, jax.numpy as jnp
import numpy as np

BATCH = 16384
N_FIELDS = 26
VOCAB = 100000
EMB_DIM = 32


def setup_inputs(seed: int = 0) -> dict:
    key = jax.random.key(seed)
    kx, kt = jax.random.split(key)
    x = jax.random.randint(kx, (BATCH, N_FIELDS), 0, VOCAB, dtype=jnp.int32)
    # One embedding table per sparse field, all with the same (vocab, dim) here,
    # stacked into a single [n_fields, vocab, dim] parameter tensor.
    tables = jax.random.normal(kt, (N_FIELDS, VOCAB, EMB_DIM), dtype=jnp.float32) * 0.01
    return {"x": x, "tables": tables}


def reference(x, tables):
    # Faithful translation: embed each feature column with its own table,
    # then concatenate along the last dim.
    n_fields = tables.shape[0]
    embs = [jnp.take(tables[i], x[:, i], axis=0) for i in range(n_fields)]
    return jnp.concatenate(embs, axis=-1)

if __name__ == "__main__":
    import jax
    _d = setup_inputs()
    print(jax.jit(kernel)(*tuple(_d.values())))

</pallas_src>

<mosaic_0001>
#map = affine_map<(d0, d1) -> (0, 0)>
module attributes {stable_mosaic.version = 14 : i64} {
  func.func @_emb_body(%arg0: i32, %arg1: i32, %arg2: memref<3328x128xi32, #tpu.memory_space<hbm>>, %arg3: memref<2981888x32xf32, #tpu.memory_space<hbm>>, %arg4: memref<425984x32xf32, #tpu.memory_space<hbm>>, %arg5: memref<104x128xi32, #tpu.memory_space<vmem>>, %arg6: memref<2x1664x32xf32, #tpu.memory_space<vmem>>, %arg7: memref<!tpu.dma_semaphore, #tpu.memory_space<semaphore_mem>>, %arg8: memref<!tpu.dma_semaphore, #tpu.memory_space<semaphore_mem>>, %arg9: memref<!tpu.dma_semaphore, #tpu.memory_space<semaphore_mem>>, %arg10: memref<!tpu.dma_semaphore, #tpu.memory_space<semaphore_mem>>) attributes {dimension_semantics = [#tpu.dimension_semantics<core_parallel>, #tpu.dimension_semantics<subcore_parallel>], iteration_bounds = array<i64: 2, 16>, scalar_prefetch = 0 : i64, scratch_operands = 6 : i64, tpu.core_type = #tpu.core_type<sc_vector_subcore>, window_params = [{transform_indices = #map}, {transform_indices = #map}, {transform_indices = #map}]} {
    %mul3A = arith.constant 2 : i32
    %mul3A_0 = arith.muli %arg1, %mul3A : i32
    %add3A = arith.addi %mul3A_0, %arg0 : i32
    %mul3A_1 = arith.constant 104 : i32
    %mul3A_2 = arith.muli %add3A, %mul3A_1 : i32
    "tpu.region"() ({
      %run_scoped3A = tpu.sem_alloc : memref<!tpu.dma_semaphore, #tpu.memory_space<semaphore_mem>>
      %dma_start3A_2742 = arith.constant 0 : i32
      %dma_start3A_2743 = tpu.memref_slice %arg2[%mul3A_2, %dma_start3A_2742] : memref<3328x128xi32, #tpu.memory_space<hbm>> -> memref<104x128xi32, #tpu.memory_space<hbm>>
      %dma_start3A_2744 = arith.constant 0 : i32
      %dma_start3A_2745 = tpu.memref_slice %arg2[%mul3A_2, %dma_start3A_2744] : memref<3328x128xi32, #tpu.memory_space<hbm>> -> memref<104x128xi32, #tpu.memory_space<hbm>>
      tpu.enqueue_dma source(%dma_start3A_2745 : memref<104x128xi32, #tpu.memory_space<hbm>>) target(%arg5 : memref<104x128xi32, #tpu.memory_space<vmem>>) target_semaphore(%run_scoped3A : memref<!tpu.dma_semaphore, #tpu.memory_space<semaphore_mem>>)
      %dma_wait3A_2746 = arith.constant 0 : i32
      %dma_wait3A_2747 = tpu.memref_slice %arg2[%mul3A_2, %dma_wait3A_2746] : memref<3328x128xi32, #tpu.memory_space<hbm>> -> memref<104x128xi32, #tpu.memory_space<hbm>>
      %dma_wait3A_2748 = arith.constant 0 : i32
      %dma_wait3A_2749 = tpu.memref_slice %arg2[%mul3A_2, %dma_wait3A_2748] : memref<3328x128xi32, #tpu.memory_space<hbm>> -> memref<104x128xi32, #tpu.memory_space<hbm>>
      tpu.wait_dma2 semaphore(%run_scoped3A : memref<!tpu.dma_semaphore, #tpu.memory_space<semaphore_mem>>) src(%dma_wait3A_2749 : memref<104x128xi32, #tpu.memory_space<hbm>>) dst(%arg5 : memref<104x128xi32, #tpu.memory_space<vmem>>)
      tpu.yield
    }) : () -> ()
    %scan3A = arith.constant 0 : i32
    %scan3A_3 = arith.constant 0 : i32
    %scan3A_4 = arith.constant 104 : i32
    %scan3A_5 = arith.addi %scan3A_3, %scan3A_4 : i32
    %scan3A_6 = arith.constant 1 : i32
    scf.for %scan3A_2742 = %scan3A_3 to %scan3A_5 step %scan3A_6  : i32 {
      %mul3A_2743 = arith.constant 128 : i32
      %mul3A_2744 = arith.muli %scan3A_2742, %mul3A_2743 : i32
      %add3A_2745 = arith.constant 0 : i32
      %add3A_2746 = arith.addi %mul3A_2744, %add3A_2745 : i32
      %iota3A = tpu.iota {dimensions = array<i32: 0>} : vector<16xi32>
      %add3A_2747 = vector.broadcast %add3A_2746 : i32 to vector<16xi32>
      %add3A_2748 = arith.addi %add3A_2747, %iota3A : vector<16xi32>
      %jit3A = arith.constant 26 : i32
      %eq3A = arith.constant 0 : i32
      %eq3A_2749 = arith.cmpi eq, %jit3A, %eq3A : i32
      %jit3A_2750 = arith.constant 1 : i32
      %select_n3A = arith.select %eq3A_2749, %jit3A_2750, %jit3A : i32
      %rem3A = vector.broadcast %select_n3A : i32 to vector<16xi32>
      %rem3A_2751 = arith.remsi %add3A_2748, %rem3A : vector<16xi32>
      %ne3A = arith.constant 0 : i32
      %ne3A_2752 = vector.broadcast %ne3A : i32 to vector<16xi32>
      %ne3A_2753 = arith.cmpi ne, %rem3A_2751, %ne3A_2752 : vector<16xi32>
      %lt3A = arith.constant 0 : i32
      %lt3A_2754 = vector.broadcast %lt3A : i32 to vector<16xi32>
      %lt3A_2755 = arith.cmpi slt, %rem3A_2751, %lt3A_2754 : vector<16xi32>
      %lt3A_2756 = arith.constant 0 : i32
      %lt3A_2757 = arith.cmpi slt, %select_n3A, %lt3A_2756 : i32
      %ne3A_2758 = vector.broadcast %lt3A_2757 : i1 to vector<16xi1>
      %ne3A_2759 = vector.broadcast %ne3A_2758 : vector<16xi1> to vector<16xi1>
      %ne3A_2760 = arith.xori %lt3A_2755, %ne3A_2759 : vector<16xi1>
      %and3A = arith.andi %ne3A_2760, %ne3A_2753 : vector<16xi1>
      %add3A_2761 = vector.broadcast %select_n3A : i32 to vector<16xi32>
      %add3A_2762 = arith.addi %rem3A_2751, %add3A_2761 : vector<16xi32>
      %select_n3A_2763 = arith.select %and3A, %add3A_2762, %rem3A_2751 : vector<16xi1>, vector<16xi32>
      %get3A = arith.index_cast %scan3A_2742 : i32 to index
      %get3A_2764 = arith.constant 0 : index
      %get3A_2765 = tpu.vector_load %arg5[%get3A, %get3A_2764] {strides = array<i32>} : memref<104x128xi32, #tpu.memory_space<vmem>>, vector<1x16xi32>,
      %get3A_2766 = vector.shape_cast %get3A_2765 : vector<1x16xi32> to vector<16xi32>
      %shift_right_arithmetic3A = arith.constant 13 : i32
      %shift_right_arithmetic3A_2767 = vector.broadcast %shift_right_arithmetic3A : i32 to vector<16xi32>
      %shift_right_arithmetic3A_2768 = arith.shrsi %get3A_2766, %shift_right_arithmetic3A_2767 : vector<16xi32>
      %and3A_2769 = arith.constant 8191 : i32
      %and3A_2770 = vector.broadcast %and3A_2769 : i32 to vector<16xi32>
      %and3A_2771 = arith.andi %get3A_2766, %and3A_2770 : vector<16xi32>
      %shift_right_arithmetic3A_2772 = arith.constant 2 : i32
      %shift_right_arithmetic3A_2773 = vector.broadcast %shift_right_arithmetic3A_2772 : i32 to vector<16xi32>
      %shift_right_arithmetic3A_2774 = arith.shrsi %select_n3A_2763, %shift_right_arithmetic3A_2773 : vector<16xi32>
      %mul3A_2775 = arith.constant 13 : i32
      %mul3A_2776 = vector.broadcast %mul3A_2775 : i32 to vector<16xi32>
      %mul3A_2777 = arith.muli %shift_right_arithmetic3A_2774, %mul3A_2776 : vector<16xi32>
      %add3A_2778 = arith.addi %mul3A_2777, %shift_right_arithmetic3A_2768 : vector<16xi32>
      %shift_left3A = arith.constant 15 : i32
      %shift_left3A_2779 = vector.broadcast %shift_left3A : i32 to vector<16xi32>
      %shift_left3A_2780 = arith.shli %add3A_2778, %shift_left3A_2779 : vector<16xi32>
      %shift_left3A_2781 = arith.constant 2 : i32
      %shift_left3A_2782 = vector.broadcast %shift_left3A_2781 : i32 to vector<16xi32>
      %shift_left3A_2783 = arith.shli %and3A_2771, %shift_left3A_2782 : vector<16xi32>
      %add3A_2784 = arith.addi %shift_left3A_2780, %shift_left3A_2783 : vector<16xi32>
      %and3A_2785 = arith.constant 3 : i32
      %and3A_2786 = vector.broadcast %and3A_2785 : i32 to vector<16xi32>
      %and3A_2787 = arith.andi %select_n3A_2763, %and3A_2786 : vector<16xi32>
      %add3A_2788 = arith.addi %add3A_2784, %and3A_2787 : vector<16xi32>
      %swap3A = arith.index_cast %scan3A_2742 : i32 to index
      %swap3A_2789 = arith.constant 0 : index
      %swap3A_2790 = tpu.vector_load %arg5[%swap3A, %swap3A_2789] {strides = array<i32>} : memref<104x128xi32, #tpu.memory_space<vmem>>, vector<1x16xi32>,
      %swap3A_2791 = vector.shape_cast %swap3A_2790 : vector<1x16xi32> to vector<16xi32>
      %swap3A_2792 = vector.shape_cast %add3A_2788 : vector<16xi32> to vector<1x16xi32>
      tpu.vector_store %arg5[%swap3A, %swap3A_2789], %swap3A_2792 {strides = array<i32>} : memref<104x128xi32, #tpu.memory_space<vmem>>, vector<1x16xi32>,
      %mul3A_2793 = arith.constant 128 : i32
      %mul3A_2794 = arith.muli %scan3A_2742, %mul3A_2793 : i32
      %add3A_2795 = arith.constant 16 : i32
      %add3A_2796 = arith.addi %mul3A_2794, %add3A_2795 : i32
      %iota3A_2797 = tpu.iota {dimensions = array<i32: 0>} : vector<16xi32>
      %add3A_2798 = vector.broadcast %add3A_2796 : i32 to vector<16xi32>
      %add3A_2799 = arith.addi %add3A_2798, %iota3A_2797 : vector<16xi32>
      %jit3A_2800 = arith.constant 26 : i32
      %eq3A_2801 = arith.constant 0 : i32
      %eq3A_2802 = arith.cmpi eq, %jit3A_2800, %eq3A_2801 : i32
      %jit3A_2803 = arith.constant 1 : i32
      %select_n3A_2804 = arith.select %eq3A_2802, %jit3A_2803, %jit3A_2800 : i32
      %rem3A_2805 = vector.broadcast %select_n3A_2804 : i32 to vector<16xi32>
      %rem3A_2806 = arith.remsi %add3A_2799, %rem3A_2805 : vector<16xi32>
      %ne3A_2807 = arith.constant 0 : i32
      %ne3A_2808 = vector.broadcast %ne3A_2807 : i32 to vector<16xi32>
      %ne3A_2809 = arith.cmpi ne, %rem3A_2806, %ne3A_2808 : vector<16xi32>
      %lt3A_2810 = arith.constant 0 : i32
      %lt3A_2811 = vector.broadcast %lt3A_2810 : i32 to vector<16xi32>
      %lt3A_2812 = arith.cmpi slt, %rem3A_2806, %lt3A_2811 : vector<16xi32>
      %lt3A_2813 = arith.constant 0 : i32
      %lt3A_2814 = arith.cmpi slt, %select_n3A_2804, %lt3A_2813 : i32
      %ne3A_2815 = vector.broadcast %lt3A_2814 : i1 to vector<16xi1>
      %ne3A_2816 = vector.broadcast %ne3A_2815 : vector<16xi1> to vector<16xi1>
      %ne3A_2817 = arith.xori %lt3A_2812, %ne3A_2816 : vector<16xi1>
      %and3A_2818 = arith.andi %ne3A_2817, %ne3A_2809 : vector<16xi1>
      %add3A_2819 = vector.broadcast %select_n3A_2804 : i32 to vector<16xi32>
      %add3A_2820 = arith.addi %rem3A_2806, %add3A_2819 : vector<16xi32>
      %select_n3A_2821 = arith.select %and3A_2818, %add3A_2820, %rem3A_2806 : vector<16xi1>, vector<16xi32>
      %get3A_2822 = arith.index_cast %scan3A_2742 : i32 to index
      %get3A_2823 = arith.constant 16 : index
      %get3A_2824 = tpu.vector_load %arg5[%get3A_2822, %get3A_2823] {strides = array<i32>} : memref<104x128xi32, #tpu.memory_space<vmem>>, vector<1x16xi32>,
      %get3A_2825 = vector.shape_cast %get3A_2824 : vector<1x16xi32> to vector<16xi32>
      %shift_right_arithmetic3A_2826 = arith.constant 13 : i32
      %shift_right_arithmetic3A_2827 = vector.broadcast %shift_right_arithmetic3A_2826 : i32 to vector<16xi32>
      %shift_right_arithmetic3A_2828 = arith.shrsi %get3A_2825, %shift_right_arithmetic3A_2827 : vector<16xi32>
      %and3A_2829 = arith.constant 8191 : i32
      %and3A_2830 = vector.broadcast %and3A_2829 : i32 to vector<16xi32>
      %and3A_2831 = arith.andi %get3A_2825, %and3A_2830 : vector<16xi32>
      %shift_right_arithmetic3A_2832 = arith.constant 2 : i32
      %shift_right_arithmetic3A_2833 = vector.broadcast %shift_right_arithmetic3A_2832 : i32 to vector<16xi32>
      %shift_right_arithmetic3A_2834 = arith.shrsi %select_n3A_2821, %shift_right_arithmetic3A_2833 : vector<16xi32>
      %mul3A_2835 = arith.constant 13 : i32
      %mul3A_2836 = vector.broadcast %mul3A_2835 : i32 to vector<16xi32>
      %mul3A_2837 = arith.muli %shift_right_arithmetic3A_2834, %mul3A_2836 : vector<16xi32>
      %add3A_2838 = arith.addi %mul3A_2837, %shift_right_arithmetic3A_2828 : vector<16xi32>
      %shift_left3A_2839 = arith.constant 15 : i32
      %shift_left3A_2840 = vector.broadcast %shift_left3A_2839 : i32 to vector<16xi32>
      %shift_left3A_2841 = arith.shli %add3A_2838, %shift_left3A_2840 : vector<16xi32>
      %shift_left3A_2842 = arith.constant 2 : i32
      %shift_left3A_2843 = vector.broadcast %shift_left3A_2842 : i32 to vector<16xi32>
      %shift_left3A_2844 = arith.shli %and3A_2831, %shift_left3A_2843 : vector<16xi32>
      %add3A_2845 = arith.addi %shift_left3A_2841, %shift_left3A_2844 : vector<16xi32>
      %and3A_2846 = arith.constant 3 : i32
      %and3A_2847 = vector.broadcast %and3A_2846 : i32 to vector<16xi32>
      %and3A_2848 = arith.andi %select_n3A_2821, %and3A_2847 : vector<16xi32>
      %add3A_2849 = arith.addi %add3A_2845, %and3A_2848 : vector<16xi32>
      %swap3A_2850 = arith.index_cast %scan3A_2742 : i32 to index
      %swap3A_2851 = arith.constant 16 : index
      %swap3A_2852 = tpu.vector_load %arg5[%swap3A_2850, %swap3A_2851] {strides = array<i32>} : memref<104x128xi32, #tpu.memory_space<vmem>>, vector<1x16xi32>,
      %swap3A_2853 = vector.shape_cast %swap3A_2852 : vector<1x16xi32> to vector<16xi32>
      %swap3A_2854 = vector.shape_cast %add3A_2849 : vector<16xi32> to vector<1x16xi32>
      tpu.vector_store %arg5[%swap3A_2850, %swap3A_2851], %swap3A_2854 {strides = array<i32>} : memref<104x128xi32, #tpu.memory_space<vmem>>, vector<1x16xi32>,
      %mul3A_2855 = arith.constant 128 : i32
      %mul3A_2856 = arith.muli %scan3A_2742, %mul3A_2855 : i32
      %add3A_2857 = arith.constant 32 : i32
      %add3A_2858 = arith.addi %mul3A_2856, %add3A_2857 : i32
      %iota3A_2859 = tpu.iota {dimensions = array<i32: 0>} : vector<16xi32>
      %add3A_2860 = vector.broadcast %add3A_2858 : i32 to vector<16xi32>
      %add3A_2861 = arith.addi %add3A_2860, %iota3A_2859 : vector<16xi32>
      %jit3A_2862 = arith.constant 26 : i32
      %eq3A_2863 = arith.constant 0 : i32
      %eq3A_2864 = arith.cmpi eq, %jit3A_2862, %eq3A_2863 : i32
      %jit3A_2865 = arith.constant 1 : i32
      %select_n3A_2866 = arith.select %eq3A_2864, %jit3A_2865, %jit3A_2862 : i32
      %rem3A_2867 = vector.broadcast %select_n3A_2866 : i32 to vector<16xi32>
      %rem3A_2868 = arith.remsi %add3A_2861, %rem3A_2867 : vector<16xi32>
      %ne3A_2869 = arith.constant 0 : i32
      %ne3A_2870 = vector.broadcast %ne3A_2869 : i32 to vector<16xi32>
      %ne3A_2871 = arith.cmpi ne, %rem3A_2868, %ne3A_2870 : vector<16xi32>
      %lt3A_2872 = arith.constant 0 : i32
      %lt3A_2873 = vector.broadcast %lt3A_2872 : i32 to vector<16xi32>
      %lt3A_2874 = arith.cmpi slt, %rem3A_2868, %lt3A_2873 : vector<16xi32>
      %lt3A_2875 = arith.constant 0 : i32
      %lt3A_2876 = arith.cmpi slt, %select_n3A_2866, %lt3A_2875 : i32
      %ne3A_2877 = vector.broadcast %lt3A_2876 : i1 to vector<16xi1>
      %ne3A_2878 = vector.broadcast %ne3A_2877 : vector<16xi1> to vector<16xi1>
      %ne3A_2879 = arith.xori %lt3A_2874, %ne3A_2878 : vector<16xi1>
      %and3A_2880 = arith.andi %ne3A_2879, %ne3A_2871 : vector<16xi1>
      %add3A_2881 = vector.broadcast %select_n3A_2866 : i32 to vector<16xi32>
      %add3A_2882 = arith.addi %rem3A_2868, %add3A_2881 : vector<16xi32>
      %select_n3A_2883 = arith.select %and3A_2880, %add3A_2882, %rem3A_2868 : vector<16xi1>, vector<16xi32>
      %get3A_2884 = arith.index_cast %scan3A_2742 : i32 to index
      %get3A_2885 = arith.constant 32 : index
      %get3A_2886 = tpu.vector_load %arg5[%get3A_2884, %get3A_2885] {strides = array<i32>} : memref<104x128xi32, #tpu.memory_space<vmem>>, vector<1x16xi32>,
      %get3A_2887 = vector.shape_cast %get3A_2886 : vector<1x16xi32> to vector<16xi32>
      %shift_right_arithmetic3A_2888 = arith.constant 13 : i32
      %shift_right_arithmetic3A_2889 = vector.broadcast %shift_right_arithmetic3A_2888 : i32 to vector<16xi32>
      %shift_right_arithmetic3A_2890 = arith.shrsi %get3A_2887, %shift_right_arithmetic3A_2889 : vector<16xi32>
      %and3A_2891 = arith.constant 8191 : i32
      %and3A_2892 = vector.broadcast %and3A_2891 : i32 to vector<16xi32>
      %and3A_2893 = arith.andi %get3A_2887, %and3A_2892 : vector<16xi32>
      %shift_right_arithmetic3A_2894 = arith.constant 2 : i32
      %shift_right_arithmetic3A_2895 = vector.broadcast %shift_right_arithmetic3A_2894 : i32 to vector<16xi32>
      %shift_right_arithmetic3A_2896 = arith.shrsi %select_n3A_2883, %shift_right_arithmetic3A_2895 : vector<16xi32>
      %mul3A_2897 = arith.constant 13 : i32
      %mul3A_2898 = vector.broadcast %mul3A_2897 : i32 to vector<16xi32>
      %mul3A_2899 = arith.muli %shift_right_arithmetic3A_2896, %mul3A_2898 : vector<16xi32>
      %add3A_2900 = arith.addi %mul3A_2899, %shift_right_arithmetic3A_2890 : vector<16xi32>
      %shift_left3A_2901 = arith.constant 15 : i32
      %shift_left3A_2902 = vector.broadcast %shift_left3A_2901 : i32 to vector<16xi32>
      %shift_left3A_2903 = arith.shli %add3A_2900, %shift_left3A_2902 : vector<16xi32>
      %shift_left3A_2904 = arith.constant 2 : i32
      %shift_left3A_2905 = vector.broadcast %shift_left3A_2904 : i32 to vector<16xi32>
      %shift_left3A_2906 = arith.shli %and3A_2893, %shift_left3A_2905 : vector<16xi32>
      %add3A_2907 = arith.addi %shift_left3A_2903, %shift_left3A_2906 : vector<16xi32>
      %and3A_2908 = arith.constant 3 : i32
      %and3A_2909 = vector.broadcast %and3A_2908 : i32 to vector<16xi32>
      %and3A_2910 = arith.andi %select_n3A_2883, %and3A_2909 : vector<16xi32>
      %add3A_2911 = arith.addi %add3A_2907, %and3A_2910 : vector<16xi32>
      %swap3A_2912 = arith.index_cast %scan3A_2742 : i32 to index
      %swap3A_2913 = arith.constant 32 : index
      %swap3A_2914 = tpu.vector_load %arg5[%swap3A_2912, %swap3A_2913] {strides = array<i32>} : memref<104x128xi32, #tpu.memory_space<vmem>>, vector<1x16xi32>,
      %swap3A_2915 = vector.shape_cast %swap3A_2914 : vector<1x16xi32> to vector<16xi32>
      %swap3A_2916 = vector.shape_cast %add3A_2911 : vector<16xi32> to vector<1x16xi32>
      tpu.vector_store %arg5[%swap3A_2912, %swap3A_2913], %swap3A_2916 {strides = array<i32>} : memref<104x128xi32, #tpu.memory_space<vmem>>, vector<1x16xi32>,
      %mul3A_2917 = arith.constant 128 : i32
      %mul3A_2918 = arith.muli %scan3A_2742, %mul3A_2917 : i32
      %add3A_2919 = arith.constant 48 : i32
      %add3A_2920 = arith.addi %mul3A_2918, %add3A_2919 : i32
      %iota3A_2921 = tpu.iota {dimensions = array<i32: 0>} : vector<16xi32>
      %add3A_2922 = vector.broadcast %add3A_2920 : i32 to vector<16xi32>
      %add3A_2923 = arith.addi %add3A_2922, %iota3A_2921 : vector<16xi32>
      %jit3A_2924 = arith.constant 26 : i32
      %eq3A_2925 = arith.constant 0 : i32
      %eq3A_2926 = arith.cmpi eq, %jit3A_2924, %eq3A_2925 : i32
      %jit3A_2927 = arith.constant 1 : i32
      %select_n3A_2928 = arith.select %eq3A_2926, %jit3A_2927, %jit3A_2924 : i32
      %rem3A_2929 = vector.broadcast %select_n3A_2928 : i32 to vector<16xi32>
      %rem3A_2930 = arith.remsi %add3A_2923, %rem3A_2929 : vector<16xi32>
      %ne3A_2931 = arith.constant 0 : i32
      %ne3A_2932 = vector.broadcast %ne3A_2931 : i32 to vector<16xi32>
      %ne3A_2933 = arith.cmpi ne, %rem3A_2930, %ne3A_2932 : vector<16xi32>
      %lt3A_2934 = arith.constant 0 : i32
      %lt3A_2935 = vector.broadcast %lt3A_2934 : i32 to vector<16xi32>
      %lt3A_2936 = arith.cmpi slt, %rem3A_2930, %lt3A_2935 : vector<16xi32>
      %lt3A_2937 = arith.constant 0 : i32
      %lt3A_2938 = arith.cmpi slt, %select_n3A_2928, %lt3A_2937 : i32
      %ne3A_2939 = vector.broadcast %lt3A_2938 : i1 to vector<16xi1>
      %ne3A_2940 = vector.broadcast %ne3A_2939 : vector<16xi1> to vector<16xi1>
      %ne3A_2941 = arith.xori %lt3A_2936, %ne3A_2940 : vector<16xi1>
      %and3A_2942 = arith.andi %ne3A_2941, %ne3A_2933 : vector<16xi1>
      %add3A_2943 = vector.broadcast %select_n3A_2928 : i32 to vector<16xi32>
      %add3A_2944 = arith.addi %rem3A_2930, %add3A_2943 : vector<16xi32>
      %select_n3A_2945 = arith.select %and3A_2942, %add3A_2944, %rem3A_2930 : vector<16xi1>, vector<16xi32>
      %get3A_2946 = arith.index_cast %scan3A_2742 : i32 to index
      %get3A_2947 = arith.constant 48 : index
      %get3A_2948 = tpu.vector_load %arg5[%get3A_2946, %get3A_2947] {strides = array<i32>} : memref<104x128xi32, #tpu.memory_space<vmem>>, vector<1x16xi32>,
      %get3A_2949 = vector.shape_cast %get3A_2948 : vector<1x16xi32> to vector<16xi32>
      %shift_right_arithmetic3A_2950 = arith.constant 13 : i32
      %shift_right_arithmetic3A_2951 = vector.broadcast %shift_right_arithmetic3A_2950 : i32 to vector<16xi32>
      %shift_right_arithmetic3A_2952 = arith.shrsi %get3A_2949, %shift_right_arithmetic3A_2951 : vector<16xi32>
      %and3A_2953 = arith.constant 8191 : i32
      %and3A_2954 = vector.broadcast %and3A_2953 : i32 to vector<16xi32>
      %and3A_2955 = arith.andi %get3A_2949, %and3A_2954 : vector<16xi32>
      %shift_right_arithmetic3A_2956 = arith.constant 2 : i32
      %shift_right_arithmetic3A_2957 = vector.broadcast %shift_right_arithmetic3A_2956 : i32 to vector<16xi32>
      %shift_right_arithmetic3A_2958 = arith.shrsi %select_n3A_2945, %shift_right_arithmetic3A_2957 : vector<16xi32>
      %mul3A_2959 = arith.constant 13 : i32
      %mul3A_2960 = vector.broadcast %mul3A_2959 : i32 to vector<16xi32>
      %mul3A_2961 = arith.muli %shift_right_arithmetic3A_2958, %mul3A_2960 : vector<16xi32>
      %add3A_2962 = arith.addi %mul3A_2961, %shift_right_arithmetic3A_2952 : vector<16xi32>
      %shift_left3A_2963 = arith.constant 15 : i32
      %shift_left3A_2964 = vector.broadcast %shift_left3A_2963 : i32 to vector<16xi32>
      %shift_left3A_2965 = arith.shli %add3A_2962, %shift_left3A_2964 : vector<16xi32>
      %shift_left3A_2966 = arith.constant 2 : i32
      %shift_left3A_2967 = vector.broadcast %shift_left3A_2966 : i32 to vector<16xi32>
      %shift_left3A_2968 = arith.shli %and3A_2955, %shift_left3A_2967 : vector<16xi32>
      %add3A_2969 = arith.addi %shift_left3A_2965, %shift_left3A_2968 : vector<16xi32>
      %and3A_2970 = arith.constant 3 : i32
      %and3A_2971 = vector.broadcast %and3A_2970 : i32 to vector<16xi32>
      %and3A_2972 = arith.andi %select_n3A_2945, %and3A_2971 : vector<16xi32>
      %add3A_2973 = arith.addi %add3A_2969, %and3A_2972 : vector<16xi32>
      %swap3A_2974 = arith.index_cast %scan3A_2742 : i32 to index
      %swap3A_2975 = arith.constant 48 : index
      %swap3A_2976 = tpu.vector_load %arg5[%swap3A_2974, %swap3A_2975] {strides = array<i32>} : memref<104x128xi32, #tpu.memory_space<vmem>>, vector<1x16xi32>,
      %swap3A_2977 = vector.shape_cast %swap3A_2976 : vector<1x16xi32> to vector<16xi32>
      %swap3A_2978 = vector.shape_cast %add3A_2973 : vector<16xi32> to vector<1x16xi32>
      tpu.vector_store %arg5[%swap3A_2974, %swap3A_2975], %swap3A_2978 {strides = array<i32>} : memref<104x128xi32, #tpu.memory_space<vmem>>, vector<1x16xi32>,
      %mul3A_2979 = arith.constant 128 : i32
      %mul3A_2980 = arith.muli %scan3A_2742, %mul3A_2979 : i32
      %add3A_2981 = arith.constant 64 : i32
      %add3A_2982 = arith.addi %mul3A_2980, %add3A_2981 : i32
      %iota3A_2983 = tpu.iota {dimensions = array<i32: 0>} : vector<16xi32>
      %add3A_2984 = vector.broadcast %add3A_2982 : i32 to vector<16xi32>
      %add3A_2985 = arith.addi %add3A_2984, %iota3A_2983 : vector<16xi32>
      %jit3A_2986 = arith.constant 26 : i32
      %eq3A_2987 = arith.constant 0 : i32
      %eq3A_2988 = arith.cmpi eq, %jit3A_2986, %eq3A_2987 : i32
      %jit3A_2989 = arith.constant 1 : i32
      %select_n3A_2990 = arith.select %eq3A_2988, %jit3A_2989, %jit3A_2986 : i32
      %rem3A_2991 = vector.broadcast %select_n3A_2990 : i32 to vector<16xi32>
      %rem3A_2992 = arith.remsi %add3A_2985, %rem3A_2991 : vector<16xi32>
      %ne3A_2993 = arith.constant 0 : i32
      %ne3A_2994 = vector.broadcast %ne3A_2993 : i32 to vector<16xi32>
      %ne3A_2995 = arith.cmpi ne, %rem3A_2992, %ne3A_2994 : vector<16xi32>
      %lt3A_2996 = arith.constant 0 : i32
      %lt3A_2997 = vector.broadcast %lt3A_2996 : i32 to vector<16xi32>
      %lt3A_2998 = arith.cmpi slt, %rem3A_2992, %lt3A_2997 : vector<16xi32>
      %lt3A_2999 = arith.constant 0 : i32
      %lt3A_3000 = arith.cmpi slt, %select_n3A_2990, %lt3A_2999 : i32
      %ne3A_3001 = vector.broadcast %lt3A_3000 : i1 to vector<16xi1>
      %ne3A_3002 = vector.broadcast %ne3A_3001 : vector<16xi1> to vector<16xi1>
      %ne3A_3003 = arith.xori %lt3A_2998, %ne3A_3002 : vector<16xi1>
      %and3A_3004 = arith.andi %ne3A_3003, %ne3A_2995 : vector<16xi1>
      %add3A_3005 = vector.broadcast %select_n3A_2990 : i32 to vector<16xi32>
      %add3A_3006 = arith.addi %rem3A_2992, %add3A_3005 : vector<16xi32>
      %select_n3A_3007 = arith.select %and3A_3004, %add3A_3006, %rem3A_2992 : vector<16xi1>, vector<16xi32>
      %get3A_3008 = arith.index_cast %scan3A_2742 : i32 to index
      %get3A_3009 = arith.constant 64 : index
      %get3A_3010 = tpu.vector_load %arg5[%get3A_3008, %get3A_3009] {strides = array<i32>} : memref<104x128xi32, #tpu.memory_space<vmem>>, vector<1x16xi32>,
      %get3A_3011 = vector.shape_cast %get3A_3010 : vector<1x16xi32> to vector<16xi32>
      %shift_right_arithmetic3A_3012 = arith.constant 13 : i32
      %shift_right_arithmetic3A_3013 = vector.broadcast %shift_right_arithmetic3A_3012 : i32 to vector<16xi32>
      %shift_right_arithmetic3A_3014 = arith.shrsi %get3A_3011, %shift_right_arithmetic3A_3013 : vector<16xi32>
      %and3A_3015 = arith.constant 8191 : i32
      %and3A_3016 = vector.broadcast %and3A_3015 : i32 to vector<16xi32>
      %and3A_3017 = arith.andi %get3A_3011, %and3A_3016 : vector<16xi32>
      %shift_right_arithmetic3A_3018 = arith.constant 2 : i32
      %shift_right_arithmetic3A_3019 = vector.broadcast %shift_right_arithmetic3A_3018 : i32 to vector<16xi32>
      %shift_right_arithmetic3A_3020 = arith.shrsi %select_n3A_3007, %shift_right_arithmetic3A_3019 : vector<16xi32>
      %mul3A_3021 = arith.constant 13 : i32
      %mul3A_3022 = vector.broadcast %mul3A_3021 : i32 to vector<16xi32>
      %mul3A_3023 = arith.muli %shift_right_arithmetic3A_3020, %mul3A_3022 : vector<16xi32>
      %add3A_3024 = arith.addi %mul3A_3023, %shift_right_arithmetic3A_3014 : vector<16xi32>
      %shift_left3A_3025 = arith.constant 15 : i32
      %shift_left3A_3026 = vector.broadcast %shift_left3A_3025 : i32 to vector<16xi32>
      %shift_left3A_3027 = arith.shli %add3A_3024, %shift_left3A_3026 : vector<16xi32>
      %shift_left3A_3028 = arith.constant 2 : i32
      %shift_left3A_3029 = vector.broadcast %shift_left3A_3028 : i32 to vector<16xi32>
      %shift_left3A_3030 = arith.shli %and3A_3017, %shift_left3A_3029 : vector<16xi32>
      %add3A_3031 = arith.addi %shift_left3A_3027, %shift_left3A_3030 : vector<16xi32>
      %and3A_3032 = arith.constant 3 : i32
      %and3A_3033 = vector.broadcast %and3A_3032 : i32 to vector<16xi32>
      %and3A_3034 = arith.andi %select_n3A_3007, %and3A_3033 : vector<16xi32>
      %add3A_3035 = arith.addi %add3A_3031, %and3A_3034 : vector<16xi32>
      %swap3A_3036 = arith.index_cast %scan3A_2742 : i32 to index
      %swap3A_3037 = arith.constant 64 : index
      %swap3A_3038 = tpu.vector_load %arg5[%swap3A_3036, %swap3A_3037] {strides = array<i32>} : memref<104x128xi32, #tpu.memory_space<vmem>>, vector<1x16xi32>,
      %swap3A_3039 = vector.shape_cast %swap3A_3038 : vector<1x16xi32> to vector<16xi32>
      %swap3A_3040 = vector.shape_cast %add3A_3035 : vector<16xi32> to vector<1x16xi32>
      tpu.vector_store %arg5[%swap3A_3036, %swap3A_3037], %swap3A_3040 {strides = array<i32>} : memref<104x128xi32, #tpu.memory_space<vmem>>, vector<1x16xi32>,
      %mul3A_3041 = arith.constant 128 : i32
      %mul3A_3042 = arith.muli %scan3A_2742, %mul3A_3041 : i32
      %add3A_3043 = arith.constant 80 : i32
      %add3A_3044 = arith.addi %mul3A_3042, %add3A_3043 : i32
      %iota3A_3045 = tpu.iota {dimensions = array<i32: 0>} : vector<16xi32>
      %add3A_3046 = vector.broadcast %add3A_3044 : i32 to vector<16xi32>
      %add3A_3047 = arith.addi %add3A_3046, %iota3A_3045 : vector<16xi32>
      %jit3A_3048 = arith.constant 26 : i32
      %eq3A_3049 = arith.constant 0 : i32
      %eq3A_3050 = arith.cmpi eq, %jit3A_3048, %eq3A_3049 : i32
      %jit3A_3051 = arith.constant 1 : i32
      %select_n3A_3052 = arith.select %eq3A_3050, %jit3A_3051, %jit3A_3048 : i32
      %rem3A_3053 = vector.broadcast %select_n3A_3052 : i32 to vector<16xi32>
      %rem3A_3054 = arith.remsi %add3A_3047, %rem3A_3053 : vector<16xi32>
      %ne3A_3055 = arith.constant 0 : i32
      %ne3A_3056 = vector.broadcast %ne3A_3055 : i32 to vector<16xi32>
      %ne3A_3057 = arith.cmpi ne, %rem3A_3054, %ne3A_3056 : vector<16xi32>
      %lt3A_3058 = arith.constant 0 : i32
      %lt3A_3059 = vector.broadcast %lt3A_3058 : i32 to vector<16xi32>
      %lt3A_3060 = arith.cmpi slt, %rem3A_3054, %lt3A_3059 : vector<16xi32>
      %lt3A_3061 = arith.constant 0 : i32
      %lt3A_3062 = arith.cmpi slt, %select_n3A_3052, %lt3A_3061 : i32
      %ne3A_3063 = vector.broadcast %lt3A_3062 : i1 to vector<16xi1>
      %ne3A_3064 = vector.broadcast %ne3A_3063 : vector<16xi1> to vector<16xi1>
      %ne3A_3065 = arith.xori %lt3A_3060, %ne3A_3064 : vector<16xi1>
      %and3A_3066 = arith.andi %ne3A_3065, %ne3A_3057 : vector<16xi1>
      %add3A_3067 = vector.broadcast %select_n3A_3052 : i32 to vector<16xi32>
      %add3A_3068 = arith.addi %rem3A_3054, %add3A_3067 : vector<16xi32>
      %select_n3A_3069 = arith.select %and3A_3066, %add3A_3068, %rem3A_3054 : vector<16xi1>, vector<16xi32>
      %get3A_3070 = arith.index_cast %scan3A_2742 : i32 to index
      %get3A_3071 = arith.constant 80 : index
      %get3A_3072 = tpu.vector_load %arg5[%get3A_3070, %get3A_3071] {strides = array<i32>} : memref<104x128xi32, #tpu.memory_space<vmem>>, vector<1x16xi32>,
      %get3A_3073 = vector.shape_cast %get3A_3072 : vector<1x16xi32> to vector<16xi32>
      %shift_right_arithmetic3A_3074 = arith.constant 13 : i32
      %shift_right_arithmetic3A_3075 = vector.broadcast %shift_right_arithmetic3A_3074 : i32 to vector<16xi32>
      %shift_right_arithmetic3A_3076 = arith.shrsi %get3A_3073, %shift_right_arithmetic3A_3075 : vector<16xi32>
      %and3A_3077 = arith.constant 8191 : i32
      %and3A_3078 = vector.broadcast %and3A_3077 : i32 to vector<16xi32>
      %and3A_3079 = arith.andi %get3A_3073, %and3A_3078 : vector<16xi32>
      %shift_right_arithmetic3A_3080 = arith.constant 2 : i32
      %shift_right_arithmetic3A_3081 = vector.broadcast %shift_right_arithmetic3A_3080 : i32 to vector<16xi32>
      %shift_right_arithmetic3A_3082 = arith.shrsi %select_n3A_3069, %shift_right_arithmetic3A_3081 : vector<16xi32>
      %mul3A_3083 = arith.constant 13 : i32
      %mul3A_3084 = vector.broadcast %mul3A_3083 : i32 to vector<16xi32>
      %mul3A_3085 = arith.muli %shift_right_arithmetic3A_3082, %mul3A_3084 : vector<16xi32>
      %add3A_3086 = arith.addi %mul3A_3085, %shift_right_arithmetic3A_3076 : vector<16xi32>
      %shift_left3A_3087 = arith.constant 15 : i32
      %shift_left3A_3088 = vector.broadcast %shift_left3A_3087 : i32 to vector<16xi32>
      %shift_left3A_3089 = arith.shli %add3A_3086, %shift_left3A_3088 : vector<16xi32>
      %shift_left3A_3090 = arith.constant 2 : i32
      %shift_left3A_3091 = vector.broadcast %shift_left3A_3090 : i32 to vector<16xi32>
      %shift_left3A_3092 = arith.shli %and3A_3079, %shift_left3A_3091 : vector<16xi32>
      %add3A_3093 = arith.addi %shift_left3A_3089, %shift_left3A_3092 : vector<16xi32>
      %and3A_3094 = arith.constant 3 : i32
      %and3A_3095 = vector.broadcast %and3A_3094 : i32 to vector<16xi32>
      %and3A_3096 = arith.andi %select_n3A_3069, %and3A_3095 : vector<16xi32>
      %add3A_3097 = arith.addi %add3A_3093, %and3A_3096 : vector<16xi32>
      %swap3A_3098 = arith.index_cast %scan3A_2742 : i32 to index
      %swap3A_3099 = arith.constant 80 : index
      %swap3A_3100 = tpu.vector_load %arg5[%swap3A_3098, %swap3A_3099] {strides = array<i32>} : memref<104x128xi32, #tpu.memory_space<vmem>>, vector<1x16xi32>,
      %swap3A_3101 = vector.shape_cast %swap3A_3100 : vector<1x16xi32> to vector<16xi32>
      %swap3A_3102 = vector.shape_cast %add3A_3097 : vector<16xi32> to vector<1x16xi32>
      tpu.vector_store %arg5[%swap3A_3098, %swap3A_3099], %swap3A_3102 {strides = array<i32>} : memref<104x128xi32, #tpu.memory_space<vmem>>, vector<1x16xi32>,
      %mul3A_3103 = arith.constant 128 : i32
      %mul3A_3104 = arith.muli %scan3A_2742, %mul3A_3103 : i32
      %add3A_3105 = arith.constant 96 : i32
      %add3A_3106 = arith.addi %mul3A_3104, %add3A_3105 : i32
      %iota3A_3107 = tpu.iota {dimensions = array<i32: 0>} : vector<16xi32>
      %add3A_3108 = vector.broadcast %add3A_3106 : i32 to vector<16xi32>
      %add3A_3109 = arith.addi %add3A_3108, %iota3A_3107 : vector<16xi32>
      %jit3A_3110 = arith.constant 26 : i32
      %eq3A_3111 = arith.constant 0 : i32
      %eq3A_3112 = arith.cmpi eq, %jit3A_3110, %eq3A_3111 : i32
      %jit3A_3113 = arith.constant 1 : i32
      %select_n3A_3114 = arith.select %eq3A_3112, %jit3A_3113, %jit3A_3110 : i32
      %rem3A_3115 = vector.broadcast %select_n3A_3114 : i32 to vector<16xi32>
      %rem3A_3116 = arith.remsi %add3A_3109, %rem3A_3115 : vector<16xi32>
      %ne3A_3117 = arith.constant 0 : i32
      %ne3A_3118 = vector.broadcast %ne3A_3117 : i32 to vector<16xi32>
      %ne3A_3119 = arith.cmpi ne, %rem3A_3116, %ne3A_3118 : vector<16xi32>
      %lt3A_3120 = arith.constant 0 : i32
      %lt3A_3121 = vector.broadcast %lt3A_3120 : i32 to vector<16xi32>
      %lt3A_3122 = arith.cmpi slt, %rem3A_3116, %lt3A_3121 : vector<16xi32>
      %lt3A_3123 = arith.constant 0 : i32
      %lt3A_3124 = arith.cmpi slt, %select_n3A_3114, %lt3A_3123 : i32
      %ne3A_3125 = vector.broadcast %lt3A_3124 : i1 to vector<16xi1>
      %ne3A_3126 = vector.broadcast %ne3A_3125 : vector<16xi1> to vector<16xi1>
      %ne3A_3127 = arith.xori %lt3A_3122, %ne3A_3126 : vector<16xi1>
      %and3A_3128 = arith.andi %ne3A_3127, %ne3A_3119 : vector<16xi1>
      %add3A_3129 = vector.broadcast %select_n3A_3114 : i32 to vector<16xi32>
      %add3A_3130 = arith.addi %rem3A_3116, %add3A_3129 : vector<16xi32>
      %select_n3A_3131 = arith.select %and3A_3128, %add3A_3130, %rem3A_3116 : vector<16xi1>, vector<16xi32>
      %get3A_3132 = arith.index_cast %scan3A_2742 : i32 to index
      %get3A_3133 = arith.constant 96 : index
      %get3A_3134 = tpu.vector_load %arg5[%get3A_3132, %get3A_3133] {strides = array<i32>} : memref<104x128xi32, #tpu.memory_space<vmem>>, vector<1x16xi32>,
      %get3A_3135 = vector.shape_cast %get3A_3134 : vector<1x16xi32> to vector<16xi32>
      %shift_right_arithmetic3A_3136 = arith.constant 13 : i32
      %shift_right_arithmetic3A_3137 = vector.broadcast %shift_right_arithmetic3A_3136 : i32 to vector<16xi32>
      %shift_right_arithmetic3A_3138 = arith.shrsi %get3A_3135, %shift_right_arithmetic3A_3137 : vector<16xi32>
      %and3A_3139 = arith.constant 8191 : i32
      %and3A_3140 = vector.broadcast %and3A_3139 : i32 to vector<16xi32>
      %and3A_3141 = arith.andi %get3A_3135, %and3A_3140 : vector<16xi32>
      %shift_right_arithmetic3A_3142 = arith.constant 2 : i32
      %shift_right_arithmetic3A_3143 = vector.broadcast %shift_right_arithmetic3A_3142 : i32 to vector<16xi32>
      %shift_right_arithmetic3A_3144 = arith.shrsi %select_n3A_3131, %shift_right_arithmetic3A_3143 : vector<16xi32>
      %mul3A_3145 = arith.constant 13 : i32
      %mul3A_3146 = vector.broadcast %mul3A_3145 : i32 to vector<16xi32>
      %mul3A_3147 = arith.muli %shift_right_arithmetic3A_3144, %mul3A_3146 : vector<16xi32>
      %add3A_3148 = arith.addi %mul3A_3147, %shift_right_arithmetic3A_3138 : vector<16xi32>
      %shift_left3A_3149 = arith.constant 15 : i32
      %shift_left3A_3150 = vector.broadcast %shift_left3A_3149 : i32 to vector<16xi32>
      %shift_left3A_3151 = arith.shli %add3A_3148, %shift_left3A_3150 : vector<16xi32>
      %shift_left3A_3152 = arith.constant 2 : i32
      %shift_left3A_3153 = vector.broadcast %shift_left3A_3152 : i32 to vector<16xi32>
      %shift_left3A_3154 = arith.shli %and3A_3141, %shift_left3A_3153 : vector<16xi32>
      %add3A_3155 = arith.addi %shift_left3A_3151, %shift_left3A_3154 : vector<16xi32>
      %and3A_3156 = arith.constant 3 : i32
      %and3A_3157 = vector.broadcast %and3A_3156 : i32 to vector<16xi32>
      %and3A_3158 = arith.andi %select_n3A_3131, %and3A_3157 : vector<16xi32>
      %add3A_3159 = arith.addi %add3A_3155, %and3A_3158 : vector<16xi32>
      %swap3A_3160 = arith.index_cast %scan3A_2742 : i32 to index
      %swap3A_3161 = arith.constant 96 : index
      %swap3A_3162 = tpu.vector_load %arg5[%swap3A_3160, %swap3A_3161] {strides = array<i32>} : memref<104x128xi32, #tpu.memory_space<vmem>>, vector<1x16xi32>,
      %swap3A_3163 = vector.shape_cast %swap3A_3162 : vector<1x16xi32> to vector<16xi32>
      %swap3A_3164 = vector.shape_cast %add3A_3159 : vector<16xi32> to vector<1x16xi32>
      tpu.vector_store %arg5[%swap3A_3160, %swap3A_3161], %swap3A_3164 {strides = array<i32>} : memref<104x128xi32, #tpu.memory_space<vmem>>, vector<1x16xi32>,
      %mul3A_3165 = arith.constant 128 : i32
      %mul3A_3166 = arith.muli %scan3A_2742, %mul3A_3165 : i32
      %add3A_3167 = arith.constant 112 : i32
      %add3A_3168 = arith.addi %mul3A_3166, %add3A_3167 : i32
      %iota3A_3169 = tpu.iota {dimensions = array<i32: 0>} : vector<16xi32>
      %add3A_3170 = vector.broadcast %add3A_3168 : i32 to vector<16xi32>
      %add3A_3171 = arith.addi %add3A_3170, %iota3A_3169 : vector<16xi32>
      %jit3A_3172 = arith.constant 26 : i32
      %eq3A_3173 = arith.constant 0 : i32
      %eq3A_3174 = arith.cmpi eq, %jit3A_3172, %eq3A_3173 : i32
      %jit3A_3175 = arith.constant 1 : i32
      %select_n3A_3176 = arith.select %eq3A_3174, %jit3A_3175, %jit3A_3172 : i32
      %rem3A_3177 = vector.broadcast %select_n3A_3176 : i32 to vector<16xi32>
      %rem3A_3178 = arith.remsi %add3A_3171, %rem3A_3177 : vector<16xi32>
      %ne3A_3179 = arith.constant 0 : i32
      %ne3A_3180 = vector.broadcast %ne3A_3179 : i32 to vector<16xi32>
      %ne3A_3181 = arith.cmpi ne, %rem3A_3178, %ne3A_3180 : vector<16xi32>
      %lt3A_3182 = arith.constant 0 : i32
      %lt3A_3183 = vector.broadcast %lt3A_3182 : i32 to vector<16xi32>
      %lt3A_3184 = arith.cmpi slt, %rem3A_3178, %lt3A_3183 : vector<16xi32>
      %lt3A_3185 = arith.constant 0 : i32
      %lt3A_3186 = arith.cmpi slt, %select_n3A_3176, %lt3A_3185 : i32
      %ne3A_3187 = vector.broadcast %lt3A_3186 : i1 to vector<16xi1>
      %ne3A_3188 = vector.broadcast %ne3A_3187 : vector<16xi1> to vector<16xi1>
      %ne3A_3189 = arith.xori %lt3A_3184, %ne3A_3188 : vector<16xi1>
      %and3A_3190 = arith.andi %ne3A_3189, %ne3A_3181 : vector<16xi1>
      %add3A_3191 = vector.broadcast %select_n3A_3176 : i32 to vector<16xi32>
      %add3A_3192 = arith.addi %rem3A_3178, %add3A_3191 : vector<16xi32>
      %select_n3A_3193 = arith.select %and3A_3190, %add3A_3192, %rem3A_3178 : vector<16xi1>, vector<16xi32>
      %get3A_3194 = arith.index_cast %scan3A_2742 : i32 to index
      %get3A_3195 = arith.constant 112 : index
      %get3A_3196 = tpu.vector_load %arg5[%get3A_3194, %get3A_3195] {strides = array<i32>} : memref<104x128xi32, #tpu.memory_space<vmem>>, vector<1x16xi32>,
      %get3A_3197 = vector.shape_cast %get3A_3196 : vector<1x16xi32> to vector<16xi32>
      %shift_right_arithmetic3A_3198 = arith.constant 13 : i32
      %shift_right_arithmetic3A_3199 = vector.broadcast %shift_right_arithmetic3A_3198 : i32 to vector<16xi32>
      %shift_right_arithmetic3A_3200 = arith.shrsi %get3A_3197, %shift_right_arithmetic3A_3199 : vector<16xi32>
      %and3A_3201 = arith.constant 8191 : i32
      %and3A_3202 = vector.broadcast %and3A_3201 : i32 to vector<16xi32>
      %and3A_3203 = arith.andi %get3A_3197, %and3A_3202 : vector<16xi32>
      %shift_right_arithmetic3A_3204 = arith.constant 2 : i32
      %shift_right_arithmetic3A_3205 = vector.broadcast %shift_right_arithmetic3A_3204 : i32 to vector<16xi32>
      %shift_right_arithmetic3A_3206 = arith.shrsi %select_n3A_3193, %shift_right_arithmetic3A_3205 : vector<16xi32>
      %mul3A_3207 = arith.constant 13 : i32
      %mul3A_3208 = vector.broadcast %mul3A_3207 : i32 to vector<16xi32>
      %mul3A_3209 = arith.muli %shift_right_arithmetic3A_3206, %mul3A_3208 : vector<16xi32>
      %add3A_3210 = arith.addi %mul3A_3209, %shift_right_arithmetic3A_3200 : vector<16xi32>
      %shift_left3A_3211 = arith.constant 15 : i32
      %shift_left3A_3212 = vector.broadcast %shift_left3A_3211 : i32 to vector<16xi32>
      %shift_left3A_3213 = arith.shli %add3A_3210, %shift_left3A_3212 : vector<16xi32>
      %shift_left3A_3214 = arith.constant 2 : i32
      %shift_left3A_3215 = vector.broadcast %shift_left3A_3214 : i32 to vector<16xi32>
      %shift_left3A_3216 = arith.shli %and3A_3203, %shift_left3A_3215 : vector<16xi32>
      %add3A_3217 = arith.addi %shift_left3A_3213, %shift_left3A_3216 : vector<16xi32>
      %and3A_3218 = arith.constant 3 : i32
      %and3A_3219 = vector.broadcast %and3A_3218 : i32 to vector<16xi32>
      %and3A_3220 = arith.andi %select_n3A_3193, %and3A_3219 : vector<16xi32>
      %add3A_3221 = arith.addi %add3A_3217, %and3A_3220 : vector<16xi32>
      %swap3A_3222 = arith.index_cast %scan3A_2742 : i32 to index
      %swap3A_3223 = arith.constant 112 : index
      %swap3A_3224 = tpu.vector_load %arg5[%swap3A_3222, %swap3A_3223] {strides = array<i32>} : memref<104x128xi32, #tpu.memory_space<vmem>>, vector<1x16xi32>,
      %swap3A_3225 = vector.shape_cast %swap3A_3224 : vector<1x16xi32> to vector<16xi32>
      %swap3A_3226 = vector.shape_cast %add3A_3221 : vector<16xi32> to vector<1x16xi32>
      tpu.vector_store %arg5[%swap3A_3222, %swap3A_3223], %swap3A_3226 {strides = array<i32>} : memref<104x128xi32, #tpu.memory_space<vmem>>, vector<1x16xi32>,
    }
    %scan3A_7 = arith.constant 104 : i32
    %dma_start3A = arith.constant 0 : i32
    %dma_start3A_8 = arith.constant 0 : i32
    %dma_start3A_9 = arith.constant 0 : i32
    %dma_start3A_10 = arith.constant 0 : i32
    %dma_start3A_11 = tpu.memref_slice %arg6[%dma_start3A_8, %dma_start3A_9, %dma_start3A_10] : memref<2x1664x32xf32, #tpu.memory_space<vmem>> -> memref<1x128x32xf32, #tpu.memory_space<vmem>>
    %dma_start3A_12 = tpu.memref_squeeze %dma_start3A_11 : memref<1x128x32xf32, #tpu.memory_space<vmem>> -> memref<128x32xf32, #tpu.memory_space<vmem>>
    %dma_start3A_13 = arith.constant 0 : i32
    %dma_start3A_14 = tpu.memref_slice %arg5[%dma_start3A, %dma_start3A_13] : memref<104x128xi32, #tpu.memory_space<vmem>> -> memref<1x128xi32, #tpu.memory_space<vmem>>
    %dma_start3A_15 = tpu.memref_squeeze %dma_start3A_14 : memref<1x128xi32, #tpu.memory_space<vmem>> -> memref<128xi32, #tpu.memory_space<vmem>>
    %dma_start3A_16 = arith.constant 0 : i32
    %dma_start3A_17 = arith.constant 0 : i32
    %dma_start3A_18 = tpu.memref_slice %arg3[%dma_start3A_16, %dma_start3A_17] : memref<2981888x32xf32, #tpu.memory_space<hbm>> -> memref<2981888x32xf32, #tpu.memory_space<hbm>>
    tpu.enqueue_indirect_dma source(%dma_start3A_18 : memref<2981888x32xf32, #tpu.memory_space<hbm>>) target(%dma_start3A_12 : memref<128x32xf32, #tpu.memory_space<vmem>>) offsets(%dma_start3A_15 : memref<128xi32, #tpu.memory_space<vmem>>) semaphore(%arg7 : memref<!tpu.dma_semaphore, #tpu.memory_space<semaphore_mem>>)
    %dma_start3A_19 = arith.constant 1 : i32
    %dma_start3A_20 = arith.constant 0 : i32
    %dma_start3A_21 = arith.constant 128 : i32
    %dma_start3A_22 = arith.constant 0 : i32
    %dma_start3A_23 = tpu.memref_slice %arg6[%dma_start3A_20, %dma_start3A_21, %dma_start3A_22] : memref<2x1664x32xf32, #tpu.memory_space<vmem>> -> memref<1x128x32xf32, #tpu.memory_space<vmem>>
    %dma_start3A_24 = tpu.memref_squeeze %dma_start3A_23 : memref<1x128x32xf32, #tpu.memory_space<vmem>> -> memref<128x32xf32, #tpu.memory_space<vmem>>
    %dma_start3A_25 = arith.constant 0 : i32
    %dma_start3A_26 = tpu.memref_slice %arg5[%dma_start3A_19, %dma_start3A_25] : memref<104x128xi32, #tpu.memory_space<vmem>> -> memref<1x128xi32, #tpu.memory_space<vmem>>
    %dma_start3A_27 = tpu.memref_squeeze %dma_start3A_26 : memref<1x128xi32, #tpu.memory_space<vmem>> -> memref<128xi32, #tpu.memory_space<vmem>>
    %dma_start3A_28 = arith.constant 0 : i32
    %dma_start3A_29 = arith.constant 0 : i32
    %dma_start3A_30 = tpu.memref_slice %arg3[%dma_start3A_28, %dma_start3A_29] : memref<2981888x32xf32, #tpu.memory_space<hbm>> -> memref<2981888x32xf32, #tpu.memory_space<hbm>>
    tpu.enqueue_indirect_dma source(%dma_start3A_30 : memref<2981888x32xf32, #tpu.memory_space<hbm>>) target(%dma_start3A_24 : memref<128x32xf32, #tpu.memory_space<vmem>>) offsets(%dma_start3A_27 : memref<128xi32, #tpu.memory_space<vmem>>) semaphore(%arg7 : memref<!tpu.dma_semaphore, #tpu.memory_space<semaphore_mem>>)
    %dma_start3A_31 = arith.constant 2 : i32
    %dma_start3A_32 = arith.constant 0 : i32
    %dma_start3A_33 = arith.constant 256 : i32
    %dma_start3A_34 = arith.constant 0 : i32
    %dma_start3A_35 = tpu.memref_slice %arg6[%dma_start3A_32, %dma_start3A_33, %dma_start3A_34] : memref<2x1664x32xf32, #tpu.memory_space<vmem>> -> memref<1x128x32xf32, #tpu.memory_space<vmem>>
    %dma_start3A_36 = tpu.memref_squeeze %dma_start3A_35 : memref<1x128x32xf32, #tpu.memory_space<vmem>> -> memref<128x32xf32, #tpu.memory_space<vmem>>
    %dma_start3A_37 = arith.constant 0 : i32
    %dma_start3A_38 = tpu.memref_slice %arg5[%dma_start3A_31, %dma_start3A_37] : memref<104x128xi32, #tpu.memory_space<vmem>> -> memref<1x128xi32, #tpu.memory_space<vmem>>
    %dma_start3A_39 = tpu.memref_squeeze %dma_start3A_38 : memref<1x128xi32, #tpu.memory_space<vmem>> -> memref<128xi32, #tpu.memory_space<vmem>>
    %dma_start3A_40 = arith.constant 0 : i32
    %dma_start3A_41 = arith.constant 0 : i32
    %dma_start3A_42 = tpu.memref_slice %arg3[%dma_start3A_40, %dma_start3A_41] : memref<2981888x32xf32, #tpu.memory_space<hbm>> -> memref<2981888x32xf32, #tpu.memory_space<hbm>>
    tpu.enqueue_indirect_dma source(%dma_start3A_42 : memref<2981888x32xf32, #tpu.memory_space<hbm>>) target(%dma_start3A_36 : memref<128x32xf32, #tpu.memory_space<vmem>>) offsets(%dma_start3A_39 : memref<128xi32, #tpu.memory_space<vmem>>) semaphore(%arg7 : memref<!tpu.dma_semaphore, #tpu.memory_space<semaphore_mem>>)
    %dma_start3A_43 = arith.constant 3 : i32
    %dma_start3A_44 = arith.constant 0 : i32
    %dma_start3A_45 = arith.constant 384 : i32
    %dma_start3A_46 = arith.constant 0 : i32
    %dma_start3A_47 = tpu.memref_slice %arg6[%dma_start3A_44, %dma_start3A_45, %dma_start3A_46] : memref<2x1664x32xf32, #tpu.memory_space<vmem>> -> memref<1x128x32xf32, #tpu.memory_space<vmem>>
    %dma_start3A_48 = tpu.memref_squeeze %dma_start3A_47 : memref<1x128x32xf32, #tpu.memory_space<vmem>> -> memref<128x32xf32, #tpu.memory_space<vmem>>
    %dma_start3A_49 = arith.constant 0 : i32
    %dma_start3A_50 = tpu.memref_slice %arg5[%dma_start3A_43, %dma_start3A_49] : memref<104x128xi32, #tpu.memory_space<vmem>> -> memref<1x128xi32, #tpu.memory_space<vmem>>
    %dma_start3A_51 = tpu.memref_squeeze %dma_start3A_50 : memref<1x128xi32, #tpu.memory_space<vmem>> -> memref<128xi32, #tpu.memory_space<vmem>>
    %dma_start3A_52 = arith.constant 0 : i32
    %dma_start3A_53 = arith.constant 0 : i32
    %dma_start3A_54 = tpu.memref_slice %arg3[%dma_start3A_52, %dma_start3A_53] : memref<2981888x32xf32, #tpu.memory_space<hbm>> -> memref<2981888x32xf32, #tpu.memory_space<hbm>>
    tpu.enqueue_indirect_dma source(%dma_start3A_54 : memref<2981888x32xf32, #tpu.memory_space<hbm>>) target(%dma_start3A_48 : memref<128x32xf32, #tpu.memory_space<vmem>>) offsets(%dma_start3A_51 : memref<128xi32, #tpu.memory_space<vmem>>) semaphore(%arg7 : memref<!tpu.dma_semaphore, #tpu.memory_space<semaphore_mem>>)
    %dma_start3A_55 = arith.constant 4 : i32
    %dma_start3A_56 = arith.constant 0 : i32
    %dma_start3A_57 = arith.constant 512 : i32
    %dma_start3A_58 = arith.constant 0 : i32
    %dma_start3A_59 = tpu.memref_slice %arg6[%dma_start3A_56, %dma_start3A_57, %dma_start3A_58] : memref<2x1664x32xf32, #tpu.memory_space<vmem>> -> memref<1x128x32xf32, #tpu.memory_space<vmem>>
    %dma_start3A_60 = tpu.memref_squeeze %dma_start3A_59 : memref<1x128x32xf32, #tpu.memory_space<vmem>> -> memref<128x32xf32, #tpu.memory_space<vmem>>
    %dma_start3A_61 = arith.constant 0 : i32
    %dma_start3A_62 = tpu.memref_slice %arg5[%dma_start3A_55, %dma_start3A_61] : memref<104x128xi32, #tpu.memory_space<vmem>> -> memref<1x128xi32, #tpu.memory_space<vmem>>
    %dma_start3A_63 = tpu.memref_squeeze %dma_start3A_62 : memref<1x128xi32, #tpu.memory_space<vmem>> -> memref<128xi32, #tpu.memory_space<vmem>>
    %dma_start3A_64 = arith.constant 0 : i32
    %dma_start3A_65 = arith.constant 0 : i32
    %dma_start3A_66 = tpu.memref_slice %arg3[%dma_start3A_64, %dma_start3A_65] : memref<2981888x32xf32, #tpu.memory_space<hbm>> -> memref<2981888x32xf32, #tpu.memory_space<hbm>>
    tpu.enqueue_indirect_dma source(%dma_start3A_66 : memref<2981888x32xf32, #tpu.memory_space<hbm>>) target(%dma_start3A_60 : memref<128x32xf32, #tpu.memory_space<vmem>>) offsets(%dma_start3A_63 : memref<128xi32, #tpu.memory_space<vmem>>) semaphore(%arg7 : memref<!tpu.dma_semaphore, #tpu.memory_space<semaphore_mem>>)
    %dma_start3A_67 = arith.constant 5 : i32
    %dma_start3A_68 = arith.constant 0 : i32
    %dma_start3A_69 = arith.constant 640 : i32
    %dma_start3A_70 = arith.constant 0 : i32
    %dma_start3A_71 = tpu.memref_slice %arg6[%dma_start3A_68, %dma_start3A_69, %dma_start3A_70] : memref<2x1664x32xf32, #tpu.memory_space<vmem>> -> memref<1x128x32xf32, #tpu.memory_space<vmem>>
    %dma_start3A_72 = tpu.memref_squeeze %dma_start3A_71 : memref<1x128x32xf32, #tpu.memory_space<vmem>> -> memref<128x32xf32, #tpu.memory_space<vmem>>
    %dma_start3A_73 = arith.constant 0 : i32
    %dma_start3A_74 = tpu.memref_slice %arg5[%dma_start3A_67, %dma_start3A_73] : memref<104x128xi32, #tpu.memory_space<vmem>> -> memref<1x128xi32, #tpu.memory_space<vmem>>
    %dma_start3A_75 = tpu.memref_squeeze %dma_start3A_74 : memref<1x128xi32, #tpu.memory_space<vmem>> -> memref<128xi32, #tpu.memory_space<vmem>>
    %dma_start3A_76 = arith.constant 0 : i32
    %dma_start3A_77 = arith.constant 0 : i32
    %dma_start3A_78 = tpu.memref_slice %arg3[%dma_start3A_76, %dma_start3A_77] : memref<2981888x32xf32, #tpu.memory_space<hbm>> -> memref<2981888x32xf32, #tpu.memory_space<hbm>>
    tpu.enqueue_indirect_dma source(%dma_start3A_78 : memref<2981888x32xf32, #tpu.memory_space<hbm>>) target(%dma_start3A_72 : memref<128x32xf32, #tpu.memory_space<vmem>>) offsets(%dma_start3A_75 : memref<128xi32, #tpu.memory_space<vmem>>) semaphore(%arg7 : memref<!tpu.dma_semaphore, #tpu.memory_space<semaphore_mem>>)
    %dma_start3A_79 = arith.constant 6 : i32
    %dma_start3A_80 = arith.constant 0 : i32
    %dma_start3A_81 = arith.constant 768 : i32
    %dma_start3A_82 = arith.constant 0 : i32
    %dma_start3A_83 = tpu.memref_slice %arg6[%dma_start3A_80, %dma_start3A_81, %dma_start3A_82] : memref<2x1664x32xf32, #tpu.memory_space<vmem>> -> memref<1x128x32xf32, #tpu.memory_space<vmem>>
    %dma_start3A_84 = tpu.memref_squeeze %dma_start3A_83 : memref<1x128x32xf32, #tpu.memory_space<vmem>> -> memref<128x32xf32, #tpu.memory_space<vmem>>
    %dma_start3A_85 = arith.constant 0 : i32
    %dma_start3A_86 = tpu.memref_slice %arg5[%dma_start3A_79, %dma_start3A_85] : memref<104x128xi32, #tpu.memory_space<vmem>> -> memref<1x128xi32, #tpu.memory_space<vmem>>
    %dma_start3A_87 = tpu.memref_squeeze %dma_start3A_86 : memref<1x128xi32, #tpu.memory_space<vmem>> -> memref<128xi32, #tpu.memory_space<vmem>>
    %dma_start3A_88 = arith.constant 0 : i32
    %dma_start3A_89 = arith.constant 0 : i32
    %dma_start3A_90 = tpu.memref_slice %arg3[%dma_start3A_88, %dma_start3A_89] : memref<2981888x32xf32, #tpu.memory_space<hbm>> -> memref<2981888x32xf32, #tpu.memory_space<hbm>>
    tpu.enqueue_indirect_dma source(%dma_start3A_90 : memref<2981888x32xf32, #tpu.memory_space<hbm>>) target(%dma_start3A_84 : memref<128x32xf32, #tpu.memory_space<vmem>>) offsets(%dma_start3A_87 : memref<128xi32, #tpu.memory_space<vmem>>) semaphore(%arg7 : memref<!tpu.dma_semaphore, #tpu.memory_space<semaphore_mem>>)
    %dma_start3A_91 = arith.constant 7 : i32
    %dma_start3A_92 = arith.constant 0 : i32
    %dma_start3A_93 = arith.constant 896 : i32
    %dma_start3A_94 = arith.constant 0 : i32
    %dma_start3A_95 = tpu.memref_slice %arg6[%dma_start3A_92, %dma_start3A_93, %dma_start3A_94] : memref<2x1664x32xf32, #tpu.memory_space<vmem>> -> memref<1x128x32xf32, #tpu.memory_space<vmem>>
    %dma_start3A_96 = tpu.memref_squeeze %dma_start3A_95 : memref<1x128x32xf32, #tpu.memory_space<vmem>> -> memref<128x32xf32, #tpu.memory_space<vmem>>
    %dma_start3A_97 = arith.constant 0 : i32
    %dma_start3A_98 = tpu.memref_slice %arg5[%dma_start3A_91, %dma_start3A_97] : memref<104x128xi32, #tpu.memory_space<vmem>> -> memref<1x128xi32, #tpu.memory_space<vmem>>
    %dma_start3A_99 = tpu.memref_squeeze %dma_start3A_98 : memref<1x128xi32, #tpu.memory_space<vmem>> -> memref<128xi32, #tpu.memory_space<vmem>>
    %dma_start3A_100 = arith.constant 0 : i32
    %dma_start3A_101 = arith.constant 0 : i32
    %dma_start3A_102 = tpu.memref_slice %arg3[%dma_start3A_100, %dma_start3A_101] : memref<2981888x32xf32, #tpu.memory_space<hbm>> -> memref<2981888x32xf32, #tpu.memory_space<hbm>>
    tpu.enqueue_indirect_dma source(%dma_start3A_102 : memref<2981888x32xf32, #tpu.memory_space<hbm>>) target(%dma_start3A_96 : memref<128x32xf32, #tpu.memory_space<vmem>>) offsets(%dma_start3A_99 : memref<128xi32, #tpu.memory_space<vmem>>) semaphore(%arg7 : memref<!tpu.dma_semaphore, #tpu.memory_space<semaphore_mem>>)
    %dma_start3A_103 = arith.constant 8 : i32
    %dma_start3A_104 = arith.constant 0 : i32
    %dma_start3A_105 = arith.constant 1024 : i32
    %dma_start3A_106 = arith.constant 0 : i32
    %dma_start3A_107 = tpu.memref_slice %arg6[%dma_start3A_104, %dma_start3A_105, %dma_start3A_106] : memref<2x1664x32xf32, #tpu.memory_space<vmem>> -> memref<1x128x32xf32, #tpu.memory_space<vmem>>
    %dma_start3A_108 = tpu.memref_squeeze %dma_start3A_107 : memref<1x128x32xf32, #tpu.memory_space<vmem>> -> memref<128x32xf32, #tpu.memory_space<vmem>>
    %dma_start3A_109 = arith.constant 0 : i32
    %dma_start3A_110 = tpu.memref_slice %arg5[%dma_start3A_103, %dma_start3A_109] : memref<104x128xi32, #tpu.memory_space<vmem>> -> memref<1x128xi32, #tpu.memory_space<vmem>>
    %dma_start3A_111 = tpu.memref_squeeze %dma_start3A_110 : memref<1x128xi32, #tpu.memory_space<vmem>> -> memref<128xi32, #tpu.memory_space<vmem>>
    %dma_start3A_112 = arith.constant 0 : i32
    %dma_start3A_113 = arith.constant 0 : i32
    %dma_start3A_114 = tpu.memref_slice %arg3[%dma_start3A_112, %dma_start3A_113] : memref<2981888x32xf32, #tpu.memory_space<hbm>> -> memref<2981888x32xf32, #tpu.memory_space<hbm>>
    tpu.enqueue_indirect_dma source(%dma_start3A_114 : memref<2981888x32xf32, #tpu.memory_space<hbm>>) target(%dma_start3A_108 : memref<128x32xf32, #tpu.memory_space<vmem>>) offsets(%dma_start3A_111 : memref<128xi32, #tpu.memory_space<vmem>>) semaphore(%arg7 : memref<!tpu.dma_semaphore, #tpu.memory_space<semaphore_mem>>)
    %dma_start3A_115 = arith.constant 9 : i32
    %dma_start3A_116 = arith.constant 0 : i32
    %dma_start3A_117 = arith.constant 1152 : i32
    %dma_start3A_118 = arith.constant 0 : i32
    %dma_start3A_119 = tpu.memref_slice %arg6[%dma_start3A_116, %dma_start3A_117, %dma_start3A_118] : memref<2x1664x32xf32, #tpu.memory_space<vmem>> -> memref<1x128x32xf32, #tpu.memory_space<vmem>>
    %dma_start3A_120 = tpu.memref_squeeze %dma_start3A_119 : memref<1x128x32xf32, #tpu.memory_space<vmem>> -> memref<128x32xf32, #tpu.memory_space<vmem>>
    %dma_start3A_121 = arith.constant 0 : i32
    %dma_start3A_122 = tpu.memref_slice %arg5[%dma_start3A_115, %dma_start3A_121] : memref<104x128xi32, #tpu.memory_space<vmem>> -> memref<1x128xi32, #tpu.memory_space<vmem>>
    %dma_start3A_123 = tpu.memref_squeeze %dma_start3A_122 : memref<1x128xi32, #tpu.memory_space<vmem>> -> memref<128xi32, #tpu.memory_space<vmem>>
    %dma_start3A_124 = arith.constant 0 : i32
    %dma_start3A_125 = arith.constant 0 : i32
    %dma_start3A_126 = tpu.memref_slice %arg3[%dma_start3A_124, %dma_start3A_125] : memref<2981888x32xf32, #tpu.memory_space<hbm>> -> memref<2981888x32xf32, #tpu.memory_space<hbm>>
    tpu.enqueue_indirect_dma source(%dma_start3A_126 : memref<2981888x32xf32, #tpu.memory_space<hbm>>) target(%dma_start3A_120 : memref<128x32xf32, #tpu.memory_space<vmem>>) offsets(%dma_start3A_123 : memref<128xi32, #tpu.memory_space<vmem>>) semaphore(%arg7 : memref<!tpu.dma_semaphore, #tpu.memory_space<semaphore_mem>>)
    %dma_start3A_127 = arith.constant 10 : i32
    %dma_start3A_128 = arith.constant 0 : i32
    %dma_start3A_129 = arith.constant 1280 : i32
    %dma_start3A_130 = arith.constant 0 : i32
    %dma_start3A_131 = tpu.memref_slice %arg6[%dma_start3A_128, %dma_start3A_129, %dma_start3A_130] : memref<2x1664x32xf32, #tpu.memory_space<vmem>> -> memref<1x128x32xf32, #tpu.memory_space<vmem>>
    %dma_start3A_132 = tpu.memref_squeeze %dma_start3A_131 : memref<1x128x32xf32, #tpu.memory_space<vmem>> -> memref<128x32xf32, #tpu.memory_space<vmem>>
    %dma_start3A_133 = arith.constant 0 : i32
    %dma_start3A_134 = tpu.memref_slice %arg5[%dma_start3A_127, %dma_start3A_133] : memref<104x128xi32, #tpu.memory_space<vmem>> -> memref<1x128xi32, #tpu.memory_space<vmem>>
    %dma_start3A_135 = tpu.memref_squeeze %dma_start3A_134 : memref<1x128xi32, #tpu.memory_space<vmem>> -> memref<128xi32, #tpu.memory_space<vmem>>
    %dma_start3A_136 = arith.constant 0 : i32
    %dma_start3A_137 = arith.constant 0 : i32
    %dma_start3A_138 = tpu.memref_slice %arg3[%dma_start3A_136, %dma_start3A_137] : memref<2981888x32xf32, #tpu.memory_space<hbm>> -> memref<2981888x32xf32, #tpu.memory_space<hbm>>
    tpu.enqueue_indirect_dma source(%dma_start3A_138 : memref<2981888x32xf32, #tpu.memory_space<hbm>>) target(%dma_start3A_132 : memref<128x32xf32, #tpu.memory_space<vmem>>) offsets(%dma_start3A_135 : memref<128xi32, #tpu.memory_space<vmem>>) semaphore(%arg7 : memref<!tpu.dma_semaphore, #tpu.memory_space<semaphore_mem>>)
    %dma_start3A_139 = arith.constant 11 : i32
    %dma_start3A_140 = arith.constant 0 : i32
    %dma_start3A_141 = arith.constant 1408 : i32
    %dma_start3A_142 = arith.constant 0 : i32
    %dma_start3A_143 = tpu.memref_slice %arg6[%dma_start3A_140, %dma_start3A_141, %dma_start3A_142] : memref<2x1664x32xf32, #tpu.memory_space<vmem>> -> memref<1x128x32xf32, #tpu.memory_space<vmem>>
    %dma_start3A_144 = tpu.memref_squeeze %dma_start3A_143 : memref<1x128x32xf32, #tpu.memory_space<vmem>> -> memref<128x32xf32, #tpu.memory_space<vmem>>
    %dma_start3A_145 = arith.constant 0 : i32
    %dma_start3A_146 = tpu.memref_slice %arg5[%dma_start3A_139, %dma_start3A_145] : memref<104x128xi32, #tpu.memory_space<vmem>> -> memref<1x128xi32, #tpu.memory_space<vmem>>
    %dma_start3A_147 = tpu.memref_squeeze %dma_start3A_146 : memref<1x128xi32, #tpu.memory_space<vmem>> -> memref<128xi32, #tpu.memory_space<vmem>>
    %dma_start3A_148 = arith.constant 0 : i32
    %dma_start3A_149 = arith.constant 0 : i32
    %dma_start3A_150 = tpu.memref_slice %arg3[%dma_start3A_148, %dma_start3A_149] : memref<2981888x32xf32, #tpu.memory_space<hbm>> -> memref<2981888x32xf32, #tpu.memory_space<hbm>>
    tpu.enqueue_indirect_dma source(%dma_start3A_150 : memref<2981888x32xf32, #tpu.memory_space<hbm>>) target(%dma_start3A_144 : memref<128x32xf32, #tpu.memory_space<vmem>>) offsets(%dma_start3A_147 : memref<128xi32, #tpu.memory_space<vmem>>) semaphore(%arg7 : memref<!tpu.dma_semaphore, #tpu.memory_space<semaphore_mem>>)
    %dma_start3A_151 = arith.constant 12 : i32
    %dma_start3A_152 = arith.constant 0 : i32
    %dma_start3A_153 = arith.constant 1536 : i32
    %dma_start3A_154 = arith.constant 0 : i32
    %dma_start3A_155 = tpu.memref_slice %arg6[%dma_start3A_152, %dma_start3A_153, %dma_start3A_154] : memref<2x1664x32xf32, #tpu.memory_space<vmem>> -> memref<1x128x32xf32, #tpu.memory_space<vmem>>
    %dma_start3A_156 = tpu.memref_squeeze %dma_start3A_155 : memref<1x128x32xf32, #tpu.memory_space<vmem>> -> memref<128x32xf32, #tpu.memory_space<vmem>>
    %dma_start3A_157 = arith.constant 0 : i32
    %dma_start3A_158 = tpu.memref_slice %arg5[%dma_start3A_151, %dma_start3A_157] : memref<104x128xi32, #tpu.memory_space<vmem>> -> memref<1x128xi32, #tpu.memory_space<vmem>>
    %dma_start3A_159 = tpu.memref_squeeze %dma_start3A_158 : memref<1x128xi32, #tpu.memory_space<vmem>> -> memref<128xi32, #tpu.memory_space<vmem>>
    %dma_start3A_160 = arith.constant 0 : i32
    %dma_start3A_161 = arith.constant 0 : i32
    %dma_start3A_162 = tpu.memref_slice %arg3[%dma_start3A_160, %dma_start3A_161] : memref<2981888x32xf32, #tpu.memory_space<hbm>> -> memref<2981888x32xf32, #tpu.memory_space<hbm>>
    tpu.enqueue_indirect_dma source(%dma_start3A_162 : memref<2981888x32xf32, #tpu.memory_space<hbm>>) target(%dma_start3A_156 : memref<128x32xf32, #tpu.memory_space<vmem>>) offsets(%dma_start3A_159 : memref<128xi32, #tpu.memory_space<vmem>>) semaphore(%arg7 : memref<!tpu.dma_semaphore, #tpu.memory_space<semaphore_mem>>)
    %dma_start3A_163 = arith.constant 13 : i32
    %dma_start3A_164 = arith.constant 1 : i32
    %dma_start3A_165 = arith.constant 0 : i32
    %dma_start3A_166 = arith.constant 0 : i32
    %dma_start3A_167 = tpu.memref_slice %arg6[%dma_start3A_164, %dma_start3A_165, %dma_start3A_166] : memref<2x1664x32xf32, #tpu.memory_space<vmem>> -> memref<1x128x32xf32, #tpu.memory_space<vmem>>
    %dma_start3A_168 = tpu.memref_squeeze %dma_start3A_167 : memref<1x128x32xf32, #tpu.memory_space<vmem>> -> memref<128x32xf32, #tpu.memory_space<vmem>>
    %dma_start3A_169 = arith.constant 0 : i32
    %dma_start3A_170 = tpu.memref_slice %arg5[%dma_start3A_163, %dma_start3A_169] : memref<104x128xi32, #tpu.memory_space<vmem>> -> memref<1x128xi32, #tpu.memory_space<vmem>>
    %dma_start3A_171 = tpu.memref_squeeze %dma_start3A_170 : memref<1x128xi32, #tpu.memory_space<vmem>> -> memref<128xi32, #tpu.memory_space<vmem>>
    %dma_start3A_172 = arith.constant 0 : i32
    %dma_start3A_173 = arith.constant 0 : i32
    %dma_start3A_174 = tpu.memref_slice %arg3[%dma_start3A_172, %dma_start3A_173] : memref<2981888x32xf32, #tpu.memory_space<hbm>> -> memref<2981888x32xf32, #tpu.memory_space<hbm>>
    tpu.enqueue_indirect_dma source(%dma_start3A_174 : memref<2981888x32xf32, #tpu.memory_space<hbm>>) target(%dma_start3A_168 : memref<128x32xf32, #tpu.memory_space<vmem>>) offsets(%dma_start3A_171 : memref<128xi32, #tpu.memory_space<vmem>>) semaphore(%arg8 : memref<!tpu.dma_semaphore, #tpu.memory_space<semaphore_mem>>)
    %dma_start3A_175 = arith.constant 14 : i32
    %dma_start3A_176 = arith.constant 1 : i32
    %dma_start3A_177 = arith.constant 128 : i32
    %dma_start3A_178 = arith.constant 0 : i32
    %dma_start3A_179 = tpu.memref_slice %arg6[%dma_start3A_176, %dma_start3A_177, %dma_start3A_178] : memref<2x1664x32xf32, #tpu.memory_space<vmem>> -> memref<1x128x32xf32, #tpu.memory_space<vmem>>
    %dma_start3A_180 = tpu.memref_squeeze %dma_start3A_179 : memref<1x128x32xf32, #tpu.memory_space<vmem>> -> memref<128x32xf32, #tpu.memory_space<vmem>>
    %dma_start3A_181 = arith.constant 0 : i32
    %dma_start3A_182 = tpu.memref_slice %arg5[%dma_start3A_175, %dma_start3A_181] : memref<104x128xi32, #tpu.memory_space<vmem>> -> memref<1x128xi32, #tpu.memory_space<vmem>>
    %dma_start3A_183 = tpu.memref_squeeze %dma_start3A_182 : memref<1x128xi32, #tpu.memory_space<vmem>> -> memref<128xi32, #tpu.memory_space<vmem>>
    %dma_start3A_184 = arith.constant 0 : i32
    %dma_start3A_185 = arith.constant 0 : i32
    %dma_start3A_186 = tpu.memref_slice %arg3[%dma_start3A_184, %dma_start3A_185] : memref<2981888x32xf32, #tpu.memory_space<hbm>> -> memref<2981888x32xf32, #tpu.memory_space<hbm>>
    tpu.enqueue_indirect_dma source(%dma_start3A_186 : memref<2981888x32xf32, #tpu.memory_space<hbm>>) target(%dma_start3A_180 : memref<128x32xf32, #tpu.memory_space<vmem>>) offsets(%dma_start3A_183 : memref<128xi32, #tpu.memory_space<vmem>>) semaphore(%arg8 : memref<!tpu.dma_semaphore, #tpu.memory_space<semaphore_mem>>)
    %dma_start3A_187 = arith.constant 15 : i32
    %dma_start3A_188 = arith.constant 1 : i32
    %dma_start3A_189 = arith.constant 256 : i32
    %dma_start3A_190 = arith.constant 0 : i32
    %dma_start3A_191 = tpu.memref_slice %arg6[%dma_start3A_188, %dma_start3A_189, %dma_start3A_190] : memref<2x1664x32xf32, #tpu.memory_space<vmem>> -> memref<1x128x32xf32, #tpu.memory_space<vmem>>
    %dma_start3A_192 = tpu.memref_squeeze %dma_start3A_191 : memref<1x128x32xf32, #tpu.memory_space<vmem>> -> memref<128x32xf32, #tpu.memory_space<vmem>>
    %dma_start3A_193 = arith.constant 0 : i32
    %dma_start3A_194 = tpu.memref_slice %arg5[%dma_start3A_187, %dma_start3A_193] : memref<104x128xi32, #tpu.memory_space<vmem>> -> memref<1x128xi32, #tpu.memory_space<vmem>>
    %dma_start3A_195 = tpu.memref_squeeze %dma_start3A_194 : memref<1x128xi32, #tpu.memory_space<vmem>> -> memref<128xi32, #tpu.memory_space<vmem>>
    %dma_start3A_196 = arith.constant 0 : i32
    %dma_start3A_197 = arith.constant 0 : i32
    %dma_start3A_198 = tpu.memref_slice %arg3[%dma_start3A_196, %dma_start3A_197] : memref<2981888x32xf32, #tpu.memory_space<hbm>> -> memref<2981888x32xf32, #tpu.memory_space<hbm>>
    tpu.enqueue_indirect_dma source(%dma_start3A_198 : memref<2981888x32xf32, #tpu.memory_space<hbm>>) target(%dma_start3A_192 : memref<128x32xf32, #tpu.memory_space<vmem>>) offsets(%dma_start3A_195 : memref<128xi32, #tpu.memory_space<vmem>>) semaphore(%arg8 : memref<!tpu.dma_semaphore, #tpu.memory_space<semaphore_mem>>)
    %dma_start3A_199 = arith.constant 16 : i32
    %dma_start3A_200 = arith.constant 1 : i32
    %dma_start3A_201 = arith.constant 384 : i32
    %dma_start3A_202 = arith.constant 0 : i32
    %dma_start3A_203 = tpu.memref_slice %arg6[%dma_start3A_200, %dma_start3A_201, %dma_start3A_202] : memref<2x1664x32xf32, #tpu.memory_space<vmem>> -> memref<1x128x32xf32, #tpu.memory_space<vmem>>
    %dma_start3A_204 = tpu.memref_squeeze %dma_start3A_203 : memref<1x128x32xf32, #tpu.memory_space<vmem>> -> memref<128x32xf32, #tpu.memory_space<vmem>>
    %dma_start3A_205 = arith.constant 0 : i32
    %dma_start3A_206 = tpu.memref_slice %arg5[%dma_start3A_199, %dma_start3A_205] : memref<104x128xi32, #tpu.memory_space<vmem>> -> memref<1x128xi32, #tpu.memory_space<vmem>>
    %dma_start3A_207 = tpu.memref_squeeze %dma_start3A_206 : memref<1x128xi32, #tpu.memory_space<vmem>> -> memref<128xi32, #tpu.memory_space<vmem>>
    %dma_start3A_208 = arith.constant 0 : i32
    %dma_start3A_209 = arith.constant 0 : i32
    %dma_start3A_210 = tpu.memref_slice %arg3[%dma_start3A_208, %dma_start3A_209] : memref<2981888x32xf32, #tpu.memory_space<hbm>> -> memref<2981888x32xf32, #tpu.memory_space<hbm>>
    tpu.enqueue_indirect_dma source(%dma_start3A_210 : memref<2981888x32xf32, #tpu.memory_space<hbm>>) target(%dma_start3A_204 : memref<128x32xf32, #tpu.memory_space<vmem>>) offsets(%dma_start3A_207 : memref<128xi32, #tpu.memory_space<vmem>>) semaphore(%arg8 : memref<!tpu.dma_semaphore, #tpu.memory_space<semaphore_mem>>)
    %dma_start3A_211 = arith.constant 17 : i32
    %dma_start3A_212 = arith.constant 1 : i32
    %dma_start3A_213 = arith.constant 512 : i32
    %dma_start3A_214 = arith.constant 0 : i32
    %dma_start3A_215 = tpu.memref_slice %arg6[%dma_start3A_212, %dma_start3A_213, %dma_start3A_214] : memref<2x1664x32xf32, #tpu.memory_space<vmem>> -> memref<1x128x32xf32, #tpu.memory_space<vmem>>
    %dma_start3A_216 = tpu.memref_squeeze %dma_start3A_215 : memref<1x128x32xf32, #tpu.memory_space<vmem>> -> memref<128x32xf32, #tpu.memory_space<vmem>>
    %dma_start3A_217 = arith.constant 0 : i32
    %dma_start3A_218 = tpu.memref_slice %arg5[%dma_start3A_211, %dma_start3A_217] : memref<104x128xi32, #tpu.memory_space<vmem>> -> memref<1x128xi32, #tpu.memory_space<vmem>>
    %dma_start3A_219 = tpu.memref_squeeze %dma_start3A_218 : memref<1x128xi32, #tpu.memory_space<vmem>> -> memref<128xi32, #tpu.memory_space<vmem>>
    %dma_start3A_220 = arith.constant 0 : i32
    %dma_start3A_221 = arith.constant 0 : i32
    %dma_start3A_222 = tpu.memref_slice %arg3[%dma_start3A_220, %dma_start3A_221] : memref<2981888x32xf32, #tpu.memory_space<hbm>> -> memref<2981888x32xf32, #tpu.memory_space<hbm>>
    tpu.enqueue_indirect_dma source(%dma_start3A_222 : memref<2981888x32xf32, #tpu.memory_space<hbm>>) target(%dma_start3A_216 : memref<128x32xf32, #tpu.memory_space<vmem>>) offsets(%dma_start3A_219 : memref<128xi32, #tpu.memory_space<vmem>>) semaphore(%arg8 : memref<!tpu.dma_semaphore, #tpu.memory_space<semaphore_mem>>)
    %dma_start3A_223 = arith.constant 18 : i32
    %dma_start3A_224 = arith.constant 1 : i32
    %dma_start3A_225 = arith.constant 640 : i32
    %dma_start3A_226 = arith.constant 0 : i32
    %dma_start3A_227 = tpu.memref_slice %arg6[%dma_start3A_224, %dma_start3A_225, %dma_start3A_226] : memref<2x1664x32xf32, #tpu.memory_space<vmem>> -> memref<1x128x32xf32, #tpu.memory_space<vmem>>
    %dma_start3A_228 = tpu.memref_squeeze %dma_start3A_227 : memref<1x128x32xf32, #tpu.memory_space<vmem>> -> memref<128x32xf32, #tpu.memory_space<vmem>>
    %dma_start3A_229 = arith.constant 0 : i32
    %dma_start3A_230 = tpu.memref_slice %arg5[%dma_start3A_223, %dma_start3A_229] : memref<104x128xi32, #tpu.memory_space<vmem>> -> memref<1x128xi32, #tpu.memory_space<vmem>>
    %dma_start3A_231 = tpu.memref_squeeze %dma_start3A_230 : memref<1x128xi32, #tpu.memory_space<vmem>> -> memref<128xi32, #tpu.memory_space<vmem>>
    %dma_start3A_232 = arith.constant 0 : i32
    %dma_start3A_233 = arith.constant 0 : i32
    %dma_start3A_234 = tpu.memref_slice %arg3[%dma_start3A_232, %dma_start3A_233] : memref<2981888x32xf32, #tpu.memory_space<hbm>> -> memref<2981888x32xf32, #tpu.memory_space<hbm>>
    tpu.enqueue_indirect_dma source(%dma_start3A_234 : memref<2981888x32xf32, #tpu.memory_space<hbm>>) target(%dma_start3A_228 : memref<128x32xf32, #tpu.memory_space<vmem>>) offsets(%dma_start3A_231 : memref<128xi32, #tpu.memory_space<vmem>>) semaphore(%arg8 : memref<!tpu.dma_semaphore, #tpu.memory_space<semaphore_mem>>)
    %dma_start3A_235 = arith.constant 19 : i32
    %dma_start3A_236 = arith.constant 1 : i32
    %dma_start3A_237 = arith.constant 768 : i32
    %dma_start3A_238 = arith.constant 0 : i32
    %dma_start3A_239 = tpu.memref_slice %arg6[%dma_start3A_236, %dma_start3A_237, %dma_start3A_238] : memref<2x1664x32xf32, #tpu.memory_space<vmem>> -> memref<1x128x32xf32, #tpu.memory_space<vmem>>
    %dma_start3A_240 = tpu.memref_squeeze %dma_start3A_239 : memref<1x128x32xf32, #tpu.memory_space<vmem>> -> memref<128x32xf32, #tpu.memory_space<vmem>>
    %dma_start3A_241 = arith.constant 0 : i32
    %dma_start3A_242 = tpu.memref_slice %arg5[%dma_start3A_235, %dma_start3A_241] : memref<104x128xi32, #tpu.memory_space<vmem>> -> memref<1x128xi32, #tpu.memory_space<vmem>>
    %dma_start3A_243 = tpu.memref_squeeze %dma_start3A_242 : memref<1x128xi32, #tpu.memory_space<vmem>> -> memref<128xi32, #tpu.memory_space<vmem>>
    %dma_start3A_244 = arith.constant 0 : i32
    %dma_start3A_245 = arith.constant 0 : i32
    %dma_start3A_246 = tpu.memref_slice %arg3[%dma_start3A_244, %dma_start3A_245] : memref<2981888x32xf32, #tpu.memory_space<hbm>> -> memref<2981888x32xf32, #tpu.memory_space<hbm>>
    tpu.enqueue_indirect_dma source(%dma_start3A_246 : memref<2981888x32xf32, #tpu.memory_space<hbm>>) target(%dma_start3A_240 : memref<128x32xf32, #tpu.memory_space<vmem>>) offsets(%dma_start3A_243 : memref<128xi32, #tpu.memory_space<vmem>>) semaphore(%arg8 : memref<!tpu.dma_semaphore, #tpu.memory_space<semaphore_mem>>)
    %dma_start3A_247 = arith.constant 20 : i32
    %dma_start3A_248 = arith.constant 1 : i32
    %dma_start3A_249 = arith.constant 896 : i32
    %dma_start3A_250 = arith.constant 0 : i32
    %dma_start3A_251 = tpu.memref_slice %arg6[%dma_start3A_248, %dma_start3A_249, %dma_start3A_250] : memref<2x1664x32xf32, #tpu.memory_space<vmem>> -> memref<1x128x32xf32, #tpu.memory_space<vmem>>
    %dma_start3A_252 = tpu.memref_squeeze %dma_start3A_251 : memref<1x128x32xf32, #tpu.memory_space<vmem>> -> memref<128x32xf32, #tpu.memory_space<vmem>>
    %dma_start3A_253 = arith.constant 0 : i32
    %dma_start3A_254 = tpu.memref_slice %arg5[%dma_start3A_247, %dma_start3A_253] : memref<104x128xi32, #tpu.memory_space<vmem>> -> memref<1x128xi32, #tpu.memory_space<vmem>>
    %dma_start3A_255 = tpu.memref_squeeze %dma_start3A_254 : memref<1x128xi32, #tpu.memory_space<vmem>> -> memref<128xi32, #tpu.memory_space<vmem>>
    %dma_start3A_256 = arith.constant 0 : i32
    %dma_start3A_257 = arith.constant 0 : i32
    %dma_start3A_258 = tpu.memref_slice %arg3[%dma_start3A_256, %dma_start3A_257] : memref<2981888x32xf32, #tpu.memory_space<hbm>> -> memref<2981888x32xf32, #tpu.memory_space<hbm>>
    tpu.enqueue_indirect_dma source(%dma_start3A_258 : memref<2981888x32xf32, #tpu.memory_space<hbm>>) target(%dma_start3A_252 : memref<128x32xf32, #tpu.memory_space<vmem>>) offsets(%dma_start3A_255 : memref<128xi32, #tpu.memory_space<vmem>>) semaphore(%arg8 : memref<!tpu.dma_semaphore, #tpu.memory_space<semaphore_mem>>)
    %dma_start3A_259 = arith.constant 21 : i32
    %dma_start3A_260 = arith.constant 1 : i32
    %dma_start3A_261 = arith.constant 1024 : i32
    %dma_start3A_262 = arith.constant 0 : i32
    %dma_start3A_263 = tpu.memref_slice %arg6[%dma_start3A_260, %dma_start3A_261, %dma_start3A_262] : memref<2x1664x32xf32, #tpu.memory_space<vmem>> -> memref<1x128x32xf32, #tpu.memory_space<vmem>>
    %dma_start3A_264 = tpu.memref_squeeze %dma_start3A_263 : memref<1x128x32xf32, #tpu.memory_space<vmem>> -> memref<128x32xf32, #tpu.memory_space<vmem>>
    %dma_start3A_265 = arith.constant 0 : i32
    %dma_start3A_266 = tpu.memref_slice %arg5[%dma_start3A_259, %dma_start3A_265] : memref<104x128xi32, #tpu.memory_space<vmem>> -> memref<1x128xi32, #tpu.memory_space<vmem>>
    %dma_start3A_267 = tpu.memref_squeeze %dma_start3A_266 : memref<1x128xi32, #tpu.memory_space<vmem>> -> memref<128xi32, #tpu.memory_space<vmem>>
    %dma_start3A_268 = arith.constant 0 : i32
    %dma_start3A_269 = arith.constant 0 : i32
    %dma_start3A_270 = tpu.memref_slice %arg3[%dma_start3A_268, %dma_start3A_269] : memref<2981888x32xf32, #tpu.memory_space<hbm>> -> memref<2981888x32xf32, #tpu.memory_space<hbm>>
    tpu.enqueue_indirect_dma source(%dma_start3A_270 : memref<2981888x32xf32, #tpu.memory_space<hbm>>) target(%dma_start3A_264 : memref<128x32xf32, #tpu.memory_space<vmem>>) offsets(%dma_start3A_267 : memref<128xi32, #tpu.memory_space<vmem>>) semaphore(%arg8 : memref<!tpu.dma_semaphore, #tpu.memory_space<semaphore_mem>>)
    %dma_start3A_271 = arith.constant 22 : i32
    %dma_start3A_272 = arith.constant 1 : i32
    %dma_start3A_273 = arith.constant 1152 : i32
    %dma_start3A_274 = arith.constant 0 : i32
    %dma_start3A_275 = tpu.memref_slice %arg6[%dma_start3A_272, %dma_start3A_273, %dma_start3A_274] : memref<2x1664x32xf32, #tpu.memory_space<vmem>> -> memref<1x128x32xf32, #tpu.memory_space<vmem>>
    %dma_start3A_276 = tpu.memref_squeeze %dma_start3A_275 : memref<1x128x32xf32, #tpu.memory_space<vmem>> -> memref<128x32xf32, #tpu.memory_space<vmem>>
    %dma_start3A_277 = arith.constant 0 : i32
    %dma_start3A_278 = tpu.memref_slice %arg5[%dma_start3A_271, %dma_start3A_277] : memref<104x128xi32, #tpu.memory_space<vmem>> -> memref<1x128xi32, #tpu.memory_space<vmem>>
    %dma_start3A_279 = tpu.memref_squeeze %dma_start3A_278 : memref<1x128xi32, #tpu.memory_space<vmem>> -> memref<128xi32, #tpu.memory_space<vmem>>
    %dma_start3A_280 = arith.constant 0 : i32
    %dma_start3A_281 = arith.constant 0 : i32
    %dma_start3A_282 = tpu.memref_slice %arg3[%dma_start3A_280, %dma_start3A_281] : memref<2981888x32xf32, #tpu.memory_space<hbm>> -> memref<2981888x32xf32, #tpu.memory_space<hbm>>
    tpu.enqueue_indirect_dma source(%dma_start3A_282 : memref<2981888x32xf32, #tpu.memory_space<hbm>>) target(%dma_start3A_276 : memref<128x32xf32, #tpu.memory_space<vmem>>) offsets(%dma_start3A_279 : memref<128xi32, #tpu.memory_space<vmem>>) semaphore(%arg8 : memref<!tpu.dma_semaphore, #tpu.memory_space<semaphore_mem>>)
    %dma_start3A_283 = arith.constant 23 : i32
    %dma_start3A_284 = arith.constant 1 : i32
    %dma_start3A_285 = arith.constant 1280 : i32
    %dma_start3A_286 = arith.constant 0 : i32
    %dma_start3A_287 = tpu.memref_slice %arg6[%dma_start3A_284, %dma_start3A_285, %dma_start3A_286] : memref<2x1664x32xf32, #tpu.memory_space<vmem>> -> memref<1x128x32xf32, #tpu.memory_space<vmem>>
    %dma_start3A_288 = tpu.memref_squeeze %dma_start3A_287 : memref<1x128x32xf32, #tpu.memory_space<vmem>> -> memref<128x32xf32, #tpu.memory_space<vmem>>
    %dma_start3A_289 = arith.constant 0 : i32
    %dma_start3A_290 = tpu.memref_slice %arg5[%dma_start3A_283, %dma_start3A_289] : memref<104x128xi32, #tpu.memory_space<vmem>> -> memref<1x128xi32, #tpu.memory_space<vmem>>
    %dma_start3A_291 = tpu.memref_squeeze %dma_start3A_290 : memref<1x128xi32, #tpu.memory_space<vmem>> -> memref<128xi32, #tpu.memory_space<vmem>>
    %dma_start3A_292 = arith.constant 0 : i32
    %dma_start3A_293 = arith.constant 0 : i32
    %dma_start3A_294 = tpu.memref_slice %arg3[%dma_start3A_292, %dma_start3A_293] : memref<2981888x32xf32, #tpu.memory_space<hbm>> -> memref<2981888x32xf32, #tpu.memory_space<hbm>>
    tpu.enqueue_indirect_dma source(%dma_start3A_294 : memref<2981888x32xf32, #tpu.memory_space<hbm>>) target(%dma_start3A_288 : memref<128x32xf32, #tpu.memory_space<vmem>>) offsets(%dma_start3A_291 : memref<128xi32, #tpu.memory_space<vmem>>) semaphore(%arg8 : memref<!tpu.dma_semaphore, #tpu.memory_space<semaphore_mem>>)
    %dma_start3A_295 = arith.constant 24 : i32
    %dma_start3A_296 = arith.constant 1 : i32
    %dma_start3A_297 = arith.constant 1408 : i32
    %dma_start3A_298 = arith.constant 0 : i32
    %dma_start3A_299 = tpu.memref_slice %arg6[%dma_start3A_296, %dma_start3A_297, %dma_start3A_298] : memref<2x1664x32xf32, #tpu.memory_space<vmem>> -> memref<1x128x32xf32, #tpu.memory_space<vmem>>
    %dma_start3A_300 = tpu.memref_squeeze %dma_start3A_299 : memref<1x128x32xf32, #tpu.memory_space<vmem>> -> memref<128x32xf32, #tpu.memory_space<vmem>>
    %dma_start3A_301 = arith.constant 0 : i32
    %dma_start3A_302 = tpu.memref_slice %arg5[%dma_start3A_295, %dma_start3A_301] : memref<104x128xi32, #tpu.memory_space<vmem>> -> memref<1x128xi32, #tpu.memory_space<vmem>>
    %dma_start3A_303 = tpu.memref_squeeze %dma_start3A_302 : memref<1x128xi32, #tpu.memory_space<vmem>> -> memref<128xi32, #tpu.memory_space<vmem>>
    %dma_start3A_304 = arith.constant 0 : i32
    %dma_start3A_305 = arith.constant 0 : i32
    %dma_start3A_306 = tpu.memref_slice %arg3[%dma_start3A_304, %dma_start3A_305] : memref<2981888x32xf32, #tpu.memory_space<hbm>> -> memref<2981888x32xf32, #tpu.memory_space<hbm>>
    tpu.enqueue_indirect_dma source(%dma_start3A_306 : memref<2981888x32xf32, #tpu.memory_space<hbm>>) target(%dma_start3A_300 : memref<128x32xf32, #tpu.memory_space<vmem>>) offsets(%dma_start3A_303 : memref<128xi32, #tpu.memory_space<vmem>>) semaphore(%arg8 : memref<!tpu.dma_semaphore, #tpu.memory_space<semaphore_mem>>)
    %dma_start3A_307 = arith.constant 25 : i32
    %dma_start3A_308 = arith.constant 1 : i32
    %dma_start3A_309 = arith.constant 1536 : i32
    %dma_start3A_310 = arith.constant 0 : i32
    %dma_start3A_311 = tpu.memref_slice %arg6[%dma_start3A_308, %dma_start3A_309, %dma_start3A_310] : memref<2x1664x32xf32, #tpu.memory_space<vmem>> -> memref<1x128x32xf32, #tpu.memory_space<vmem>>
    %dma_start3A_312 = tpu.memref_squeeze %dma_start3A_311 : memref<1x128x32xf32, #tpu.memory_space<vmem>> -> memref<128x32xf32, #tpu.memory_space<vmem>>
    %dma_start3A_313 = arith.constant 0 : i32
    %dma_start3A_314 = tpu.memref_slice %arg5[%dma_start3A_307, %dma_start3A_313] : memref<104x128xi32, #tpu.memory_space<vmem>> -> memref<1x128xi32, #tpu.memory_space<vmem>>
    %dma_start3A_315 = tpu.memref_squeeze %dma_start3A_314 : memref<1x128xi32, #tpu.memory_space<vmem>> -> memref<128xi32, #tpu.memory_space<vmem>>
    %dma_start3A_316 = arith.constant 0 : i32
    %dma_start3A_317 = arith.constant 0 : i32
    %dma_start3A_318 = tpu.memref_slice %arg3[%dma_start3A_316, %dma_start3A_317] : memref<2981888x32xf32, #tpu.memory_space<hbm>> -> memref<2981888x32xf32, #tpu.memory_space<hbm>>
    tpu.enqueue_indirect_dma source(%dma_start3A_318 : memref<2981888x32xf32, #tpu.memory_space<hbm>>) target(%dma_start3A_312 : memref<128x32xf32, #tpu.memory_space<vmem>>) offsets(%dma_start3A_315 : memref<128xi32, #tpu.memory_space<vmem>>) semaphore(%arg8 : memref<!tpu.dma_semaphore, #tpu.memory_space<semaphore_mem>>)
    %dma_wait3A = arith.constant 0 : i32
    %dma_wait3A_319 = arith.constant 0 : i32
    %dma_wait3A_320 = arith.constant 0 : i32
    %dma_wait3A_321 = arith.constant 0 : i32
    %dma_wait3A_322 = tpu.memref_slice %arg6[%dma_wait3A_319, %dma_wait3A_320, %dma_wait3A_321] : memref<2x1664x32xf32, #tpu.memory_space<vmem>> -> memref<1x128x32xf32, #tpu.memory_space<vmem>>
    %dma_wait3A_323 = tpu.memref_squeeze %dma_wait3A_322 : memref<1x128x32xf32, #tpu.memory_space<vmem>> -> memref<128x32xf32, #tpu.memory_space<vmem>>
    %dma_wait3A_324 = arith.constant 0 : i32
    %dma_wait3A_325 = tpu.memref_slice %arg5[%dma_wait3A, %dma_wait3A_324] : memref<104x128xi32, #tpu.memory_space<vmem>> -> memref<1x128xi32, #tpu.memory_space<vmem>>
    %dma_wait3A_326 = tpu.memref_squeeze %dma_wait3A_325 : memref<1x128xi32, #tpu.memory_space<vmem>> -> memref<128xi32, #tpu.memory_space<vmem>>
    %dma_wait3A_327 = arith.constant 0 : i32
    %dma_wait3A_328 = arith.constant 0 : i32
    %dma_wait3A_329 = tpu.memref_slice %arg3[%dma_wait3A_327, %dma_wait3A_328] : memref<2981888x32xf32, #tpu.memory_space<hbm>> -> memref<2981888x32xf32, #tpu.memory_space<hbm>>
    tpu.wait_indirect_dma semaphore(%arg7 : memref<!tpu.dma_semaphore, #tpu.memory_space<semaphore_mem>>) src(%dma_wait3A_329 : memref<2981888x32xf32, #tpu.memory_space<hbm>>) dst(%dma_wait3A_323 : memref<128x32xf32, #tpu.memory_space<vmem>>)
    %dma_wait3A_330 = arith.constant 1 : i32
    %dma_wait3A_331 = arith.constant 0 : i32
    %dma_wait3A_332 = arith.constant 128 : i32
    %dma_wait3A_333 = arith.constant 0 : i32
    %dma_wait3A_334 = tpu.memref_slice %arg6[%dma_wait3A_331, %dma_wait3A_332, %dma_wait3A_333] : memref<2x1664x32xf32, #tpu.memory_space<vmem>> -> memref<1x128x32xf32, #tpu.memory_space<vmem>>
    %dma_wait3A_335 = tpu.memref_squeeze %dma_wait3A_334 : memref<1x128x32xf32, #tpu.memory_space<vmem>> -> memref<128x32xf32, #tpu.memory_space<vmem>>
    %dma_wait3A_336 = arith.constant 0 : i32
    %dma_wait3A_337 = tpu.memref_slice %arg5[%dma_wait3A_330, %dma_wait3A_336] : memref<104x128xi32, #tpu.memory_space<vmem>> -> memref<1x128xi32, #tpu.memory_space<vmem>>
    %dma_wait3A_338 = tpu.memref_squeeze %dma_wait3A_337 : memref<1x128xi32, #tpu.memory_space<vmem>> -> memref<128xi32, #tpu.memory_space<vmem>>
    %dma_wait3A_339 = arith.constant 0 : i32
    %dma_wait3A_340 = arith.constant 0 : i32
    %dma_wait3A_341 = tpu.memref_slice %arg3[%dma_wait3A_339, %dma_wait3A_340] : memref<2981888x32xf32, #tpu.memory_space<hbm>> -> memref<2981888x32xf32, #tpu.memory_space<hbm>>
    tpu.wait_indirect_dma semaphore(%arg7 : memref<!tpu.dma_semaphore, #tpu.memory_space<semaphore_mem>>) src(%dma_wait3A_341 : memref<2981888x32xf32, #tpu.memory_space<hbm>>) dst(%dma_wait3A_335 : memref<128x32xf32, #tpu.memory_space<vmem>>)
    %dma_wait3A_342 = arith.constant 2 : i32
    %dma_wait3A_343 = arith.constant 0 : i32
    %dma_wait3A_344 = arith.constant 256 : i32
    %dma_wait3A_345 = arith.constant 0 : i32
    %dma_wait3A_346 = tpu.memref_slice %arg6[%dma_wait3A_343, %dma_wait3A_344, %dma_wait3A_345] : memref<2x1664x32xf32, #tpu.memory_space<vmem>> -> memref<1x128x32xf32, #tpu.memory_space<vmem>>
    %dma_wait3A_347 = tpu.memref_squeeze %dma_wait3A_346 : memref<1x128x32xf32, #tpu.memory_space<vmem>> -> memref<128x32xf32, #tpu.memory_space<vmem>>
    %dma_wait3A_348 = arith.constant 0 : i32
    %dma_wait3A_349 = tpu.memref_slice %arg5[%dma_wait3A_342, %dma_wait3A_348] : memref<104x128xi32, #tpu.memory_space<vmem>> -> memref<1x128xi32, #tpu.memory_space<vmem>>
    %dma_wait3A_350 = tpu.memref_squeeze %dma_wait3A_349 : memref<1x128xi32, #tpu.memory_space<vmem>> -> memref<128xi32, #tpu.memory_space<vmem>>
    %dma_wait3A_351 = arith.constant 0 : i32
    %dma_wait3A_352 = arith.constant 0 : i32
    %dma_wait3A_353 = tpu.memref_slice %arg3[%dma_wait3A_351, %dma_wait3A_352] : memref<2981888x32xf32, #tpu.memory_space<hbm>> -> memref<2981888x32xf32, #tpu.memory_space<hbm>>
    tpu.wait_indirect_dma semaphore(%arg7 : memref<!tpu.dma_semaphore, #tpu.memory_space<semaphore_mem>>) src(%dma_wait3A_353 : memref<2981888x32xf32, #tpu.memory_space<hbm>>) dst(%dma_wait3A_347 : memref<128x32xf32, #tpu.memory_space<vmem>>)
    %dma_wait3A_354 = arith.constant 3 : i32
    %dma_wait3A_355 = arith.constant 0 : i32
    %dma_wait3A_356 = arith.constant 384 : i32
    %dma_wait3A_357 = arith.constant 0 : i32
    %dma_wait3A_358 = tpu.memref_slice %arg6[%dma_wait3A_355, %dma_wait3A_356, %dma_wait3A_357] : memref<2x1664x32xf32, #tpu.memory_space<vmem>> -> memref<1x128x32xf32, #tpu.memory_space<vmem>>
    %dma_wait3A_359 = tpu.memref_squeeze %dma_wait3A_358 : memref<1x128x32xf32, #tpu.memory_space<vmem>> -> memref<128x32xf32, #tpu.memory_space<vmem>>
    %dma_wait3A_360 = arith.constant 0 : i32
    %dma_wait3A_361 = tpu.memref_slice %arg5[%dma_wait3A_354, %dma_wait3A_360] : memref<104x128xi32, #tpu.memory_space<vmem>> -> memref<1x128xi32, #tpu.memory_space<vmem>>
    %dma_wait3A_362 = tpu.memref_squeeze %dma_wait3A_361 : memref<1x128xi32, #tpu.memory_space<vmem>> -> memref<128xi32, #tpu.memory_space<vmem>>
    %dma_wait3A_363 = arith.constant 0 : i32
    %dma_wait3A_364 = arith.constant 0 : i32
    %dma_wait3A_365 = tpu.memref_slice %arg3[%dma_wait3A_363, %dma_wait3A_364] : memref<2981888x32xf32, #tpu.memory_space<hbm>> -> memref<2981888x32xf32, #tpu.memory_space<hbm>>
    tpu.wait_indirect_dma semaphore(%arg7 : memref<!tpu.dma_semaphore, #tpu.memory_space<semaphore_mem>>) src(%dma_wait3A_365 : memref<2981888x32xf32, #tpu.memory_space<hbm>>) dst(%dma_wait3A_359 : memref<128x32xf32, #tpu.memory_space<vmem>>)
    %dma_wait3A_366 = arith.constant 4 : i32
    %dma_wait3A_367 = arith.constant 0 : i32
    %dma_wait3A_368 = arith.constant 512 : i32
    %dma_wait3A_369 = arith.constant 0 : i32
    %dma_wait3A_370 = tpu.memref_slice %arg6[%dma_wait3A_367, %dma_wait3A_368, %dma_wait3A_369] : memref<2x1664x32xf32, #tpu.memory_space<vmem>> -> memref<1x128x32xf32, #tpu.memory_space<vmem>>
    %dma_wait3A_371 = tpu.memref_squeeze %dma_wait3A_370 : memref<1x128x32xf32, #tpu.memory_space<vmem>> -> memref<128x32xf32, #tpu.memory_space<vmem>>
    %dma_wait3A_372 = arith.constant 0 : i32
    %dma_wait3A_373 = tpu.memref_slice %arg5[%dma_wait3A_366, %dma_wait3A_372] : memref<104x128xi32, #tpu.memory_space<vmem>> -> memref<1x128xi32, #tpu.memory_space<vmem>>
    %dma_wait3A_374 = tpu.memref_squeeze %dma_wait3A_373 : memref<1x128xi32, #tpu.memory_space<vmem>> -> memref<128xi32, #tpu.memory_space<vmem>>
    %dma_wait3A_375 = arith.constant 0 : i32
    %dma_wait3A_376 = arith.constant 0 : i32
    %dma_wait3A_377 = tpu.memref_slice %arg3[%dma_wait3A_375, %dma_wait3A_376] : memref<2981888x32xf32, #tpu.memory_space<hbm>> -> memref<2981888x32xf32, #tpu.memory_space<hbm>>
    tpu.wait_indirect_dma semaphore(%arg7 : memref<!tpu.dma_semaphore, #tpu.memory_space<semaphore_mem>>) src(%dma_wait3A_377 : memref<2981888x32xf32, #tpu.memory_space<hbm>>) dst(%dma_wait3A_371 : memref<128x32xf32, #tpu.memory_space<vmem>>)
    %dma_wait3A_378 = arith.constant 5 : i32
    %dma_wait3A_379 = arith.constant 0 : i32
    %dma_wait3A_380 = arith.constant 640 : i32
    %dma_wait3A_381 = arith.constant 0 : i32
    %dma_wait3A_382 = tpu.memref_slice %arg6[%dma_wait3A_379, %dma_wait3A_380, %dma_wait3A_381] : memref<2x1664x32xf32, #tpu.memory_space<vmem>> -> memref<1x128x32xf32, #tpu.memory_space<vmem>>
    %dma_wait3A_383 = tpu.memref_squeeze %dma_wait3A_382 : memref<1x128x32xf32, #tpu.memory_space<vmem>> -> memref<128x32xf32, #tpu.memory_space<vmem>>
    %dma_wait3A_384 = arith.constant 0 : i32
    %dma_wait3A_385 = tpu.memref_slice %arg5[%dma_wait3A_378, %dma_wait3A_384] : memref<104x128xi32, #tpu.memory_space<vmem>> -> memref<1x128xi32, #tpu.memory_space<vmem>>
    %dma_wait3A_386 = tpu.memref_squeeze %dma_wait3A_385 : memref<1x128xi32, #tpu.memory_space<vmem>> -> memref<128xi32, #tpu.memory_space<vmem>>
    %dma_wait3A_387 = arith.constant 0 : i32
    %dma_wait3A_388 = arith.constant 0 : i32
    %dma_wait3A_389 = tpu.memref_slice %arg3[%dma_wait3A_387, %dma_wait3A_388] : memref<2981888x32xf32, #tpu.memory_space<hbm>> -> memref<2981888x32xf32, #tpu.memory_space<hbm>>
    tpu.wait_indirect_dma semaphore(%arg7 : memref<!tpu.dma_semaphore, #tpu.memory_space<semaphore_mem>>) src(%dma_wait3A_389 : memref<2981888x32xf32, #tpu.memory_space<hbm>>) dst(%dma_wait3A_383 : memref<128x32xf32, #tpu.memory_space<vmem>>)
    %dma_wait3A_390 = arith.constant 6 : i32
    %dma_wait3A_391 = arith.constant 0 : i32
    %dma_wait3A_392 = arith.constant 768 : i32
    %dma_wait3A_393 = arith.constant 0 : i32
    %dma_wait3A_394 = tpu.memref_slice %arg6[%dma_wait3A_391, %dma_wait3A_392, %dma_wait3A_393] : memref<2x1664x32xf32, #tpu.memory_space<vmem>> -> memref<1x128x32xf32, #tpu.memory_space<vmem>>
    %dma_wait3A_395 = tpu.memref_squeeze %dma_wait3A_394 : memref<1x128x32xf32, #tpu.memory_space<vmem>> -> memref<128x32xf32, #tpu.memory_space<vmem>>
    %dma_wait3A_396 = arith.constant 0 : i32
    %dma_wait3A_397 = tpu.memref_slice %arg5[%dma_wait3A_390, %dma_wait3A_396] : memref<104x128xi32, #tpu.memory_space<vmem>> -> memref<1x128xi32, #tpu.memory_space<vmem>>
    %dma_wait3A_398 = tpu.memref_squeeze %dma_wait3A_397 : memref<1x128xi32, #tpu.memory_space<vmem>> -> memref<128xi32, #tpu.memory_space<vmem>>
    %dma_wait3A_399 = arith.constant 0 : i32
    %dma_wait3A_400 = arith.constant 0 : i32
    %dma_wait3A_401 = tpu.memref_slice %arg3[%dma_wait3A_399, %dma_wait3A_400] : memref<2981888x32xf32, #tpu.memory_space<hbm>> -> memref<2981888x32xf32, #tpu.memory_space<hbm>>
    tpu.wait_indirect_dma semaphore(%arg7 : memref<!tpu.dma_semaphore, #tpu.memory_space<semaphore_mem>>) src(%dma_wait3A_401 : memref<2981888x32xf32, #tpu.memory_space<hbm>>) dst(%dma_wait3A_395 : memref<128x32xf32, #tpu.memory_space<vmem>>)
    %dma_wait3A_402 = arith.constant 7 : i32
    %dma_wait3A_403 = arith.constant 0 : i32
    %dma_wait3A_404 = arith.constant 896 : i32
    %dma_wait3A_405 = arith.constant 0 : i32
    %dma_wait3A_406 = tpu.memref_slice %arg6[%dma_wait3A_403, %dma_wait3A_404, %dma_wait3A_405] : memref<2x1664x32xf32, #tpu.memory_space<vmem>> -> memref<1x128x32xf32, #tpu.memory_space<vmem>>
    %dma_wait3A_407 = tpu.memref_squeeze %dma_wait3A_406 : memref<1x128x32xf32, #tpu.memory_space<vmem>> -> memref<128x32xf32, #tpu.memory_space<vmem>>
    %dma_wait3A_408 = arith.constant 0 : i32
    %dma_wait3A_409 = tpu.memref_slice %arg5[%dma_wait3A_402, %dma_wait3A_408] : memref<104x128xi32, #tpu.memory_space<vmem>> -> memref<1x128xi32, #tpu.memory_space<vmem>>
    %dma_wait3A_410 = tpu.memref_squeeze %dma_wait3A_409 : memref<1x128xi32, #tpu.memory_space<vmem>> -> memref<128xi32, #tpu.memory_space<vmem>>
    %dma_wait3A_411 = arith.constant 0 : i32
    %dma_wait3A_412 = arith.constant 0 : i32
    %dma_wait3A_413 = tpu.memref_slice %arg3[%dma_wait3A_411, %dma_wait3A_412] : memref<2981888x32xf32, #tpu.memory_space<hbm>> -> memref<2981888x32xf32, #tpu.memory_space<hbm>>
    tpu.wait_indirect_dma semaphore(%arg7 : memref<!tpu.dma_semaphore, #tpu.memory_space<semaphore_mem>>) src(%dma_wait3A_413 : memref<2981888x32xf32, #tpu.memory_space<hbm>>) dst(%dma_wait3A_407 : memref<128x32xf32, #tpu.memory_space<vmem>>)
    %dma_wait3A_414 = arith.constant 8 : i32
    %dma_wait3A_415 = arith.constant 0 : i32
    %dma_wait3A_416 = arith.constant 1024 : i32
    %dma_wait3A_417 = arith.constant 0 : i32
    %dma_wait3A_418 = tpu.memref_slice %arg6[%dma_wait3A_415, %dma_wait3A_416, %dma_wait3A_417] : memref<2x1664x32xf32, #tpu.memory_space<vmem>> -> memref<1x128x32xf32, #tpu.memory_space<vmem>>
    %dma_wait3A_419 = tpu.memref_squeeze %dma_wait3A_418 : memref<1x128x32xf32, #tpu.memory_space<vmem>> -> memref<128x32xf32, #tpu.memory_space<vmem>>
    %dma_wait3A_420 = arith.constant 0 : i32
    %dma_wait3A_421 = tpu.memref_slice %arg5[%dma_wait3A_414, %dma_wait3A_420] : memref<104x128xi32, #tpu.memory_space<vmem>> -> memref<1x128xi32, #tpu.memory_space<vmem>>
    %dma_wait3A_422 = tpu.memref_squeeze %dma_wait3A_421 : memref<1x128xi32, #tpu.memory_space<vmem>> -> memref<128xi32, #tpu.memory_space<vmem>>
    %dma_wait3A_423 = arith.constant 0 : i32
    %dma_wait3A_424 = arith.constant 0 : i32
    %dma_wait3A_425 = tpu.memref_slice %arg3[%dma_wait3A_423, %dma_wait3A_424] : memref<2981888x32xf32, #tpu.memory_space<hbm>> -> memref<2981888x32xf32, #tpu.memory_space<hbm>>
    tpu.wait_indirect_dma semaphore(%arg7 : memref<!tpu.dma_semaphore, #tpu.memory_space<semaphore_mem>>) src(%dma_wait3A_425 : memref<2981888x32xf32, #tpu.memory_space<hbm>>) dst(%dma_wait3A_419 : memref<128x32xf32, #tpu.memory_space<vmem>>)
    %dma_wait3A_426 = arith.constant 9 : i32
    %dma_wait3A_427 = arith.constant 0 : i32
    %dma_wait3A_428 = arith.constant 1152 : i32
    %dma_wait3A_429 = arith.constant 0 : i32
    %dma_wait3A_430 = tpu.memref_slice %arg6[%dma_wait3A_427, %dma_wait3A_428, %dma_wait3A_429] : memref<2x1664x32xf32, #tpu.memory_space<vmem>> -> memref<1x128x32xf32, #tpu.memory_space<vmem>>
    %dma_wait3A_431 = tpu.memref_squeeze %dma_wait3A_430 : memref<1x128x32xf32, #tpu.memory_space<vmem>> -> memref<128x32xf32, #tpu.memory_space<vmem>>
    %dma_wait3A_432 = arith.constant 0 : i32
    %dma_wait3A_433 = tpu.memref_slice %arg5[%dma_wait3A_426, %dma_wait3A_432] : memref<104x128xi32, #tpu.memory_space<vmem>> -> memref<1x128xi32, #tpu.memory_space<vmem>>
    %dma_wait3A_434 = tpu.memref_squeeze %dma_wait3A_433 : memref<1x128xi32, #tpu.memory_space<vmem>> -> memref<128xi32, #tpu.memory_space<vmem>>
    %dma_wait3A_435 = arith.constant 0 : i32
    %dma_wait3A_436 = arith.constant 0 : i32
    %dma_wait3A_437 = tpu.memref_slice %arg3[%dma_wait3A_435, %dma_wait3A_436] : memref<2981888x32xf32, #tpu.memory_space<hbm>> -> memref<2981888x32xf32, #tpu.memory_space<hbm>>
    tpu.wait_indirect_dma semaphore(%arg7 : memref<!tpu.dma_semaphore, #tpu.memory_space<semaphore_mem>>) src(%dma_wait3A_437 : memref<2981888x32xf32, #tpu.memory_space<hbm>>) dst(%dma_wait3A_431 : memref<128x32xf32, #tpu.memory_space<vmem>>)
    %dma_wait3A_438 = arith.constant 10 : i32
    %dma_wait3A_439 = arith.constant 0 : i32
    %dma_wait3A_440 = arith.constant 1280 : i32
    %dma_wait3A_441 = arith.constant 0 : i32
    %dma_wait3A_442 = tpu.memref_slice %arg6[%dma_wait3A_439, %dma_wait3A_440, %dma_wait3A_441] : memref<2x1664x32xf32, #tpu.memory_space<vmem>> -> memref<1x128x32xf32, #tpu.memory_space<vmem>>
    %dma_wait3A_443 = tpu.memref_squeeze %dma_wait3A_442 : memref<1x128x32xf32, #tpu.memory_space<vmem>> -> memref<128x32xf32, #tpu.memory_space<vmem>>
    %dma_wait3A_444 = arith.constant 0 : i32
    %dma_wait3A_445 = tpu.memref_slice %arg5[%dma_wait3A_438, %dma_wait3A_444] : memref<104x128xi32, #tpu.memory_space<vmem>> -> memref<1x128xi32, #tpu.memory_space<vmem>>
    %dma_wait3A_446 = tpu.memref_squeeze %dma_wait3A_445 : memref<1x128xi32, #tpu.memory_space<vmem>> -> memref<128xi32, #tpu.memory_space<vmem>>
    %dma_wait3A_447 = arith.constant 0 : i32
    %dma_wait3A_448 = arith.constant 0 : i32
    %dma_wait3A_449 = tpu.memref_slice %arg3[%dma_wait3A_447, %dma_wait3A_448] : memref<2981888x32xf32, #tpu.memory_space<hbm>> -> memref<2981888x32xf32, #tpu.memory_space<hbm>>
    tpu.wait_indirect_dma semaphore(%arg7 : memref<!tpu.dma_semaphore, #tpu.memory_space<semaphore_mem>>) src(%dma_wait3A_449 : memref<2981888x32xf32, #tpu.memory_space<hbm>>) dst(%dma_wait3A_443 : memref<128x32xf32, #tpu.memory_space<vmem>>)
    %dma_wait3A_450 = arith.constant 11 : i32
    %dma_wait3A_451 = arith.constant 0 : i32
    %dma_wait3A_452 = arith.constant 1408 : i32
    %dma_wait3A_453 = arith.constant 0 : i32
    %dma_wait3A_454 = tpu.memref_slice %arg6[%dma_wait3A_451, %dma_wait3A_452, %dma_wait3A_453] : memref<2x1664x32xf32, #tpu.memory_space<vmem>> -> memref<1x128x32xf32, #tpu.memory_space<vmem>>
    %dma_wait3A_455 = tpu.memref_squeeze %dma_wait3A_454 : memref<1x128x32xf32, #tpu.memory_space<vmem>> -> memref<128x32xf32, #tpu.memory_space<vmem>>
    %dma_wait3A_456 = arith.constant 0 : i32
    %dma_wait3A_457 = tpu.memref_slice %arg5[%dma_wait3A_450, %dma_wait3A_456] : memref<104x128xi32, #tpu.memory_space<vmem>> -> memref<1x128xi32, #tpu.memory_space<vmem>>
    %dma_wait3A_458 = tpu.memref_squeeze %dma_wait3A_457 : memref<1x128xi32, #tpu.memory_space<vmem>> -> memref<128xi32, #tpu.memory_space<vmem>>
    %dma_wait3A_459 = arith.constant 0 : i32
    %dma_wait3A_460 = arith.constant 0 : i32
    %dma_wait3A_461 = tpu.memref_slice %arg3[%dma_wait3A_459, %dma_wait3A_460] : memref<2981888x32xf32, #tpu.memory_space<hbm>> -> memref<2981888x32xf32, #tpu.memory_space<hbm>>
    tpu.wait_indirect_dma semaphore(%arg7 : memref<!tpu.dma_semaphore, #tpu.memory_space<semaphore_mem>>) src(%dma_wait3A_461 : memref<2981888x32xf32, #tpu.memory_space<hbm>>) dst(%dma_wait3A_455 : memref<128x32xf32, #tpu.memory_space<vmem>>)
    %dma_wait3A_462 = arith.constant 12 : i32
    %dma_wait3A_463 = arith.constant 0 : i32
    %dma_wait3A_464 = arith.constant 1536 : i32
    %dma_wait3A_465 = arith.constant 0 : i32
    %dma_wait3A_466 = tpu.memref_slice %arg6[%dma_wait3A_463, %dma_wait3A_464, %dma_wait3A_465] : memref<2x1664x32xf32, #tpu.memory_space<vmem>> -> memref<1x128x32xf32, #tpu.memory_space<vmem>>
    %dma_wait3A_467 = tpu.memref_squeeze %dma_wait3A_466 : memref<1x128x32xf32, #tpu.memory_space<vmem>> -> memref<128x32xf32, #tpu.memory_space<vmem>>
    %dma_wait3A_468 = arith.constant 0 : i32
    %dma_wait3A_469 = tpu.memref_slice %arg5[%dma_wait3A_462, %dma_wait3A_468] : memref<104x128xi32, #tpu.memory_space<vmem>> -> memref<1x128xi32, #tpu.memory_space<vmem>>
    %dma_wait3A_470 = tpu.memref_squeeze %dma_wait3A_469 : memref<1x128xi32, #tpu.memory_space<vmem>> -> memref<128xi32, #tpu.memory_space<vmem>>
    %dma_wait3A_471 = arith.constant 0 : i32
    %dma_wait3A_472 = arith.constant 0 : i32
    %dma_wait3A_473 = tpu.memref_slice %arg3[%dma_wait3A_471, %dma_wait3A_472] : memref<2981888x32xf32, #tpu.memory_space<hbm>> -> memref<2981888x32xf32, #tpu.memory_space<hbm>>
    tpu.wait_indirect_dma semaphore(%arg7 : memref<!tpu.dma_semaphore, #tpu.memory_space<semaphore_mem>>) src(%dma_wait3A_473 : memref<2981888x32xf32, #tpu.memory_space<hbm>>) dst(%dma_wait3A_467 : memref<128x32xf32, #tpu.memory_space<vmem>>)
    %mul3A_474 = arith.constant 13312 : i32
    %mul3A_475 = arith.muli %add3A, %mul3A_474 : i32
    %add3A_476 = arith.constant 0 : i32
    %add3A_477 = arith.addi %mul3A_475, %add3A_476 : i32
    %dma_start3A_478 = arith.constant 0 : i32
    %dma_start3A_479 = arith.constant 0 : i32
    %dma_start3A_480 = arith.constant 0 : i32
    %dma_start3A_481 = tpu.memref_slice %arg6[%dma_start3A_478, %dma_start3A_479, %dma_start3A_480] : memref<2x1664x32xf32, #tpu.memory_space<vmem>> -> memref<1x1664x32xf32, #tpu.memory_space<vmem>>
    %dma_start3A_482 = tpu.memref_squeeze %dma_start3A_481 : memref<1x1664x32xf32, #tpu.memory_space<vmem>> -> memref<1664x32xf32, #tpu.memory_space<vmem>>
    %dma_start3A_483 = arith.constant 0 : i32
    %dma_start3A_484 = tpu.memref_slice %arg4[%add3A_477, %dma_start3A_483] : memref<425984x32xf32, #tpu.memory_space<hbm>> -> memref<1664x32xf32, #tpu.memory_space<hbm>>
    %dma_start3A_485 = arith.constant 0 : i32
    %dma_start3A_486 = tpu.memref_slice %arg4[%add3A_477, %dma_start3A_485] : memref<425984x32xf32, #tpu.memory_space<hbm>> -> memref<1664x32xf32, #tpu.memory_space<hbm>>
    %dma_start3A_487 = arith.constant 0 : i32
    %dma_start3A_488 = arith.constant 0 : i32
    %dma_start3A_489 = tpu.memref_slice %arg6[%dma_start3A_478, %dma_start3A_487, %dma_start3A_488] : memref<2x1664x32xf32, #tpu.memory_space<vmem>> -> memref<1x1664x32xf32, #tpu.memory_space<vmem>>
    %dma_start3A_490 = tpu.memref_squeeze %dma_start3A_489 : memref<1x1664x32xf32, #tpu.memory_space<vmem>> -> memref<1664x32xf32, #tpu.memory_space<vmem>>
    tpu.enqueue_dma source(%dma_start3A_490 : memref<1664x32xf32, #tpu.memory_space<vmem>>) target(%dma_start3A_486 : memref<1664x32xf32, #tpu.memory_space<hbm>>) target_semaphore(%arg9 : memref<!tpu.dma_semaphore, #tpu.memory_space<semaphore_mem>>)
    %dma_wait3A_491 = arith.constant 0 : i32
    %dma_wait3A_492 = arith.constant 0 : i32
    %dma_wait3A_493 = arith.constant 0 : i32
    %dma_wait3A_494 = tpu.memref_slice %arg6[%dma_wait3A_491, %dma_wait3A_492, %dma_wait3A_493] : memref<2x1664x32xf32, #tpu.memory_space<vmem>> -> memref<1x1664x32xf32, #tpu.memory_space<vmem>>
    %dma_wait3A_495 = tpu.memref_squeeze %dma_wait3A_494 : memref<1x1664x32xf32, #tpu.memory_space<vmem>> -> memref<1664x32xf32, #tpu.memory_space<vmem>>
    %dma_wait3A_496 = arith.constant 0 : i32
    %dma_wait3A_497 = tpu.memref_slice %arg4[%add3A_477, %dma_wait3A_496] : memref<425984x32xf32, #tpu.memory_space<hbm>> -> memref<1664x32xf32, #tpu.memory_space<hbm>>
    %dma_wait3A_498 = arith.constant 0 : i32
    %dma_wait3A_499 = tpu.memref_slice %arg4[%add3A_477, %dma_wait3A_498] : memref<425984x32xf32, #tpu.memory_space<hbm>> -> memref<1664x32xf32, #tpu.memory_space<hbm>>
    %dma_wait3A_500 = arith.constant 0 : i32
    %dma_wait3A_501 = arith.constant 0 : i32
    %dma_wait3A_502 = tpu.memref_slice %arg6[%dma_wait3A_491, %dma_wait3A_500, %dma_wait3A_501] : memref<2x1664x32xf32, #tpu.memory_space<vmem>> -> memref<1x1664x32xf32, #tpu.memory_space<vmem>>
    %dma_wait3A_503 = tpu.memref_squeeze %dma_wait3A_502 : memref<1x1664x32xf32, #tpu.memory_space<vmem>> -> memref<1664x32xf32, #tpu.memory_space<vmem>>
    tpu.wait_dma2 semaphore(%arg9 : memref<!tpu.dma_semaphore, #tpu.memory_space<semaphore_mem>>) src(%dma_wait3A_503 : memref<1664x32xf32, #tpu.memory_space<vmem>>) dst(%dma_wait3A_499 : memref<1664x32xf32, #tpu.memory_space<hbm>>)
    %dma_start3A_504 = arith.constant 26 : i32
    %dma_start3A_505 = arith.constant 0 : i32
    %dma_start3A_506 = arith.constant 0 : i32
    %dma_start3A_507 = arith.constant 0 : i32
    %dma_start3A_508 = tpu.memref_slice %arg6[%dma_start3A_505, %dma_start3A_506, %dma_start3A_507] : memref<2x1664x32xf32, #tpu.memory_space<vmem>> -> memref<1x128x32xf32, #tpu.memory_space<vmem>>
    %dma_start3A_509 = tpu.memref_squeeze %dma_start3A_508 : memref<1x128x32xf32, #tpu.memory_space<vmem>> -> memref<128x32xf32, #tpu.memory_space<vmem>>
    %dma_start3A_510 = arith.constant 0 : i32
    %dma_start3A_511 = tpu.memref_slice %arg5[%dma_start3A_504, %dma_start3A_510] : memref<104x128xi32, #tpu.memory_space<vmem>> -> memref<1x128xi32, #tpu.memory_space<vmem>>
    %dma_start3A_512 = tpu.memref_squeeze %dma_start3A_511 : memref<1x128xi32, #tpu.memory_space<vmem>> -> memref<128xi32, #tpu.memory_space<vmem>>
    %dma_start3A_513 = arith.constant 0 : i32
    %dma_start3A_514 = arith.constant 0 : i32
    %dma_start3A_515 = tpu.memref_slice %arg3[%dma_start3A_513, %dma_start3A_514] : memref<2981888x32xf32, #tpu.memory_space<hbm>> -> memref<2981888x32xf32, #tpu.memory_space<hbm>>
    tpu.enqueue_indirect_dma source(%dma_start3A_515 : memref<2981888x32xf32, #tpu.memory_space<hbm>>) target(%dma_start3A_509 : memref<128x32xf32, #tpu.memory_space<vmem>>) offsets(%dma_start3A_512 : memref<128xi32, #tpu.memory_space<vmem>>) semaphore(%arg7 : memref<!tpu.dma_semaphore, #tpu.memory_space<semaphore_mem>>)
    %dma_start3A_516 = arith.constant 27 : i32
    %dma_start3A_517 = arith.constant 0 : i32
    %dma_start3A_518 = arith.constant 128 : i32
    %dma_start3A_519 = arith.constant 0 : i32
    %dma_start3A_520 = tpu.memref_slice %arg6[%dma_start3A_517, %dma_start3A_518, %dma_start3A_519] : memref<2x1664x32xf32, #tpu.memory_space<vmem>> -> memref<1x128x32xf32, #tpu.memory_space<vmem>>
    %dma_start3A_521 = tpu.memref_squeeze %dma_start3A_520 : memref<1x128x32xf32, #tpu.memory_space<vmem>> -> memref<128x32xf32, #tpu.memory_space<vmem>>
    %dma_start3A_522 = arith.constant 0 : i32
    %dma_start3A_523 = tpu.memref_slice %arg5[%dma_start3A_516, %dma_start3A_522] : memref<104x128xi32, #tpu.memory_space<vmem>> -> memref<1x128xi32, #tpu.memory_space<vmem>>
    %dma_start3A_524 = tpu.memref_squeeze %dma_start3A_523 : memref<1x128xi32, #tpu.memory_space<vmem>> -> memref<128xi32, #tpu.memory_space<vmem>>
    %dma_start3A_525 = arith.constant 0 : i32
    %dma_start3A_526 = arith.constant 0 : i32
    %dma_start3A_527 = tpu.memref_slice %arg3[%dma_start3A_525, %dma_start3A_526] : memref<2981888x32xf32, #tpu.memory_space<hbm>> -> memref<2981888x32xf32, #tpu.memory_space<hbm>>
    tpu.enqueue_indirect_dma source(%dma_start3A_527 : memref<2981888x32xf32, #tpu.memory_space<hbm>>) target(%dma_start3A_521 : memref<128x32xf32, #tpu.memory_space<vmem>>) offsets(%dma_start3A_524 : memref<128xi32, #tpu.memory_space<vmem>>) semaphore(%arg7 : memref<!tpu.dma_semaphore, #tpu.memory_space<semaphore_mem>>)
    %dma_start3A_528 = arith.constant 28 : i32
    %dma_start3A_529 = arith.constant 0 : i32
    %dma_start3A_530 = arith.constant 256 : i32
    %dma_start3A_531 = arith.constant 0 : i32
    %dma_start3A_532 = tpu.memref_slice %arg6[%dma_start3A_529, %dma_start3A_530, %dma_start3A_531] : memref<2x1664x32xf32, #tpu.memory_space<vmem>> -> memref<1x128x32xf32, #tpu.memory_space<vmem>>
    %dma_start3A_533 = tpu.memref_squeeze %dma_start3A_532 : memref<1x128x32xf32, #tpu.memory_space<vmem>> -> memref<128x32xf32, #tpu.memory_space<vmem>>
    %dma_start3A_534 = arith.constant 0 : i32
    %dma_start3A_535 = tpu.memref_slice %arg5[%dma_start3A_528, %dma_start3A_534] : memref<104x128xi32, #tpu.memory_space<vmem>> -> memref<1x128xi32, #tpu.memory_space<vmem>>
    %dma_start3A_536 = tpu.memref_squeeze %dma_start3A_535 : memref<1x128xi32, #tpu.memory_space<vmem>> -> memref<128xi32, #tpu.memory_space<vmem>>
    %dma_start3A_537 = arith.constant 0 : i32
    %dma_start3A_538 = arith.constant 0 : i32
    %dma_start3A_539 = tpu.memref_slice %arg3[%dma_start3A_537, %dma_start3A_538] : memref<2981888x32xf32, #tpu.memory_space<hbm>> -> memref<2981888x32xf32, #tpu.memory_space<hbm>>
    tpu.enqueue_indirect_dma source(%dma_start3A_539 : memref<2981888x32xf32, #tpu.memory_space<hbm>>) target(%dma_start3A_533 : memref<128x32xf32, #tpu.memory_space<vmem>>) offsets(%dma_start3A_536 : memref<128xi32, #tpu.memory_space<vmem>>) semaphore(%arg7 : memref<!tpu.dma_semaphore, #tpu.memory_space<semaphore_mem>>)
    %dma_start3A_540 = arith.constant 29 : i32
    %dma_start3A_541 = arith.constant 0 : i32
    %dma_start3A_542 = arith.constant 384 : i32
    %dma_start3A_543 = arith.constant 0 : i32
    %dma_start3A_544 = tpu.memref_slice %arg6[%dma_start3A_541, %dma_start3A_542, %dma_start3A_543] : memref<2x1664x32xf32, #tpu.memory_space<vmem>> -> memref<1x128x32xf32, #tpu.memory_space<vmem>>
    %dma_start3A_545 = tpu.memref_squeeze %dma_start3A_544 : memref<1x128x32xf32, #tpu.memory_space<vmem>> -> memref<128x32xf32, #tpu.memory_space<vmem>>
    %dma_start3A_546 = arith.constant 0 : i32
    %dma_start3A_547 = tpu.memref_slice %arg5[%dma_start3A_540, %dma_start3A_546] : memref<104x128xi32, #tpu.memory_space<vmem>> -> memref<1x128xi32, #tpu.memory_space<vmem>>
    %dma_start3A_548 = tpu.memref_squeeze %dma_start3A_547 : memref<1x128xi32, #tpu.memory_space<vmem>> -> memref<128xi32, #tpu.memory_space<vmem>>
    %dma_start3A_549 = arith.constant 0 : i32
    %dma_start3A_550 = arith.constant 0 : i32
    %dma_start3A_551 = tpu.memref_slice %arg3[%dma_start3A_549, %dma_start3A_550] : memref<2981888x32xf32, #tpu.memory_space<hbm>> -> memref<2981888x32xf32, #tpu.memory_space<hbm>>
    tpu.enqueue_indirect_dma source(%dma_start3A_551 : memref<2981888x32xf32, #tpu.memory_space<hbm>>) target(%dma_start3A_545 : memref<128x32xf32, #tpu.memory_space<vmem>>) offsets(%dma_start3A_548 : memref<128xi32, #tpu.memory_space<vmem>>) semaphore(%arg7 : memref<!tpu.dma_semaphore, #tpu.memory_space<semaphore_mem>>)
    %dma_start3A_552 = arith.constant 30 : i32
    %dma_start3A_553 = arith.constant 0 : i32
    %dma_start3A_554 = arith.constant 512 : i32
    %dma_start3A_555 = arith.constant 0 : i32
    %dma_start3A_556 = tpu.memref_slice %arg6[%dma_start3A_553, %dma_start3A_554, %dma_start3A_555] : memref<2x1664x32xf32, #tpu.memory_space<vmem>> -> memref<1x128x32xf32, #tpu.memory_space<vmem>>
    %dma_start3A_557 = tpu.memref_squeeze %dma_start3A_556 : memref<1x128x32xf32, #tpu.memory_space<vmem>> -> memref<128x32xf32, #tpu.memory_space<vmem>>
    %dma_start3A_558 = arith.constant 0 : i32
    %dma_start3A_559 = tpu.memref_slice %arg5[%dma_start3A_552, %dma_start3A_558] : memref<104x128xi32, #tpu.memory_space<vmem>> -> memref<1x128xi32, #tpu.memory_space<vmem>>
    %dma_start3A_560 = tpu.memref_squeeze %dma_start3A_559 : memref<1x128xi32, #tpu.memory_space<vmem>> -> memref<128xi32, #tpu.memory_space<vmem>>
    %dma_start3A_561 = arith.constant 0 : i32
    %dma_start3A_562 = arith.constant 0 : i32
    %dma_start3A_563 = tpu.memref_slice %arg3[%dma_start3A_561, %dma_start3A_562] : memref<2981888x32xf32, #tpu.memory_space<hbm>> -> memref<2981888x32xf32, #tpu.memory_space<hbm>>
    tpu.enqueue_indirect_dma source(%dma_start3A_563 : memref<2981888x32xf32, #tpu.memory_space<hbm>>) target(%dma_start3A_557 : memref<128x32xf32, #tpu.memory_space<vmem>>) offsets(%dma_start3A_560 : memref<128xi32, #tpu.memory_space<vmem>>) semaphore(%arg7 : memref<!tpu.dma_semaphore, #tpu.memory_space<semaphore_mem>>)
    %dma_start3A_564 = arith.constant 31 : i32
    %dma_start3A_565 = arith.constant 0 : i32
    %dma_start3A_566 = arith.constant 640 : i32
    %dma_start3A_567 = arith.constant 0 : i32
    %dma_start3A_568 = tpu.memref_slice %arg6[%dma_start3A_565, %dma_start3A_566, %dma_start3A_567] : memref<2x1664x32xf32, #tpu.memory_space<vmem>> -> memref<1x128x32xf32, #tpu.memory_space<vmem>>
    %dma_start3A_569 = tpu.memref_squeeze %dma_start3A_568 : memref<1x128x32xf32, #tpu.memory_space<vmem>> -> memref<128x32xf32, #tpu.memory_space<vmem>>
    %dma_start3A_570 = arith.constant 0 : i32
    %dma_start3A_571 = tpu.memref_slice %arg5[%dma_start3A_564, %dma_start3A_570] : memref<104x128xi32, #tpu.memory_space<vmem>> -> memref<1x128xi32, #tpu.memory_space<vmem>>
    %dma_start3A_572 = tpu.memref_squeeze %dma_start3A_571 : memref<1x128xi32, #tpu.memory_space<vmem>> -> memref<128xi32, #tpu.memory_space<vmem>>
    %dma_start3A_573 = arith.constant 0 : i32
    %dma_start3A_574 = arith.constant 0 : i32
    %dma_start3A_575 = tpu.memref_slice %arg3[%dma_start3A_573, %dma_start3A_574] : memref<2981888x32xf32, #tpu.memory_space<hbm>> -> memref<2981888x32xf32, #tpu.memory_space<hbm>>
    tpu.enqueue_indirect_dma source(%dma_start3A_575 : memref<2981888x32xf32, #tpu.memory_space<hbm>>) target(%dma_start3A_569 : memref<128x32xf32, #tpu.memory_space<vmem>>) offsets(%dma_start3A_572 : memref<128xi32, #tpu.memory_space<vmem>>) semaphore(%arg7 : memref<!tpu.dma_semaphore, #tpu.memory_space<semaphore_mem>>)
    %dma_start3A_576 = arith.constant 32 : i32
    %dma_start3A_577 = arith.constant 0 : i32
    %dma_start3A_578 = arith.constant 768 : i32
    %dma_start3A_579 = arith.constant 0 : i32
    %dma_start3A_580 = tpu.memref_slice %arg6[%dma_start3A_577, %dma_start3A_578, %dma_start3A_579] : memref<2x1664x32xf32, #tpu.memory_space<vmem>> -> memref<1x128x32xf32, #tpu.memory_space<vmem>>
    %dma_start3A_581 = tpu.memref_squeeze %dma_start3A_580 : memref<1x128x32xf32, #tpu.memory_space<vmem>> -> memref<128x32xf32, #tpu.memory_space<vmem>>
    %dma_start3A_582 = arith.constant 0 : i32
    %dma_start3A_583 = tpu.memref_slice %arg5[%dma_start3A_576, %dma_start3A_582] : memref<104x128xi32, #tpu.memory_space<vmem>> -> memref<1x128xi32, #tpu.memory_space<vmem>>
    %dma_start3A_584 = tpu.memref_squeeze %dma_start3A_583 : memref<1x128xi32, #tpu.memory_space<vmem>> -> memref<128xi32, #tpu.memory_space<vmem>>
    %dma_start3A_585 = arith.constant 0 : i32
    %dma_start3A_586 = arith.constant 0 : i32
    %dma_start3A_587 = tpu.memref_slice %arg3[%dma_start3A_585, %dma_start3A_586] : memref<2981888x32xf32, #tpu.memory_space<hbm>> -> memref<2981888x32xf32, #tpu.memory_space<hbm>>
    tpu.enqueue_indirect_dma source(%dma_start3A_587 : memref<2981888x32xf32, #tpu.memory_space<hbm>>) target(%dma_start3A_581 : memref<128x32xf32, #tpu.memory_space<vmem>>) offsets(%dma_start3A_584 : memref<128xi32, #tpu.memory_space<vmem>>) semaphore(%arg7 : memref<!tpu.dma_semaphore, #tpu.memory_space<semaphore_mem>>)
    %dma_start3A_588 = arith.constant 33 : i32
    %dma_start3A_589 = arith.constant 0 : i32
    %dma_start3A_590 = arith.constant 896 : i32
    %dma_start3A_591 = arith.constant 0 : i32
    %dma_start3A_592 = tpu.memref_slice %arg6[%dma_start3A_589, %dma_start3A_590, %dma_start3A_591] : memref<2x1664x32xf32, #tpu.memory_space<vmem>> -> memref<1x128x32xf32, #tpu.memory_space<vmem>>
    %dma_start3A_593 = tpu.memref_squeeze %dma_start3A_592 : memref<1x128x32xf32, #tpu.memory_space<vmem>> -> memref<128x32xf32, #tpu.memory_space<vmem>>
    %dma_start3A_594 = arith.constant 0 : i32
    %dma_start3A_595 = tpu.memref_slice %arg5[%dma_start3A_588, %dma_start3A_594] : memref<104x128xi32, #tpu.memory_space<vmem>> -> memref<1x128xi32, #tpu.memory_space<vmem>>
    %dma_start3A_596 = tpu.memref_squeeze %dma_start3A_595 : memref<1x128xi32, #tpu.memory_space<vmem>> -> memref<128xi32, #tpu.memory_space<vmem>>
    %dma_start3A_597 = arith.constant 0 : i32
    %dma_start3A_598 = arith.constant 0 : i32
    %dma_start3A_599 = tpu.memref_slice %arg3[%dma_start3A_597, %dma_start3A_598] : memref<2981888x32xf32, #tpu.memory_space<hbm>> -> memref<2981888x32xf32, #tpu.memory_space<hbm>>
    tpu.enqueue_indirect_dma source(%dma_start3A_599 : memref<2981888x32xf32, #tpu.memory_space<hbm>>) target(%dma_start3A_593 : memref<128x32xf32, #tpu.memory_space<vmem>>) offsets(%dma_start3A_596 : memref<128xi32, #tpu.memory_space<vmem>>) semaphore(%arg7 : memref<!tpu.dma_semaphore, #tpu.memory_space<semaphore_mem>>)
    %dma_start3A_600 = arith.constant 34 : i32
    %dma_start3A_601 = arith.constant 0 : i32
    %dma_start3A_602 = arith.constant 1024 : i32
    %dma_start3A_603 = arith.constant 0 : i32
    %dma_start3A_604 = tpu.memref_slice %arg6[%dma_start3A_601, %dma_start3A_602, %dma_start3A_603] : memref<2x1664x32xf32, #tpu.memory_space<vmem>> -> memref<1x128x32xf32, #tpu.memory_space<vmem>>
    %dma_start3A_605 = tpu.memref_squeeze %dma_start3A_604 : memref<1x128x32xf32, #tpu.memory_space<vmem>> -> memref<128x32xf32, #tpu.memory_space<vmem>>
    %dma_start3A_606 = arith.constant 0 : i32
    %dma_start3A_607 = tpu.memref_slice %arg5[%dma_start3A_600, %dma_start3A_606] : memref<104x128xi32, #tpu.memory_space<vmem>> -> memref<1x128xi32, #tpu.memory_space<vmem>>
    %dma_start3A_608 = tpu.memref_squeeze %dma_start3A_607 : memref<1x128xi32, #tpu.memory_space<vmem>> -> memref<128xi32, #tpu.memory_space<vmem>>
    %dma_start3A_609 = arith.constant 0 : i32
    %dma_start3A_610 = arith.constant 0 : i32
    %dma_start3A_611 = tpu.memref_slice %arg3[%dma_start3A_609, %dma_start3A_610] : memref<2981888x32xf32, #tpu.memory_space<hbm>> -> memref<2981888x32xf32, #tpu.memory_space<hbm>>
    tpu.enqueue_indirect_dma source(%dma_start3A_611 : memref<2981888x32xf32, #tpu.memory_space<hbm>>) target(%dma_start3A_605 : memref<128x32xf32, #tpu.memory_space<vmem>>) offsets(%dma_start3A_608 : memref<128xi32, #tpu.memory_space<vmem>>) semaphore(%arg7 : memref<!tpu.dma_semaphore, #tpu.memory_space<semaphore_mem>>)
    %dma_start3A_612 = arith.constant 35 : i32
    %dma_start3A_613 = arith.constant 0 : i32
    %dma_start3A_614 = arith.constant 1152 : i32
    %dma_start3A_615 = arith.constant 0 : i32
    %dma_start3A_616 = tpu.memref_slice %arg6[%dma_start3A_613, %dma_start3A_614, %dma_start3A_615] : memref<2x1664x32xf32, #tpu.memory_space<vmem>> -> memref<1x128x32xf32, #tpu.memory_space<vmem>>
    %dma_start3A_617 = tpu.memref_squeeze %dma_start3A_616 : memref<1x128x32xf32, #tpu.memory_space<vmem>> -> memref<128x32xf32, #tpu.memory_space<vmem>>
    %dma_start3A_618 = arith.constant 0 : i32
    %dma_start3A_619 = tpu.memref_slice %arg5[%dma_start3A_612, %dma_start3A_618] : memref<104x128xi32, #tpu.memory_space<vmem>> -> memref<1x128xi32, #tpu.memory_space<vmem>>
    %dma_start3A_620 = tpu.memref_squeeze %dma_start3A_619 : memref<1x128xi32, #tpu.memory_space<vmem>> -> memref<128xi32, #tpu.memory_space<vmem>>
    %dma_start3A_621 = arith.constant 0 : i32
    %dma_start3A_622 = arith.constant 0 : i32
    %dma_start3A_623 = tpu.memref_slice %arg3[%dma_start3A_621, %dma_start3A_622] : memref<2981888x32xf32, #tpu.memory_space<hbm>> -> memref<2981888x32xf32, #tpu.memory_space<hbm>>
    tpu.enqueue_indirect_dma source(%dma_start3A_623 : memref<2981888x32xf32, #tpu.memory_space<hbm>>) target(%dma_start3A_617 : memref<128x32xf32, #tpu.memory_space<vmem>>) offsets(%dma_start3A_620 : memref<128xi32, #tpu.memory_space<vmem>>) semaphore(%arg7 : memref<!tpu.dma_semaphore, #tpu.memory_space<semaphore_mem>>)
    %dma_start3A_624 = arith.constant 36 : i32
    %dma_start3A_625 = arith.constant 0 : i32
    %dma_start3A_626 = arith.constant 1280 : i32
    %dma_start3A_627 = arith.constant 0 : i32
    %dma_start3A_628 = tpu.memref_slice %arg6[%dma_start3A_625, %dma_start3A_626, %dma_start3A_627] : memref<2x1664x32xf32, #tpu.memory_space<vmem>> -> memref<1x128x32xf32, #tpu.memory_space<vmem>>
    %dma_start3A_629 = tpu.memref_squeeze %dma_start3A_628 : memref<1x128x32xf32, #tpu.memory_space<vmem>> -> memref<128x32xf32, #tpu.memory_space<vmem>>
    %dma_start3A_630 = arith.constant 0 : i32
    %dma_start3A_631 = tpu.memref_slice %arg5[%dma_start3A_624, %dma_start3A_630] : memref<104x128xi32, #tpu.memory_space<vmem>> -> memref<1x128xi32, #tpu.memory_space<vmem>>
    %dma_start3A_632 = tpu.memref_squeeze %dma_start3A_631 : memref<1x128xi32, #tpu.memory_space<vmem>> -> memref<128xi32, #tpu.memory_space<vmem>>
    %dma_start3A_633 = arith.constant 0 : i32
    %dma_start3A_634 = arith.constant 0 : i32
    %dma_start3A_635 = tpu.memref_slice %arg3[%dma_start3A_633, %dma_start3A_634] : memref<2981888x32xf32, #tpu.memory_space<hbm>> -> memref<2981888x32xf32, #tpu.memory_space<hbm>>
    tpu.enqueue_indirect_dma source(%dma_start3A_635 : memref<2981888x32xf32, #tpu.memory_space<hbm>>) target(%dma_start3A_629 : memref<128x32xf32, #tpu.memory_space<vmem>>) offsets(%dma_start3A_632 : memref<128xi32, #tpu.memory_space<vmem>>) semaphore(%arg7 : memref<!tpu.dma_semaphore, #tpu.memory_space<semaphore_mem>>)
    %dma_start3A_636 = arith.constant 37 : i32
    %dma_start3A_637 = arith.constant 0 : i32
    %dma_start3A_638 = arith.constant 1408 : i32
    %dma_start3A_639 = arith.constant 0 : i32
    %dma_start3A_640 = tpu.memref_slice %arg6[%dma_start3A_637, %dma_start3A_638, %dma_start3A_639] : memref<2x1664x32xf32, #tpu.memory_space<vmem>> -> memref<1x128x32xf32, #tpu.memory_space<vmem>>
    %dma_start3A_641 = tpu.memref_squeeze %dma_start3A_640 : memref<1x128x32xf32, #tpu.memory_space<vmem>> -> memref<128x32xf32, #tpu.memory_space<vmem>>
    %dma_start3A_642 = arith.constant 0 : i32
    %dma_start3A_643 = tpu.memref_slice %arg5[%dma_start3A_636, %dma_start3A_642] : memref<104x128xi32, #tpu.memory_space<vmem>> -> memref<1x128xi32, #tpu.memory_space<vmem>>
    %dma_start3A_644 = tpu.memref_squeeze %dma_start3A_643 : memref<1x128xi32, #tpu.memory_space<vmem>> -> memref<128xi32, #tpu.memory_space<vmem>>
    %dma_start3A_645 = arith.constant 0 : i32
    %dma_start3A_646 = arith.constant 0 : i32
    %dma_start3A_647 = tpu.memref_slice %arg3[%dma_start3A_645, %dma_start3A_646] : memref<2981888x32xf32, #tpu.memory_space<hbm>> -> memref<2981888x32xf32, #tpu.memory_space<hbm>>
    tpu.enqueue_indirect_dma source(%dma_start3A_647 : memref<2981888x32xf32, #tpu.memory_space<hbm>>) target(%dma_start3A_641 : memref<128x32xf32, #tpu.memory_space<vmem>>) offsets(%dma_start3A_644 : memref<128xi32, #tpu.memory_space<vmem>>) semaphore(%arg7 : memref<!tpu.dma_semaphore, #tpu.memory_space<semaphore_mem>>)
    %dma_start3A_648 = arith.constant 38 : i32
    %dma_start3A_649 = arith.constant 0 : i32
    %dma_start3A_650 = arith.constant 1536 : i32
    %dma_start3A_651 = arith.constant 0 : i32
    %dma_start3A_652 = tpu.memref_slice %arg6[%dma_start3A_649, %dma_start3A_650, %dma_start3A_651] : memref<2x1664x32xf32, #tpu.memory_space<vmem>> -> memref<1x128x32xf32, #tpu.memory_space<vmem>>
    %dma_start3A_653 = tpu.memref_squeeze %dma_start3A_652 : memref<1x128x32xf32, #tpu.memory_space<vmem>> -> memref<128x32xf32, #tpu.memory_space<vmem>>
    %dma_start3A_654 = arith.constant 0 : i32
    %dma_start3A_655 = tpu.memref_slice %arg5[%dma_start3A_648, %dma_start3A_654] : memref<104x128xi32, #tpu.memory_space<vmem>> -> memref<1x128xi32, #tpu.memory_space<vmem>>
    %dma_start3A_656 = tpu.memref_squeeze %dma_start3A_655 : memref<1x128xi32, #tpu.memory_space<vmem>> -> memref<128xi32, #tpu.memory_space<vmem>>
    %dma_start3A_657 = arith.constant 0 : i32
    %dma_start3A_658 = arith.constant 0 : i32
    %dma_start3A_659 = tpu.memref_slice %arg3[%dma_start3A_657, %dma_start3A_658] : memref<2981888x32xf32, #tpu.memory_space<hbm>> -> memref<2981888x32xf32, #tpu.memory_space<hbm>>
    tpu.enqueue_indirect_dma source(%dma_start3A_659 : memref<2981888x32xf32, #tpu.memory_space<hbm>>) target(%dma_start3A_653 : memref<128x32xf32, #tpu.memory_space<vmem>>) offsets(%dma_start3A_656 : memref<128xi32, #tpu.memory_space<vmem>>) semaphore(%arg7 : memref<!tpu.dma_semaphore, #tpu.memory_space<semaphore_mem>>)
    %dma_wait3A_660 = arith.constant 13 : i32
    %dma_wait3A_661 = arith.constant 1 : i32
    %dma_wait3A_662 = arith.constant 0 : i32
    %dma_wait3A_663 = arith.constant 0 : i32
    %dma_wait3A_664 = tpu.memref_slice %arg6[%dma_wait3A_661, %dma_wait3A_662, %dma_wait3A_663] : memref<2x1664x32xf32, #tpu.memory_space<vmem>> -> memref<1x128x32xf32, #tpu.memory_space<vmem>>
    %dma_wait3A_665 = tpu.memref_squeeze %dma_wait3A_664 : memref<1x128x32xf32, #tpu.memory_space<vmem>> -> memref<128x32xf32, #tpu.memory_space<vmem>>
    %dma_wait3A_666 = arith.constant 0 : i32
    %dma_wait3A_667 = tpu.memref_slice %arg5[%dma_wait3A_660, %dma_wait3A_666] : memref<104x128xi32, #tpu.memory_space<vmem>> -> memref<1x128xi32, #tpu.memory_space<vmem>>
    %dma_wait3A_668 = tpu.memref_squeeze %dma_wait3A_667 : memref<1x128xi32, #tpu.memory_space<vmem>> -> memref<128xi32, #tpu.memory_space<vmem>>
    %dma_wait3A_669 = arith.constant 0 : i32
    %dma_wait3A_670 = arith.constant 0 : i32
    %dma_wait3A_671 = tpu.memref_slice %arg3[%dma_wait3A_669, %dma_wait3A_670] : memref<2981888x32xf32, #tpu.memory_space<hbm>> -> memref<2981888x32xf32, #tpu.memory_space<hbm>>
    tpu.wait_indirect_dma semaphore(%arg8 : memref<!tpu.dma_semaphore, #tpu.memory_space<semaphore_mem>>) src(%dma_wait3A_671 : memref<2981888x32xf32, #tpu.memory_space<hbm>>) dst(%dma_wait3A_665 : memref<128x32xf32, #tpu.memory_space<vmem>>)
    %dma_wait3A_672 = arith.constant 14 : i32
    %dma_wait3A_673 = arith.constant 1 : i32
    %dma_wait3A_674 = arith.constant 128 : i32
    %dma_wait3A_675 = arith.constant 0 : i32
    %dma_wait3A_676 = tpu.memref_slice %arg6[%dma_wait3A_673, %dma_wait3A_674, %dma_wait3A_675] : memref<2x1664x32xf32, #tpu.memory_space<vmem>> -> memref<1x128x32xf32, #tpu.memory_space<vmem>>
    %dma_wait3A_677 = tpu.memref_squeeze %dma_wait3A_676 : memref<1x128x32xf32, #tpu.memory_space<vmem>> -> memref<128x32xf32, #tpu.memory_space<vmem>>
    %dma_wait3A_678 = arith.constant 0 : i32
    %dma_wait3A_679 = tpu.memref_slice %arg5[%dma_wait3A_672, %dma_wait3A_678] : memref<104x128xi32, #tpu.memory_space<vmem>> -> memref<1x128xi32, #tpu.memory_space<vmem>>
    %dma_wait3A_680 = tpu.memref_squeeze %dma_wait3A_679 : memref<1x128xi32, #tpu.memory_space<vmem>> -> memref<128xi32, #tpu.memory_space<vmem>>
    %dma_wait3A_681 = arith.constant 0 : i32
    %dma_wait3A_682 = arith.constant 0 : i32
    %dma_wait3A_683 = tpu.memref_slice %arg3[%dma_wait3A_681, %dma_wait3A_682] : memref<2981888x32xf32, #tpu.memory_space<hbm>> -> memref<2981888x32xf32, #tpu.memory_space<hbm>>
    tpu.wait_indirect_dma semaphore(%arg8 : memref<!tpu.dma_semaphore, #tpu.memory_space<semaphore_mem>>) src(%dma_wait3A_683 : memref<2981888x32xf32, #tpu.memory_space<hbm>>) dst(%dma_wait3A_677 : memref<128x32xf32, #tpu.memory_space<vmem>>)
    %dma_wait3A_684 = arith.constant 15 : i32
    %dma_wait3A_685 = arith.constant 1 : i32
    %dma_wait3A_686 = arith.constant 256 : i32
    %dma_wait3A_687 = arith.constant 0 : i32
    %dma_wait3A_688 = tpu.memref_slice %arg6[%dma_wait3A_685, %dma_wait3A_686, %dma_wait3A_687] : memref<2x1664x32xf32, #tpu.memory_space<vmem>> -> memref<1x128x32xf32, #tpu.memory_space<vmem>>
    %dma_wait3A_689 = tpu.memref_squeeze %dma_wait3A_688 : memref<1x128x32xf32, #tpu.memory_space<vmem>> -> memref<128x32xf32, #tpu.memory_space<vmem>>
    %dma_wait3A_690 = arith.constant 0 : i32
    %dma_wait3A_691 = tpu.memref_slice %arg5[%dma_wait3A_684, %dma_wait3A_690] : memref<104x128xi32, #tpu.memory_space<vmem>> -> memref<1x128xi32, #tpu.memory_space<vmem>>
    %dma_wait3A_692 = tpu.memref_squeeze %dma_wait3A_691 : memref<1x128xi32, #tpu.memory_space<vmem>> -> memref<128xi32, #tpu.memory_space<vmem>>
    %dma_wait3A_693 = arith.constant 0 : i32
    %dma_wait3A_694 = arith.constant 0 : i32
    %dma_wait3A_695 = tpu.memref_slice %arg3[%dma_wait3A_693, %dma_wait3A_694] : memref<2981888x32xf32, #tpu.memory_space<hbm>> -> memref<2981888x32xf32, #tpu.memory_space<hbm>>
    tpu.wait_indirect_dma semaphore(%arg8 : memref<!tpu.dma_semaphore, #tpu.memory_space<semaphore_mem>>) src(%dma_wait3A_695 : memref<2981888x32xf32, #tpu.memory_space<hbm>>) dst(%dma_wait3A_689 : memref<128x32xf32, #tpu.memory_space<vmem>>)
    %dma_wait3A_696 = arith.constant 16 : i32
    %dma_wait3A_697 = arith.constant 1 : i32
    %dma_wait3A_698 = arith.constant 384 : i32
    %dma_wait3A_699 = arith.constant 0 : i32
    %dma_wait3A_700 = tpu.memref_slice %arg6[%dma_wait3A_697, %dma_wait3A_698, %dma_wait3A_699] : memref<2x1664x32xf32, #tpu.memory_space<vmem>> -> memref<1x128x32xf32, #tpu.memory_space<vmem>>
    %dma_wait3A_701 = tpu.memref_squeeze %dma_wait3A_700 : memref<1x128x32xf32, #tpu.memory_space<vmem>> -> memref<128x32xf32, #tpu.memory_space<vmem>>
    %dma_wait3A_702 = arith.constant 0 : i32
    %dma_wait3A_703 = tpu.memref_slice %arg5[%dma_wait3A_696, %dma_wait3A_702] : memref<104x128xi32, #tpu.memory_space<vmem>> -> memref<1x128xi32, #tpu.memory_space<vmem>>
    %dma_wait3A_704 = tpu.memref_squeeze %dma_wait3A_703 : memref<1x128xi32, #tpu.memory_space<vmem>> -> memref<128xi32, #tpu.memory_space<vmem>>
    %dma_wait3A_705 = arith.constant 0 : i32
    %dma_wait3A_706 = arith.constant 0 : i32
    %dma_wait3A_707 = tpu.memref_slice %arg3[%dma_wait3A_705, %dma_wait3A_706] : memref<2981888x32xf32, #tpu.memory_space<hbm>> -> memref<2981888x32xf32, #tpu.memory_space<hbm>>
    tpu.wait_indirect_dma semaphore(%arg8 : memref<!tpu.dma_semaphore, #tpu.memory_space<semaphore_mem>>) src(%dma_wait3A_707 : memref<2981888x32xf32, #tpu.memory_space<hbm>>) dst(%dma_wait3A_701 : memref<128x32xf32, #tpu.memory_space<vmem>>)
    %dma_wait3A_708 = arith.constant 17 : i32
    %dma_wait3A_709 = arith.constant 1 : i32
    %dma_wait3A_710 = arith.constant 512 : i32
    %dma_wait3A_711 = arith.constant 0 : i32
    %dma_wait3A_712 = tpu.memref_slice %arg6[%dma_wait3A_709, %dma_wait3A_710, %dma_wait3A_711] : memref<2x1664x32xf32, #tpu.memory_space<vmem>> -> memref<1x128x32xf32, #tpu.memory_space<vmem>>
    %dma_wait3A_713 = tpu.memref_squeeze %dma_wait3A_712 : memref<1x128x32xf32, #tpu.memory_space<vmem>> -> memref<128x32xf32, #tpu.memory_space<vmem>>
    %dma_wait3A_714 = arith.constant 0 : i32
    %dma_wait3A_715 = tpu.memref_slice %arg5[%dma_wait3A_708, %dma_wait3A_714] : memref<104x128xi32, #tpu.memory_space<vmem>> -> memref<1x128xi32, #tpu.memory_space<vmem>>
    %dma_wait3A_716 = tpu.memref_squeeze %dma_wait3A_715 : memref<1x128xi32, #tpu.memory_space<vmem>> -> memref<128xi32, #tpu.memory_space<vmem>>
    %dma_wait3A_717 = arith.constant 0 : i32
    %dma_wait3A_718 = arith.constant 0 : i32
    %dma_wait3A_719 = tpu.memref_slice %arg3[%dma_wait3A_717, %dma_wait3A_718] : memref<2981888x32xf32, #tpu.memory_space<hbm>> -> memref<2981888x32xf32, #tpu.memory_space<hbm>>
    tpu.wait_indirect_dma semaphore(%arg8 : memref<!tpu.dma_semaphore, #tpu.memory_space<semaphore_mem>>) src(%dma_wait3A_719 : memref<2981888x32xf32, #tpu.memory_space<hbm>>) dst(%dma_wait3A_713 : memref<128x32xf32, #tpu.memory_space<vmem>>)
    %dma_wait3A_720 = arith.constant 18 : i32
    %dma_wait3A_721 = arith.constant 1 : i32
    %dma_wait3A_722 = arith.constant 640 : i32
    %dma_wait3A_723 = arith.constant 0 : i32
    %dma_wait3A_724 = tpu.memref_slice %arg6[%dma_wait3A_721, %dma_wait3A_722, %dma_wait3A_723] : memref<2x1664x32xf32, #tpu.memory_space<vmem>> -> memref<1x128x32xf32, #tpu.memory_space<vmem>>
    %dma_wait3A_725 = tpu.memref_squeeze %dma_wait3A_724 : memref<1x128x32xf32, #tpu.memory_space<vmem>> -> memref<128x32xf32, #tpu.memory_space<vmem>>
    %dma_wait3A_726 = arith.constant 0 : i32
    %dma_wait3A_727 = tpu.memref_slice %arg5[%dma_wait3A_720, %dma_wait3A_726] : memref<104x128xi32, #tpu.memory_space<vmem>> -> memref<1x128xi32, #tpu.memory_space<vmem>>
    %dma_wait3A_728 = tpu.memref_squeeze %dma_wait3A_727 : memref<1x128xi32, #tpu.memory_space<vmem>> -> memref<128xi32, #tpu.memory_space<vmem>>
    %dma_wait3A_729 = arith.constant 0 : i32
    %dma_wait3A_730 = arith.constant 0 : i32
    %dma_wait3A_731 = tpu.memref_slice %arg3[%dma_wait3A_729, %dma_wait3A_730] : memref<2981888x32xf32, #tpu.memory_space<hbm>> -> memref<2981888x32xf32, #tpu.memory_space<hbm>>
    tpu.wait_indirect_dma semaphore(%arg8 : memref<!tpu.dma_semaphore, #tpu.memory_space<semaphore_mem>>) src(%dma_wait3A_731 : memref<2981888x32xf32, #tpu.memory_space<hbm>>) dst(%dma_wait3A_725 : memref<128x32xf32, #tpu.memory_space<vmem>>)
    %dma_wait3A_732 = arith.constant 19 : i32
    %dma_wait3A_733 = arith.constant 1 : i32
    %dma_wait3A_734 = arith.constant 768 : i32
    %dma_wait3A_735 = arith.constant 0 : i32
    %dma_wait3A_736 = tpu.memref_slice %arg6[%dma_wait3A_733, %dma_wait3A_734, %dma_wait3A_735] : memref<2x1664x32xf32, #tpu.memory_space<vmem>> -> memref<1x128x32xf32, #tpu.memory_space<vmem>>
    %dma_wait3A_737 = tpu.memref_squeeze %dma_wait3A_736 : memref<1x128x32xf32, #tpu.memory_space<vmem>> -> memref<128x32xf32, #tpu.memory_space<vmem>>
    %dma_wait3A_738 = arith.constant 0 : i32
    %dma_wait3A_739 = tpu.memref_slice %arg5[%dma_wait3A_732, %dma_wait3A_738] : memref<104x128xi32, #tpu.memory_space<vmem>> -> memref<1x128xi32, #tpu.memory_space<vmem>>
    %dma_wait3A_740 = tpu.memref_squeeze %dma_wait3A_739 : memref<1x128xi32, #tpu.memory_space<vmem>> -> memref<128xi32, #tpu.memory_space<vmem>>
    %dma_wait3A_741 = arith.constant 0 : i32
    %dma_wait3A_742 = arith.constant 0 : i32
    %dma_wait3A_743 = tpu.memref_slice %arg3[%dma_wait3A_741, %dma_wait3A_742] : memref<2981888x32xf32, #tpu.memory_space<hbm>> -> memref<2981888x32xf32, #tpu.memory_space<hbm>>
    tpu.wait_indirect_dma semaphore(%arg8 : memref<!tpu.dma_semaphore, #tpu.memory_space<semaphore_mem>>) src(%dma_wait3A_743 : memref<2981888x32xf32, #tpu.memory_space<hbm>>) dst(%dma_wait3A_737 : memref<128x32xf32, #tpu.memory_space<vmem>>)
    %dma_wait3A_744 = arith.constant 20 : i32
    %dma_wait3A_745 = arith.constant 1 : i32
    %dma_wait3A_746 = arith.constant 896 : i32
    %dma_wait3A_747 = arith.constant 0 : i32
    %dma_wait3A_748 = tpu.memref_slice %arg6[%dma_wait3A_745, %dma_wait3A_746, %dma_wait3A_747] : memref<2x1664x32xf32, #tpu.memory_space<vmem>> -> memref<1x128x32xf32, #tpu.memory_space<vmem>>
    %dma_wait3A_749 = tpu.memref_squeeze %dma_wait3A_748 : memref<1x128x32xf32, #tpu.memory_space<vmem>> -> memref<128x32xf32, #tpu.memory_space<vmem>>
    %dma_wait3A_750 = arith.constant 0 : i32
    %dma_wait3A_751 = tpu.memref_slice %arg5[%dma_wait3A_744, %dma_wait3A_750] : memref<104x128xi32, #tpu.memory_space<vmem>> -> memref<1x128xi32, #tpu.memory_space<vmem>>
    %dma_wait3A_752 = tpu.memref_squeeze %dma_wait3A_751 : memref<1x128xi32, #tpu.memory_space<vmem>> -> memref<128xi32, #tpu.memory_space<vmem>>
    %dma_wait3A_753 = arith.constant 0 : i32
    %dma_wait3A_754 = arith.constant 0 : i32
    %dma_wait3A_755 = tpu.memref_slice %arg3[%dma_wait3A_753, %dma_wait3A_754] : memref<2981888x32xf32, #tpu.memory_space<hbm>> -> memref<2981888x32xf32, #tpu.memory_space<hbm>>
    tpu.wait_indirect_dma semaphore(%arg8 : memref<!tpu.dma_semaphore, #tpu.memory_space<semaphore_mem>>) src(%dma_wait3A_755 : memref<2981888x32xf32, #tpu.memory_space<hbm>>) dst(%dma_wait3A_749 : memref<128x32xf32, #tpu.memory_space<vmem>>)
    %dma_wait3A_756 = arith.constant 21 : i32
    %dma_wait3A_757 = arith.constant 1 : i32
    %dma_wait3A_758 = arith.constant 1024 : i32
    %dma_wait3A_759 = arith.constant 0 : i32
    %dma_wait3A_760 = tpu.memref_slice %arg6[%dma_wait3A_757, %dma_wait3A_758, %dma_wait3A_759] : memref<2x1664x32xf32, #tpu.memory_space<vmem>> -> memref<1x128x32xf32, #tpu.memory_space<vmem>>
    %dma_wait3A_761 = tpu.memref_squeeze %dma_wait3A_760 : memref<1x128x32xf32, #tpu.memory_space<vmem>> -> memref<128x32xf32, #tpu.memory_space<vmem>>
    %dma_wait3A_762 = arith.constant 0 : i32
    %dma_wait3A_763 = tpu.memref_slice %arg5[%dma_wait3A_756, %dma_wait3A_762] : memref<104x128xi32, #tpu.memory_space<vmem>> -> memref<1x128xi32, #tpu.memory_space<vmem>>
    %dma_wait3A_764 = tpu.memref_squeeze %dma_wait3A_763 : memref<1x128xi32, #tpu.memory_space<vmem>> -> memref<128xi32, #tpu.memory_space<vmem>>
    %dma_wait3A_765 = arith.constant 0 : i32
    %dma_wait3A_766 = arith.constant 0 : i32
    %dma_wait3A_767 = tpu.memref_slice %arg3[%dma_wait3A_765, %dma_wait3A_766] : memref<2981888x32xf32, #tpu.memory_space<hbm>> -> memref<2981888x32xf32, #tpu.memory_space<hbm>>
    tpu.wait_indirect_dma semaphore(%arg8 : memref<!tpu.dma_semaphore, #tpu.memory_space<semaphore_mem>>) src(%dma_wait3A_767 : memref<2981888x32xf32, #tpu.memory_space<hbm>>) dst(%dma_wait3A_761 : memref<128x32xf32, #tpu.memory_space<vmem>>)
    %dma_wait3A_768 = arith.constant 22 : i32
    %dma_wait3A_769 = arith.constant 1 : i32
    %dma_wait3A_770 = arith.constant 1152 : i32
    %dma_wait3A_771 = arith.constant 0 : i32
    %dma_wait3A_772 = tpu.memref_slice %arg6[%dma_wait3A_769, %dma_wait3A_770, %dma_wait3A_771] : memref<2x1664x32xf32, #tpu.memory_space<vmem>> -> memref<1x128x32xf32, #tpu.memory_space<vmem>>
    %dma_wait3A_773 = tpu.memref_squeeze %dma_wait3A_772 : memref<1x128x32xf32, #tpu.memory_space<vmem>> -> memref<128x32xf32, #tpu.memory_space<vmem>>
    %dma_wait3A_774 = arith.constant 0 : i32
    %dma_wait3A_775 = tpu.memref_slice %arg5[%dma_wait3A_768, %dma_wait3A_774] : memref<104x128xi32, #tpu.memory_space<vmem>> -> memref<1x128xi32, #tpu.memory_space<vmem>>
    %dma_wait3A_776 = tpu.memref_squeeze %dma_wait3A_775 : memref<1x128xi32, #tpu.memory_space<vmem>> -> memref<128xi32, #tpu.memory_space<vmem>>
    %dma_wait3A_777 = arith.constant 0 : i32
    %dma_wait3A_778 = arith.constant 0 : i32
    %dma_wait3A_779 = tpu.memref_slice %arg3[%dma_wait3A_777, %dma_wait3A_778] : memref<2981888x32xf32, #tpu.memory_space<hbm>> -> memref<2981888x32xf32, #tpu.memory_space<hbm>>
    tpu.wait_indirect_dma semaphore(%arg8 : memref<!tpu.dma_semaphore, #tpu.memory_space<semaphore_mem>>) src(%dma_wait3A_779 : memref<2981888x32xf32, #tpu.memory_space<hbm>>) dst(%dma_wait3A_773 : memref<128x32xf32, #tpu.memory_space<vmem>>)
    %dma_wait3A_780 = arith.constant 23 : i32
    %dma_wait3A_781 = arith.constant 1 : i32
    %dma_wait3A_782 = arith.constant 1280 : i32
    %dma_wait3A_783 = arith.constant 0 : i32
    %dma_wait3A_784 = tpu.memref_slice %arg6[%dma_wait3A_781, %dma_wait3A_782, %dma_wait3A_783] : memref<2x1664x32xf32, #tpu.memory_space<vmem>> -> memref<1x128x32xf32, #tpu.memory_space<vmem>>
    %dma_wait3A_785 = tpu.memref_squeeze %dma_wait3A_784 : memref<1x128x32xf32, #tpu.memory_space<vmem>> -> memref<128x32xf32, #tpu.memory_space<vmem>>
    %dma_wait3A_786 = arith.constant 0 : i32
    %dma_wait3A_787 = tpu.memref_slice %arg5[%dma_wait3A_780, %dma_wait3A_786] : memref<104x128xi32, #tpu.memory_space<vmem>> -> memref<1x128xi32, #tpu.memory_space<vmem>>
    %dma_wait3A_788 = tpu.memref_squeeze %dma_wait3A_787 : memref<1x128xi32, #tpu.memory_space<vmem>> -> memref<128xi32, #tpu.memory_space<vmem>>
    %dma_wait3A_789 = arith.constant 0 : i32
    %dma_wait3A_790 = arith.constant 0 : i32
    %dma_wait3A_791 = tpu.memref_slice %arg3[%dma_wait3A_789, %dma_wait3A_790] : memref<2981888x32xf32, #tpu.memory_space<hbm>> -> memref<2981888x32xf32, #tpu.memory_space<hbm>>
    tpu.wait_indirect_dma semaphore(%arg8 : memref<!tpu.dma_semaphore, #tpu.memory_space<semaphore_mem>>) src(%dma_wait3A_791 : memref<2981888x32xf32, #tpu.memory_space<hbm>>) dst(%dma_wait3A_785 : memref<128x32xf32, #tpu.memory_space<vmem>>)
    %dma_wait3A_792 = arith.constant 24 : i32
    %dma_wait3A_793 = arith.constant 1 : i32
    %dma_wait3A_794 = arith.constant 1408 : i32
    %dma_wait3A_795 = arith.constant 0 : i32
    %dma_wait3A_796 = tpu.memref_slice %arg6[%dma_wait3A_793, %dma_wait3A_794, %dma_wait3A_795] : memref<2x1664x32xf32, #tpu.memory_space<vmem>> -> memref<1x128x32xf32, #tpu.memory_space<vmem>>
    %dma_wait3A_797 = tpu.memref_squeeze %dma_wait3A_796 : memref<1x128x32xf32, #tpu.memory_space<vmem>> -> memref<128x32xf32, #tpu.memory_space<vmem>>
    %dma_wait3A_798 = arith.constant 0 : i32
    %dma_wait3A_799 = tpu.memref_slice %arg5[%dma_wait3A_792, %dma_wait3A_798] : memref<104x128xi32, #tpu.memory_space<vmem>> -> memref<1x128xi32, #tpu.memory_space<vmem>>
    %dma_wait3A_800 = tpu.memref_squeeze %dma_wait3A_799 : memref<1x128xi32, #tpu.memory_space<vmem>> -> memref<128xi32, #tpu.memory_space<vmem>>
    %dma_wait3A_801 = arith.constant 0 : i32
    %dma_wait3A_802 = arith.constant 0 : i32
    %dma_wait3A_803 = tpu.memref_slice %arg3[%dma_wait3A_801, %dma_wait3A_802] : memref<2981888x32xf32, #tpu.memory_space<hbm>> -> memref<2981888x32xf32, #tpu.memory_space<hbm>>
    tpu.wait_indirect_dma semaphore(%arg8 : memref<!tpu.dma_semaphore, #tpu.memory_space<semaphore_mem>>) src(%dma_wait3A_803 : memref<2981888x32xf32, #tpu.memory_space<hbm>>) dst(%dma_wait3A_797 : memref<128x32xf32, #tpu.memory_space<vmem>>)
    %dma_wait3A_804 = arith.constant 25 : i32
    %dma_wait3A_805 = arith.constant 1 : i32
    %dma_wait3A_806 = arith.constant 1536 : i32
    %dma_wait3A_807 = arith.constant 0 : i32
    %dma_wait3A_808 = tpu.memref_slice %arg6[%dma_wait3A_805, %dma_wait3A_806, %dma_wait3A_807] : memref<2x1664x32xf32, #tpu.memory_space<vmem>> -> memref<1x128x32xf32, #tpu.memory_space<vmem>>
    %dma_wait3A_809 = tpu.memref_squeeze %dma_wait3A_808 : memref<1x128x32xf32, #tpu.memory_space<vmem>> -> memref<128x32xf32, #tpu.memory_space<vmem>>
    %dma_wait3A_810 = arith.constant 0 : i32
    %dma_wait3A_811 = tpu.memref_slice %arg5[%dma_wait3A_804, %dma_wait3A_810] : memref<104x128xi32, #tpu.memory_space<vmem>> -> memref<1x128xi32, #tpu.memory_space<vmem>>
    %dma_wait3A_812 = tpu.memref_squeeze %dma_wait3A_811 : memref<1x128xi32, #tpu.memory_space<vmem>> -> memref<128xi32, #tpu.memory_space<vmem>>
    %dma_wait3A_813 = arith.constant 0 : i32
    %dma_wait3A_814 = arith.constant 0 : i32
    %dma_wait3A_815 = tpu.memref_slice %arg3[%dma_wait3A_813, %dma_wait3A_814] : memref<2981888x32xf32, #tpu.memory_space<hbm>> -> memref<2981888x32xf32, #tpu.memory_space<hbm>>
    tpu.wait_indirect_dma semaphore(%arg8 : memref<!tpu.dma_semaphore, #tpu.memory_space<semaphore_mem>>) src(%dma_wait3A_815 : memref<2981888x32xf32, #tpu.memory_space<hbm>>) dst(%dma_wait3A_809 : memref<128x32xf32, #tpu.memory_space<vmem>>)
    %mul3A_816 = arith.constant 13312 : i32
    %mul3A_817 = arith.muli %add3A, %mul3A_816 : i32
    %add3A_818 = arith.constant 1664 : i32
    %add3A_819 = arith.addi %mul3A_817, %add3A_818 : i32
    %dma_start3A_820 = arith.constant 1 : i32
    %dma_start3A_821 = arith.constant 0 : i32
    %dma_start3A_822 = arith.constant 0 : i32
    %dma_start3A_823 = tpu.memref_slice %arg6[%dma_start3A_820, %dma_start3A_821, %dma_start3A_822] : memref<2x1664x32xf32, #tpu.memory_space<vmem>> -> memref<1x1664x32xf32, #tpu.memory_space<vmem>>
    %dma_start3A_824 = tpu.memref_squeeze %dma_start3A_823 : memref<1x1664x32xf32, #tpu.memory_space<vmem>> -> memref<1664x32xf32, #tpu.memory_space<vmem>>
    %dma_start3A_825 = arith.constant 0 : i32
    %dma_start3A_826 = tpu.memref_slice %arg4[%add3A_819, %dma_start3A_825] : memref<425984x32xf32, #tpu.memory_space<hbm>> -> memref<1664x32xf32, #tpu.memory_space<hbm>>
    %dma_start3A_827 = arith.constant 0 : i32
    %dma_start3A_828 = tpu.memref_slice %arg4[%add3A_819, %dma_start3A_827] : memref<425984x32xf32, #tpu.memory_space<hbm>> -> memref<1664x32xf32, #tpu.memory_space<hbm>>
    %dma_start3A_829 = arith.constant 0 : i32
    %dma_start3A_830 = arith.constant 0 : i32
    %dma_start3A_831 = tpu.memref_slice %arg6[%dma_start3A_820, %dma_start3A_829, %dma_start3A_830] : memref<2x1664x32xf32, #tpu.memory_space<vmem>> -> memref<1x1664x32xf32, #tpu.memory_space<vmem>>
    %dma_start3A_832 = tpu.memref_squeeze %dma_start3A_831 : memref<1x1664x32xf32, #tpu.memory_space<vmem>> -> memref<1664x32xf32, #tpu.memory_space<vmem>>
    tpu.enqueue_dma source(%dma_start3A_832 : memref<1664x32xf32, #tpu.memory_space<vmem>>) target(%dma_start3A_828 : memref<1664x32xf32, #tpu.memory_space<hbm>>) target_semaphore(%arg10 : memref<!tpu.dma_semaphore, #tpu.memory_space<semaphore_mem>>)
    %dma_wait3A_833 = arith.constant 1 : i32
    %dma_wait3A_834 = arith.constant 0 : i32
    %dma_wait3A_835 = arith.constant 0 : i32
    %dma_wait3A_836 = tpu.memref_slice %arg6[%dma_wait3A_833, %dma_wait3A_834, %dma_wait3A_835] : memref<2x1664x32xf32, #tpu.memory_space<vmem>> -> memref<1x1664x32xf32, #tpu.memory_space<vmem>>
    %dma_wait3A_837 = tpu.memref_squeeze %dma_wait3A_836 : memref<1x1664x32xf32, #tpu.memory_space<vmem>> -> memref<1664x32xf32, #tpu.memory_space<vmem>>
    %dma_wait3A_838 = arith.constant 0 : i32
    %dma_wait3A_839 = tpu.memref_slice %arg4[%add3A_819, %dma_wait3A_838] : memref<425984x32xf32, #tpu.memory_space<hbm>> -> memref<1664x32xf32, #tpu.memory_space<hbm>>
    %dma_wait3A_840 = arith.constant 0 : i32
    %dma_wait3A_841 = tpu.memref_slice %arg4[%add3A_819, %dma_wait3A_840] : memref<425984x32xf32, #tpu.memory_space<hbm>> -> memref<1664x32xf32, #tpu.memory_space<hbm>>
    %dma_wait3A_842 = arith.constant 0 : i32
    %dma_wait3A_843 = arith.constant 0 : i32
    %dma_wait3A_844 = tpu.memref_slice %arg6[%dma_wait3A_833, %dma_wait3A_842, %dma_wait3A_843] : memref<2x1664x32xf32, #tpu.memory_space<vmem>> -> memref<1x1664x32xf32, #tpu.memory_space<vmem>>
    %dma_wait3A_845 = tpu.memref_squeeze %dma_wait3A_844 : memref<1x1664x32xf32, #tpu.memory_space<vmem>> -> memref<1664x32xf32, #tpu.memory_space<vmem>>
    tpu.wait_dma2 semaphore(%arg10 : memref<!tpu.dma_semaphore, #tpu.memory_space<semaphore_mem>>) src(%dma_wait3A_845 : memref<1664x32xf32, #tpu.memory_space<vmem>>) dst(%dma_wait3A_841 : memref<1664x32xf32, #tpu.memory_space<hbm>>)
    %dma_start3A_846 = arith.constant 39 : i32
    %dma_start3A_847 = arith.constant 1 : i32
    %dma_start3A_848 = arith.constant 0 : i32
    %dma_start3A_849 = arith.constant 0 : i32
    %dma_start3A_850 = tpu.memref_slice %arg6[%dma_start3A_847, %dma_start3A_848, %dma_start3A_849] : memref<2x1664x32xf32, #tpu.memory_space<vmem>> -> memref<1x128x32xf32, #tpu.memory_space<vmem>>
    %dma_start3A_851 = tpu.memref_squeeze %dma_start3A_850 : memref<1x128x32xf32, #tpu.memory_space<vmem>> -> memref<128x32xf32, #tpu.memory_space<vmem>>
    %dma_start3A_852 = arith.constant 0 : i32
    %dma_start3A_853 = tpu.memref_slice %arg5[%dma_start3A_846, %dma_start3A_852] : memref<104x128xi32, #tpu.memory_space<vmem>> -> memref<1x128xi32, #tpu.memory_space<vmem>>
    %dma_start3A_854 = tpu.memref_squeeze %dma_start3A_853 : memref<1x128xi32, #tpu.memory_space<vmem>> -> memref<128xi32, #tpu.memory_space<vmem>>
    %dma_start3A_855 = arith.constant 0 : i32
    %dma_start3A_856 = arith.constant 0 : i32
    %dma_start3A_857 = tpu.memref_slice %arg3[%dma_start3A_855, %dma_start3A_856] : memref<2981888x32xf32, #tpu.memory_space<hbm>> -> memref<2981888x32xf32, #tpu.memory_space<hbm>>
    tpu.enqueue_indirect_dma source(%dma_start3A_857 : memref<2981888x32xf32, #tpu.memory_space<hbm>>) target(%dma_start3A_851 : memref<128x32xf32, #tpu.memory_space<vmem>>) offsets(%dma_start3A_854 : memref<128xi32, #tpu.memory_space<vmem>>) semaphore(%arg8 : memref<!tpu.dma_semaphore, #tpu.memory_space<semaphore_mem>>)
    %dma_start3A_858 = arith.constant 40 : i32
    %dma_start3A_859 = arith.constant 1 : i32
    %dma_start3A_860 = arith.constant 128 : i32
    %dma_start3A_861 = arith.constant 0 : i32
    %dma_start3A_862 = tpu.memref_slice %arg6[%dma_start3A_859, %dma_start3A_860, %dma_start3A_861] : memref<2x1664x32xf32, #tpu.memory_space<vmem>> -> memref<1x128x32xf32, #tpu.memory_space<vmem>>
    %dma_start3A_863 = tpu.memref_squeeze %dma_start3A_862 : memref<1x128x32xf32, #tpu.memory_space<vmem>> -> memref<128x32xf32, #tpu.memory_space<vmem>>
    %dma_start3A_864 = arith.constant 0 : i32
    %dma_start3A_865 = tpu.memref_slice %arg5[%dma_start3A_858, %dma_start3A_864] : memref<104x128xi32, #tpu.memory_space<vmem>> -> memref<1x128xi32, #tpu.memory_space<vmem>>
    %dma_start3A_866 = tpu.memref_squeeze %dma_start3A_865 : memref<1x128xi32, #tpu.memory_space<vmem>> -> memref<128xi32, #tpu.memory_space<vmem>>
    %dma_start3A_867 = arith.constant 0 : i32
    %dma_start3A_868 = arith.constant 0 : i32
    %dma_start3A_869 = tpu.memref_slice %arg3[%dma_start3A_867, %dma_start3A_868] : memref<2981888x32xf32, #tpu.memory_space<hbm>> -> memref<2981888x32xf32, #tpu.memory_space<hbm>>
    tpu.enqueue_indirect_dma source(%dma_start3A_869 : memref<2981888x32xf32, #tpu.memory_space<hbm>>) target(%dma_start3A_863 : memref<128x32xf32, #tpu.memory_space<vmem>>) offsets(%dma_start3A_866 : memref<128xi32, #tpu.memory_space<vmem>>) semaphore(%arg8 : memref<!tpu.dma_semaphore, #tpu.memory_space<semaphore_mem>>)
    %dma_start3A_870 = arith.constant 41 : i32
    %dma_start3A_871 = arith.constant 1 : i32
    %dma_start3A_872 = arith.constant 256 : i32
    %dma_start3A_873 = arith.constant 0 : i32
    %dma_start3A_874 = tpu.memref_slice %arg6[%dma_start3A_871, %dma_start3A_872, %dma_start3A_873] : memref<2x1664x32xf32, #tpu.memory_space<vmem>> -> memref<1x128x32xf32, #tpu.memory_space<vmem>>
    %dma_start3A_875 = tpu.memref_squeeze %dma_start3A_874 : memref<1x128x32xf32, #tpu.memory_space<vmem>> -> memref<128x32xf32, #tpu.memory_space<vmem>>
    %dma_start3A_876 = arith.constant 0 : i32
    %dma_start3A_877 = tpu.memref_slice %arg5[%dma_start3A_870, %dma_start3A_876] : memref<104x128xi32, #tpu.memory_space<vmem>> -> memref<1x128xi32, #tpu.memory_space<vmem>>
    %dma_start3A_878 = tpu.memref_squeeze %dma_start3A_877 : memref<1x128xi32, #tpu.memory_space<vmem>> -> memref<128xi32, #tpu.memory_space<vmem>>
    %dma_start3A_879 = arith.constant 0 : i32
    %dma_start3A_880 = arith.constant 0 : i32
    %dma_start3A_881 = tpu.memref_slice %arg3[%dma_start3A_879, %dma_start3A_880] : memref<2981888x32xf32, #tpu.memory_space<hbm>> -> memref<2981888x32xf32, #tpu.memory_space<hbm>>
    tpu.enqueue_indirect_dma source(%dma_start3A_881 : memref<2981888x32xf32, #tpu.memory_space<hbm>>) target(%dma_start3A_875 : memref<128x32xf32, #tpu.memory_space<vmem>>) offsets(%dma_start3A_878 : memref<128xi32, #tpu.memory_space<vmem>>) semaphore(%arg8 : memref<!tpu.dma_semaphore, #tpu.memory_space<semaphore_mem>>)
    %dma_start3A_882 = arith.constant 42 : i32
    %dma_start3A_883 = arith.constant 1 : i32
    %dma_start3A_884 = arith.constant 384 : i32
    %dma_start3A_885 = arith.constant 0 : i32
    %dma_start3A_886 = tpu.memref_slice %arg6[%dma_start3A_883, %dma_start3A_884, %dma_start3A_885] : memref<2x1664x32xf32, #tpu.memory_space<vmem>> -> memref<1x128x32xf32, #tpu.memory_space<vmem>>
    %dma_start3A_887 = tpu.memref_squeeze %dma_start3A_886 : memref<1x128x32xf32, #tpu.memory_space<vmem>> -> memref<128x32xf32, #tpu.memory_space<vmem>>
    %dma_start3A_888 = arith.constant 0 : i32
    %dma_start3A_889 = tpu.memref_slice %arg5[%dma_start3A_882, %dma_start3A_888] : memref<104x128xi32, #tpu.memory_space<vmem>> -> memref<1x128xi32, #tpu.memory_space<vmem>>
    %dma_start3A_890 = tpu.memref_squeeze %dma_start3A_889 : memref<1x128xi32, #tpu.memory_space<vmem>> -> memref<128xi32, #tpu.memory_space<vmem>>
    %dma_start3A_891 = arith.constant 0 : i32
    %dma_start3A_892 = arith.constant 0 : i32
    %dma_start3A_893 = tpu.memref_slice %arg3[%dma_start3A_891, %dma_start3A_892] : memref<2981888x32xf32, #tpu.memory_space<hbm>> -> memref<2981888x32xf32, #tpu.memory_space<hbm>>
    tpu.enqueue_indirect_dma source(%dma_start3A_893 : memref<2981888x32xf32, #tpu.memory_space<hbm>>) target(%dma_start3A_887 : memref<128x32xf32, #tpu.memory_space<vmem>>) offsets(%dma_start3A_890 : memref<128xi32, #tpu.memory_space<vmem>>) semaphore(%arg8 : memref<!tpu.dma_semaphore, #tpu.memory_space<semaphore_mem>>)
    %dma_start3A_894 = arith.constant 43 : i32
    %dma_start3A_895 = arith.constant 1 : i32
    %dma_start3A_896 = arith.constant 512 : i32
    %dma_start3A_897 = arith.constant 0 : i32
    %dma_start3A_898 = tpu.memref_slice %arg6[%dma_start3A_895, %dma_start3A_896, %dma_start3A_897] : memref<2x1664x32xf32, #tpu.memory_space<vmem>> -> memref<1x128x32xf32, #tpu.memory_space<vmem>>
    %dma_start3A_899 = tpu.memref_squeeze %dma_start3A_898 : memref<1x128x32xf32, #tpu.memory_space<vmem>> -> memref<128x32xf32, #tpu.memory_space<vmem>>
    %dma_start3A_900 = arith.constant 0 : i32
    %dma_start3A_901 = tpu.memref_slice %arg5[%dma_start3A_894, %dma_start3A_900] : memref<104x128xi32, #tpu.memory_space<vmem>> -> memref<1x128xi32, #tpu.memory_space<vmem>>
    %dma_start3A_902 = tpu.memref_squeeze %dma_start3A_901 : memref<1x128xi32, #tpu.memory_space<vmem>> -> memref<128xi32, #tpu.memory_space<vmem>>
    %dma_start3A_903 = arith.constant 0 : i32
    %dma_start3A_904 = arith.constant 0 : i32
    %dma_start3A_905 = tpu.memref_slice %arg3[%dma_start3A_903, %dma_start3A_904] : memref<2981888x32xf32, #tpu.memory_space<hbm>> -> memref<2981888x32xf32, #tpu.memory_space<hbm>>
    tpu.enqueue_indirect_dma source(%dma_start3A_905 : memref<2981888x32xf32, #tpu.memory_space<hbm>>) target(%dma_start3A_899 : memref<128x32xf32, #tpu.memory_space<vmem>>) offsets(%dma_start3A_902 : memref<128xi32, #tpu.memory_space<vmem>>) semaphore(%arg8 : memref<!tpu.dma_semaphore, #tpu.memory_space<semaphore_mem>>)
    %dma_start3A_906 = arith.constant 44 : i32
    %dma_start3A_907 = arith.constant 1 : i32
    %dma_start3A_908 = arith.constant 640 : i32
    %dma_start3A_909 = arith.constant 0 : i32
    %dma_start3A_910 = tpu.memref_slice %arg6[%dma_start3A_907, %dma_start3A_908, %dma_start3A_909] : memref<2x1664x32xf32, #tpu.memory_space<vmem>> -> memref<1x128x32xf32, #tpu.memory_space<vmem>>
    %dma_start3A_911 = tpu.memref_squeeze %dma_start3A_910 : memref<1x128x32xf32, #tpu.memory_space<vmem>> -> memref<128x32xf32, #tpu.memory_space<vmem>>
    %dma_start3A_912 = arith.constant 0 : i32
    %dma_start3A_913 = tpu.memref_slice %arg5[%dma_start3A_906, %dma_start3A_912] : memref<104x128xi32, #tpu.memory_space<vmem>> -> memref<1x128xi32, #tpu.memory_space<vmem>>
    %dma_start3A_914 = tpu.memref_squeeze %dma_start3A_913 : memref<1x128xi32, #tpu.memory_space<vmem>> -> memref<128xi32, #tpu.memory_space<vmem>>
    %dma_start3A_915 = arith.constant 0 : i32
    %dma_start3A_916 = arith.constant 0 : i32
    %dma_start3A_917 = tpu.memref_slice %arg3[%dma_start3A_915, %dma_start3A_916] : memref<2981888x32xf32, #tpu.memory_space<hbm>> -> memref<2981888x32xf32, #tpu.memory_space<hbm>>
    tpu.enqueue_indirect_dma source(%dma_start3A_917 : memref<2981888x32xf32, #tpu.memory_space<hbm>>) target(%dma_start3A_911 : memref<128x32xf32, #tpu.memory_space<vmem>>) offsets(%dma_start3A_914 : memref<128xi32, #tpu.memory_space<vmem>>) semaphore(%arg8 : memref<!tpu.dma_semaphore, #tpu.memory_space<semaphore_mem>>)
    %dma_start3A_918 = arith.constant 45 : i32
    %dma_start3A_919 = arith.constant 1 : i32
    %dma_start3A_920 = arith.constant 768 : i32
    %dma_start3A_921 = arith.constant 0 : i32
    %dma_start3A_922 = tpu.memref_slice %arg6[%dma_start3A_919, %dma_start3A_920, %dma_start3A_921] : memref<2x1664x32xf32, #tpu.memory_space<vmem>> -> memref<1x128x32xf32, #tpu.memory_space<vmem>>
    %dma_start3A_923 = tpu.memref_squeeze %dma_start3A_922 : memref<1x128x32xf32, #tpu.memory_space<vmem>> -> memref<128x32xf32, #tpu.memory_space<vmem>>
    %dma_start3A_924 = arith.constant 0 : i32
    %dma_start3A_925 = tpu.memref_slice %arg5[%dma_start3A_918, %dma_start3A_924] : memref<104x128xi32, #tpu.memory_space<vmem>> -> memref<1x128xi32, #tpu.memory_space<vmem>>
    %dma_start3A_926 = tpu.memref_squeeze %dma_start3A_925 : memref<1x128xi32, #tpu.memory_space<vmem>> -> memref<128xi32, #tpu.memory_space<vmem>>
    %dma_start3A_927 = arith.constant 0 : i32
    %dma_start3A_928 = arith.constant 0 : i32
    %dma_start3A_929 = tpu.memref_slice %arg3[%dma_start3A_927, %dma_start3A_928] : memref<2981888x32xf32, #tpu.memory_space<hbm>> -> memref<2981888x32xf32, #tpu.memory_space<hbm>>
    tpu.enqueue_indirect_dma source(%dma_start3A_929 : memref<2981888x32xf32, #tpu.memory_space<hbm>>) target(%dma_start3A_923 : memref<128x32xf32, #tpu.memory_space<vmem>>) offsets(%dma_start3A_926 : memref<128xi32, #tpu.memory_space<vmem>>) semaphore(%arg8 : memref<!tpu.dma_semaphore, #tpu.memory_space<semaphore_mem>>)
    %dma_start3A_930 = arith.constant 46 : i32
    %dma_start3A_931 = arith.constant 1 : i32
    %dma_start3A_932 = arith.constant 896 : i32
    %dma_start3A_933 = arith.constant 0 : i32
    %dma_start3A_934 = tpu.memref_slice %arg6[%dma_start3A_931, %dma_start3A_932, %dma_start3A_933] : memref<2x1664x32xf32, #tpu.memory_space<vmem>> -> memref<1x128x32xf32, #tpu.memory_space<vmem>>
    %dma_start3A_935 = tpu.memref_squeeze %dma_start3A_934 : memref<1x128x32xf32, #tpu.memory_space<vmem>> -> memref<128x32xf32, #tpu.memory_space<vmem>>
    %dma_start3A_936 = arith.constant 0 : i32
    %dma_start3A_937 = tpu.memref_slice %arg5[%dma_start3A_930, %dma_start3A_936] : memref<104x128xi32, #tpu.memory_space<vmem>> -> memref<1x128xi32, #tpu.memory_space<vmem>>
    %dma_start3A_938 = tpu.memref_squeeze %dma_start3A_937 : memref<1x128xi32, #tpu.memory_space<vmem>> -> memref<128xi32, #tpu.memory_space<vmem>>
    %dma_start3A_939 = arith.constant 0 : i32
    %dma_start3A_940 = arith.constant 0 : i32
    %dma_start3A_941 = tpu.memref_slice %arg3[%dma_start3A_939, %dma_start3A_940] : memref<2981888x32xf32, #tpu.memory_space<hbm>> -> memref<2981888x32xf32, #tpu.memory_space<hbm>>
    tpu.enqueue_indirect_dma source(%dma_start3A_941 : memref<2981888x32xf32, #tpu.memory_space<hbm>>) target(%dma_start3A_935 : memref<128x32xf32, #tpu.memory_space<vmem>>) offsets(%dma_start3A_938 : memref<128xi32, #tpu.memory_space<vmem>>) semaphore(%arg8 : memref<!tpu.dma_semaphore, #tpu.memory_space<semaphore_mem>>)
    %dma_start3A_942 = arith.constant 47 : i32
    %dma_start3A_943 = arith.constant 1 : i32
    %dma_start3A_944 = arith.constant 1024 : i32
    %dma_start3A_945 = arith.constant 0 : i32
    %dma_start3A_946 = tpu.memref_slice %arg6[%dma_start3A_943, %dma_start3A_944, %dma_start3A_945] : memref<2x1664x32xf32, #tpu.memory_space<vmem>> -> memref<1x128x32xf32, #tpu.memory_space<vmem>>
    %dma_start3A_947 = tpu.memref_squeeze %dma_start3A_946 : memref<1x128x32xf32, #tpu.memory_space<vmem>> -> memref<128x32xf32, #tpu.memory_space<vmem>>
    %dma_start3A_948 = arith.constant 0 : i32
    %dma_start3A_949 = tpu.memref_slice %arg5[%dma_start3A_942, %dma_start3A_948] : memref<104x128xi32, #tpu.memory_space<vmem>> -> memref<1x128xi32, #tpu.memory_space<vmem>>
    %dma_start3A_950 = tpu.memref_squeeze %dma_start3A_949 : memref<1x128xi32, #tpu.memory_space<vmem>> -> memref<128xi32, #tpu.memory_space<vmem>>
    %dma_start3A_951 = arith.constant 0 : i32
    %dma_start3A_952 = arith.constant 0 : i32
    %dma_start3A_953 = tpu.memref_slice %arg3[%dma_start3A_951, %dma_start3A_952] : memref<2981888x32xf32, #tpu.memory_space<hbm>> -> memref<2981888x32xf32, #tpu.memory_space<hbm>>
    tpu.enqueue_indirect_dma source(%dma_start3A_953 : memref<2981888x32xf32, #tpu.memory_space<hbm>>) target(%dma_start3A_947 : memref<128x32xf32, #tpu.memory_space<vmem>>) offsets(%dma_start3A_950 : memref<128xi32, #tpu.memory_space<vmem>>) semaphore(%arg8 : memref<!tpu.dma_semaphore, #tpu.memory_space<semaphore_mem>>)
    %dma_start3A_954 = arith.constant 48 : i32
    %dma_start3A_955 = arith.constant 1 : i32
    %dma_start3A_956 = arith.constant 1152 : i32
    %dma_start3A_957 = arith.constant 0 : i32
    %dma_start3A_958 = tpu.memref_slice %arg6[%dma_start3A_955, %dma_start3A_956, %dma_start3A_957] : memref<2x1664x32xf32, #tpu.memory_space<vmem>> -> memref<1x128x32xf32, #tpu.memory_space<vmem>>
    %dma_start3A_959 = tpu.memref_squeeze %dma_start3A_958 : memref<1x128x32xf32, #tpu.memory_space<vmem>> -> memref<128x32xf32, #tpu.memory_space<vmem>>
    %dma_start3A_960 = arith.constant 0 : i32
    %dma_start3A_961 = tpu.memref_slice %arg5[%dma_start3A_954, %dma_start3A_960] : memref<104x128xi32, #tpu.memory_space<vmem>> -> memref<1x128xi32, #tpu.memory_space<vmem>>
    %dma_start3A_962 = tpu.memref_squeeze %dma_start3A_961 : memref<1x128xi32, #tpu.memory_space<vmem>> -> memref<128xi32, #tpu.memory_space<vmem>>
    %dma_start3A_963 = arith.constant 0 : i32
    %dma_start3A_964 = arith.constant 0 : i32
    %dma_start3A_965 = tpu.memref_slice %arg3[%dma_start3A_963, %dma_start3A_964] : memref<2981888x32xf32, #tpu.memory_space<hbm>> -> memref<2981888x32xf32, #tpu.memory_space<hbm>>
    tpu.enqueue_indirect_dma source(%dma_start3A_965 : memref<2981888x32xf32, #tpu.memory_space<hbm>>) target(%dma_start3A_959 : memref<128x32xf32, #tpu.memory_space<vmem>>) offsets(%dma_start3A_962 : memref<128xi32, #tpu.memory_space<vmem>>) semaphore(%arg8 : memref<!tpu.dma_semaphore, #tpu.memory_space<semaphore_mem>>)
    %dma_start3A_966 = arith.constant 49 : i32
    %dma_start3A_967 = arith.constant 1 : i32
    %dma_start3A_968 = arith.constant 1280 : i32
    %dma_start3A_969 = arith.constant 0 : i32
    %dma_start3A_970 = tpu.memref_slice %arg6[%dma_start3A_967, %dma_start3A_968, %dma_start3A_969] : memref<2x1664x32xf32, #tpu.memory_space<vmem>> -> memref<1x128x32xf32, #tpu.memory_space<vmem>>
    %dma_start3A_971 = tpu.memref_squeeze %dma_start3A_970 : memref<1x128x32xf32, #tpu.memory_space<vmem>> -> memref<128x32xf32, #tpu.memory_space<vmem>>
    %dma_start3A_972 = arith.constant 0 : i32
    %dma_start3A_973 = tpu.memref_slice %arg5[%dma_start3A_966, %dma_start3A_972] : memref<104x128xi32, #tpu.memory_space<vmem>> -> memref<1x128xi32, #tpu.memory_space<vmem>>
    %dma_start3A_974 = tpu.memref_squeeze %dma_start3A_973 : memref<1x128xi32, #tpu.memory_space<vmem>> -> memref<128xi32, #tpu.memory_space<vmem>>
    %dma_start3A_975 = arith.constant 0 : i32
    %dma_start3A_976 = arith.constant 0 : i32
    %dma_start3A_977 = tpu.memref_slice %arg3[%dma_start3A_975, %dma_start3A_976] : memref<2981888x32xf32, #tpu.memory_space<hbm>> -> memref<2981888x32xf32, #tpu.memory_space<hbm>>
    tpu.enqueue_indirect_dma source(%dma_start3A_977 : memref<2981888x32xf32, #tpu.memory_space<hbm>>) target(%dma_start3A_971 : memref<128x32xf32, #tpu.memory_space<vmem>>) offsets(%dma_start3A_974 : memref<128xi32, #tpu.memory_space<vmem>>) semaphore(%arg8 : memref<!tpu.dma_semaphore, #tpu.memory_space<semaphore_mem>>)
    %dma_start3A_978 = arith.constant 50 : i32
    %dma_start3A_979 = arith.constant 1 : i32
    %dma_start3A_980 = arith.constant 1408 : i32
    %dma_start3A_981 = arith.constant 0 : i32
    %dma_start3A_982 = tpu.memref_slice %arg6[%dma_start3A_979, %dma_start3A_980, %dma_start3A_981] : memref<2x1664x32xf32, #tpu.memory_space<vmem>> -> memref<1x128x32xf32, #tpu.memory_space<vmem>>
    %dma_start3A_983 = tpu.memref_squeeze %dma_start3A_982 : memref<1x128x32xf32, #tpu.memory_space<vmem>> -> memref<128x32xf32, #tpu.memory_space<vmem>>
    %dma_start3A_984 = arith.constant 0 : i32
    %dma_start3A_985 = tpu.memref_slice %arg5[%dma_start3A_978, %dma_start3A_984] : memref<104x128xi32, #tpu.memory_space<vmem>> -> memref<1x128xi32, #tpu.memory_space<vmem>>
    %dma_start3A_986 = tpu.memref_squeeze %dma_start3A_985 : memref<1x128xi32, #tpu.memory_space<vmem>> -> memref<128xi32, #tpu.memory_space<vmem>>
    %dma_start3A_987 = arith.constant 0 : i32
    %dma_start3A_988 = arith.constant 0 : i32
    %dma_start3A_989 = tpu.memref_slice %arg3[%dma_start3A_987, %dma_start3A_988] : memref<2981888x32xf32, #tpu.memory_space<hbm>> -> memref<2981888x32xf32, #tpu.memory_space<hbm>>
    tpu.enqueue_indirect_dma source(%dma_start3A_989 : memref<2981888x32xf32, #tpu.memory_space<hbm>>) target(%dma_start3A_983 : memref<128x32xf32, #tpu.memory_space<vmem>>) offsets(%dma_start3A_986 : memref<128xi32, #tpu.memory_space<vmem>>) semaphore(%arg8 : memref<!tpu.dma_semaphore, #tpu.memory_space<semaphore_mem>>)
    %dma_start3A_990 = arith.constant 51 : i32
    %dma_start3A_991 = arith.constant 1 : i32
    %dma_start3A_992 = arith.constant 1536 : i32
    %dma_start3A_993 = arith.constant 0 : i32
    %dma_start3A_994 = tpu.memref_slice %arg6[%dma_start3A_991, %dma_start3A_992, %dma_start3A_993] : memref<2x1664x32xf32, #tpu.memory_space<vmem>> -> memref<1x128x32xf32, #tpu.memory_space<vmem>>
    %dma_start3A_995 = tpu.memref_squeeze %dma_start3A_994 : memref<1x128x32xf32, #tpu.memory_space<vmem>> -> memref<128x32xf32, #tpu.memory_space<vmem>>
    %dma_start3A_996 = arith.constant 0 : i32
    %dma_start3A_997 = tpu.memref_slice %arg5[%dma_start3A_990, %dma_start3A_996] : memref<104x128xi32, #tpu.memory_space<vmem>> -> memref<1x128xi32, #tpu.memory_space<vmem>>
    %dma_start3A_998 = tpu.memref_squeeze %dma_start3A_997 : memref<1x128xi32, #tpu.memory_space<vmem>> -> memref<128xi32, #tpu.memory_space<vmem>>
    %dma_start3A_999 = arith.constant 0 : i32
    %dma_start3A_1000 = arith.constant 0 : i32
    %dma_start3A_1001 = tpu.memref_slice %arg3[%dma_start3A_999, %dma_start3A_1000] : memref<2981888x32xf32, #tpu.memory_space<hbm>> -> memref<2981888x32xf32, #tpu.memory_space<hbm>>
    tpu.enqueue_indirect_dma source(%dma_start3A_1001 : memref<2981888x32xf32, #tpu.memory_space<hbm>>) target(%dma_start3A_995 : memref<128x32xf32, #tpu.memory_space<vmem>>) offsets(%dma_start3A_998 : memref<128xi32, #tpu.memory_space<vmem>>) semaphore(%arg8 : memref<!tpu.dma_semaphore, #tpu.memory_space<semaphore_mem>>)
    %dma_wait3A_1002 = arith.constant 26 : i32
    %dma_wait3A_1003 = arith.constant 0 : i32
    %dma_wait3A_1004 = arith.constant 0 : i32
    %dma_wait3A_1005 = arith.constant 0 : i32
    %dma_wait3A_1006 = tpu.memref_slice %arg6[%dma_wait3A_1003, %dma_wait3A_1004, %dma_wait3A_1005] : memref<2x1664x32xf32, #tpu.memory_space<vmem>> -> memref<1x128x32xf32, #tpu.memory_space<vmem>>
    %dma_wait3A_1007 = tpu.memref_squeeze %dma_wait3A_1006 : memref<1x128x32xf32, #tpu.memory_space<vmem>> -> memref<128x32xf32, #tpu.memory_space<vmem>>
    %dma_wait3A_1008 = arith.constant 0 : i32
    %dma_wait3A_1009 = tpu.memref_slice %arg5[%dma_wait3A_1002, %dma_wait3A_1008] : memref<104x128xi32, #tpu.memory_space<vmem>> -> memref<1x128xi32, #tpu.memory_space<vmem>>
    %dma_wait3A_1010 = tpu.memref_squeeze %dma_wait3A_1009 : memref<1x128xi32, #tpu.memory_space<vmem>> -> memref<128xi32, #tpu.memory_space<vmem>>
    %dma_wait3A_1011 = arith.constant 0 : i32
    %dma_wait3A_1012 = arith.constant 0 : i32
    %dma_wait3A_1013 = tpu.memref_slice %arg3[%dma_wait3A_1011, %dma_wait3A_1012] : memref<2981888x32xf32, #tpu.memory_space<hbm>> -> memref<2981888x32xf32, #tpu.memory_space<hbm>>
    tpu.wait_indirect_dma semaphore(%arg7 : memref<!tpu.dma_semaphore, #tpu.memory_space<semaphore_mem>>) src(%dma_wait3A_1013 : memref<2981888x32xf32, #tpu.memory_space<hbm>>) dst(%dma_wait3A_1007 : memref<128x32xf32, #tpu.memory_space<vmem>>)
    %dma_wait3A_1014 = arith.constant 27 : i32
    %dma_wait3A_1015 = arith.constant 0 : i32
    %dma_wait3A_1016 = arith.constant 128 : i32
    %dma_wait3A_1017 = arith.constant 0 : i32
    %dma_wait3A_1018 = tpu.memref_slice %arg6[%dma_wait3A_1015, %dma_wait3A_1016, %dma_wait3A_1017] : memref<2x1664x32xf32, #tpu.memory_space<vmem>> -> memref<1x128x32xf32, #tpu.memory_space<vmem>>
    %dma_wait3A_1019 = tpu.memref_squeeze %dma_wait3A_1018 : memref<1x128x32xf32, #tpu.memory_space<vmem>> -> memref<128x32xf32, #tpu.memory_space<vmem>>
    %dma_wait3A_1020 = arith.constant 0 : i32
    %dma_wait3A_1021 = tpu.memref_slice %arg5[%dma_wait3A_1014, %dma_wait3A_1020] : memref<104x128xi32, #tpu.memory_space<vmem>> -> memref<1x128xi32, #tpu.memory_space<vmem>>
    %dma_wait3A_1022 = tpu.memref_squeeze %dma_wait3A_1021 : memref<1x128xi32, #tpu.memory_space<vmem>> -> memref<128xi32, #tpu.memory_space<vmem>>
    %dma_wait3A_1023 = arith.constant 0 : i32
    %dma_wait3A_1024 = arith.constant 0 : i32
    %dma_wait3A_1025 = tpu.memref_slice %arg3[%dma_wait3A_1023, %dma_wait3A_1024] : memref<2981888x32xf32, #tpu.memory_space<hbm>> -> memref<2981888x32xf32, #tpu.memory_space<hbm>>
    tpu.wait_indirect_dma semaphore(%arg7 : memref<!tpu.dma_semaphore, #tpu.memory_space<semaphore_mem>>) src(%dma_wait3A_1025 : memref<2981888x32xf32, #tpu.memory_space<hbm>>) dst(%dma_wait3A_1019 : memref<128x32xf32, #tpu.memory_space<vmem>>)
    %dma_wait3A_1026 = arith.constant 28 : i32
    %dma_wait3A_1027 = arith.constant 0 : i32
    %dma_wait3A_1028 = arith.constant 256 : i32
    %dma_wait3A_1029 = arith.constant 0 : i32
    %dma_wait3A_1030 = tpu.memref_slice %arg6[%dma_wait3A_1027, %dma_wait3A_1028, %dma_wait3A_1029] : memref<2x1664x32xf32, #tpu.memory_space<vmem>> -> memref<1x128x32xf32, #tpu.memory_space<vmem>>
    %dma_wait3A_1031 = tpu.memref_squeeze %dma_wait3A_1030 : memref<1x128x32xf32, #tpu.memory_space<vmem>> -> memref<128x32xf32, #tpu.memory_space<vmem>>
    %dma_wait3A_1032 = arith.constant 0 : i32
    %dma_wait3A_1033 = tpu.memref_slice %arg5[%dma_wait3A_1026, %dma_wait3A_1032] : memref<104x128xi32, #tpu.memory_space<vmem>> -> memref<1x128xi32, #tpu.memory_space<vmem>>
    %dma_wait3A_1034 = tpu.memref_squeeze %dma_wait3A_1033 : memref<1x128xi32, #tpu.memory_space<vmem>> -> memref<128xi32, #tpu.memory_space<vmem>>
    %dma_wait3A_1035 = arith.constant 0 : i32
    %dma_wait3A_1036 = arith.constant 0 : i32
    %dma_wait3A_1037 = tpu.memref_slice %arg3[%dma_wait3A_1035, %dma_wait3A_1036] : memref<2981888x32xf32, #tpu.memory_space<hbm>> -> memref<2981888x32xf32, #tpu.memory_space<hbm>>
    tpu.wait_indirect_dma semaphore(%arg7 : memref<!tpu.dma_semaphore, #tpu.memory_space<semaphore_mem>>) src(%dma_wait3A_1037 : memref<2981888x32xf32, #tpu.memory_space<hbm>>) dst(%dma_wait3A_1031 : memref<128x32xf32, #tpu.memory_space<vmem>>)
    %dma_wait3A_1038 = arith.constant 29 : i32
    %dma_wait3A_1039 = arith.constant 0 : i32
    %dma_wait3A_1040 = arith.constant 384 : i32
    %dma_wait3A_1041 = arith.constant 0 : i32
    %dma_wait3A_1042 = tpu.memref_slice %arg6[%dma_wait3A_1039, %dma_wait3A_1040, %dma_wait3A_1041] : memref<2x1664x32xf32, #tpu.memory_space<vmem>> -> memref<1x128x32xf32, #tpu.memory_space<vmem>>
    %dma_wait3A_1043 = tpu.memref_squeeze %dma_wait3A_1042 : memref<1x128x32xf32, #tpu.memory_space<vmem>> -> memref<128x32xf32, #tpu.memory_space<vmem>>
    %dma_wait3A_1044 = arith.constant 0 : i32
    %dma_wait3A_1045 = tpu.memref_slice %arg5[%dma_wait3A_1038, %dma_wait3A_1044] : memref<104x128xi32, #tpu.memory_space<vmem>> -> memref<1x128xi32, #tpu.memory_space<vmem>>
    %dma_wait3A_1046 = tpu.memref_squeeze %dma_wait3A_1045 : memref<1x128xi32, #tpu.memory_space<vmem>> -> memref<128xi32, #tpu.memory_space<vmem>>
    %dma_wait3A_1047 = arith.constant 0 : i32
    %dma_wait3A_1048 = arith.constant 0 : i32
    %dma_wait3A_1049 = tpu.memref_slice %arg3[%dma_wait3A_1047, %dma_wait3A_1048] : memref<2981888x32xf32, #tpu.memory_space<hbm>> -> memref<2981888x32xf32, #tpu.memory_space<hbm>>
    tpu.wait_indirect_dma semaphore(%arg7 : memref<!tpu.dma_semaphore, #tpu.memory_space<semaphore_mem>>) src(%dma_wait3A_1049 : memref<2981888x32xf32, #tpu.memory_space<hbm>>) dst(%dma_wait3A_1043 : memref<128x32xf32, #tpu.memory_space<vmem>>)
    %dma_wait3A_1050 = arith.constant 30 : i32
    %dma_wait3A_1051 = arith.constant 0 : i32
    %dma_wait3A_1052 = arith.constant 512 : i32
    %dma_wait3A_1053 = arith.constant 0 : i32
    %dma_wait3A_1054 = tpu.memref_slice %arg6[%dma_wait3A_1051, %dma_wait3A_1052, %dma_wait3A_1053] : memref<2x1664x32xf32, #tpu.memory_space<vmem>> -> memref<1x128x32xf32, #tpu.memory_space<vmem>>
    %dma_wait3A_1055 = tpu.memref_squeeze %dma_wait3A_1054 : memref<1x128x32xf32, #tpu.memory_space<vmem>> -> memref<128x32xf32, #tpu.memory_space<vmem>>
    %dma_wait3A_1056 = arith.constant 0 : i32
    %dma_wait3A_1057 = tpu.memref_slice %arg5[%dma_wait3A_1050, %dma_wait3A_1056] : memref<104x128xi32, #tpu.memory_space<vmem>> -> memref<1x128xi32, #tpu.memory_space<vmem>>
    %dma_wait3A_1058 = tpu.memref_squeeze %dma_wait3A_1057 : memref<1x128xi32, #tpu.memory_space<vmem>> -> memref<128xi32, #tpu.memory_space<vmem>>
    %dma_wait3A_1059 = arith.constant 0 : i32
    %dma_wait3A_1060 = arith.constant 0 : i32
    %dma_wait3A_1061 = tpu.memref_slice %arg3[%dma_wait3A_1059, %dma_wait3A_1060] : memref<2981888x32xf32, #tpu.memory_space<hbm>> -> memref<2981888x32xf32, #tpu.memory_space<hbm>>
    tpu.wait_indirect_dma semaphore(%arg7 : memref<!tpu.dma_semaphore, #tpu.memory_space<semaphore_mem>>) src(%dma_wait3A_1061 : memref<2981888x32xf32, #tpu.memory_space<hbm>>) dst(%dma_wait3A_1055 : memref<128x32xf32, #tpu.memory_space<vmem>>)
    %dma_wait3A_1062 = arith.constant 31 : i32
    %dma_wait3A_1063 = arith.constant 0 : i32
    %dma_wait3A_1064 = arith.constant 640 : i32
    %dma_wait3A_1065 = arith.constant 0 : i32
    %dma_wait3A_1066 = tpu.memref_slice %arg6[%dma_wait3A_1063, %dma_wait3A_1064, %dma_wait3A_1065] : memref<2x1664x32xf32, #tpu.memory_space<vmem>> -> memref<1x128x32xf32, #tpu.memory_space<vmem>>
    %dma_wait3A_1067 = tpu.memref_squeeze %dma_wait3A_1066 : memref<1x128x32xf32, #tpu.memory_space<vmem>> -> memref<128x32xf32, #tpu.memory_space<vmem>>
    %dma_wait3A_1068 = arith.constant 0 : i32
    %dma_wait3A_1069 = tpu.memref_slice %arg5[%dma_wait3A_1062, %dma_wait3A_1068] : memref<104x128xi32, #tpu.memory_space<vmem>> -> memref<1x128xi32, #tpu.memory_space<vmem>>
    %dma_wait3A_1070 = tpu.memref_squeeze %dma_wait3A_1069 : memref<1x128xi32, #tpu.memory_space<vmem>> -> memref<128xi32, #tpu.memory_space<vmem>>
    %dma_wait3A_1071 = arith.constant 0 : i32
    %dma_wait3A_1072 = arith.constant 0 : i32
    %dma_wait3A_1073 = tpu.memref_slice %arg3[%dma_wait3A_1071, %dma_wait3A_1072] : memref<2981888x32xf32, #tpu.memory_space<hbm>> -> memref<2981888x32xf32, #tpu.memory_space<hbm>>
    tpu.wait_indirect_dma semaphore(%arg7 : memref<!tpu.dma_semaphore, #tpu.memory_space<semaphore_mem>>) src(%dma_wait3A_1073 : memref<2981888x32xf32, #tpu.memory_space<hbm>>) dst(%dma_wait3A_1067 : memref<128x32xf32, #tpu.memory_space<vmem>>)
    %dma_wait3A_1074 = arith.constant 32 : i32
    %dma_wait3A_1075 = arith.constant 0 : i32
    %dma_wait3A_1076 = arith.constant 768 : i32
    %dma_wait3A_1077 = arith.constant 0 : i32
    %dma_wait3A_1078 = tpu.memref_slice %arg6[%dma_wait3A_1075, %dma_wait3A_1076, %dma_wait3A_1077] : memref<2x1664x32xf32, #tpu.memory_space<vmem>> -> memref<1x128x32xf32, #tpu.memory_space<vmem>>
    %dma_wait3A_1079 = tpu.memref_squeeze %dma_wait3A_1078 : memref<1x128x32xf32, #tpu.memory_space<vmem>> -> memref<128x32xf32, #tpu.memory_space<vmem>>
    %dma_wait3A_1080 = arith.constant 0 : i32
    %dma_wait3A_1081 = tpu.memref_slice %arg5[%dma_wait3A_1074, %dma_wait3A_1080] : memref<104x128xi32, #tpu.memory_space<vmem>> -> memref<1x128xi32, #tpu.memory_space<vmem>>
    %dma_wait3A_1082 = tpu.memref_squeeze %dma_wait3A_1081 : memref<1x128xi32, #tpu.memory_space<vmem>> -> memref<128xi32, #tpu.memory_space<vmem>>
    %dma_wait3A_1083 = arith.constant 0 : i32
    %dma_wait3A_1084 = arith.constant 0 : i32
    %dma_wait3A_1085 = tpu.memref_slice %arg3[%dma_wait3A_1083, %dma_wait3A_1084] : memref<2981888x32xf32, #tpu.memory_space<hbm>> -> memref<2981888x32xf32, #tpu.memory_space<hbm>>
    tpu.wait_indirect_dma semaphore(%arg7 : memref<!tpu.dma_semaphore, #tpu.memory_space<semaphore_mem>>) src(%dma_wait3A_1085 : memref<2981888x32xf32, #tpu.memory_space<hbm>>) dst(%dma_wait3A_1079 : memref<128x32xf32, #tpu.memory_space<vmem>>)
    %dma_wait3A_1086 = arith.constant 33 : i32
    %dma_wait3A_1087 = arith.constant 0 : i32
    %dma_wait3A_1088 = arith.constant 896 : i32
    %dma_wait3A_1089 = arith.constant 0 : i32
    %dma_wait3A_1090 = tpu.memref_slice %arg6[%dma_wait3A_1087, %dma_wait3A_1088, %dma_wait3A_1089] : memref<2x1664x32xf32, #tpu.memory_space<vmem>> -> memref<1x128x32xf32, #tpu.memory_space<vmem>>
    %dma_wait3A_1091 = tpu.memref_squeeze %dma_wait3A_1090 : memref<1x128x32xf32, #tpu.memory_space<vmem>> -> memref<128x32xf32, #tpu.memory_space<vmem>>
    %dma_wait3A_1092 = arith.constant 0 : i32
    %dma_wait3A_1093 = tpu.memref_slice %arg5[%dma_wait3A_1086, %dma_wait3A_1092] : memref<104x128xi32, #tpu.memory_space<vmem>> -> memref<1x128xi32, #tpu.memory_space<vmem>>
    %dma_wait3A_1094 = tpu.memref_squeeze %dma_wait3A_1093 : memref<1x128xi32, #tpu.memory_space<vmem>> -> memref<128xi32, #tpu.memory_space<vmem>>
    %dma_wait3A_1095 = arith.constant 0 : i32
    %dma_wait3A_1096 = arith.constant 0 : i32
    %dma_wait3A_1097 = tpu.memref_slice %arg3[%dma_wait3A_1095, %dma_wait3A_1096] : memref<2981888x32xf32, #tpu.memory_space<hbm>> -> memref<2981888x32xf32, #tpu.memory_space<hbm>>
    tpu.wait_indirect_dma semaphore(%arg7 : memref<!tpu.dma_semaphore, #tpu.memory_space<semaphore_mem>>) src(%dma_wait3A_1097 : memref<2981888x32xf32, #tpu.memory_space<hbm>>) dst(%dma_wait3A_1091 : memref<128x32xf32, #tpu.memory_space<vmem>>)
    %dma_wait3A_1098 = arith.constant 34 : i32
    %dma_wait3A_1099 = arith.constant 0 : i32
    %dma_wait3A_1100 = arith.constant 1024 : i32
    %dma_wait3A_1101 = arith.constant 0 : i32
    %dma_wait3A_1102 = tpu.memref_slice %arg6[%dma_wait3A_1099, %dma_wait3A_1100, %dma_wait3A_1101] : memref<2x1664x32xf32, #tpu.memory_space<vmem>> -> memref<1x128x32xf32, #tpu.memory_space<vmem>>
    %dma_wait3A_1103 = tpu.memref_squeeze %dma_wait3A_1102 : memref<1x128x32xf32, #tpu.memory_space<vmem>> -> memref<128x32xf32, #tpu.memory_space<vmem>>
    %dma_wait3A_1104 = arith.constant 0 : i32
    %dma_wait3A_1105 = tpu.memref_slice %arg5[%dma_wait3A_1098, %dma_wait3A_1104] : memref<104x128xi32, #tpu.memory_space<vmem>> -> memref<1x128xi32, #tpu.memory_space<vmem>>
    %dma_wait3A_1106 = tpu.memref_squeeze %dma_wait3A_1105 : memref<1x128xi32, #tpu.memory_space<vmem>> -> memref<128xi32, #tpu.memory_space<vmem>>
    %dma_wait3A_1107 = arith.constant 0 : i32
    %dma_wait3A_1108 = arith.constant 0 : i32
    %dma_wait3A_1109 = tpu.memref_slice %arg3[%dma_wait3A_1107, %dma_wait3A_1108] : memref<2981888x32xf32, #tpu.memory_space<hbm>> -> memref<2981888x32xf32, #tpu.memory_space<hbm>>
    tpu.wait_indirect_dma semaphore(%arg7 : memref<!tpu.dma_semaphore, #tpu.memory_space<semaphore_mem>>) src(%dma_wait3A_1109 : memref<2981888x32xf32, #tpu.memory_space<hbm>>) dst(%dma_wait3A_1103 : memref<128x32xf32, #tpu.memory_space<vmem>>)
    %dma_wait3A_1110 = arith.constant 35 : i32
    %dma_wait3A_1111 = arith.constant 0 : i32
    %dma_wait3A_1112 = arith.constant 1152 : i32
    %dma_wait3A_1113 = arith.constant 0 : i32
    %dma_wait3A_1114 = tpu.memref_slice %arg6[%dma_wait3A_1111, %dma_wait3A_1112, %dma_wait3A_1113] : memref<2x1664x32xf32, #tpu.memory_space<vmem>> -> memref<1x128x32xf32, #tpu.memory_space<vmem>>
    %dma_wait3A_1115 = tpu.memref_squeeze %dma_wait3A_1114 : memref<1x128x32xf32, #tpu.memory_space<vmem>> -> memref<128x32xf32, #tpu.memory_space<vmem>>
    %dma_wait3A_1116 = arith.constant 0 : i32
    %dma_wait3A_1117 = tpu.memref_slice %arg5[%dma_wait3A_1110, %dma_wait3A_1116] : memref<104x128xi32, #tpu.memory_space<vmem>> -> memref<1x128xi32, #tpu.memory_space<vmem>>
    %dma_wait3A_1118 = tpu.memref_squeeze %dma_wait3A_1117 : memref<1x128xi32, #tpu.memory_space<vmem>> -> memref<128xi32, #tpu.memory_space<vmem>>
    %dma_wait3A_1119 = arith.constant 0 : i32
    %dma_wait3A_1120 = arith.constant 0 : i32
    %dma_wait3A_1121 = tpu.memref_slice %arg3[%dma_wait3A_1119, %dma_wait3A_1120] : memref<2981888x32xf32, #tpu.memory_space<hbm>> -> memref<2981888x32xf32, #tpu.memory_space<hbm>>
    tpu.wait_indirect_dma semaphore(%arg7 : memref<!tpu.dma_semaphore, #tpu.memory_space<semaphore_mem>>) src(%dma_wait3A_1121 : memref<2981888x32xf32, #tpu.memory_space<hbm>>) dst(%dma_wait3A_1115 : memref<128x32xf32, #tpu.memory_space<vmem>>)
    %dma_wait3A_1122 = arith.constant 36 : i32
    %dma_wait3A_1123 = arith.constant 0 : i32
    %dma_wait3A_1124 = arith.constant 1280 : i32
    %dma_wait3A_1125 = arith.constant 0 : i32
    %dma_wait3A_1126 = tpu.memref_slice %arg6[%dma_wait3A_1123, %dma_wait3A_1124, %dma_wait3A_1125] : memref<2x1664x32xf32, #tpu.memory_space<vmem>> -> memref<1x128x32xf32, #tpu.memory_space<vmem>>
    %dma_wait3A_1127 = tpu.memref_squeeze %dma_wait3A_1126 : memref<1x128x32xf32, #tpu.memory_space<vmem>> -> memref<128x32xf32, #tpu.memory_space<vmem>>
    %dma_wait3A_1128 = arith.constant 0 : i32
    %dma_wait3A_1129 = tpu.memref_slice %arg5[%dma_wait3A_1122, %dma_wait3A_1128] : memref<104x128xi32, #tpu.memory_space<vmem>> -> memref<1x128xi32, #tpu.memory_space<vmem>>
    %dma_wait3A_1130 = tpu.memref_squeeze %dma_wait3A_1129 : memref<1x128xi32, #tpu.memory_space<vmem>> -> memref<128xi32, #tpu.memory_space<vmem>>
    %dma_wait3A_1131 = arith.constant 0 : i32
    %dma_wait3A_1132 = arith.constant 0 : i32
    %dma_wait3A_1133 = tpu.memref_slice %arg3[%dma_wait3A_1131, %dma_wait3A_1132] : memref<2981888x32xf32, #tpu.memory_space<hbm>> -> memref<2981888x32xf32, #tpu.memory_space<hbm>>
    tpu.wait_indirect_dma semaphore(%arg7 : memref<!tpu.dma_semaphore, #tpu.memory_space<semaphore_mem>>) src(%dma_wait3A_1133 : memref<2981888x32xf32, #tpu.memory_space<hbm>>) dst(%dma_wait3A_1127 : memref<128x32xf32, #tpu.memory_space<vmem>>)
    %dma_wait3A_1134 = arith.constant 37 : i32
    %dma_wait3A_1135 = arith.constant 0 : i32
    %dma_wait3A_1136 = arith.constant 1408 : i32
    %dma_wait3A_1137 = arith.constant 0 : i32
    %dma_wait3A_1138 = tpu.memref_slice %arg6[%dma_wait3A_1135, %dma_wait3A_1136, %dma_wait3A_1137] : memref<2x1664x32xf32, #tpu.memory_space<vmem>> -> memref<1x128x32xf32, #tpu.memory_space<vmem>>
    %dma_wait3A_1139 = tpu.memref_squeeze %dma_wait3A_1138 : memref<1x128x32xf32, #tpu.memory_space<vmem>> -> memref<128x32xf32, #tpu.memory_space<vmem>>
    %dma_wait3A_1140 = arith.constant 0 : i32
    %dma_wait3A_1141 = tpu.memref_slice %arg5[%dma_wait3A_1134, %dma_wait3A_1140] : memref<104x128xi32, #tpu.memory_space<vmem>> -> memref<1x128xi32, #tpu.memory_space<vmem>>
    %dma_wait3A_1142 = tpu.memref_squeeze %dma_wait3A_1141 : memref<1x128xi32, #tpu.memory_space<vmem>> -> memref<128xi32, #tpu.memory_space<vmem>>
    %dma_wait3A_1143 = arith.constant 0 : i32
    %dma_wait3A_1144 = arith.constant 0 : i32
    %dma_wait3A_1145 = tpu.memref_slice %arg3[%dma_wait3A_1143, %dma_wait3A_1144] : memref<2981888x32xf32, #tpu.memory_space<hbm>> -> memref<2981888x32xf32, #tpu.memory_space<hbm>>
    tpu.wait_indirect_dma semaphore(%arg7 : memref<!tpu.dma_semaphore, #tpu.memory_space<semaphore_mem>>) src(%dma_wait3A_1145 : memref<2981888x32xf32, #tpu.memory_space<hbm>>) dst(%dma_wait3A_1139 : memref<128x32xf32, #tpu.memory_space<vmem>>)
    %dma_wait3A_1146 = arith.constant 38 : i32
    %dma_wait3A_1147 = arith.constant 0 : i32
    %dma_wait3A_1148 = arith.constant 1536 : i32
    %dma_wait3A_1149 = arith.constant 0 : i32
    %dma_wait3A_1150 = tpu.memref_slice %arg6[%dma_wait3A_1147, %dma_wait3A_1148, %dma_wait3A_1149] : memref<2x1664x32xf32, #tpu.memory_space<vmem>> -> memref<1x128x32xf32, #tpu.memory_space<vmem>>
    %dma_wait3A_1151 = tpu.memref_squeeze %dma_wait3A_1150 : memref<1x128x32xf32, #tpu.memory_space<vmem>> -> memref<128x32xf32, #tpu.memory_space<vmem>>
    %dma_wait3A_1152 = arith.constant 0 : i32
    %dma_wait3A_1153 = tpu.memref_slice %arg5[%dma_wait3A_1146, %dma_wait3A_1152] : memref<104x128xi32, #tpu.memory_space<vmem>> -> memref<1x128xi32, #tpu.memory_space<vmem>>
    %dma_wait3A_1154 = tpu.memref_squeeze %dma_wait3A_1153 : memref<1x128xi32, #tpu.memory_space<vmem>> -> memref<128xi32, #tpu.memory_space<vmem>>
    %dma_wait3A_1155 = arith.constant 0 : i32
    %dma_wait3A_1156 = arith.constant 0 : i32
    %dma_wait3A_1157 = tpu.memref_slice %arg3[%dma_wait3A_1155, %dma_wait3A_1156] : memref<2981888x32xf32, #tpu.memory_space<hbm>> -> memref<2981888x32xf32, #tpu.memory_space<hbm>>
    tpu.wait_indirect_dma semaphore(%arg7 : memref<!tpu.dma_semaphore, #tpu.memory_space<semaphore_mem>>) src(%dma_wait3A_1157 : memref<2981888x32xf32, #tpu.memory_space<hbm>>) dst(%dma_wait3A_1151 : memref<128x32xf32, #tpu.memory_space<vmem>>)
    %mul3A_1158 = arith.constant 13312 : i32
    %mul3A_1159 = arith.muli %add3A, %mul3A_1158 : i32
    %add3A_1160 = arith.constant 3328 : i32
    %add3A_1161 = arith.addi %mul3A_1159, %add3A_1160 : i32
    %dma_start3A_1162 = arith.constant 0 : i32
    %dma_start3A_1163 = arith.constant 0 : i32
    %dma_start3A_1164 = arith.constant 0 : i32
    %dma_start3A_1165 = tpu.memref_slice %arg6[%dma_start3A_1162, %dma_start3A_1163, %dma_start3A_1164] : memref<2x1664x32xf32, #tpu.memory_space<vmem>> -> memref<1x1664x32xf32, #tpu.memory_space<vmem>>
    %dma_start3A_1166 = tpu.memref_squeeze %dma_start3A_1165 : memref<1x1664x32xf32, #tpu.memory_space<vmem>> -> memref<1664x32xf32, #tpu.memory_space<vmem>>
    %dma_start3A_1167 = arith.constant 0 : i32
    %dma_start3A_1168 = tpu.memref_slice %arg4[%add3A_1161, %dma_start3A_1167] : memref<425984x32xf32, #tpu.memory_space<hbm>> -> memref<1664x32xf32, #tpu.memory_space<hbm>>
    %dma_start3A_1169 = arith.constant 0 : i32
    %dma_start3A_1170 = tpu.memref_slice %arg4[%add3A_1161, %dma_start3A_1169] : memref<425984x32xf32, #tpu.memory_space<hbm>> -> memref<1664x32xf32, #tpu.memory_space<hbm>>
    %dma_start3A_1171 = arith.constant 0 : i32
    %dma_start3A_1172 = arith.constant 0 : i32
    %dma_start3A_1173 = tpu.memref_slice %arg6[%dma_start3A_1162, %dma_start3A_1171, %dma_start3A_1172] : memref<2x1664x32xf32, #tpu.memory_space<vmem>> -> memref<1x1664x32xf32, #tpu.memory_space<vmem>>
    %dma_start3A_1174 = tpu.memref_squeeze %dma_start3A_1173 : memref<1x1664x32xf32, #tpu.memory_space<vmem>> -> memref<1664x32xf32, #tpu.memory_space<vmem>>
    tpu.enqueue_dma source(%dma_start3A_1174 : memref<1664x32xf32, #tpu.memory_space<vmem>>) target(%dma_start3A_1170 : memref<1664x32xf32, #tpu.memory_space<hbm>>) target_semaphore(%arg9 : memref<!tpu.dma_semaphore, #tpu.memory_space<semaphore_mem>>)
    %dma_wait3A_1175 = arith.constant 0 : i32
    %dma_wait3A_1176 = arith.constant 0 : i32
    %dma_wait3A_1177 = arith.constant 0 : i32
    %dma_wait3A_1178 = tpu.memref_slice %arg6[%dma_wait3A_1175, %dma_wait3A_1176, %dma_wait3A_1177] : memref<2x1664x32xf32, #tpu.memory_space<vmem>> -> memref<1x1664x32xf32, #tpu.memory_space<vmem>>
    %dma_wait3A_1179 = tpu.memref_squeeze %dma_wait3A_1178 : memref<1x1664x32xf32, #tpu.memory_space<vmem>> -> memref<1664x32xf32, #tpu.memory_space<vmem>>
    %dma_wait3A_1180 = arith.constant 0 : i32
    %dma_wait3A_1181 = tpu.memref_slice %arg4[%add3A_1161, %dma_wait3A_1180] : memref<425984x32xf32, #tpu.memory_space<hbm>> -> memref<1664x32xf32, #tpu.memory_space<hbm>>
    %dma_wait3A_1182 = arith.constant 0 : i32
    %dma_wait3A_1183 = tpu.memref_slice %arg4[%add3A_1161, %dma_wait3A_1182] : memref<425984x32xf32, #tpu.memory_space<hbm>> -> memref<1664x32xf32, #tpu.memory_space<hbm>>
    %dma_wait3A_1184 = arith.constant 0 : i32
    %dma_wait3A_1185 = arith.constant 0 : i32
    %dma_wait3A_1186 = tpu.memref_slice %arg6[%dma_wait3A_1175, %dma_wait3A_1184, %dma_wait3A_1185] : memref<2x1664x32xf32, #tpu.memory_space<vmem>> -> memref<1x1664x32xf32, #tpu.memory_space<vmem>>
    %dma_wait3A_1187 = tpu.memref_squeeze %dma_wait3A_1186 : memref<1x1664x32xf32, #tpu.memory_space<vmem>> -> memref<1664x32xf32, #tpu.memory_space<vmem>>
    tpu.wait_dma2 semaphore(%arg9 : memref<!tpu.dma_semaphore, #tpu.memory_space<semaphore_mem>>) src(%dma_wait3A_1187 : memref<1664x32xf32, #tpu.memory_space<vmem>>) dst(%dma_wait3A_1183 : memref<1664x32xf32, #tpu.memory_space<hbm>>)
    %dma_start3A_1188 = arith.constant 52 : i32
    %dma_start3A_1189 = arith.constant 0 : i32
    %dma_start3A_1190 = arith.constant 0 : i32
    %dma_start3A_1191 = arith.constant 0 : i32
    %dma_start3A_1192 = tpu.memref_slice %arg6[%dma_start3A_1189, %dma_start3A_1190, %dma_start3A_1191] : memref<2x1664x32xf32, #tpu.memory_space<vmem>> -> memref<1x128x32xf32, #tpu.memory_space<vmem>>
    %dma_start3A_1193 = tpu.memref_squeeze %dma_start3A_1192 : memref<1x128x32xf32, #tpu.memory_space<vmem>> -> memref<128x32xf32, #tpu.memory_space<vmem>>
    %dma_start3A_1194 = arith.constant 0 : i32
    %dma_start3A_1195 = tpu.memref_slice %arg5[%dma_start3A_1188, %dma_start3A_1194] : memref<104x128xi32, #tpu.memory_space<vmem>> -> memref<1x128xi32, #tpu.memory_space<vmem>>
    %dma_start3A_1196 = tpu.memref_squeeze %dma_start3A_1195 : memref<1x128xi32, #tpu.memory_space<vmem>> -> memref<128xi32, #tpu.memory_space<vmem>>
    %dma_start3A_1197 = arith.constant 0 : i32
    %dma_start3A_1198 = arith.constant 0 : i32
    %dma_start3A_1199 = tpu.memref_slice %arg3[%dma_start3A_1197, %dma_start3A_1198] : memref<2981888x32xf32, #tpu.memory_space<hbm>> -> memref<2981888x32xf32, #tpu.memory_space<hbm>>
    tpu.enqueue_indirect_dma source(%dma_start3A_1199 : memref<2981888x32xf32, #tpu.memory_space<hbm>>) target(%dma_start3A_1193 : memref<128x32xf32, #tpu.memory_space<vmem>>) offsets(%dma_start3A_1196 : memref<128xi32, #tpu.memory_space<vmem>>) semaphore(%arg7 : memref<!tpu.dma_semaphore, #tpu.memory_space<semaphore_mem>>)
    %dma_start3A_1200 = arith.constant 53 : i32
    %dma_start3A_1201 = arith.constant 0 : i32
    %dma_start3A_1202 = arith.constant 128 : i32
    %dma_start3A_1203 = arith.constant 0 : i32
    %dma_start3A_1204 = tpu.memref_slice %arg6[%dma_start3A_1201, %dma_start3A_1202, %dma_start3A_1203] : memref<2x1664x32xf32, #tpu.memory_space<vmem>> -> memref<1x128x32xf32, #tpu.memory_space<vmem>>
    %dma_start3A_1205 = tpu.memref_squeeze %dma_start3A_1204 : memref<1x128x32xf32, #tpu.memory_space<vmem>> -> memref<128x32xf32, #tpu.memory_space<vmem>>
    %dma_start3A_1206 = arith.constant 0 : i32
    %dma_start3A_1207 = tpu.memref_slice %arg5[%dma_start3A_1200, %dma_start3A_1206] : memref<104x128xi32, #tpu.memory_space<vmem>> -> memref<1x128xi32, #tpu.memory_space<vmem>>
    %dma_start3A_1208 = tpu.memref_squeeze %dma_start3A_1207 : memref<1x128xi32, #tpu.memory_space<vmem>> -> memref<128xi32, #tpu.memory_space<vmem>>
    %dma_start3A_1209 = arith.constant 0 : i32
    %dma_start3A_1210 = arith.constant 0 : i32
    %dma_start3A_1211 = tpu.memref_slice %arg3[%dma_start3A_1209, %dma_start3A_1210] : memref<2981888x32xf32, #tpu.memory_space<hbm>> -> memref<2981888x32xf32, #tpu.memory_space<hbm>>
    tpu.enqueue_indirect_dma source(%dma_start3A_1211 : memref<2981888x32xf32, #tpu.memory_space<hbm>>) target(%dma_start3A_1205 : memref<128x32xf32, #tpu.memory_space<vmem>>) offsets(%dma_start3A_1208 : memref<128xi32, #tpu.memory_space<vmem>>) semaphore(%arg7 : memref<!tpu.dma_semaphore, #tpu.memory_space<semaphore_mem>>)
    %dma_start3A_1212 = arith.constant 54 : i32
    %dma_start3A_1213 = arith.constant 0 : i32
    %dma_start3A_1214 = arith.constant 256 : i32
    %dma_start3A_1215 = arith.constant 0 : i32
    %dma_start3A_1216 = tpu.memref_slice %arg6[%dma_start3A_1213, %dma_start3A_1214, %dma_start3A_1215] : memref<2x1664x32xf32, #tpu.memory_space<vmem>> -> memref<1x128x32xf32, #tpu.memory_space<vmem>>
    %dma_start3A_1217 = tpu.memref_squeeze %dma_start3A_1216 : memref<1x128x32xf32, #tpu.memory_space<vmem>> -> memref<128x32xf32, #tpu.memory_space<vmem>>
    %dma_start3A_1218 = arith.constant 0 : i32
    %dma_start3A_1219 = tpu.memref_slice %arg5[%dma_start3A_1212, %dma_start3A_1218] : memref<104x128xi32, #tpu.memory_space<vmem>> -> memref<1x128xi32, #tpu.memory_space<vmem>>
    %dma_start3A_1220 = tpu.memref_squeeze %dma_start3A_1219 : memref<1x128xi32, #tpu.memory_space<vmem>> -> memref<128xi32, #tpu.memory_space<vmem>>
    %dma_start3A_1221 = arith.constant 0 : i32
    %dma_start3A_1222 = arith.constant 0 : i32
    %dma_start3A_1223 = tpu.memref_slice %arg3[%dma_start3A_1221, %dma_start3A_1222] : memref<2981888x32xf32, #tpu.memory_space<hbm>> -> memref<2981888x32xf32, #tpu.memory_space<hbm>>
    tpu.enqueue_indirect_dma source(%dma_start3A_1223 : memref<2981888x32xf32, #tpu.memory_space<hbm>>) target(%dma_start3A_1217 : memref<128x32xf32, #tpu.memory_space<vmem>>) offsets(%dma_start3A_1220 : memref<128xi32, #tpu.memory_space<vmem>>) semaphore(%arg7 : memref<!tpu.dma_semaphore, #tpu.memory_space<semaphore_mem>>)
    %dma_start3A_1224 = arith.constant 55 : i32
    %dma_start3A_1225 = arith.constant 0 : i32
    %dma_start3A_1226 = arith.constant 384 : i32
    %dma_start3A_1227 = arith.constant 0 : i32
    %dma_start3A_1228 = tpu.memref_slice %arg6[%dma_start3A_1225, %dma_start3A_1226, %dma_start3A_1227] : memref<2x1664x32xf32, #tpu.memory_space<vmem>> -> memref<1x128x32xf32, #tpu.memory_space<vmem>>
    %dma_start3A_1229 = tpu.memref_squeeze %dma_start3A_1228 : memref<1x128x32xf32, #tpu.memory_space<vmem>> -> memref<128x32xf32, #tpu.memory_space<vmem>>
    %dma_start3A_1230 = arith.constant 0 : i32
    %dma_start3A_1231 = tpu.memref_slice %arg5[%dma_start3A_1224, %dma_start3A_1230] : memref<104x128xi32, #tpu.memory_space<vmem>> -> memref<1x128xi32, #tpu.memory_space<vmem>>
    %dma_start3A_1232 = tpu.memref_squeeze %dma_start3A_1231 : memref<1x128xi32, #tpu.memory_space<vmem>> -> memref<128xi32, #tpu.memory_space<vmem>>
    %dma_start3A_1233 = arith.constant 0 : i32
    %dma_start3A_1234 = arith.constant 0 : i32
    %dma_start3A_1235 = tpu.memref_slice %arg3[%dma_start3A_1233, %dma_start3A_1234] : memref<2981888x32xf32, #tpu.memory_space<hbm>> -> memref<2981888x32xf32, #tpu.memory_space<hbm>>
    tpu.enqueue_indirect_dma source(%dma_start3A_1235 : memref<2981888x32xf32, #tpu.memory_space<hbm>>) target(%dma_start3A_1229 : memref<128x32xf32, #tpu.memory_space<vmem>>) offsets(%dma_start3A_1232 : memref<128xi32, #tpu.memory_space<vmem>>) semaphore(%arg7 : memref<!tpu.dma_semaphore, #tpu.memory_space<semaphore_mem>>)
    %dma_start3A_1236 = arith.constant 56 : i32
    %dma_start3A_1237 = arith.constant 0 : i32
    %dma_start3A_1238 = arith.constant 512 : i32
    %dma_start3A_1239 = arith.constant 0 : i32
    %dma_start3A_1240 = tpu.memref_slice %arg6[%dma_start3A_1237, %dma_start3A_1238, %dma_start3A_1239] : memref<2x1664x32xf32, #tpu.memory_space<vmem>> -> memref<1x128x32xf32, #tpu.memory_space<vmem>>
    %dma_start3A_1241 = tpu.memref_squeeze %dma_start3A_1240 : memref<1x128x32xf32, #tpu.memory_space<vmem>> -> memref<128x32xf32, #tpu.memory_space<vmem>>
    %dma_start3A_1242 = arith.constant 0 : i32
    %dma_start3A_1243 = tpu.memref_slice %arg5[%dma_start3A_1236, %dma_start3A_1242] : memref<104x128xi32, #tpu.memory_space<vmem>> -> memref<1x128xi32, #tpu.memory_space<vmem>>
    %dma_start3A_1244 = tpu.memref_squeeze %dma_start3A_1243 : memref<1x128xi32, #tpu.memory_space<vmem>> -> memref<128xi32, #tpu.memory_space<vmem>>
    %dma_start3A_1245 = arith.constant 0 : i32
    %dma_start3A_1246 = arith.constant 0 : i32
    %dma_start3A_1247 = tpu.memref_slice %arg3[%dma_start3A_1245, %dma_start3A_1246] : memref<2981888x32xf32, #tpu.memory_space<hbm>> -> memref<2981888x32xf32, #tpu.memory_space<hbm>>
    tpu.enqueue_indirect_dma source(%dma_start3A_1247 : memref<2981888x32xf32, #tpu.memory_space<hbm>>) target(%dma_start3A_1241 : memref<128x32xf32, #tpu.memory_space<vmem>>) offsets(%dma_start3A_1244 : memref<128xi32, #tpu.memory_space<vmem>>) semaphore(%arg7 : memref<!tpu.dma_semaphore, #tpu.memory_space<semaphore_mem>>)
    %dma_start3A_1248 = arith.constant 57 : i32
    %dma_start3A_1249 = arith.constant 0 : i32
    %dma_start3A_1250 = arith.constant 640 : i32
    %dma_start3A_1251 = arith.constant 0 : i32
    %dma_start3A_1252 = tpu.memref_slice %arg6[%dma_start3A_1249, %dma_start3A_1250, %dma_start3A_1251] : memref<2x1664x32xf32, #tpu.memory_space<vmem>> -> memref<1x128x32xf32, #tpu.memory_space<vmem>>
    %dma_start3A_1253 = tpu.memref_squeeze %dma_start3A_1252 : memref<1x128x32xf32, #tpu.memory_space<vmem>> -> memref<128x32xf32, #tpu.memory_space<vmem>>
    %dma_start3A_1254 = arith.constant 0 : i32
    %dma_start3A_1255 = tpu.memref_slice %arg5[%dma_start3A_1248, %dma_start3A_1254] : memref<104x128xi32, #tpu.memory_space<vmem>> -> memref<1x128xi32, #tpu.memory_space<vmem>>
    %dma_start3A_1256 = tpu.memref_squeeze %dma_start3A_1255 : memref<1x128xi32, #tpu.memory_space<vmem>> -> memref<128xi32, #tpu.memory_space<vmem>>
    %dma_start3A_1257 = arith.constant 0 : i32
    %dma_start3A_1258 = arith.constant 0 : i32
    %dma_start3A_1259 = tpu.memref_slice %arg3[%dma_start3A_1257, %dma_start3A_1258] : memref<2981888x32xf32, #tpu.memory_space<hbm>> -> memref<2981888x32xf32, #tpu.memory_space<hbm>>
    tpu.enqueue_indirect_dma source(%dma_start3A_1259 : memref<2981888x32xf32, #tpu.memory_space<hbm>>) target(%dma_start3A_1253 : memref<128x32xf32, #tpu.memory_space<vmem>>) offsets(%dma_start3A_1256 : memref<128xi32, #tpu.memory_space<vmem>>) semaphore(%arg7 : memref<!tpu.dma_semaphore, #tpu.memory_space<semaphore_mem>>)
    %dma_start3A_1260 = arith.constant 58 : i32
    %dma_start3A_1261 = arith.constant 0 : i32
    %dma_start3A_1262 = arith.constant 768 : i32
    %dma_start3A_1263 = arith.constant 0 : i32
    %dma_start3A_1264 = tpu.memref_slice %arg6[%dma_start3A_1261, %dma_start3A_1262, %dma_start3A_1263] : memref<2x1664x32xf32, #tpu.memory_space<vmem>> -> memref<1x128x32xf32, #tpu.memory_space<vmem>>
    %dma_start3A_1265 = tpu.memref_squeeze %dma_start3A_1264 : memref<1x128x32xf32, #tpu.memory_space<vmem>> -> memref<128x32xf32, #tpu.memory_space<vmem>>
    %dma_start3A_1266 = arith.constant 0 : i32
    %dma_start3A_1267 = tpu.memref_slice %arg5[%dma_start3A_1260, %dma_start3A_1266] : memref<104x128xi32, #tpu.memory_space<vmem>> -> memref<1x128xi32, #tpu.memory_space<vmem>>
    %dma_start3A_1268 = tpu.memref_squeeze %dma_start3A_1267 : memref<1x128xi32, #tpu.memory_space<vmem>> -> memref<128xi32, #tpu.memory_space<vmem>>
    %dma_start3A_1269 = arith.constant 0 : i32
    %dma_start3A_1270 = arith.constant 0 : i32
    %dma_start3A_1271 = tpu.memref_slice %arg3[%dma_start3A_1269, %dma_start3A_1270] : memref<2981888x32xf32, #tpu.memory_space<hbm>> -> memref<2981888x32xf32, #tpu.memory_space<hbm>>
    tpu.enqueue_indirect_dma source(%dma_start3A_1271 : memref<2981888x32xf32, #tpu.memory_space<hbm>>) target(%dma_start3A_1265 : memref<128x32xf32, #tpu.memory_space<vmem>>) offsets(%dma_start3A_1268 : memref<128xi32, #tpu.memory_space<vmem>>) semaphore(%arg7 : memref<!tpu.dma_semaphore, #tpu.memory_space<semaphore_mem>>)
    %dma_start3A_1272 = arith.constant 59 : i32
    %dma_start3A_1273 = arith.constant 0 : i32
    %dma_start3A_1274 = arith.constant 896 : i32
    %dma_start3A_1275 = arith.constant 0 : i32
    %dma_start3A_1276 = tpu.memref_slice %arg6[%dma_start3A_1273, %dma_start3A_1274, %dma_start3A_1275] : memref<2x1664x32xf32, #tpu.memory_space<vmem>> -> memref<1x128x32xf32, #tpu.memory_space<vmem>>
    %dma_start3A_1277 = tpu.memref_squeeze %dma_start3A_1276 : memref<1x128x32xf32, #tpu.memory_space<vmem>> -> memref<128x32xf32, #tpu.memory_space<vmem>>
    %dma_start3A_1278 = arith.constant 0 : i32
    %dma_start3A_1279 = tpu.memref_slice %arg5[%dma_start3A_1272, %dma_start3A_1278] : memref<104x128xi32, #tpu.memory_space<vmem>> -> memref<1x128xi32, #tpu.memory_space<vmem>>
    %dma_start3A_1280 = tpu.memref_squeeze %dma_start3A_1279 : memref<1x128xi32, #tpu.memory_space<vmem>> -> memref<128xi32, #tpu.memory_space<vmem>>
    %dma_start3A_1281 = arith.constant 0 : i32
    %dma_start3A_1282 = arith.constant 0 : i32
    %dma_start3A_1283 = tpu.memref_slice %arg3[%dma_start3A_1281, %dma_start3A_1282] : memref<2981888x32xf32, #tpu.memory_space<hbm>> -> memref<2981888x32xf32, #tpu.memory_space<hbm>>
    tpu.enqueue_indirect_dma source(%dma_start3A_1283 : memref<2981888x32xf32, #tpu.memory_space<hbm>>) target(%dma_start3A_1277 : memref<128x32xf32, #tpu.memory_space<vmem>>) offsets(%dma_start3A_1280 : memref<128xi32, #tpu.memory_space<vmem>>) semaphore(%arg7 : memref<!tpu.dma_semaphore, #tpu.memory_space<semaphore_mem>>)
    %dma_start3A_1284 = arith.constant 60 : i32
    %dma_start3A_1285 = arith.constant 0 : i32
    %dma_start3A_1286 = arith.constant 1024 : i32
    %dma_start3A_1287 = arith.constant 0 : i32
    %dma_start3A_1288 = tpu.memref_slice %arg6[%dma_start3A_1285, %dma_start3A_1286, %dma_start3A_1287] : memref<2x1664x32xf32, #tpu.memory_space<vmem>> -> memref<1x128x32xf32, #tpu.memory_space<vmem>>
    %dma_start3A_1289 = tpu.memref_squeeze %dma_start3A_1288 : memref<1x128x32xf32, #tpu.memory_space<vmem>> -> memref<128x32xf32, #tpu.memory_space<vmem>>
    %dma_start3A_1290 = arith.constant 0 : i32
    %dma_start3A_1291 = tpu.memref_slice %arg5[%dma_start3A_1284, %dma_start3A_1290] : memref<104x128xi32, #tpu.memory_space<vmem>> -> memref<1x128xi32, #tpu.memory_space<vmem>>
    %dma_start3A_1292 = tpu.memref_squeeze %dma_start3A_1291 : memref<1x128xi32, #tpu.memory_space<vmem>> -> memref<128xi32, #tpu.memory_space<vmem>>
    %dma_start3A_1293 = arith.constant 0 : i32
    %dma_start3A_1294 = arith.constant 0 : i32
    %dma_start3A_1295 = tpu.memref_slice %arg3[%dma_start3A_1293, %dma_start3A_1294] : memref<2981888x32xf32, #tpu.memory_space<hbm>> -> memref<2981888x32xf32, #tpu.memory_space<hbm>>
    tpu.enqueue_indirect_dma source(%dma_start3A_1295 : memref<2981888x32xf32, #tpu.memory_space<hbm>>) target(%dma_start3A_1289 : memref<128x32xf32, #tpu.memory_space<vmem>>) offsets(%dma_start3A_1292 : memref<128xi32, #tpu.memory_space<vmem>>) semaphore(%arg7 : memref<!tpu.dma_semaphore, #tpu.memory_space<semaphore_mem>>)
    %dma_start3A_1296 = arith.constant 61 : i32
    %dma_start3A_1297 = arith.constant 0 : i32
    %dma_start3A_1298 = arith.constant 1152 : i32
    %dma_start3A_1299 = arith.constant 0 : i32
    %dma_start3A_1300 = tpu.memref_slice %arg6[%dma_start3A_1297, %dma_start3A_1298, %dma_start3A_1299] : memref<2x1664x32xf32, #tpu.memory_space<vmem>> -> memref<1x128x32xf32, #tpu.memory_space<vmem>>
    %dma_start3A_1301 = tpu.memref_squeeze %dma_start3A_1300 : memref<1x128x32xf32, #tpu.memory_space<vmem>> -> memref<128x32xf32, #tpu.memory_space<vmem>>
    %dma_start3A_1302 = arith.constant 0 : i32
    %dma_start3A_1303 = tpu.memref_slice %arg5[%dma_start3A_1296, %dma_start3A_1302] : memref<104x128xi32, #tpu.memory_space<vmem>> -> memref<1x128xi32, #tpu.memory_space<vmem>>
    %dma_start3A_1304 = tpu.memref_squeeze %dma_start3A_1303 : memref<1x128xi32, #tpu.memory_space<vmem>> -> memref<128xi32, #tpu.memory_space<vmem>>
    %dma_start3A_1305 = arith.constant 0 : i32
    %dma_start3A_1306 = arith.constant 0 : i32
    %dma_start3A_1307 = tpu.memref_slice %arg3[%dma_start3A_1305, %dma_start3A_1306] : memref<2981888x32xf32, #tpu.memory_space<hbm>> -> memref<2981888x32xf32, #tpu.memory_space<hbm>>
    tpu.enqueue_indirect_dma source(%dma_start3A_1307 : memref<2981888x32xf32, #tpu.memory_space<hbm>>) target(%dma_start3A_1301 : memref<128x32xf32, #tpu.memory_space<vmem>>) offsets(%dma_start3A_1304 : memref<128xi32, #tpu.memory_space<vmem>>) semaphore(%arg7 : memref<!tpu.dma_semaphore, #tpu.memory_space<semaphore_mem>>)
    %dma_start3A_1308 = arith.constant 62 : i32
    %dma_start3A_1309 = arith.constant 0 : i32
    %dma_start3A_1310 = arith.constant 1280 : i32
    %dma_start3A_1311 = arith.constant 0 : i32
    %dma_start3A_1312 = tpu.memref_slice %arg6[%dma_start3A_1309, %dma_start3A_1310, %dma_start3A_1311] : memref<2x1664x32xf32, #tpu.memory_space<vmem>> -> memref<1x128x32xf32, #tpu.memory_space<vmem>>
    %dma_start3A_1313 = tpu.memref_squeeze %dma_start3A_1312 : memref<1x128x32xf32, #tpu.memory_space<vmem>> -> memref<128x32xf32, #tpu.memory_space<vmem>>
    %dma_start3A_1314 = arith.constant 0 : i32
    %dma_start3A_1315 = tpu.memref_slice %arg5[%dma_start3A_1308, %dma_start3A_1314] : memref<104x128xi32, #tpu.memory_space<vmem>> -> memref<1x128xi32, #tpu.memory_space<vmem>>
    %dma_start3A_1316 = tpu.memref_squeeze %dma_start3A_1315 : memref<1x128xi32, #tpu.memory_space<vmem>> -> memref<128xi32, #tpu.memory_space<vmem>>
    %dma_start3A_1317 = arith.constant 0 : i32
    %dma_start3A_1318 = arith.constant 0 : i32
    %dma_start3A_1319 = tpu.memref_slice %arg3[%dma_start3A_1317, %dma_start3A_1318] : memref<2981888x32xf32, #tpu.memory_space<hbm>> -> memref<2981888x32xf32, #tpu.memory_space<hbm>>
    tpu.enqueue_indirect_dma source(%dma_start3A_1319 : memref<2981888x32xf32, #tpu.memory_space<hbm>>) target(%dma_start3A_1313 : memref<128x32xf32, #tpu.memory_space<vmem>>) offsets(%dma_start3A_1316 : memref<128xi32, #tpu.memory_space<vmem>>) semaphore(%arg7 : memref<!tpu.dma_semaphore, #tpu.memory_space<semaphore_mem>>)
    %dma_start3A_1320 = arith.constant 63 : i32
    %dma_start3A_1321 = arith.constant 0 : i32
    %dma_start3A_1322 = arith.constant 1408 : i32
    %dma_start3A_1323 = arith.constant 0 : i32
    %dma_start3A_1324 = tpu.memref_slice %arg6[%dma_start3A_1321, %dma_start3A_1322, %dma_start3A_1323] : memref<2x1664x32xf32, #tpu.memory_space<vmem>> -> memref<1x128x32xf32, #tpu.memory_space<vmem>>
    %dma_start3A_1325 = tpu.memref_squeeze %dma_start3A_1324 : memref<1x128x32xf32, #tpu.memory_space<vmem>> -> memref<128x32xf32, #tpu.memory_space<vmem>>
    %dma_start3A_1326 = arith.constant 0 : i32
    %dma_start3A_1327 = tpu.memref_slice %arg5[%dma_start3A_1320, %dma_start3A_1326] : memref<104x128xi32, #tpu.memory_space<vmem>> -> memref<1x128xi32, #tpu.memory_space<vmem>>
    %dma_start3A_1328 = tpu.memref_squeeze %dma_start3A_1327 : memref<1x128xi32, #tpu.memory_space<vmem>> -> memref<128xi32, #tpu.memory_space<vmem>>
    %dma_start3A_1329 = arith.constant 0 : i32
    %dma_start3A_1330 = arith.constant 0 : i32
    %dma_start3A_1331 = tpu.memref_slice %arg3[%dma_start3A_1329, %dma_start3A_1330] : memref<2981888x32xf32, #tpu.memory_space<hbm>> -> memref<2981888x32xf32, #tpu.memory_space<hbm>>
    tpu.enqueue_indirect_dma source(%dma_start3A_1331 : memref<2981888x32xf32, #tpu.memory_space<hbm>>) target(%dma_start3A_1325 : memref<128x32xf32, #tpu.memory_space<vmem>>) offsets(%dma_start3A_1328 : memref<128xi32, #tpu.memory_space<vmem>>) semaphore(%arg7 : memref<!tpu.dma_semaphore, #tpu.memory_space<semaphore_mem>>)
    %dma_start3A_1332 = arith.constant 64 : i32
    %dma_start3A_1333 = arith.constant 0 : i32
    %dma_start3A_1334 = arith.constant 1536 : i32
    %dma_start3A_1335 = arith.constant 0 : i32
    %dma_start3A_1336 = tpu.memref_slice %arg6[%dma_start3A_1333, %dma_start3A_1334, %dma_start3A_1335] : memref<2x1664x32xf32, #tpu.memory_space<vmem>> -> memref<1x128x32xf32, #tpu.memory_space<vmem>>
    %dma_start3A_1337 = tpu.memref_squeeze %dma_start3A_1336 : memref<1x128x32xf32, #tpu.memory_space<vmem>> -> memref<128x32xf32, #tpu.memory_space<vmem>>
    %dma_start3A_1338 = arith.constant 0 : i32
    %dma_start3A_1339 = tpu.memref_slice %arg5[%dma_start3A_1332, %dma_start3A_1338] : memref<104x128xi32, #tpu.memory_space<vmem>> -> memref<1x128xi32, #tpu.memory_space<vmem>>
    %dma_start3A_1340 = tpu.memref_squeeze %dma_start3A_1339 : memref<1x128xi32, #tpu.memory_space<vmem>> -> memref<128xi32, #tpu.memory_space<vmem>>
    %dma_start3A_1341 = arith.constant 0 : i32
    %dma_start3A_1342 = arith.constant 0 : i32
    %dma_start3A_1343 = tpu.memref_slice %arg3[%dma_start3A_1341, %dma_start3A_1342] : memref<2981888x32xf32, #tpu.memory_space<hbm>> -> memref<2981888x32xf32, #tpu.memory_space<hbm>>
    tpu.enqueue_indirect_dma source(%dma_start3A_1343 : memref<2981888x32xf32, #tpu.memory_space<hbm>>) target(%dma_start3A_1337 : memref<128x32xf32, #tpu.memory_space<vmem>>) offsets(%dma_start3A_1340 : memref<128xi32, #tpu.memory_space<vmem>>) semaphore(%arg7 : memref<!tpu.dma_semaphore, #tpu.memory_space<semaphore_mem>>)
    %dma_wait3A_1344 = arith.constant 39 : i32
    %dma_wait3A_1345 = arith.constant 1 : i32
    %dma_wait3A_1346 = arith.constant 0 : i32
    %dma_wait3A_1347 = arith.constant 0 : i32
    %dma_wait3A_1348 = tpu.memref_slice %arg6[%dma_wait3A_1345, %dma_wait3A_1346, %dma_wait3A_1347] : memref<2x1664x32xf32, #tpu.memory_space<vmem>> -> memref<1x128x32xf32, #tpu.memory_space<vmem>>
    %dma_wait3A_1349 = tpu.memref_squeeze %dma_wait3A_1348 : memref<1x128x32xf32, #tpu.memory_space<vmem>> -> memref<128x32xf32, #tpu.memory_space<vmem>>
    %dma_wait3A_1350 = arith.constant 0 : i32
    %dma_wait3A_1351 = tpu.memref_slice %arg5[%dma_wait3A_1344, %dma_wait3A_1350] : memref<104x128xi32, #tpu.memory_space<vmem>> -> memref<1x128xi32, #tpu.memory_space<vmem>>
    %dma_wait3A_1352 = tpu.memref_squeeze %dma_wait3A_1351 : memref<1x128xi32, #tpu.memory_space<vmem>> -> memref<128xi32, #tpu.memory_space<vmem>>
    %dma_wait3A_1353 = arith.constant 0 : i32
    %dma_wait3A_1354 = arith.constant 0 : i32
    %dma_wait3A_1355 = tpu.memref_slice %arg3[%dma_wait3A_1353, %dma_wait3A_1354] : memref<2981888x32xf32, #tpu.memory_space<hbm>> -> memref<2981888x32xf32, #tpu.memory_space<hbm>>
    tpu.wait_indirect_dma semaphore(%arg8 : memref<!tpu.dma_semaphore, #tpu.memory_space<semaphore_mem>>) src(%dma_wait3A_1355 : memref<2981888x32xf32, #tpu.memory_space<hbm>>) dst(%dma_wait3A_1349 : memref<128x32xf32, #tpu.memory_space<vmem>>)
    %dma_wait3A_1356 = arith.constant 40 : i32
    %dma_wait3A_1357 = arith.constant 1 : i32
    %dma_wait3A_1358 = arith.constant 128 : i32
    %dma_wait3A_1359 = arith.constant 0 : i32
    %dma_wait3A_1360 = tpu.memref_slice %arg6[%dma_wait3A_1357, %dma_wait3A_1358, %dma_wait3A_1359] : memref<2x1664x32xf32, #tpu.memory_space<vmem>> -> memref<1x128x32xf32, #tpu.memory_space<vmem>>
    %dma_wait3A_1361 = tpu.memref_squeeze %dma_wait3A_1360 : memref<1x128x32xf32, #tpu.memory_space<vmem>> -> memref<128x32xf32, #tpu.memory_space<vmem>>
    %dma_wait3A_1362 = arith.constant 0 : i32
    %dma_wait3A_1363 = tpu.memref_slice %arg5[%dma_wait3A_1356, %dma_wait3A_1362] : memref<104x128xi32, #tpu.memory_space<vmem>> -> memref<1x128xi32, #tpu.memory_space<vmem>>
    %dma_wait3A_1364 = tpu.memref_squeeze %dma_wait3A_1363 : memref<1x128xi32, #tpu.memory_space<vmem>> -> memref<128xi32, #tpu.memory_space<vmem>>
    %dma_wait3A_1365 = arith.constant 0 : i32
    %dma_wait3A_1366 = arith.constant 0 : i32
    %dma_wait3A_1367 = tpu.memref_slice %arg3[%dma_wait3A_1365, %dma_wait3A_1366] : memref<2981888x32xf32, #tpu.memory_space<hbm>> -> memref<2981888x32xf32, #tpu.memory_space<hbm>>
    tpu.wait_indirect_dma semaphore(%arg8 : memref<!tpu.dma_semaphore, #tpu.memory_space<semaphore_mem>>) src(%dma_wait3A_1367 : memref<2981888x32xf32, #tpu.memory_space<hbm>>) dst(%dma_wait3A_1361 : memref<128x32xf32, #tpu.memory_space<vmem>>)
    %dma_wait3A_1368 = arith.constant 41 : i32
    %dma_wait3A_1369 = arith.constant 1 : i32
    %dma_wait3A_1370 = arith.constant 256 : i32
    %dma_wait3A_1371 = arith.constant 0 : i32
    %dma_wait3A_1372 = tpu.memref_slice %arg6[%dma_wait3A_1369, %dma_wait3A_1370, %dma_wait3A_1371] : memref<2x1664x32xf32, #tpu.memory_space<vmem>> -> memref<1x128x32xf32, #tpu.memory_space<vmem>>
    %dma_wait3A_1373 = tpu.memref_squeeze %dma_wait3A_1372 : memref<1x128x32xf32, #tpu.memory_space<vmem>> -> memref<128x32xf32, #tpu.memory_space<vmem>>
    %dma_wait3A_1374 = arith.constant 0 : i32
    %dma_wait3A_1375 = tpu.memref_slice %arg5[%dma_wait3A_1368, %dma_wait3A_1374] : memref<104x128xi32, #tpu.memory_space<vmem>> -> memref<1x128xi32, #tpu.memory_space<vmem>>
    %dma_wait3A_1376 = tpu.memref_squeeze %dma_wait3A_1375 : memref<1x128xi32, #tpu.memory_space<vmem>> -> memref<128xi32, #tpu.memory_space<vmem>>
    %dma_wait3A_1377 = arith.constant 0 : i32
    %dma_wait3A_1378 = arith.constant 0 : i32
    %dma_wait3A_1379 = tpu.memref_slice %arg3[%dma_wait3A_1377, %dma_wait3A_1378] : memref<2981888x32xf32, #tpu.memory_space<hbm>> -> memref<2981888x32xf32, #tpu.memory_space<hbm>>
    tpu.wait_indirect_dma semaphore(%arg8 : memref<!tpu.dma_semaphore, #tpu.memory_space<semaphore_mem>>) src(%dma_wait3A_1379 : memref<2981888x32xf32, #tpu.memory_space<hbm>>) dst(%dma_wait3A_1373 : memref<128x32xf32, #tpu.memory_space<vmem>>)
    %dma_wait3A_1380 = arith.constant 42 : i32
    %dma_wait3A_1381 = arith.constant 1 : i32
    %dma_wait3A_1382 = arith.constant 384 : i32
    %dma_wait3A_1383 = arith.constant 0 : i32
    %dma_wait3A_1384 = tpu.memref_slice %arg6[%dma_wait3A_1381, %dma_wait3A_1382, %dma_wait3A_1383] : memref<2x1664x32xf32, #tpu.memory_space<vmem>> -> memref<1x128x32xf32, #tpu.memory_space<vmem>>
    %dma_wait3A_1385 = tpu.memref_squeeze %dma_wait3A_1384 : memref<1x128x32xf32, #tpu.memory_space<vmem>> -> memref<128x32xf32, #tpu.memory_space<vmem>>
    %dma_wait3A_1386 = arith.constant 0 : i32
    %dma_wait3A_1387 = tpu.memref_slice %arg5[%dma_wait3A_1380, %dma_wait3A_1386] : memref<104x128xi32, #tpu.memory_space<vmem>> -> memref<1x128xi32, #tpu.memory_space<vmem>>
    %dma_wait3A_1388 = tpu.memref_squeeze %dma_wait3A_1387 : memref<1x128xi32, #tpu.memory_space<vmem>> -> memref<128xi32, #tpu.memory_space<vmem>>
    %dma_wait3A_1389 = arith.constant 0 : i32
    %dma_wait3A_1390 = arith.constant 0 : i32
    %dma_wait3A_1391 = tpu.memref_slice %arg3[%dma_wait3A_1389, %dma_wait3A_1390] : memref<2981888x32xf32, #tpu.memory_space<hbm>> -> memref<2981888x32xf32, #tpu.memory_space<hbm>>
    tpu.wait_indirect_dma semaphore(%arg8 : memref<!tpu.dma_semaphore, #tpu.memory_space<semaphore_mem>>) src(%dma_wait3A_1391 : memref<2981888x32xf32, #tpu.memory_space<hbm>>) dst(%dma_wait3A_1385 : memref<128x32xf32, #tpu.memory_space<vmem>>)
    %dma_wait3A_1392 = arith.constant 43 : i32
    %dma_wait3A_1393 = arith.constant 1 : i32
    %dma_wait3A_1394 = arith.constant 512 : i32
    %dma_wait3A_1395 = arith.constant 0 : i32
    %dma_wait3A_1396 = tpu.memref_slice %arg6[%dma_wait3A_1393, %dma_wait3A_1394, %dma_wait3A_1395] : memref<2x1664x32xf32, #tpu.memory_space<vmem>> -> memref<1x128x32xf32, #tpu.memory_space<vmem>>
    %dma_wait3A_1397 = tpu.memref_squeeze %dma_wait3A_1396 : memref<1x128x32xf32, #tpu.memory_space<vmem>> -> memref<128x32xf32, #tpu.memory_space<vmem>>
    %dma_wait3A_1398 = arith.constant 0 : i32
    %dma_wait3A_1399 = tpu.memref_slice %arg5[%dma_wait3A_1392, %dma_wait3A_1398] : memref<104x128xi32, #tpu.memory_space<vmem>> -> memref<1x128xi32, #tpu.memory_space<vmem>>
    %dma_wait3A_1400 = tpu.memref_squeeze %dma_wait3A_1399 : memref<1x128xi32, #tpu.memory_space<vmem>> -> memref<128xi32, #tpu.memory_space<vmem>>
    %dma_wait3A_1401 = arith.constant 0 : i32
    %dma_wait3A_1402 = arith.constant 0 : i32
    %dma_wait3A_1403 = tpu.memref_slice %arg3[%dma_wait3A_1401, %dma_wait3A_1402] : memref<2981888x32xf32, #tpu.memory_space<hbm>> -> memref<2981888x32xf32, #tpu.memory_space<hbm>>
    tpu.wait_indirect_dma semaphore(%arg8 : memref<!tpu.dma_semaphore, #tpu.memory_space<semaphore_mem>>) src(%dma_wait3A_1403 : memref<2981888x32xf32, #tpu.memory_space<hbm>>) dst(%dma_wait3A_1397 : memref<128x32xf32, #tpu.memory_space<vmem>>)
    %dma_wait3A_1404 = arith.constant 44 : i32
    %dma_wait3A_1405 = arith.constant 1 : i32
    %dma_wait3A_1406 = arith.constant 640 : i32
    %dma_wait3A_1407 = arith.constant 0 : i32
    %dma_wait3A_1408 = tpu.memref_slice %arg6[%dma_wait3A_1405, %dma_wait3A_1406, %dma_wait3A_1407] : memref<2x1664x32xf32, #tpu.memory_space<vmem>> -> memref<1x128x32xf32, #tpu.memory_space<vmem>>
    %dma_wait3A_1409 = tpu.memref_squeeze %dma_wait3A_1408 : memref<1x128x32xf32, #tpu.memory_space<vmem>> -> memref<128x32xf32, #tpu.memory_space<vmem>>
    %dma_wait3A_1410 = arith.constant 0 : i32
    %dma_wait3A_1411 = tpu.memref_slice %arg5[%dma_wait3A_1404, %dma_wait3A_1410] : memref<104x128xi32, #tpu.memory_space<vmem>> -> memref<1x128xi32, #tpu.memory_space<vmem>>
    %dma_wait3A_1412 = tpu.memref_squeeze %dma_wait3A_1411 : memref<1x128xi32, #tpu.memory_space<vmem>> -> memref<128xi32, #tpu.memory_space<vmem>>
    %dma_wait3A_1413 = arith.constant 0 : i32
    %dma_wait3A_1414 = arith.constant 0 : i32
    %dma_wait3A_1415 = tpu.memref_slice %arg3[%dma_wait3A_1413, %dma_wait3A_1414] : memref<2981888x32xf32, #tpu.memory_space<hbm>> -> memref<2981888x32xf32, #tpu.memory_space<hbm>>
    tpu.wait_indirect_dma semaphore(%arg8 : memref<!tpu.dma_semaphore, #tpu.memory_space<semaphore_mem>>) src(%dma_wait3A_1415 : memref<2981888x32xf32, #tpu.memory_space<hbm>>) dst(%dma_wait3A_1409 : memref<128x32xf32, #tpu.memory_space<vmem>>)
    %dma_wait3A_1416 = arith.constant 45 : i32
    %dma_wait3A_1417 = arith.constant 1 : i32
    %dma_wait3A_1418 = arith.constant 768 : i32
    %dma_wait3A_1419 = arith.constant 0 : i32
    %dma_wait3A_1420 = tpu.memref_slice %arg6[%dma_wait3A_1417, %dma_wait3A_1418, %dma_wait3A_1419] : memref<2x1664x32xf32, #tpu.memory_space<vmem>> -> memref<1x128x32xf32, #tpu.memory_space<vmem>>
    %dma_wait3A_1421 = tpu.memref_squeeze %dma_wait3A_1420 : memref<1x128x32xf32, #tpu.memory_space<vmem>> -> memref<128x32xf32, #tpu.memory_space<vmem>>
    %dma_wait3A_1422 = arith.constant 0 : i32
    %dma_wait3A_1423 = tpu.memref_slice %arg5[%dma_wait3A_1416, %dma_wait3A_1422] : memref<104x128xi32, #tpu.memory_space<vmem>> -> memref<1x128xi32, #tpu.memory_space<vmem>>
    %dma_wait3A_1424 = tpu.memref_squeeze %dma_wait3A_1423 : memref<1x128xi32, #tpu.memory_space<vmem>> -> memref<128xi32, #tpu.memory_space<vmem>>
    %dma_wait3A_1425 = arith.constant 0 : i32
    %dma_wait3A_1426 = arith.constant 0 : i32
    %dma_wait3A_1427 = tpu.memref_slice %arg3[%dma_wait3A_1425, %dma_wait3A_1426] : memref<2981888x32xf32, #tpu.memory_space<hbm>> -> memref<2981888x32xf32, #tpu.memory_space<hbm>>
    tpu.wait_indirect_dma semaphore(%arg8 : memref<!tpu.dma_semaphore, #tpu.memory_space<semaphore_mem>>) src(%dma_wait3A_1427 : memref<2981888x32xf32, #tpu.memory_space<hbm>>) dst(%dma_wait3A_1421 : memref<128x32xf32, #tpu.memory_space<vmem>>)
    %dma_wait3A_1428 = arith.constant 46 : i32
    %dma_wait3A_1429 = arith.constant 1 : i32
    %dma_wait3A_1430 = arith.constant 896 : i32
    %dma_wait3A_1431 = arith.constant 0 : i32
    %dma_wait3A_1432 = tpu.memref_slice %arg6[%dma_wait3A_1429, %dma_wait3A_1430, %dma_wait3A_1431] : memref<2x1664x32xf32, #tpu.memory_space<vmem>> -> memref<1x128x32xf32, #tpu.memory_space<vmem>>
    %dma_wait3A_1433 = tpu.memref_squeeze %dma_wait3A_1432 : memref<1x128x32xf32, #tpu.memory_space<vmem>> -> memref<128x32xf32, #tpu.memory_space<vmem>>
    %dma_wait3A_1434 = arith.constant 0 : i32
    %dma_wait3A_1435 = tpu.memref_slice %arg5[%dma_wait3A_1428, %dma_wait3A_1434] : memref<104x128xi32, #tpu.memory_space<vmem>> -> memref<1x128xi32, #tpu.memory_space<vmem>>
    %dma_wait3A_1436 = tpu.memref_squeeze %dma_wait3A_1435 : memref<1x128xi32, #tpu.memory_space<vmem>> -> memref<128xi32, #tpu.memory_space<vmem>>
    %dma_wait3A_1437 = arith.constant 0 : i32
    %dma_wait3A_1438 = arith.constant 0 : i32
    %dma_wait3A_1439 = tpu.memref_slice %arg3[%dma_wait3A_1437, %dma_wait3A_1438] : memref<2981888x32xf32, #tpu.memory_space<hbm>> -> memref<2981888x32xf32, #tpu.memory_space<hbm>>
    tpu.wait_indirect_dma semaphore(%arg8 : memref<!tpu.dma_semaphore, #tpu.memory_space<semaphore_mem>>) src(%dma_wait3A_1439 : memref<2981888x32xf32, #tpu.memory_space<hbm>>) dst(%dma_wait3A_1433 : memref<128x32xf32, #tpu.memory_space<vmem>>)
    %dma_wait3A_1440 = arith.constant 47 : i32
    %dma_wait3A_1441 = arith.constant 1 : i32
    %dma_wait3A_1442 = arith.constant 1024 : i32
    %dma_wait3A_1443 = arith.constant 0 : i32
    %dma_wait3A_1444 = tpu.memref_slice %arg6[%dma_wait3A_1441, %dma_wait3A_1442, %dma_wait3A_1443] : memref<2x1664x32xf32, #tpu.memory_space<vmem>> -> memref<1x128x32xf32, #tpu.memory_space<vmem>>
    %dma_wait3A_1445 = tpu.memref_squeeze %dma_wait3A_1444 : memref<1x128x32xf32, #tpu.memory_space<vmem>> -> memref<128x32xf32, #tpu.memory_space<vmem>>
    %dma_wait3A_1446 = arith.constant 0 : i32
    %dma_wait3A_1447 = tpu.memref_slice %arg5[%dma_wait3A_1440, %dma_wait3A_1446] : memref<104x128xi32, #tpu.memory_space<vmem>> -> memref<1x128xi32, #tpu.memory_space<vmem>>
    %dma_wait3A_1448 = tpu.memref_squeeze %dma_wait3A_1447 : memref<1x128xi32, #tpu.memory_space<vmem>> -> memref<128xi32, #tpu.memory_space<vmem>>
    %dma_wait3A_1449 = arith.constant 0 : i32
    %dma_wait3A_1450 = arith.constant 0 : i32
    %dma_wait3A_1451 = tpu.memref_slice %arg3[%dma_wait3A_1449, %dma_wait3A_1450] : memref<2981888x32xf32, #tpu.memory_space<hbm>> -> memref<2981888x32xf32, #tpu.memory_space<hbm>>
    tpu.wait_indirect_dma semaphore(%arg8 : memref<!tpu.dma_semaphore, #tpu.memory_space<semaphore_mem>>) src(%dma_wait3A_1451 : memref<2981888x32xf32, #tpu.memory_space<hbm>>) dst(%dma_wait3A_1445 : memref<128x32xf32, #tpu.memory_space<vmem>>)
    %dma_wait3A_1452 = arith.constant 48 : i32
    %dma_wait3A_1453 = arith.constant 1 : i32
    %dma_wait3A_1454 = arith.constant 1152 : i32
    %dma_wait3A_1455 = arith.constant 0 : i32
    %dma_wait3A_1456 = tpu.memref_slice %arg6[%dma_wait3A_1453, %dma_wait3A_1454, %dma_wait3A_1455] : memref<2x1664x32xf32, #tpu.memory_space<vmem>> -> memref<1x128x32xf32, #tpu.memory_space<vmem>>
    %dma_wait3A_1457 = tpu.memref_squeeze %dma_wait3A_1456 : memref<1x128x32xf32, #tpu.memory_space<vmem>> -> memref<128x32xf32, #tpu.memory_space<vmem>>
    %dma_wait3A_1458 = arith.constant 0 : i32
    %dma_wait3A_1459 = tpu.memref_slice %arg5[%dma_wait3A_1452, %dma_wait3A_1458] : memref<104x128xi32, #tpu.memory_space<vmem>> -> memref<1x128xi32, #tpu.memory_space<vmem>>
    %dma_wait3A_1460 = tpu.memref_squeeze %dma_wait3A_1459 : memref<1x128xi32, #tpu.memory_space<vmem>> -> memref<128xi32, #tpu.memory_space<vmem>>
    %dma_wait3A_1461 = arith.constant 0 : i32
    %dma_wait3A_1462 = arith.constant 0 : i32
    %dma_wait3A_1463 = tpu.memref_slice %arg3[%dma_wait3A_1461, %dma_wait3A_1462] : memref<2981888x32xf32, #tpu.memory_space<hbm>> -> memref<2981888x32xf32, #tpu.memory_space<hbm>>
    tpu.wait_indirect_dma semaphore(%arg8 : memref<!tpu.dma_semaphore, #tpu.memory_space<semaphore_mem>>) src(%dma_wait3A_1463 : memref<2981888x32xf32, #tpu.memory_space<hbm>>) dst(%dma_wait3A_1457 : memref<128x32xf32, #tpu.memory_space<vmem>>)
    %dma_wait3A_1464 = arith.constant 49 : i32
    %dma_wait3A_1465 = arith.constant 1 : i32
    %dma_wait3A_1466 = arith.constant 1280 : i32
    %dma_wait3A_1467 = arith.constant 0 : i32
    %dma_wait3A_1468 = tpu.memref_slice %arg6[%dma_wait3A_1465, %dma_wait3A_1466, %dma_wait3A_1467] : memref<2x1664x32xf32, #tpu.memory_space<vmem>> -> memref<1x128x32xf32, #tpu.memory_space<vmem>>
    %dma_wait3A_1469 = tpu.memref_squeeze %dma_wait3A_1468 : memref<1x128x32xf32, #tpu.memory_space<vmem>> -> memref<128x32xf32, #tpu.memory_space<vmem>>
    %dma_wait3A_1470 = arith.constant 0 : i32
    %dma_wait3A_1471 = tpu.memref_slice %arg5[%dma_wait3A_1464, %dma_wait3A_1470] : memref<104x128xi32, #tpu.memory_space<vmem>> -> memref<1x128xi32, #tpu.memory_space<vmem>>
    %dma_wait3A_1472 = tpu.memref_squeeze %dma_wait3A_1471 : memref<1x128xi32, #tpu.memory_space<vmem>> -> memref<128xi32, #tpu.memory_space<vmem>>
    %dma_wait3A_1473 = arith.constant 0 : i32
    %dma_wait3A_1474 = arith.constant 0 : i32
    %dma_wait3A_1475 = tpu.memref_slice %arg3[%dma_wait3A_1473, %dma_wait3A_1474] : memref<2981888x32xf32, #tpu.memory_space<hbm>> -> memref<2981888x32xf32, #tpu.memory_space<hbm>>
    tpu.wait_indirect_dma semaphore(%arg8 : memref<!tpu.dma_semaphore, #tpu.memory_space<semaphore_mem>>) src(%dma_wait3A_1475 : memref<2981888x32xf32, #tpu.memory_space<hbm>>) dst(%dma_wait3A_1469 : memref<128x32xf32, #tpu.memory_space<vmem>>)
    %dma_wait3A_1476 = arith.constant 50 : i32
    %dma_wait3A_1477 = arith.constant 1 : i32
    %dma_wait3A_1478 = arith.constant 1408 : i32
    %dma_wait3A_1479 = arith.constant 0 : i32
    %dma_wait3A_1480 = tpu.memref_slice %arg6[%dma_wait3A_1477, %dma_wait3A_1478, %dma_wait3A_1479] : memref<2x1664x32xf32, #tpu.memory_space<vmem>> -> memref<1x128x32xf32, #tpu.memory_space<vmem>>
    %dma_wait3A_1481 = tpu.memref_squeeze %dma_wait3A_1480 : memref<1x128x32xf32, #tpu.memory_space<vmem>> -> memref<128x32xf32, #tpu.memory_space<vmem>>
    %dma_wait3A_1482 = arith.constant 0 : i32
    %dma_wait3A_1483 = tpu.memref_slice %arg5[%dma_wait3A_1476, %dma_wait3A_1482] : memref<104x128xi32, #tpu.memory_space<vmem>> -> memref<1x128xi32, #tpu.memory_space<vmem>>
    %dma_wait3A_1484 = tpu.memref_squeeze %dma_wait3A_1483 : memref<1x128xi32, #tpu.memory_space<vmem>> -> memref<128xi32, #tpu.memory_space<vmem>>
    %dma_wait3A_1485 = arith.constant 0 : i32
    %dma_wait3A_1486 = arith.constant 0 : i32
    %dma_wait3A_1487 = tpu.memref_slice %arg3[%dma_wait3A_1485, %dma_wait3A_1486] : memref<2981888x32xf32, #tpu.memory_space<hbm>> -> memref<2981888x32xf32, #tpu.memory_space<hbm>>
    tpu.wait_indirect_dma semaphore(%arg8 : memref<!tpu.dma_semaphore, #tpu.memory_space<semaphore_mem>>) src(%dma_wait3A_1487 : memref<2981888x32xf32, #tpu.memory_space<hbm>>) dst(%dma_wait3A_1481 : memref<128x32xf32, #tpu.memory_space<vmem>>)
    %dma_wait3A_1488 = arith.constant 51 : i32
    %dma_wait3A_1489 = arith.constant 1 : i32
    %dma_wait3A_1490 = arith.constant 1536 : i32
    %dma_wait3A_1491 = arith.constant 0 : i32
    %dma_wait3A_1492 = tpu.memref_slice %arg6[%dma_wait3A_1489, %dma_wait3A_1490, %dma_wait3A_1491] : memref<2x1664x32xf32, #tpu.memory_space<vmem>> -> memref<1x128x32xf32, #tpu.memory_space<vmem>>
    %dma_wait3A_1493 = tpu.memref_squeeze %dma_wait3A_1492 : memref<1x128x32xf32, #tpu.memory_space<vmem>> -> memref<128x32xf32, #tpu.memory_space<vmem>>
    %dma_wait3A_1494 = arith.constant 0 : i32
    %dma_wait3A_1495 = tpu.memref_slice %arg5[%dma_wait3A_1488, %dma_wait3A_1494] : memref<104x128xi32, #tpu.memory_space<vmem>> -> memref<1x128xi32, #tpu.memory_space<vmem>>
    %dma_wait3A_1496 = tpu.memref_squeeze %dma_wait3A_1495 : memref<1x128xi32, #tpu.memory_space<vmem>> -> memref<128xi32, #tpu.memory_space<vmem>>
    %dma_wait3A_1497 = arith.constant 0 : i32
    %dma_wait3A_1498 = arith.constant 0 : i32
    %dma_wait3A_1499 = tpu.memref_slice %arg3[%dma_wait3A_1497, %dma_wait3A_1498] : memref<2981888x32xf32, #tpu.memory_space<hbm>> -> memref<2981888x32xf32, #tpu.memory_space<hbm>>
    tpu.wait_indirect_dma semaphore(%arg8 : memref<!tpu.dma_semaphore, #tpu.memory_space<semaphore_mem>>) src(%dma_wait3A_1499 : memref<2981888x32xf32, #tpu.memory_space<hbm>>) dst(%dma_wait3A_1493 : memref<128x32xf32, #tpu.memory_space<vmem>>)
    %mul3A_1500 = arith.constant 13312 : i32
    %mul3A_1501 = arith.muli %add3A, %mul3A_1500 : i32
    %add3A_1502 = arith.constant 4992 : i32
    %add3A_1503 = arith.addi %mul3A_1501, %add3A_1502 : i32
    %dma_start3A_1504 = arith.constant 1 : i32
    %dma_start3A_1505 = arith.constant 0 : i32
    %dma_start3A_1506 = arith.constant 0 : i32
    %dma_start3A_1507 = tpu.memref_slice %arg6[%dma_start3A_1504, %dma_start3A_1505, %dma_start3A_1506] : memref<2x1664x32xf32, #tpu.memory_space<vmem>> -> memref<1x1664x32xf32, #tpu.memory_space<vmem>>
    %dma_start3A_1508 = tpu.memref_squeeze %dma_start3A_1507 : memref<1x1664x32xf32, #tpu.memory_space<vmem>> -> memref<1664x32xf32, #tpu.memory_space<vmem>>
    %dma_start3A_1509 = arith.constant 0 : i32
    %dma_start3A_1510 = tpu.memref_slice %arg4[%add3A_1503, %dma_start3A_1509] : memref<425984x32xf32, #tpu.memory_space<hbm>> -> memref<1664x32xf32, #tpu.memory_space<hbm>>
    %dma_start3A_1511 = arith.constant 0 : i32
    %dma_start3A_1512 = tpu.memref_slice %arg4[%add3A_1503, %dma_start3A_1511] : memref<425984x32xf32, #tpu.memory_space<hbm>> -> memref<1664x32xf32, #tpu.memory_space<hbm>>
    %dma_start3A_1513 = arith.constant 0 : i32
    %dma_start3A_1514 = arith.constant 0 : i32
    %dma_start3A_1515 = tpu.memref_slice %arg6[%dma_start3A_1504, %dma_start3A_1513, %dma_start3A_1514] : memref<2x1664x32xf32, #tpu.memory_space<vmem>> -> memref<1x1664x32xf32, #tpu.memory_space<vmem>>
    %dma_start3A_1516 = tpu.memref_squeeze %dma_start3A_1515 : memref<1x1664x32xf32, #tpu.memory_space<vmem>> -> memref<1664x32xf32, #tpu.memory_space<vmem>>
    tpu.enqueue_dma source(%dma_start3A_1516 : memref<1664x32xf32, #tpu.memory_space<vmem>>) target(%dma_start3A_1512 : memref<1664x32xf32, #tpu.memory_space<hbm>>) target_semaphore(%arg10 : memref<!tpu.dma_semaphore, #tpu.memory_space<semaphore_mem>>)
    %dma_wait3A_1517 = arith.constant 1 : i32
    %dma_wait3A_1518 = arith.constant 0 : i32
    %dma_wait3A_1519 = arith.constant 0 : i32
    %dma_wait3A_1520 = tpu.memref_slice %arg6[%dma_wait3A_1517, %dma_wait3A_1518, %dma_wait3A_1519] : memref<2x1664x32xf32, #tpu.memory_space<vmem>> -> memref<1x1664x32xf32, #tpu.memory_space<vmem>>
    %dma_wait3A_1521 = tpu.memref_squeeze %dma_wait3A_1520 : memref<1x1664x32xf32, #tpu.memory_space<vmem>> -> memref<1664x32xf32, #tpu.memory_space<vmem>>
    %dma_wait3A_1522 = arith.constant 0 : i32
    %dma_wait3A_1523 = tpu.memref_slice %arg4[%add3A_1503, %dma_wait3A_1522] : memref<425984x32xf32, #tpu.memory_space<hbm>> -> memref<1664x32xf32, #tpu.memory_space<hbm>>
    %dma_wait3A_1524 = arith.constant 0 : i32
    %dma_wait3A_1525 = tpu.memref_slice %arg4[%add3A_1503, %dma_wait3A_1524] : memref<425984x32xf32, #tpu.memory_space<hbm>> -> memref<1664x32xf32, #tpu.memory_space<hbm>>
    %dma_wait3A_1526 = arith.constant 0 : i32
    %dma_wait3A_1527 = arith.constant 0 : i32
    %dma_wait3A_1528 = tpu.memref_slice %arg6[%dma_wait3A_1517, %dma_wait3A_1526, %dma_wait3A_1527] : memref<2x1664x32xf32, #tpu.memory_space<vmem>> -> memref<1x1664x32xf32, #tpu.memory_space<vmem>>
    %dma_wait3A_1529 = tpu.memref_squeeze %dma_wait3A_1528 : memref<1x1664x32xf32, #tpu.memory_space<vmem>> -> memref<1664x32xf32, #tpu.memory_space<vmem>>
    tpu.wait_dma2 semaphore(%arg10 : memref<!tpu.dma_semaphore, #tpu.memory_space<semaphore_mem>>) src(%dma_wait3A_1529 : memref<1664x32xf32, #tpu.memory_space<vmem>>) dst(%dma_wait3A_1525 : memref<1664x32xf32, #tpu.memory_space<hbm>>)
    %dma_start3A_1530 = arith.constant 65 : i32
    %dma_start3A_1531 = arith.constant 1 : i32
    %dma_start3A_1532 = arith.constant 0 : i32
    %dma_start3A_1533 = arith.constant 0 : i32
    %dma_start3A_1534 = tpu.memref_slice %arg6[%dma_start3A_1531, %dma_start3A_1532, %dma_start3A_1533] : memref<2x1664x32xf32, #tpu.memory_space<vmem>> -> memref<1x128x32xf32, #tpu.memory_space<vmem>>
    %dma_start3A_1535 = tpu.memref_squeeze %dma_start3A_1534 : memref<1x128x32xf32, #tpu.memory_space<vmem>> -> memref<128x32xf32, #tpu.memory_space<vmem>>
    %dma_start3A_1536 = arith.constant 0 : i32
    %dma_start3A_1537 = tpu.memref_slice %arg5[%dma_start3A_1530, %dma_start3A_1536] : memref<104x128xi32, #tpu.memory_space<vmem>> -> memref<1x128xi32, #tpu.memory_space<vmem>>
    %dma_start3A_1538 = tpu.memref_squeeze %dma_start3A_1537 : memref<1x128xi32, #tpu.memory_space<vmem>> -> memref<128xi32, #tpu.memory_space<vmem>>
    %dma_start3A_1539 = arith.constant 0 : i32
    %dma_start3A_1540 = arith.constant 0 : i32
    %dma_start3A_1541 = tpu.memref_slice %arg3[%dma_start3A_1539, %dma_start3A_1540] : memref<2981888x32xf32, #tpu.memory_space<hbm>> -> memref<2981888x32xf32, #tpu.memory_space<hbm>>
    tpu.enqueue_indirect_dma source(%dma_start3A_1541 : memref<2981888x32xf32, #tpu.memory_space<hbm>>) target(%dma_start3A_1535 : memref<128x32xf32, #tpu.memory_space<vmem>>) offsets(%dma_start3A_1538 : memref<128xi32, #tpu.memory_space<vmem>>) semaphore(%arg8 : memref<!tpu.dma_semaphore, #tpu.memory_space<semaphore_mem>>)
    %dma_start3A_1542 = arith.constant 66 : i32
    %dma_start3A_1543 = arith.constant 1 : i32
    %dma_start3A_1544 = arith.constant 128 : i32
    %dma_start3A_1545 = arith.constant 0 : i32
    %dma_start3A_1546 = tpu.memref_slice %arg6[%dma_start3A_1543, %dma_start3A_1544, %dma_start3A_1545] : memref<2x1664x32xf32, #tpu.memory_space<vmem>> -> memref<1x128x32xf32, #tpu.memory_space<vmem>>
    %dma_start3A_1547 = tpu.memref_squeeze %dma_start3A_1546 : memref<1x128x32xf32, #tpu.memory_space<vmem>> -> memref<128x32xf32, #tpu.memory_space<vmem>>
    %dma_start3A_1548 = arith.constant 0 : i32
    %dma_start3A_1549 = tpu.memref_slice %arg5[%dma_start3A_1542, %dma_start3A_1548] : memref<104x128xi32, #tpu.memory_space<vmem>> -> memref<1x128xi32, #tpu.memory_space<vmem>>
    %dma_start3A_1550 = tpu.memref_squeeze %dma_start3A_1549 : memref<1x128xi32, #tpu.memory_space<vmem>> -> memref<128xi32, #tpu.memory_space<vmem>>
    %dma_start3A_1551 = arith.constant 0 : i32
    %dma_start3A_1552 = arith.constant 0 : i32
    %dma_start3A_1553 = tpu.memref_slice %arg3[%dma_start3A_1551, %dma_start3A_1552] : memref<2981888x32xf32, #tpu.memory_space<hbm>> -> memref<2981888x32xf32, #tpu.memory_space<hbm>>
    tpu.enqueue_indirect_dma source(%dma_start3A_1553 : memref<2981888x32xf32, #tpu.memory_space<hbm>>) target(%dma_start3A_1547 : memref<128x32xf32, #tpu.memory_space<vmem>>) offsets(%dma_start3A_1550 : memref<128xi32, #tpu.memory_space<vmem>>) semaphore(%arg8 : memref<!tpu.dma_semaphore, #tpu.memory_space<semaphore_mem>>)
    %dma_start3A_1554 = arith.constant 67 : i32
    %dma_start3A_1555 = arith.constant 1 : i32
    %dma_start3A_1556 = arith.constant 256 : i32
    %dma_start3A_1557 = arith.constant 0 : i32
    %dma_start3A_1558 = tpu.memref_slice %arg6[%dma_start3A_1555, %dma_start3A_1556, %dma_start3A_1557] : memref<2x1664x32xf32, #tpu.memory_space<vmem>> -> memref<1x128x32xf32, #tpu.memory_space<vmem>>
    %dma_start3A_1559 = tpu.memref_squeeze %dma_start3A_1558 : memref<1x128x32xf32, #tpu.memory_space<vmem>> -> memref<128x32xf32, #tpu.memory_space<vmem>>
    %dma_start3A_1560 = arith.constant 0 : i32
    %dma_start3A_1561 = tpu.memref_slice %arg5[%dma_start3A_1554, %dma_start3A_1560] : memref<104x128xi32, #tpu.memory_space<vmem>> -> memref<1x128xi32, #tpu.memory_space<vmem>>
    %dma_start3A_1562 = tpu.memref_squeeze %dma_start3A_1561 : memref<1x128xi32, #tpu.memory_space<vmem>> -> memref<128xi32, #tpu.memory_space<vmem>>
    %dma_start3A_1563 = arith.constant 0 : i32
    %dma_start3A_1564 = arith.constant 0 : i32
    %dma_start3A_1565 = tpu.memref_slice %arg3[%dma_start3A_1563, %dma_start3A_1564] : memref<2981888x32xf32, #tpu.memory_space<hbm>> -> memref<2981888x32xf32, #tpu.memory_space<hbm>>
    tpu.enqueue_indirect_dma source(%dma_start3A_1565 : memref<2981888x32xf32, #tpu.memory_space<hbm>>) target(%dma_start3A_1559 : memref<128x32xf32, #tpu.memory_space<vmem>>) offsets(%dma_start3A_1562 : memref<128xi32, #tpu.memory_space<vmem>>) semaphore(%arg8 : memref<!tpu.dma_semaphore, #tpu.memory_space<semaphore_mem>>)
    %dma_start3A_1566 = arith.constant 68 : i32
    %dma_start3A_1567 = arith.constant 1 : i32
    %dma_start3A_1568 = arith.constant 384 : i32
    %dma_start3A_1569 = arith.constant 0 : i32
    %dma_start3A_1570 = tpu.memref_slice %arg6[%dma_start3A_1567, %dma_start3A_1568, %dma_start3A_1569] : memref<2x1664x32xf32, #tpu.memory_space<vmem>> -> memref<1x128x32xf32, #tpu.memory_space<vmem>>
    %dma_start3A_1571 = tpu.memref_squeeze %dma_start3A_1570 : memref<1x128x32xf32, #tpu.memory_space<vmem>> -> memref<128x32xf32, #tpu.memory_space<vmem>>
    %dma_start3A_1572 = arith.constant 0 : i32
    %dma_start3A_1573 = tpu.memref_slice %arg5[%dma_start3A_1566, %dma_start3A_1572] : memref<104x128xi32, #tpu.memory_space<vmem>> -> memref<1x128xi32, #tpu.memory_space<vmem>>
    %dma_start3A_1574 = tpu.memref_squeeze %dma_start3A_1573 : memref<1x128xi32, #tpu.memory_space<vmem>> -> memref<128xi32, #tpu.memory_space<vmem>>
    %dma_start3A_1575 = arith.constant 0 : i32
    %dma_start3A_1576 = arith.constant 0 : i32
    %dma_start3A_1577 = tpu.memref_slice %arg3[%dma_start3A_1575, %dma_start3A_1576] : memref<2981888x32xf32, #tpu.memory_space<hbm>> -> memref<2981888x32xf32, #tpu.memory_space<hbm>>
    tpu.enqueue_indirect_dma source(%dma_start3A_1577 : memref<2981888x32xf32, #tpu.memory_space<hbm>>) target(%dma_start3A_1571 : memref<128x32xf32, #tpu.memory_space<vmem>>) offsets(%dma_start3A_1574 : memref<128xi32, #tpu.memory_space<vmem>>) semaphore(%arg8 : memref<!tpu.dma_semaphore, #tpu.memory_space<semaphore_mem>>)
    %dma_start3A_1578 = arith.constant 69 : i32
    %dma_start3A_1579 = arith.constant 1 : i32
    %dma_start3A_1580 = arith.constant 512 : i32
    %dma_start3A_1581 = arith.constant 0 : i32
    %dma_start3A_1582 = tpu.memref_slice %arg6[%dma_start3A_1579, %dma_start3A_1580, %dma_start3A_1581] : memref<2x1664x32xf32, #tpu.memory_space<vmem>> -> memref<1x128x32xf32, #tpu.memory_space<vmem>>
    %dma_start3A_1583 = tpu.memref_squeeze %dma_start3A_1582 : memref<1x128x32xf32, #tpu.memory_space<vmem>> -> memref<128x32xf32, #tpu.memory_space<vmem>>
    %dma_start3A_1584 = arith.constant 0 : i32
    %dma_start3A_1585 = tpu.memref_slice %arg5[%dma_start3A_1578, %dma_start3A_1584] : memref<104x128xi32, #tpu.memory_space<vmem>> -> memref<1x128xi32, #tpu.memory_space<vmem>>
    %dma_start3A_1586 = tpu.memref_squeeze %dma_start3A_1585 : memref<1x128xi32, #tpu.memory_space<vmem>> -> memref<128xi32, #tpu.memory_space<vmem>>
    %dma_start3A_1587 = arith.constant 0 : i32
    %dma_start3A_1588 = arith.constant 0 : i32
    %dma_start3A_1589 = tpu.memref_slice %arg3[%dma_start3A_1587, %dma_start3A_1588] : memref<2981888x32xf32, #tpu.memory_space<hbm>> -> memref<2981888x32xf32, #tpu.memory_space<hbm>>
    tpu.enqueue_indirect_dma source(%dma_start3A_1589 : memref<2981888x32xf32, #tpu.memory_space<hbm>>) target(%dma_start3A_1583 : memref<128x32xf32, #tpu.memory_space<vmem>>) offsets(%dma_start3A_1586 : memref<128xi32, #tpu.memory_space<vmem>>) semaphore(%arg8 : memref<!tpu.dma_semaphore, #tpu.memory_space<semaphore_mem>>)
    %dma_start3A_1590 = arith.constant 70 : i32
    %dma_start3A_1591 = arith.constant 1 : i32
    %dma_start3A_1592 = arith.constant 640 : i32
    %dma_start3A_1593 = arith.constant 0 : i32
    %dma_start3A_1594 = tpu.memref_slice %arg6[%dma_start3A_1591, %dma_start3A_1592, %dma_start3A_1593] : memref<2x1664x32xf32, #tpu.memory_space<vmem>> -> memref<1x128x32xf32, #tpu.memory_space<vmem>>
    %dma_start3A_1595 = tpu.memref_squeeze %dma_start3A_1594 : memref<1x128x32xf32, #tpu.memory_space<vmem>> -> memref<128x32xf32, #tpu.memory_space<vmem>>
    %dma_start3A_1596 = arith.constant 0 : i32
    %dma_start3A_1597 = tpu.memref_slice %arg5[%dma_start3A_1590, %dma_start3A_1596] : memref<104x128xi32, #tpu.memory_space<vmem>> -> memref<1x128xi32, #tpu.memory_space<vmem>>
    %dma_start3A_1598 = tpu.memref_squeeze %dma_start3A_1597 : memref<1x128xi32, #tpu.memory_space<vmem>> -> memref<128xi32, #tpu.memory_space<vmem>>
    %dma_start3A_1599 = arith.constant 0 : i32
    %dma_start3A_1600 = arith.constant 0 : i32
    %dma_start3A_1601 = tpu.memref_slice %arg3[%dma_start3A_1599, %dma_start3A_1600] : memref<2981888x32xf32, #tpu.memory_space<hbm>> -> memref<2981888x32xf32, #tpu.memory_space<hbm>>
    tpu.enqueue_indirect_dma source(%dma_start3A_1601 : memref<2981888x32xf32, #tpu.memory_space<hbm>>) target(%dma_start3A_1595 : memref<128x32xf32, #tpu.memory_space<vmem>>) offsets(%dma_start3A_1598 : memref<128xi32, #tpu.memory_space<vmem>>) semaphore(%arg8 : memref<!tpu.dma_semaphore, #tpu.memory_space<semaphore_mem>>)
    %dma_start3A_1602 = arith.constant 71 : i32
    %dma_start3A_1603 = arith.constant 1 : i32
    %dma_start3A_1604 = arith.constant 768 : i32
    %dma_start3A_1605 = arith.constant 0 : i32
    %dma_start3A_1606 = tpu.memref_slice %arg6[%dma_start3A_1603, %dma_start3A_1604, %dma_start3A_1605] : memref<2x1664x32xf32, #tpu.memory_space<vmem>> -> memref<1x128x32xf32, #tpu.memory_space<vmem>>
    %dma_start3A_1607 = tpu.memref_squeeze %dma_start3A_1606 : memref<1x128x32xf32, #tpu.memory_space<vmem>> -> memref<128x32xf32, #tpu.memory_space<vmem>>
    %dma_start3A_1608 = arith.constant 0 : i32
    %dma_start3A_1609 = tpu.memref_slice %arg5[%dma_start3A_1602, %dma_start3A_1608] : memref<104x128xi32, #tpu.memory_space<vmem>> -> memref<1x128xi32, #tpu.memory_space<vmem>>
    %dma_start3A_1610 = tpu.memref_squeeze %dma_start3A_1609 : memref<1x128xi32, #tpu.memory_space<vmem>> -> memref<128xi32, #tpu.memory_space<vmem>>
    %dma_start3A_1611 = arith.constant 0 : i32
    %dma_start3A_1612 = arith.constant 0 : i32
    %dma_start3A_1613 = tpu.memref_slice %arg3[%dma_start3A_1611, %dma_start3A_1612] : memref<2981888x32xf32, #tpu.memory_space<hbm>> -> memref<2981888x32xf32, #tpu.memory_space<hbm>>
    tpu.enqueue_indirect_dma source(%dma_start3A_1613 : memref<2981888x32xf32, #tpu.memory_space<hbm>>) target(%dma_start3A_1607 : memref<128x32xf32, #tpu.memory_space<vmem>>) offsets(%dma_start3A_1610 : memref<128xi32, #tpu.memory_space<vmem>>) semaphore(%arg8 : memref<!tpu.dma_semaphore, #tpu.memory_space<semaphore_mem>>)
    %dma_start3A_1614 = arith.constant 72 : i32
    %dma_start3A_1615 = arith.constant 1 : i32
    %dma_start3A_1616 = arith.constant 896 : i32
    %dma_start3A_1617 = arith.constant 0 : i32
    %dma_start3A_1618 = tpu.memref_slice %arg6[%dma_start3A_1615, %dma_start3A_1616, %dma_start3A_1617] : memref<2x1664x32xf32, #tpu.memory_space<vmem>> -> memref<1x128x32xf32, #tpu.memory_space<vmem>>
    %dma_start3A_1619 = tpu.memref_squeeze %dma_start3A_1618 : memref<1x128x32xf32, #tpu.memory_space<vmem>> -> memref<128x32xf32, #tpu.memory_space<vmem>>
    %dma_start3A_1620 = arith.constant 0 : i32
    %dma_start3A_1621 = tpu.memref_slice %arg5[%dma_start3A_1614, %dma_start3A_1620] : memref<104x128xi32, #tpu.memory_space<vmem>> -> memref<1x128xi32, #tpu.memory_space<vmem>>
    %dma_start3A_1622 = tpu.memref_squeeze %dma_start3A_1621 : memref<1x128xi32, #tpu.memory_space<vmem>> -> memref<128xi32, #tpu.memory_space<vmem>>
    %dma_start3A_1623 = arith.constant 0 : i32
    %dma_start3A_1624 = arith.constant 0 : i32
    %dma_start3A_1625 = tpu.memref_slice %arg3[%dma_start3A_1623, %dma_start3A_1624] : memref<2981888x32xf32, #tpu.memory_space<hbm>> -> memref<2981888x32xf32, #tpu.memory_space<hbm>>
    tpu.enqueue_indirect_dma source(%dma_start3A_1625 : memref<2981888x32xf32, #tpu.memory_space<hbm>>) target(%dma_start3A_1619 : memref<128x32xf32, #tpu.memory_space<vmem>>) offsets(%dma_start3A_1622 : memref<128xi32, #tpu.memory_space<vmem>>) semaphore(%arg8 : memref<!tpu.dma_semaphore, #tpu.memory_space<semaphore_mem>>)
    %dma_start3A_1626 = arith.constant 73 : i32
    %dma_start3A_1627 = arith.constant 1 : i32
    %dma_start3A_1628 = arith.constant 1024 : i32
    %dma_start3A_1629 = arith.constant 0 : i32
    %dma_start3A_1630 = tpu.memref_slice %arg6[%dma_start3A_1627, %dma_start3A_1628, %dma_start3A_1629] : memref<2x1664x32xf32, #tpu.memory_space<vmem>> -> memref<1x128x32xf32, #tpu.memory_space<vmem>>
    %dma_start3A_1631 = tpu.memref_squeeze %dma_start3A_1630 : memref<1x128x32xf32, #tpu.memory_space<vmem>> -> memref<128x32xf32, #tpu.memory_space<vmem>>
    %dma_start3A_1632 = arith.constant 0 : i32
    %dma_start3A_1633 = tpu.memref_slice %arg5[%dma_start3A_1626, %dma_start3A_1632] : memref<104x128xi32, #tpu.memory_space<vmem>> -> memref<1x128xi32, #tpu.memory_space<vmem>>
    %dma_start3A_1634 = tpu.memref_squeeze %dma_start3A_1633 : memref<1x128xi32, #tpu.memory_space<vmem>> -> memref<128xi32, #tpu.memory_space<vmem>>
    %dma_start3A_1635 = arith.constant 0 : i32
    %dma_start3A_1636 = arith.constant 0 : i32
    %dma_start3A_1637 = tpu.memref_slice %arg3[%dma_start3A_1635, %dma_start3A_1636] : memref<2981888x32xf32, #tpu.memory_space<hbm>> -> memref<2981888x32xf32, #tpu.memory_space<hbm>>
    tpu.enqueue_indirect_dma source(%dma_start3A_1637 : memref<2981888x32xf32, #tpu.memory_space<hbm>>) target(%dma_start3A_1631 : memref<128x32xf32, #tpu.memory_space<vmem>>) offsets(%dma_start3A_1634 : memref<128xi32, #tpu.memory_space<vmem>>) semaphore(%arg8 : memref<!tpu.dma_semaphore, #tpu.memory_space<semaphore_mem>>)
    %dma_start3A_1638 = arith.constant 74 : i32
    %dma_start3A_1639 = arith.constant 1 : i32
    %dma_start3A_1640 = arith.constant 1152 : i32
    %dma_start3A_1641 = arith.constant 0 : i32
    %dma_start3A_1642 = tpu.memref_slice %arg6[%dma_start3A_1639, %dma_start3A_1640, %dma_start3A_1641] : memref<2x1664x32xf32, #tpu.memory_space<vmem>> -> memref<1x128x32xf32, #tpu.memory_space<vmem>>
    %dma_start3A_1643 = tpu.memref_squeeze %dma_start3A_1642 : memref<1x128x32xf32, #tpu.memory_space<vmem>> -> memref<128x32xf32, #tpu.memory_space<vmem>>
    %dma_start3A_1644 = arith.constant 0 : i32
    %dma_start3A_1645 = tpu.memref_slice %arg5[%dma_start3A_1638, %dma_start3A_1644] : memref<104x128xi32, #tpu.memory_space<vmem>> -> memref<1x128xi32, #tpu.memory_space<vmem>>
    %dma_start3A_1646 = tpu.memref_squeeze %dma_start3A_1645 : memref<1x128xi32, #tpu.memory_space<vmem>> -> memref<128xi32, #tpu.memory_space<vmem>>
    %dma_start3A_1647 = arith.constant 0 : i32
    %dma_start3A_1648 = arith.constant 0 : i32
    %dma_start3A_1649 = tpu.memref_slice %arg3[%dma_start3A_1647, %dma_start3A_1648] : memref<2981888x32xf32, #tpu.memory_space<hbm>> -> memref<2981888x32xf32, #tpu.memory_space<hbm>>
    tpu.enqueue_indirect_dma source(%dma_start3A_1649 : memref<2981888x32xf32, #tpu.memory_space<hbm>>) target(%dma_start3A_1643 : memref<128x32xf32, #tpu.memory_space<vmem>>) offsets(%dma_start3A_1646 : memref<128xi32, #tpu.memory_space<vmem>>) semaphore(%arg8 : memref<!tpu.dma_semaphore, #tpu.memory_space<semaphore_mem>>)
    %dma_start3A_1650 = arith.constant 75 : i32
    %dma_start3A_1651 = arith.constant 1 : i32
    %dma_start3A_1652 = arith.constant 1280 : i32
    %dma_start3A_1653 = arith.constant 0 : i32
    %dma_start3A_1654 = tpu.memref_slice %arg6[%dma_start3A_1651, %dma_start3A_1652, %dma_start3A_1653] : memref<2x1664x32xf32, #tpu.memory_space<vmem>> -> memref<1x128x32xf32, #tpu.memory_space<vmem>>
    %dma_start3A_1655 = tpu.memref_squeeze %dma_start3A_1654 : memref<1x128x32xf32, #tpu.memory_space<vmem>> -> memref<128x32xf32, #tpu.memory_space<vmem>>
    %dma_start3A_1656 = arith.constant 0 : i32
    %dma_start3A_1657 = tpu.memref_slice %arg5[%dma_start3A_1650, %dma_start3A_1656] : memref<104x128xi32, #tpu.memory_space<vmem>> -> memref<1x128xi32, #tpu.memory_space<vmem>>
    %dma_start3A_1658 = tpu.memref_squeeze %dma_start3A_1657 : memref<1x128xi32, #tpu.memory_space<vmem>> -> memref<128xi32, #tpu.memory_space<vmem>>
    %dma_start3A_1659 = arith.constant 0 : i32
    %dma_start3A_1660 = arith.constant 0 : i32
    %dma_start3A_1661 = tpu.memref_slice %arg3[%dma_start3A_1659, %dma_start3A_1660] : memref<2981888x32xf32, #tpu.memory_space<hbm>> -> memref<2981888x32xf32, #tpu.memory_space<hbm>>
    tpu.enqueue_indirect_dma source(%dma_start3A_1661 : memref<2981888x32xf32, #tpu.memory_space<hbm>>) target(%dma_start3A_1655 : memref<128x32xf32, #tpu.memory_space<vmem>>) offsets(%dma_start3A_1658 : memref<128xi32, #tpu.memory_space<vmem>>) semaphore(%arg8 : memref<!tpu.dma_semaphore, #tpu.memory_space<semaphore_mem>>)
    %dma_start3A_1662 = arith.constant 76 : i32
    %dma_start3A_1663 = arith.constant 1 : i32
    %dma_start3A_1664 = arith.constant 1408 : i32
    %dma_start3A_1665 = arith.constant 0 : i32
    %dma_start3A_1666 = tpu.memref_slice %arg6[%dma_start3A_1663, %dma_start3A_1664, %dma_start3A_1665] : memref<2x1664x32xf32, #tpu.memory_space<vmem>> -> memref<1x128x32xf32, #tpu.memory_space<vmem>>
    %dma_start3A_1667 = tpu.memref_squeeze %dma_start3A_1666 : memref<1x128x32xf32, #tpu.memory_space<vmem>> -> memref<128x32xf32, #tpu.memory_space<vmem>>
    %dma_start3A_1668 = arith.constant 0 : i32
    %dma_start3A_1669 = tpu.memref_slice %arg5[%dma_start3A_1662, %dma_start3A_1668] : memref<104x128xi32, #tpu.memory_space<vmem>> -> memref<1x128xi32, #tpu.memory_space<vmem>>
    %dma_start3A_1670 = tpu.memref_squeeze %dma_start3A_1669 : memref<1x128xi32, #tpu.memory_space<vmem>> -> memref<128xi32, #tpu.memory_space<vmem>>
    %dma_start3A_1671 = arith.constant 0 : i32
    %dma_start3A_1672 = arith.constant 0 : i32
    %dma_start3A_1673 = tpu.memref_slice %arg3[%dma_start3A_1671, %dma_start3A_1672] : memref<2981888x32xf32, #tpu.memory_space<hbm>> -> memref<2981888x32xf32, #tpu.memory_space<hbm>>
    tpu.enqueue_indirect_dma source(%dma_start3A_1673 : memref<2981888x32xf32, #tpu.memory_space<hbm>>) target(%dma_start3A_1667 : memref<128x32xf32, #tpu.memory_space<vmem>>) offsets(%dma_start3A_1670 : memref<128xi32, #tpu.memory_space<vmem>>) semaphore(%arg8 : memref<!tpu.dma_semaphore, #tpu.memory_space<semaphore_mem>>)
    %dma_start3A_1674 = arith.constant 77 : i32
    %dma_start3A_1675 = arith.constant 1 : i32
    %dma_start3A_1676 = arith.constant 1536 : i32
    %dma_start3A_1677 = arith.constant 0 : i32
    %dma_start3A_1678 = tpu.memref_slice %arg6[%dma_start3A_1675, %dma_start3A_1676, %dma_start3A_1677] : memref<2x1664x32xf32, #tpu.memory_space<vmem>> -> memref<1x128x32xf32, #tpu.memory_space<vmem>>
    %dma_start3A_1679 = tpu.memref_squeeze %dma_start3A_1678 : memref<1x128x32xf32, #tpu.memory_space<vmem>> -> memref<128x32xf32, #tpu.memory_space<vmem>>
    %dma_start3A_1680 = arith.constant 0 : i32
    %dma_start3A_1681 = tpu.memref_slice %arg5[%dma_start3A_1674, %dma_start3A_1680] : memref<104x128xi32, #tpu.memory_space<vmem>> -> memref<1x128xi32, #tpu.memory_space<vmem>>
    %dma_start3A_1682 = tpu.memref_squeeze %dma_start3A_1681 : memref<1x128xi32, #tpu.memory_space<vmem>> -> memref<128xi32, #tpu.memory_space<vmem>>
    %dma_start3A_1683 = arith.constant 0 : i32
    %dma_start3A_1684 = arith.constant 0 : i32
    %dma_start3A_1685 = tpu.memref_slice %arg3[%dma_start3A_1683, %dma_start3A_1684] : memref<2981888x32xf32, #tpu.memory_space<hbm>> -> memref<2981888x32xf32, #tpu.memory_space<hbm>>
    tpu.enqueue_indirect_dma source(%dma_start3A_1685 : memref<2981888x32xf32, #tpu.memory_space<hbm>>) target(%dma_start3A_1679 : memref<128x32xf32, #tpu.memory_space<vmem>>) offsets(%dma_start3A_1682 : memref<128xi32, #tpu.memory_space<vmem>>) semaphore(%arg8 : memref<!tpu.dma_semaphore, #tpu.memory_space<semaphore_mem>>)
    %dma_wait3A_1686 = arith.constant 52 : i32
    %dma_wait3A_1687 = arith.constant 0 : i32
    %dma_wait3A_1688 = arith.constant 0 : i32
    %dma_wait3A_1689 = arith.constant 0 : i32
    %dma_wait3A_1690 = tpu.memref_slice %arg6[%dma_wait3A_1687, %dma_wait3A_1688, %dma_wait3A_1689] : memref<2x1664x32xf32, #tpu.memory_space<vmem>> -> memref<1x128x32xf32, #tpu.memory_space<vmem>>
    %dma_wait3A_1691 = tpu.memref_squeeze %dma_wait3A_1690 : memref<1x128x32xf32, #tpu.memory_space<vmem>> -> memref<128x32xf32, #tpu.memory_space<vmem>>
    %dma_wait3A_1692 = arith.constant 0 : i32
    %dma_wait3A_1693 = tpu.memref_slice %arg5[%dma_wait3A_1686, %dma_wait3A_1692] : memref<104x128xi32, #tpu.memory_space<vmem>> -> memref<1x128xi32, #tpu.memory_space<vmem>>
    %dma_wait3A_1694 = tpu.memref_squeeze %dma_wait3A_1693 : memref<1x128xi32, #tpu.memory_space<vmem>> -> memref<128xi32, #tpu.memory_space<vmem>>
    %dma_wait3A_1695 = arith.constant 0 : i32
    %dma_wait3A_1696 = arith.constant 0 : i32
    %dma_wait3A_1697 = tpu.memref_slice %arg3[%dma_wait3A_1695, %dma_wait3A_1696] : memref<2981888x32xf32, #tpu.memory_space<hbm>> -> memref<2981888x32xf32, #tpu.memory_space<hbm>>
    tpu.wait_indirect_dma semaphore(%arg7 : memref<!tpu.dma_semaphore, #tpu.memory_space<semaphore_mem>>) src(%dma_wait3A_1697 : memref<2981888x32xf32, #tpu.memory_space<hbm>>) dst(%dma_wait3A_1691 : memref<128x32xf32, #tpu.memory_space<vmem>>)
    %dma_wait3A_1698 = arith.constant 53 : i32
    %dma_wait3A_1699 = arith.constant 0 : i32
    %dma_wait3A_1700 = arith.constant 128 : i32
    %dma_wait3A_1701 = arith.constant 0 : i32
    %dma_wait3A_1702 = tpu.memref_slice %arg6[%dma_wait3A_1699, %dma_wait3A_1700, %dma_wait3A_1701] : memref<2x1664x32xf32, #tpu.memory_space<vmem>> -> memref<1x128x32xf32, #tpu.memory_space<vmem>>
    %dma_wait3A_1703 = tpu.memref_squeeze %dma_wait3A_1702 : memref<1x128x32xf32, #tpu.memory_space<vmem>> -> memref<128x32xf32, #tpu.memory_space<vmem>>
    %dma_wait3A_1704 = arith.constant 0 : i32
    %dma_wait3A_1705 = tpu.memref_slice %arg5[%dma_wait3A_1698, %dma_wait3A_1704] : memref<104x128xi32, #tpu.memory_space<vmem>> -> memref<1x128xi32, #tpu.memory_space<vmem>>
    %dma_wait3A_1706 = tpu.memref_squeeze %dma_wait3A_1705 : memref<1x128xi32, #tpu.memory_space<vmem>> -> memref<128xi32, #tpu.memory_space<vmem>>
    %dma_wait3A_1707 = arith.constant 0 : i32
    %dma_wait3A_1708 = arith.constant 0 : i32
    %dma_wait3A_1709 = tpu.memref_slice %arg3[%dma_wait3A_1707, %dma_wait3A_1708] : memref<2981888x32xf32, #tpu.memory_space<hbm>> -> memref<2981888x32xf32, #tpu.memory_space<hbm>>
    tpu.wait_indirect_dma semaphore(%arg7 : memref<!tpu.dma_semaphore, #tpu.memory_space<semaphore_mem>>) src(%dma_wait3A_1709 : memref<2981888x32xf32, #tpu.memory_space<hbm>>) dst(%dma_wait3A_1703 : memref<128x32xf32, #tpu.memory_space<vmem>>)
    %dma_wait3A_1710 = arith.constant 54 : i32
    %dma_wait3A_1711 = arith.constant 0 : i32
    %dma_wait3A_1712 = arith.constant 256 : i32
    %dma_wait3A_1713 = arith.constant 0 : i32
    %dma_wait3A_1714 = tpu.memref_slice %arg6[%dma_wait3A_1711, %dma_wait3A_1712, %dma_wait3A_1713] : memref<2x1664x32xf32, #tpu.memory_space<vmem>> -> memref<1x128x32xf32, #tpu.memory_space<vmem>>
    %dma_wait3A_1715 = tpu.memref_squeeze %dma_wait3A_1714 : memref<1x128x32xf32, #tpu.memory_space<vmem>> -> memref<128x32xf32, #tpu.memory_space<vmem>>
    %dma_wait3A_1716 = arith.constant 0 : i32
    %dma_wait3A_1717 = tpu.memref_slice %arg5[%dma_wait3A_1710, %dma_wait3A_1716] : memref<104x128xi32, #tpu.memory_space<vmem>> -> memref<1x128xi32, #tpu.memory_space<vmem>>
    %dma_wait3A_1718 = tpu.memref_squeeze %dma_wait3A_1717 : memref<1x128xi32, #tpu.memory_space<vmem>> -> memref<128xi32, #tpu.memory_space<vmem>>
    %dma_wait3A_1719 = arith.constant 0 : i32
    %dma_wait3A_1720 = arith.constant 0 : i32
    %dma_wait3A_1721 = tpu.memref_slice %arg3[%dma_wait3A_1719, %dma_wait3A_1720] : memref<2981888x32xf32, #tpu.memory_space<hbm>> -> memref<2981888x32xf32, #tpu.memory_space<hbm>>
    tpu.wait_indirect_dma semaphore(%arg7 : memref<!tpu.dma_semaphore, #tpu.memory_space<semaphore_mem>>) src(%dma_wait3A_1721 : memref<2981888x32xf32, #tpu.memory_space<hbm>>) dst(%dma_wait3A_1715 : memref<128x32xf32, #tpu.memory_space<vmem>>)
    %dma_wait3A_1722 = arith.constant 55 : i32
    %dma_wait3A_1723 = arith.constant 0 : i32
    %dma_wait3A_1724 = arith.constant 384 : i32
    %dma_wait3A_1725 = arith.constant 0 : i32
    %dma_wait3A_1726 = tpu.memref_slice %arg6[%dma_wait3A_1723, %dma_wait3A_1724, %dma_wait3A_1725] : memref<2x1664x32xf32, #tpu.memory_space<vmem>> -> memref<1x128x32xf32, #tpu.memory_space<vmem>>
    %dma_wait3A_1727 = tpu.memref_squeeze %dma_wait3A_1726 : memref<1x128x32xf32, #tpu.memory_space<vmem>> -> memref<128x32xf32, #tpu.memory_space<vmem>>
    %dma_wait3A_1728 = arith.constant 0 : i32
    %dma_wait3A_1729 = tpu.memref_slice %arg5[%dma_wait3A_1722, %dma_wait3A_1728] : memref<104x128xi32, #tpu.memory_space<vmem>> -> memref<1x128xi32, #tpu.memory_space<vmem>>
    %dma_wait3A_1730 = tpu.memref_squeeze %dma_wait3A_1729 : memref<1x128xi32, #tpu.memory_space<vmem>> -> memref<128xi32, #tpu.memory_space<vmem>>
    %dma_wait3A_1731 = arith.constant 0 : i32
    %dma_wait3A_1732 = arith.constant 0 : i32
    %dma_wait3A_1733 = tpu.memref_slice %arg3[%dma_wait3A_1731, %dma_wait3A_1732] : memref<2981888x32xf32, #tpu.memory_space<hbm>> -> memref<2981888x32xf32, #tpu.memory_space<hbm>>
    tpu.wait_indirect_dma semaphore(%arg7 : memref<!tpu.dma_semaphore, #tpu.memory_space<semaphore_mem>>) src(%dma_wait3A_1733 : memref<2981888x32xf32, #tpu.memory_space<hbm>>) dst(%dma_wait3A_1727 : memref<128x32xf32, #tpu.memory_space<vmem>>)
    %dma_wait3A_1734 = arith.constant 56 : i32
    %dma_wait3A_1735 = arith.constant 0 : i32
    %dma_wait3A_1736 = arith.constant 512 : i32
    %dma_wait3A_1737 = arith.constant 0 : i32
    %dma_wait3A_1738 = tpu.memref_slice %arg6[%dma_wait3A_1735, %dma_wait3A_1736, %dma_wait3A_1737] : memref<2x1664x32xf32, #tpu.memory_space<vmem>> -> memref<1x128x32xf32, #tpu.memory_space<vmem>>
    %dma_wait3A_1739 = tpu.memref_squeeze %dma_wait3A_1738 : memref<1x128x32xf32, #tpu.memory_space<vmem>> -> memref<128x32xf32, #tpu.memory_space<vmem>>
    %dma_wait3A_1740 = arith.constant 0 : i32
    %dma_wait3A_1741 = tpu.memref_slice %arg5[%dma_wait3A_1734, %dma_wait3A_1740] : memref<104x128xi32, #tpu.memory_space<vmem>> -> memref<1x128xi32, #tpu.memory_space<vmem>>
    %dma_wait3A_1742 = tpu.memref_squeeze %dma_wait3A_1741 : memref<1x128xi32, #tpu.memory_space<vmem>> -> memref<128xi32, #tpu.memory_space<vmem>>
    %dma_wait3A_1743 = arith.constant 0 : i32
    %dma_wait3A_1744 = arith.constant 0 : i32
    %dma_wait3A_1745 = tpu.memref_slice %arg3[%dma_wait3A_1743, %dma_wait3A_1744] : memref<2981888x32xf32, #tpu.memory_space<hbm>> -> memref<2981888x32xf32, #tpu.memory_space<hbm>>
    tpu.wait_indirect_dma semaphore(%arg7 : memref<!tpu.dma_semaphore, #tpu.memory_space<semaphore_mem>>) src(%dma_wait3A_1745 : memref<2981888x32xf32, #tpu.memory_space<hbm>>) dst(%dma_wait3A_1739 : memref<128x32xf32, #tpu.memory_space<vmem>>)
    %dma_wait3A_1746 = arith.constant 57 : i32
    %dma_wait3A_1747 = arith.constant 0 : i32
    %dma_wait3A_1748 = arith.constant 640 : i32
    %dma_wait3A_1749 = arith.constant 0 : i32
    %dma_wait3A_1750 = tpu.memref_slice %arg6[%dma_wait3A_1747, %dma_wait3A_1748, %dma_wait3A_1749] : memref<2x1664x32xf32, #tpu.memory_space<vmem>> -> memref<1x128x32xf32, #tpu.memory_space<vmem>>
    %dma_wait3A_1751 = tpu.memref_squeeze %dma_wait3A_1750 : memref<1x128x32xf32, #tpu.memory_space<vmem>> -> memref<128x32xf32, #tpu.memory_space<vmem>>
    %dma_wait3A_1752 = arith.constant 0 : i32
    %dma_wait3A_1753 = tpu.memref_slice %arg5[%dma_wait3A_1746, %dma_wait3A_1752] : memref<104x128xi32, #tpu.memory_space<vmem>> -> memref<1x128xi32, #tpu.memory_space<vmem>>
    %dma_wait3A_1754 = tpu.memref_squeeze %dma_wait3A_1753 : memref<1x128xi32, #tpu.memory_space<vmem>> -> memref<128xi32, #tpu.memory_space<vmem>>
    %dma_wait3A_1755 = arith.constant 0 : i32
    %dma_wait3A_1756 = arith.constant 0 : i32
    %dma_wait3A_1757 = tpu.memref_slice %arg3[%dma_wait3A_1755, %dma_wait3A_1756] : memref<2981888x32xf32, #tpu.memory_space<hbm>> -> memref<2981888x32xf32, #tpu.memory_space<hbm>>
    tpu.wait_indirect_dma semaphore(%arg7 : memref<!tpu.dma_semaphore, #tpu.memory_space<semaphore_mem>>) src(%dma_wait3A_1757 : memref<2981888x32xf32, #tpu.memory_space<hbm>>) dst(%dma_wait3A_1751 : memref<128x32xf32, #tpu.memory_space<vmem>>)
    %dma_wait3A_1758 = arith.constant 58 : i32
    %dma_wait3A_1759 = arith.constant 0 : i32
    %dma_wait3A_1760 = arith.constant 768 : i32
    %dma_wait3A_1761 = arith.constant 0 : i32
    %dma_wait3A_1762 = tpu.memref_slice %arg6[%dma_wait3A_1759, %dma_wait3A_1760, %dma_wait3A_1761] : memref<2x1664x32xf32, #tpu.memory_space<vmem>> -> memref<1x128x32xf32, #tpu.memory_space<vmem>>
    %dma_wait3A_1763 = tpu.memref_squeeze %dma_wait3A_1762 : memref<1x128x32xf32, #tpu.memory_space<vmem>> -> memref<128x32xf32, #tpu.memory_space<vmem>>
    %dma_wait3A_1764 = arith.constant 0 : i32
    %dma_wait3A_1765 = tpu.memref_slice %arg5[%dma_wait3A_1758, %dma_wait3A_1764] : memref<104x128xi32, #tpu.memory_space<vmem>> -> memref<1x128xi32, #tpu.memory_space<vmem>>
    %dma_wait3A_1766 = tpu.memref_squeeze %dma_wait3A_1765 : memref<1x128xi32, #tpu.memory_space<vmem>> -> memref<128xi32, #tpu.memory_space<vmem>>
    %dma_wait3A_1767 = arith.constant 0 : i32
    %dma_wait3A_1768 = arith.constant 0 : i32
    %dma_wait3A_1769 = tpu.memref_slice %arg3[%dma_wait3A_1767, %dma_wait3A_1768] : memref<2981888x32xf32, #tpu.memory_space<hbm>> -> memref<2981888x32xf32, #tpu.memory_space<hbm>>
    tpu.wait_indirect_dma semaphore(%arg7 : memref<!tpu.dma_semaphore, #tpu.memory_space<semaphore_mem>>) src(%dma_wait3A_1769 : memref<2981888x32xf32, #tpu.memory_space<hbm>>) dst(%dma_wait3A_1763 : memref<128x32xf32, #tpu.memory_space<vmem>>)
    %dma_wait3A_1770 = arith.constant 59 : i32
    %dma_wait3A_1771 = arith.constant 0 : i32
    %dma_wait3A_1772 = arith.constant 896 : i32
    %dma_wait3A_1773 = arith.constant 0 : i32
    %dma_wait3A_1774 = tpu.memref_slice %arg6[%dma_wait3A_1771, %dma_wait3A_1772, %dma_wait3A_1773] : memref<2x1664x32xf32, #tpu.memory_space<vmem>> -> memref<1x128x32xf32, #tpu.memory_space<vmem>>
    %dma_wait3A_1775 = tpu.memref_squeeze %dma_wait3A_1774 : memref<1x128x32xf32, #tpu.memory_space<vmem>> -> memref<128x32xf32, #tpu.memory_space<vmem>>
    %dma_wait3A_1776 = arith.constant 0 : i32
    %dma_wait3A_1777 = tpu.memref_slice %arg5[%dma_wait3A_1770, %dma_wait3A_1776] : memref<104x128xi32, #tpu.memory_space<vmem>> -> memref<1x128xi32, #tpu.memory_space<vmem>>
    %dma_wait3A_1778 = tpu.memref_squeeze %dma_wait3A_1777 : memref<1x128xi32, #tpu.memory_space<vmem>> -> memref<128xi32, #tpu.memory_space<vmem>>
    %dma_wait3A_1779 = arith.constant 0 : i32
    %dma_wait3A_1780 = arith.constant 0 : i32
    %dma_wait3A_1781 = tpu.memref_slice %arg3[%dma_wait3A_1779, %dma_wait3A_1780] : memref<2981888x32xf32, #tpu.memory_space<hbm>> -> memref<2981888x32xf32, #tpu.memory_space<hbm>>
    tpu.wait_indirect_dma semaphore(%arg7 : memref<!tpu.dma_semaphore, #tpu.memory_space<semaphore_mem>>) src(%dma_wait3A_1781 : memref<2981888x32xf32, #tpu.memory_space<hbm>>) dst(%dma_wait3A_1775 : memref<128x32xf32, #tpu.memory_space<vmem>>)
    %dma_wait3A_1782 = arith.constant 60 : i32
    %dma_wait3A_1783 = arith.constant 0 : i32
    %dma_wait3A_1784 = arith.constant 1024 : i32
    %dma_wait3A_1785 = arith.constant 0 : i32
    %dma_wait3A_1786 = tpu.memref_slice %arg6[%dma_wait3A_1783, %dma_wait3A_1784, %dma_wait3A_1785] : memref<2x1664x32xf32, #tpu.memory_space<vmem>> -> memref<1x128x32xf32, #tpu.memory_space<vmem>>
    %dma_wait3A_1787 = tpu.memref_squeeze %dma_wait3A_1786 : memref<1x128x32xf32, #tpu.memory_space<vmem>> -> memref<128x32xf32, #tpu.memory_space<vmem>>
    %dma_wait3A_1788 = arith.constant 0 : i32
    %dma_wait3A_1789 = tpu.memref_slice %arg5[%dma_wait3A_1782, %dma_wait3A_1788] : memref<104x128xi32, #tpu.memory_space<vmem>> -> memref<1x128xi32, #tpu.memory_space<vmem>>
    %dma_wait3A_1790 = tpu.memref_squeeze %dma_wait3A_1789 : memref<1x128xi32, #tpu.memory_space<vmem>> -> memref<128xi32, #tpu.memory_space<vmem>>
    %dma_wait3A_1791 = arith.constant 0 : i32
    %dma_wait3A_1792 = arith.constant 0 : i32
    %dma_wait3A_1793 = tpu.memref_slice %arg3[%dma_wait3A_1791, %dma_wait3A_1792] : memref<2981888x32xf32, #tpu.memory_space<hbm>> -> memref<2981888x32xf32, #tpu.memory_space<hbm>>
    tpu.wait_indirect_dma semaphore(%arg7 : memref<!tpu.dma_semaphore, #tpu.memory_space<semaphore_mem>>) src(%dma_wait3A_1793 : memref<2981888x32xf32, #tpu.memory_space<hbm>>) dst(%dma_wait3A_1787 : memref<128x32xf32, #tpu.memory_space<vmem>>)
    %dma_wait3A_1794 = arith.constant 61 : i32
    %dma_wait3A_1795 = arith.constant 0 : i32
    %dma_wait3A_1796 = arith.constant 1152 : i32
    %dma_wait3A_1797 = arith.constant 0 : i32
    %dma_wait3A_1798 = tpu.memref_slice %arg6[%dma_wait3A_1795, %dma_wait3A_1796, %dma_wait3A_1797] : memref<2x1664x32xf32, #tpu.memory_space<vmem>> -> memref<1x128x32xf32, #tpu.memory_space<vmem>>
    %dma_wait3A_1799 = tpu.memref_squeeze %dma_wait3A_1798 : memref<1x128x32xf32, #tpu.memory_space<vmem>> -> memref<128x32xf32, #tpu.memory_space<vmem>>
    %dma_wait3A_1800 = arith.constant 0 : i32
    %dma_wait3A_1801 = tpu.memref_slice %arg5[%dma_wait3A_1794, %dma_wait3A_1800] : memref<104x128xi32, #tpu.memory_space<vmem>> -> memref<1x128xi32, #tpu.memory_space<vmem>>
    %dma_wait3A_1802 = tpu.memref_squeeze %dma_wait3A_1801 : memref<1x128xi32, #tpu.memory_space<vmem>> -> memref<128xi32, #tpu.memory_space<vmem>>
    %dma_wait3A_1803 = arith.constant 0 : i32
    %dma_wait3A_1804 = arith.constant 0 : i32
    %dma_wait3A_1805 = tpu.memref_slice %arg3[%dma_wait3A_1803, %dma_wait3A_1804] : memref<2981888x32xf32, #tpu.memory_space<hbm>> -> memref<2981888x32xf32, #tpu.memory_space<hbm>>
    tpu.wait_indirect_dma semaphore(%arg7 : memref<!tpu.dma_semaphore, #tpu.memory_space<semaphore_mem>>) src(%dma_wait3A_1805 : memref<2981888x32xf32, #tpu.memory_space<hbm>>) dst(%dma_wait3A_1799 : memref<128x32xf32, #tpu.memory_space<vmem>>)
    %dma_wait3A_1806 = arith.constant 62 : i32
    %dma_wait3A_1807 = arith.constant 0 : i32
    %dma_wait3A_1808 = arith.constant 1280 : i32
    %dma_wait3A_1809 = arith.constant 0 : i32
    %dma_wait3A_1810 = tpu.memref_slice %arg6[%dma_wait3A_1807, %dma_wait3A_1808, %dma_wait3A_1809] : memref<2x1664x32xf32, #tpu.memory_space<vmem>> -> memref<1x128x32xf32, #tpu.memory_space<vmem>>
    %dma_wait3A_1811 = tpu.memref_squeeze %dma_wait3A_1810 : memref<1x128x32xf32, #tpu.memory_space<vmem>> -> memref<128x32xf32, #tpu.memory_space<vmem>>
    %dma_wait3A_1812 = arith.constant 0 : i32
    %dma_wait3A_1813 = tpu.memref_slice %arg5[%dma_wait3A_1806, %dma_wait3A_1812] : memref<104x128xi32, #tpu.memory_space<vmem>> -> memref<1x128xi32, #tpu.memory_space<vmem>>
    %dma_wait3A_1814 = tpu.memref_squeeze %dma_wait3A_1813 : memref<1x128xi32, #tpu.memory_space<vmem>> -> memref<128xi32, #tpu.memory_space<vmem>>
    %dma_wait3A_1815 = arith.constant 0 : i32
    %dma_wait3A_1816 = arith.constant 0 : i32
    %dma_wait3A_1817 = tpu.memref_slice %arg3[%dma_wait3A_1815, %dma_wait3A_1816] : memref<2981888x32xf32, #tpu.memory_space<hbm>> -> memref<2981888x32xf32, #tpu.memory_space<hbm>>
    tpu.wait_indirect_dma semaphore(%arg7 : memref<!tpu.dma_semaphore, #tpu.memory_space<semaphore_mem>>) src(%dma_wait3A_1817 : memref<2981888x32xf32, #tpu.memory_space<hbm>>) dst(%dma_wait3A_1811 : memref<128x32xf32, #tpu.memory_space<vmem>>)
    %dma_wait3A_1818 = arith.constant 63 : i32
    %dma_wait3A_1819 = arith.constant 0 : i32
    %dma_wait3A_1820 = arith.constant 1408 : i32
    %dma_wait3A_1821 = arith.constant 0 : i32
    %dma_wait3A_1822 = tpu.memref_slice %arg6[%dma_wait3A_1819, %dma_wait3A_1820, %dma_wait3A_1821] : memref<2x1664x32xf32, #tpu.memory_space<vmem>> -> memref<1x128x32xf32, #tpu.memory_space<vmem>>
    %dma_wait3A_1823 = tpu.memref_squeeze %dma_wait3A_1822 : memref<1x128x32xf32, #tpu.memory_space<vmem>> -> memref<128x32xf32, #tpu.memory_space<vmem>>
    %dma_wait3A_1824 = arith.constant 0 : i32
    %dma_wait3A_1825 = tpu.memref_slice %arg5[%dma_wait3A_1818, %dma_wait3A_1824] : memref<104x128xi32, #tpu.memory_space<vmem>> -> memref<1x128xi32, #tpu.memory_space<vmem>>
    %dma_wait3A_1826 = tpu.memref_squeeze %dma_wait3A_1825 : memref<1x128xi32, #tpu.memory_space<vmem>> -> memref<128xi32, #tpu.memory_space<vmem>>
    %dma_wait3A_1827 = arith.constant 0 : i32
    %dma_wait3A_1828 = arith.constant 0 : i32
    %dma_wait3A_1829 = tpu.memref_slice %arg3[%dma_wait3A_1827, %dma_wait3A_1828] : memref<2981888x32xf32, #tpu.memory_space<hbm>> -> memref<2981888x32xf32, #tpu.memory_space<hbm>>
    tpu.wait_indirect_dma semaphore(%arg7 : memref<!tpu.dma_semaphore, #tpu.memory_space<semaphore_mem>>) src(%dma_wait3A_1829 : memref<2981888x32xf32, #tpu.memory_space<hbm>>) dst(%dma_wait3A_1823 : memref<128x32xf32, #tpu.memory_space<vmem>>)
    %dma_wait3A_1830 = arith.constant 64 : i32
    %dma_wait3A_1831 = arith.constant 0 : i32
    %dma_wait3A_1832 = arith.constant 1536 : i32
    %dma_wait3A_1833 = arith.constant 0 : i32
    %dma_wait3A_1834 = tpu.memref_slice %arg6[%dma_wait3A_1831, %dma_wait3A_1832, %dma_wait3A_1833] : memref<2x1664x32xf32, #tpu.memory_space<vmem>> -> memref<1x128x32xf32, #tpu.memory_space<vmem>>
    %dma_wait3A_1835 = tpu.memref_squeeze %dma_wait3A_1834 : memref<1x128x32xf32, #tpu.memory_space<vmem>> -> memref<128x32xf32, #tpu.memory_space<vmem>>
    %dma_wait3A_1836 = arith.constant 0 : i32
    %dma_wait3A_1837 = tpu.memref_slice %arg5[%dma_wait3A_1830, %dma_wait3A_1836] : memref<104x128xi32, #tpu.memory_space<vmem>> -> memref<1x128xi32, #tpu.memory_space<vmem>>
    %dma_wait3A_1838 = tpu.memref_squeeze %dma_wait3A_1837 : memref<1x128xi32, #tpu.memory_space<vmem>> -> memref<128xi32, #tpu.memory_space<vmem>>
    %dma_wait3A_1839 = arith.constant 0 : i32
    %dma_wait3A_1840 = arith.constant 0 : i32
    %dma_wait3A_1841 = tpu.memref_slice %arg3[%dma_wait3A_1839, %dma_wait3A_1840] : memref<2981888x32xf32, #tpu.memory_space<hbm>> -> memref<2981888x32xf32, #tpu.memory_space<hbm>>
    tpu.wait_indirect_dma semaphore(%arg7 : memref<!tpu.dma_semaphore, #tpu.memory_space<semaphore_mem>>) src(%dma_wait3A_1841 : memref<2981888x32xf32, #tpu.memory_space<hbm>>) dst(%dma_wait3A_1835 : memref<128x32xf32, #tpu.memory_space<vmem>>)
    %mul3A_1842 = arith.constant 13312 : i32
    %mul3A_1843 = arith.muli %add3A, %mul3A_1842 : i32
    %add3A_1844 = arith.constant 6656 : i32
    %add3A_1845 = arith.addi %mul3A_1843, %add3A_1844 : i32
    %dma_start3A_1846 = arith.constant 0 : i32
    %dma_start3A_1847 = arith.constant 0 : i32
    %dma_start3A_1848 = arith.constant 0 : i32
    %dma_start3A_1849 = tpu.memref_slice %arg6[%dma_start3A_1846, %dma_start3A_1847, %dma_start3A_1848] : memref<2x1664x32xf32, #tpu.memory_space<vmem>> -> memref<1x1664x32xf32, #tpu.memory_space<vmem>>
    %dma_start3A_1850 = tpu.memref_squeeze %dma_start3A_1849 : memref<1x1664x32xf32, #tpu.memory_space<vmem>> -> memref<1664x32xf32, #tpu.memory_space<vmem>>
    %dma_start3A_1851 = arith.constant 0 : i32
    %dma_start3A_1852 = tpu.memref_slice %arg4[%add3A_1845, %dma_start3A_1851] : memref<425984x32xf32, #tpu.memory_space<hbm>> -> memref<1664x32xf32, #tpu.memory_space<hbm>>
    %dma_start3A_1853 = arith.constant 0 : i32
    %dma_start3A_1854 = tpu.memref_slice %arg4[%add3A_1845, %dma_start3A_1853] : memref<425984x32xf32, #tpu.memory_space<hbm>> -> memref<1664x32xf32, #tpu.memory_space<hbm>>
    %dma_start3A_1855 = arith.constant 0 : i32
    %dma_start3A_1856 = arith.constant 0 : i32
    %dma_start3A_1857 = tpu.memref_slice %arg6[%dma_start3A_1846, %dma_start3A_1855, %dma_start3A_1856] : memref<2x1664x32xf32, #tpu.memory_space<vmem>> -> memref<1x1664x32xf32, #tpu.memory_space<vmem>>
    %dma_start3A_1858 = tpu.memref_squeeze %dma_start3A_1857 : memref<1x1664x32xf32, #tpu.memory_space<vmem>> -> memref<1664x32xf32, #tpu.memory_space<vmem>>
    tpu.enqueue_dma source(%dma_start3A_1858 : memref<1664x32xf32, #tpu.memory_space<vmem>>) target(%dma_start3A_1854 : memref<1664x32xf32, #tpu.memory_space<hbm>>) target_semaphore(%arg9 : memref<!tpu.dma_semaphore, #tpu.memory_space<semaphore_mem>>)
    %dma_wait3A_1859 = arith.constant 0 : i32
    %dma_wait3A_1860 = arith.constant 0 : i32
    %dma_wait3A_1861 = arith.constant 0 : i32
    %dma_wait3A_1862 = tpu.memref_slice %arg6[%dma_wait3A_1859, %dma_wait3A_1860, %dma_wait3A_1861] : memref<2x1664x32xf32, #tpu.memory_space<vmem>> -> memref<1x1664x32xf32, #tpu.memory_space<vmem>>
    %dma_wait3A_1863 = tpu.memref_squeeze %dma_wait3A_1862 : memref<1x1664x32xf32, #tpu.memory_space<vmem>> -> memref<1664x32xf32, #tpu.memory_space<vmem>>
    %dma_wait3A_1864 = arith.constant 0 : i32
    %dma_wait3A_1865 = tpu.memref_slice %arg4[%add3A_1845, %dma_wait3A_1864] : memref<425984x32xf32, #tpu.memory_space<hbm>> -> memref<1664x32xf32, #tpu.memory_space<hbm>>
    %dma_wait3A_1866 = arith.constant 0 : i32
    %dma_wait3A_1867 = tpu.memref_slice %arg4[%add3A_1845, %dma_wait3A_1866] : memref<425984x32xf32, #tpu.memory_space<hbm>> -> memref<1664x32xf32, #tpu.memory_space<hbm>>
    %dma_wait3A_1868 = arith.constant 0 : i32
    %dma_wait3A_1869 = arith.constant 0 : i32
    %dma_wait3A_1870 = tpu.memref_slice %arg6[%dma_wait3A_1859, %dma_wait3A_1868, %dma_wait3A_1869] : memref<2x1664x32xf32, #tpu.memory_space<vmem>> -> memref<1x1664x32xf32, #tpu.memory_space<vmem>>
    %dma_wait3A_1871 = tpu.memref_squeeze %dma_wait3A_1870 : memref<1x1664x32xf32, #tpu.memory_space<vmem>> -> memref<1664x32xf32, #tpu.memory_space<vmem>>
    tpu.wait_dma2 semaphore(%arg9 : memref<!tpu.dma_semaphore, #tpu.memory_space<semaphore_mem>>) src(%dma_wait3A_1871 : memref<1664x32xf32, #tpu.memory_space<vmem>>) dst(%dma_wait3A_1867 : memref<1664x32xf32, #tpu.memory_space<hbm>>)
    %dma_start3A_1872 = arith.constant 78 : i32
    %dma_start3A_1873 = arith.constant 0 : i32
    %dma_start3A_1874 = arith.constant 0 : i32
    %dma_start3A_1875 = arith.constant 0 : i32
    %dma_start3A_1876 = tpu.memref_slice %arg6[%dma_start3A_1873, %dma_start3A_1874, %dma_start3A_1875] : memref<2x1664x32xf32, #tpu.memory_space<vmem>> -> memref<1x128x32xf32, #tpu.memory_space<vmem>>
    %dma_start3A_1877 = tpu.memref_squeeze %dma_start3A_1876 : memref<1x128x32xf32, #tpu.memory_space<vmem>> -> memref<128x32xf32, #tpu.memory_space<vmem>>
    %dma_start3A_1878 = arith.constant 0 : i32
    %dma_start3A_1879 = tpu.memref_slice %arg5[%dma_start3A_1872, %dma_start3A_1878] : memref<104x128xi32, #tpu.memory_space<vmem>> -> memref<1x128xi32, #tpu.memory_space<vmem>>
    %dma_start3A_1880 = tpu.memref_squeeze %dma_start3A_1879 : memref<1x128xi32, #tpu.memory_space<vmem>> -> memref<128xi32, #tpu.memory_space<vmem>>
    %dma_start3A_1881 = arith.constant 0 : i32
    %dma_start3A_1882 = arith.constant 0 : i32
    %dma_start3A_1883 = tpu.memref_slice %arg3[%dma_start3A_1881, %dma_start3A_1882] : memref<2981888x32xf32, #tpu.memory_space<hbm>> -> memref<2981888x32xf32, #tpu.memory_space<hbm>>
    tpu.enqueue_indirect_dma source(%dma_start3A_1883 : memref<2981888x32xf32, #tpu.memory_space<hbm>>) target(%dma_start3A_1877 : memref<128x32xf32, #tpu.memory_space<vmem>>) offsets(%dma_start3A_1880 : memref<128xi32, #tpu.memory_space<vmem>>) semaphore(%arg7 : memref<!tpu.dma_semaphore, #tpu.memory_space<semaphore_mem>>)
    %dma_start3A_1884 = arith.constant 79 : i32
    %dma_start3A_1885 = arith.constant 0 : i32
    %dma_start3A_1886 = arith.constant 128 : i32
    %dma_start3A_1887 = arith.constant 0 : i32
    %dma_start3A_1888 = tpu.memref_slice %arg6[%dma_start3A_1885, %dma_start3A_1886, %dma_start3A_1887] : memref<2x1664x32xf32, #tpu.memory_space<vmem>> -> memref<1x128x32xf32, #tpu.memory_space<vmem>>
    %dma_start3A_1889 = tpu.memref_squeeze %dma_start3A_1888 : memref<1x128x32xf32, #tpu.memory_space<vmem>> -> memref<128x32xf32, #tpu.memory_space<vmem>>
    %dma_start3A_1890 = arith.constant 0 : i32
    %dma_start3A_1891 = tpu.memref_slice %arg5[%dma_start3A_1884, %dma_start3A_1890] : memref<104x128xi32, #tpu.memory_space<vmem>> -> memref<1x128xi32, #tpu.memory_space<vmem>>
    %dma_start3A_1892 = tpu.memref_squeeze %dma_start3A_1891 : memref<1x128xi32, #tpu.memory_space<vmem>> -> memref<128xi32, #tpu.memory_space<vmem>>
    %dma_start3A_1893 = arith.constant 0 : i32
    %dma_start3A_1894 = arith.constant 0 : i32
    %dma_start3A_1895 = tpu.memref_slice %arg3[%dma_start3A_1893, %dma_start3A_1894] : memref<2981888x32xf32, #tpu.memory_space<hbm>> -> memref<2981888x32xf32, #tpu.memory_space<hbm>>
    tpu.enqueue_indirect_dma source(%dma_start3A_1895 : memref<2981888x32xf32, #tpu.memory_space<hbm>>) target(%dma_start3A_1889 : memref<128x32xf32, #tpu.memory_space<vmem>>) offsets(%dma_start3A_1892 : memref<128xi32, #tpu.memory_space<vmem>>) semaphore(%arg7 : memref<!tpu.dma_semaphore, #tpu.memory_space<semaphore_mem>>)
    %dma_start3A_1896 = arith.constant 80 : i32
    %dma_start3A_1897 = arith.constant 0 : i32
    %dma_start3A_1898 = arith.constant 256 : i32
    %dma_start3A_1899 = arith.constant 0 : i32
    %dma_start3A_1900 = tpu.memref_slice %arg6[%dma_start3A_1897, %dma_start3A_1898, %dma_start3A_1899] : memref<2x1664x32xf32, #tpu.memory_space<vmem>> -> memref<1x128x32xf32, #tpu.memory_space<vmem>>
    %dma_start3A_1901 = tpu.memref_squeeze %dma_start3A_1900 : memref<1x128x32xf32, #tpu.memory_space<vmem>> -> memref<128x32xf32, #tpu.memory_space<vmem>>
    %dma_start3A_1902 = arith.constant 0 : i32
    %dma_start3A_1903 = tpu.memref_slice %arg5[%dma_start3A_1896, %dma_start3A_1902] : memref<104x128xi32, #tpu.memory_space<vmem>> -> memref<1x128xi32, #tpu.memory_space<vmem>>
    %dma_start3A_1904 = tpu.memref_squeeze %dma_start3A_1903 : memref<1x128xi32, #tpu.memory_space<vmem>> -> memref<128xi32, #tpu.memory_space<vmem>>
    %dma_start3A_1905 = arith.constant 0 : i32
    %dma_start3A_1906 = arith.constant 0 : i32
    %dma_start3A_1907 = tpu.memref_slice %arg3[%dma_start3A_1905, %dma_start3A_1906] : memref<2981888x32xf32, #tpu.memory_space<hbm>> -> memref<2981888x32xf32, #tpu.memory_space<hbm>>
    tpu.enqueue_indirect_dma source(%dma_start3A_1907 : memref<2981888x32xf32, #tpu.memory_space<hbm>>) target(%dma_start3A_1901 : memref<128x32xf32, #tpu.memory_space<vmem>>) offsets(%dma_start3A_1904 : memref<128xi32, #tpu.memory_space<vmem>>) semaphore(%arg7 : memref<!tpu.dma_semaphore, #tpu.memory_space<semaphore_mem>>)
    %dma_start3A_1908 = arith.constant 81 : i32
    %dma_start3A_1909 = arith.constant 0 : i32
    %dma_start3A_1910 = arith.constant 384 : i32
    %dma_start3A_1911 = arith.constant 0 : i32
    %dma_start3A_1912 = tpu.memref_slice %arg6[%dma_start3A_1909, %dma_start3A_1910, %dma_start3A_1911] : memref<2x1664x32xf32, #tpu.memory_space<vmem>> -> memref<1x128x32xf32, #tpu.memory_space<vmem>>
    %dma_start3A_1913 = tpu.memref_squeeze %dma_start3A_1912 : memref<1x128x32xf32, #tpu.memory_space<vmem>> -> memref<128x32xf32, #tpu.memory_space<vmem>>
    %dma_start3A_1914 = arith.constant 0 : i32
    %dma_start3A_1915 = tpu.memref_slice %arg5[%dma_start3A_1908, %dma_start3A_1914] : memref<104x128xi32, #tpu.memory_space<vmem>> -> memref<1x128xi32, #tpu.memory_space<vmem>>
    %dma_start3A_1916 = tpu.memref_squeeze %dma_start3A_1915 : memref<1x128xi32, #tpu.memory_space<vmem>> -> memref<128xi32, #tpu.memory_space<vmem>>
    %dma_start3A_1917 = arith.constant 0 : i32
    %dma_start3A_1918 = arith.constant 0 : i32
    %dma_start3A_1919 = tpu.memref_slice %arg3[%dma_start3A_1917, %dma_start3A_1918] : memref<2981888x32xf32, #tpu.memory_space<hbm>> -> memref<2981888x32xf32, #tpu.memory_space<hbm>>
    tpu.enqueue_indirect_dma source(%dma_start3A_1919 : memref<2981888x32xf32, #tpu.memory_space<hbm>>) target(%dma_start3A_1913 : memref<128x32xf32, #tpu.memory_space<vmem>>) offsets(%dma_start3A_1916 : memref<128xi32, #tpu.memory_space<vmem>>) semaphore(%arg7 : memref<!tpu.dma_semaphore, #tpu.memory_space<semaphore_mem>>)
    %dma_start3A_1920 = arith.constant 82 : i32
    %dma_start3A_1921 = arith.constant 0 : i32
    %dma_start3A_1922 = arith.constant 512 : i32
    %dma_start3A_1923 = arith.constant 0 : i32
    %dma_start3A_1924 = tpu.memref_slice %arg6[%dma_start3A_1921, %dma_start3A_1922, %dma_start3A_1923] : memref<2x1664x32xf32, #tpu.memory_space<vmem>> -> memref<1x128x32xf32, #tpu.memory_space<vmem>>
    %dma_start3A_1925 = tpu.memref_squeeze %dma_start3A_1924 : memref<1x128x32xf32, #tpu.memory_space<vmem>> -> memref<128x32xf32, #tpu.memory_space<vmem>>
    %dma_start3A_1926 = arith.constant 0 : i32
    %dma_start3A_1927 = tpu.memref_slice %arg5[%dma_start3A_1920, %dma_start3A_1926] : memref<104x128xi32, #tpu.memory_space<vmem>> -> memref<1x128xi32, #tpu.memory_space<vmem>>
    %dma_start3A_1928 = tpu.memref_squeeze %dma_start3A_1927 : memref<1x128xi32, #tpu.memory_space<vmem>> -> memref<128xi32, #tpu.memory_space<vmem>>
    %dma_start3A_1929 = arith.constant 0 : i32
    %dma_start3A_1930 = arith.constant 0 : i32
    %dma_start3A_1931 = tpu.memref_slice %arg3[%dma_start3A_1929, %dma_start3A_1930] : memref<2981888x32xf32, #tpu.memory_space<hbm>> -> memref<2981888x32xf32, #tpu.memory_space<hbm>>
    tpu.enqueue_indirect_dma source(%dma_start3A_1931 : memref<2981888x32xf32, #tpu.memory_space<hbm>>) target(%dma_start3A_1925 : memref<128x32xf32, #tpu.memory_space<vmem>>) offsets(%dma_start3A_1928 : memref<128xi32, #tpu.memory_space<vmem>>) semaphore(%arg7 : memref<!tpu.dma_semaphore, #tpu.memory_space<semaphore_mem>>)
    %dma_start3A_1932 = arith.constant 83 : i32
    %dma_start3A_1933 = arith.constant 0 : i32
    %dma_start3A_1934 = arith.constant 640 : i32
    %dma_start3A_1935 = arith.constant 0 : i32
    %dma_start3A_1936 = tpu.memref_slice %arg6[%dma_start3A_1933, %dma_start3A_1934, %dma_start3A_1935] : memref<2x1664x32xf32, #tpu.memory_space<vmem>> -> memref<1x128x32xf32, #tpu.memory_space<vmem>>
    %dma_start3A_1937 = tpu.memref_squeeze %dma_start3A_1936 : memref<1x128x32xf32, #tpu.memory_space<vmem>> -> memref<128x32xf32, #tpu.memory_space<vmem>>
    %dma_start3A_1938 = arith.constant 0 : i32
    %dma_start3A_1939 = tpu.memref_slice %arg5[%dma_start3A_1932, %dma_start3A_1938] : memref<104x128xi32, #tpu.memory_space<vmem>> -> memref<1x128xi32, #tpu.memory_space<vmem>>
    %dma_start3A_1940 = tpu.memref_squeeze %dma_start3A_1939 : memref<1x128xi32, #tpu.memory_space<vmem>> -> memref<128xi32, #tpu.memory_space<vmem>>
    %dma_start3A_1941 = arith.constant 0 : i32
    %dma_start3A_1942 = arith.constant 0 : i32
    %dma_start3A_1943 = tpu.memref_slice %arg3[%dma_start3A_1941, %dma_start3A_1942] : memref<2981888x32xf32, #tpu.memory_space<hbm>> -> memref<2981888x32xf32, #tpu.memory_space<hbm>>
    tpu.enqueue_indirect_dma source(%dma_start3A_1943 : memref<2981888x32xf32, #tpu.memory_space<hbm>>) target(%dma_start3A_1937 : memref<128x32xf32, #tpu.memory_space<vmem>>) offsets(%dma_start3A_1940 : memref<128xi32, #tpu.memory_space<vmem>>) semaphore(%arg7 : memref<!tpu.dma_semaphore, #tpu.memory_space<semaphore_mem>>)
    %dma_start3A_1944 = arith.constant 84 : i32
    %dma_start3A_1945 = arith.constant 0 : i32
    %dma_start3A_1946 = arith.constant 768 : i32
    %dma_start3A_1947 = arith.constant 0 : i32
    %dma_start3A_1948 = tpu.memref_slice %arg6[%dma_start3A_1945, %dma_start3A_1946, %dma_start3A_1947] : memref<2x1664x32xf32, #tpu.memory_space<vmem>> -> memref<1x128x32xf32, #tpu.memory_space<vmem>>
    %dma_start3A_1949 = tpu.memref_squeeze %dma_start3A_1948 : memref<1x128x32xf32, #tpu.memory_space<vmem>> -> memref<128x32xf32, #tpu.memory_space<vmem>>
    %dma_start3A_1950 = arith.constant 0 : i32
    %dma_start3A_1951 = tpu.memref_slice %arg5[%dma_start3A_1944, %dma_start3A_1950] : memref<104x128xi32, #tpu.memory_space<vmem>> -> memref<1x128xi32, #tpu.memory_space<vmem>>
    %dma_start3A_1952 = tpu.memref_squeeze %dma_start3A_1951 : memref<1x128xi32, #tpu.memory_space<vmem>> -> memref<128xi32, #tpu.memory_space<vmem>>
    %dma_start3A_1953 = arith.constant 0 : i32
    %dma_start3A_1954 = arith.constant 0 : i32
    %dma_start3A_1955 = tpu.memref_slice %arg3[%dma_start3A_1953, %dma_start3A_1954] : memref<2981888x32xf32, #tpu.memory_space<hbm>> -> memref<2981888x32xf32, #tpu.memory_space<hbm>>
    tpu.enqueue_indirect_dma source(%dma_start3A_1955 : memref<2981888x32xf32, #tpu.memory_space<hbm>>) target(%dma_start3A_1949 : memref<128x32xf32, #tpu.memory_space<vmem>>) offsets(%dma_start3A_1952 : memref<128xi32, #tpu.memory_space<vmem>>) semaphore(%arg7 : memref<!tpu.dma_semaphore, #tpu.memory_space<semaphore_mem>>)
    %dma_start3A_1956 = arith.constant 85 : i32
    %dma_start3A_1957 = arith.constant 0 : i32
    %dma_start3A_1958 = arith.constant 896 : i32
    %dma_start3A_1959 = arith.constant 0 : i32
    %dma_start3A_1960 = tpu.memref_slice %arg6[%dma_start3A_1957, %dma_start3A_1958, %dma_start3A_1959] : memref<2x1664x32xf32, #tpu.memory_space<vmem>> -> memref<1x128x32xf32, #tpu.memory_space<vmem>>
    %dma_start3A_1961 = tpu.memref_squeeze %dma_start3A_1960 : memref<1x128x32xf32, #tpu.memory_space<vmem>> -> memref<128x32xf32, #tpu.memory_space<vmem>>
    %dma_start3A_1962 = arith.constant 0 : i32
    %dma_start3A_1963 = tpu.memref_slice %arg5[%dma_start3A_1956, %dma_start3A_1962] : memref<104x128xi32, #tpu.memory_space<vmem>> -> memref<1x128xi32, #tpu.memory_space<vmem>>
    %dma_start3A_1964 = tpu.memref_squeeze %dma_start3A_1963 : memref<1x128xi32, #tpu.memory_space<vmem>> -> memref<128xi32, #tpu.memory_space<vmem>>
    %dma_start3A_1965 = arith.constant 0 : i32
    %dma_start3A_1966 = arith.constant 0 : i32
    %dma_start3A_1967 = tpu.memref_slice %arg3[%dma_start3A_1965, %dma_start3A_1966] : memref<2981888x32xf32, #tpu.memory_space<hbm>> -> memref<2981888x32xf32, #tpu.memory_space<hbm>>
    tpu.enqueue_indirect_dma source(%dma_start3A_1967 : memref<2981888x32xf32, #tpu.memory_space<hbm>>) target(%dma_start3A_1961 : memref<128x32xf32, #tpu.memory_space<vmem>>) offsets(%dma_start3A_1964 : memref<128xi32, #tpu.memory_space<vmem>>) semaphore(%arg7 : memref<!tpu.dma_semaphore, #tpu.memory_space<semaphore_mem>>)
    %dma_start3A_1968 = arith.constant 86 : i32
    %dma_start3A_1969 = arith.constant 0 : i32
    %dma_start3A_1970 = arith.constant 1024 : i32
    %dma_start3A_1971 = arith.constant 0 : i32
    %dma_start3A_1972 = tpu.memref_slice %arg6[%dma_start3A_1969, %dma_start3A_1970, %dma_start3A_1971] : memref<2x1664x32xf32, #tpu.memory_space<vmem>> -> memref<1x128x32xf32, #tpu.memory_space<vmem>>
    %dma_start3A_1973 = tpu.memref_squeeze %dma_start3A_1972 : memref<1x128x32xf32, #tpu.memory_space<vmem>> -> memref<128x32xf32, #tpu.memory_space<vmem>>
    %dma_start3A_1974 = arith.constant 0 : i32
    %dma_start3A_1975 = tpu.memref_slice %arg5[%dma_start3A_1968, %dma_start3A_1974] : memref<104x128xi32, #tpu.memory_space<vmem>> -> memref<1x128xi32, #tpu.memory_space<vmem>>
    %dma_start3A_1976 = tpu.memref_squeeze %dma_start3A_1975 : memref<1x128xi32, #tpu.memory_space<vmem>> -> memref<128xi32, #tpu.memory_space<vmem>>
    %dma_start3A_1977 = arith.constant 0 : i32
    %dma_start3A_1978 = arith.constant 0 : i32
    %dma_start3A_1979 = tpu.memref_slice %arg3[%dma_start3A_1977, %dma_start3A_1978] : memref<2981888x32xf32, #tpu.memory_space<hbm>> -> memref<2981888x32xf32, #tpu.memory_space<hbm>>
    tpu.enqueue_indirect_dma source(%dma_start3A_1979 : memref<2981888x32xf32, #tpu.memory_space<hbm>>) target(%dma_start3A_1973 : memref<128x32xf32, #tpu.memory_space<vmem>>) offsets(%dma_start3A_1976 : memref<128xi32, #tpu.memory_space<vmem>>) semaphore(%arg7 : memref<!tpu.dma_semaphore, #tpu.memory_space<semaphore_mem>>)
    %dma_start3A_1980 = arith.constant 87 : i32
    %dma_start3A_1981 = arith.constant 0 : i32
    %dma_start3A_1982 = arith.constant 1152 : i32
    %dma_start3A_1983 = arith.constant 0 : i32
    %dma_start3A_1984 = tpu.memref_slice %arg6[%dma_start3A_1981, %dma_start3A_1982, %dma_start3A_1983] : memref<2x1664x32xf32, #tpu.memory_space<vmem>> -> memref<1x128x32xf32, #tpu.memory_space<vmem>>
    %dma_start3A_1985 = tpu.memref_squeeze %dma_start3A_1984 : memref<1x128x32xf32, #tpu.memory_space<vmem>> -> memref<128x32xf32, #tpu.memory_space<vmem>>
    %dma_start3A_1986 = arith.constant 0 : i32
    %dma_start3A_1987 = tpu.memref_slice %arg5[%dma_start3A_1980, %dma_start3A_1986] : memref<104x128xi32, #tpu.memory_space<vmem>> -> memref<1x128xi32, #tpu.memory_space<vmem>>
    %dma_start3A_1988 = tpu.memref_squeeze %dma_start3A_1987 : memref<1x128xi32, #tpu.memory_space<vmem>> -> memref<128xi32, #tpu.memory_space<vmem>>
    %dma_start3A_1989 = arith.constant 0 : i32
    %dma_start3A_1990 = arith.constant 0 : i32
    %dma_start3A_1991 = tpu.memref_slice %arg3[%dma_start3A_1989, %dma_start3A_1990] : memref<2981888x32xf32, #tpu.memory_space<hbm>> -> memref<2981888x32xf32, #tpu.memory_space<hbm>>
    tpu.enqueue_indirect_dma source(%dma_start3A_1991 : memref<2981888x32xf32, #tpu.memory_space<hbm>>) target(%dma_start3A_1985 : memref<128x32xf32, #tpu.memory_space<vmem>>) offsets(%dma_start3A_1988 : memref<128xi32, #tpu.memory_space<vmem>>) semaphore(%arg7 : memref<!tpu.dma_semaphore, #tpu.memory_space<semaphore_mem>>)
    %dma_start3A_1992 = arith.constant 88 : i32
    %dma_start3A_1993 = arith.constant 0 : i32
    %dma_start3A_1994 = arith.constant 1280 : i32
    %dma_start3A_1995 = arith.constant 0 : i32
    %dma_start3A_1996 = tpu.memref_slice %arg6[%dma_start3A_1993, %dma_start3A_1994, %dma_start3A_1995] : memref<2x1664x32xf32, #tpu.memory_space<vmem>> -> memref<1x128x32xf32, #tpu.memory_space<vmem>>
    %dma_start3A_1997 = tpu.memref_squeeze %dma_start3A_1996 : memref<1x128x32xf32, #tpu.memory_space<vmem>> -> memref<128x32xf32, #tpu.memory_space<vmem>>
    %dma_start3A_1998 = arith.constant 0 : i32
    %dma_start3A_1999 = tpu.memref_slice %arg5[%dma_start3A_1992, %dma_start3A_1998] : memref<104x128xi32, #tpu.memory_space<vmem>> -> memref<1x128xi32, #tpu.memory_space<vmem>>
    %dma_start3A_2000 = tpu.memref_squeeze %dma_start3A_1999 : memref<1x128xi32, #tpu.memory_space<vmem>> -> memref<128xi32, #tpu.memory_space<vmem>>
    %dma_start3A_2001 = arith.constant 0 : i32
    %dma_start3A_2002 = arith.constant 0 : i32
    %dma_start3A_2003 = tpu.memref_slice %arg3[%dma_start3A_2001, %dma_start3A_2002] : memref<2981888x32xf32, #tpu.memory_space<hbm>> -> memref<2981888x32xf32, #tpu.memory_space<hbm>>
    tpu.enqueue_indirect_dma source(%dma_start3A_2003 : memref<2981888x32xf32, #tpu.memory_space<hbm>>) target(%dma_start3A_1997 : memref<128x32xf32, #tpu.memory_space<vmem>>) offsets(%dma_start3A_2000 : memref<128xi32, #tpu.memory_space<vmem>>) semaphore(%arg7 : memref<!tpu.dma_semaphore, #tpu.memory_space<semaphore_mem>>)
    %dma_start3A_2004 = arith.constant 89 : i32
    %dma_start3A_2005 = arith.constant 0 : i32
    %dma_start3A_2006 = arith.constant 1408 : i32
    %dma_start3A_2007 = arith.constant 0 : i32
    %dma_start3A_2008 = tpu.memref_slice %arg6[%dma_start3A_2005, %dma_start3A_2006, %dma_start3A_2007] : memref<2x1664x32xf32, #tpu.memory_space<vmem>> -> memref<1x128x32xf32, #tpu.memory_space<vmem>>
    %dma_start3A_2009 = tpu.memref_squeeze %dma_start3A_2008 : memref<1x128x32xf32, #tpu.memory_space<vmem>> -> memref<128x32xf32, #tpu.memory_space<vmem>>
    %dma_start3A_2010 = arith.constant 0 : i32
    %dma_start3A_2011 = tpu.memref_slice %arg5[%dma_start3A_2004, %dma_start3A_2010] : memref<104x128xi32, #tpu.memory_space<vmem>> -> memref<1x128xi32, #tpu.memory_space<vmem>>
    %dma_start3A_2012 = tpu.memref_squeeze %dma_start3A_2011 : memref<1x128xi32, #tpu.memory_space<vmem>> -> memref<128xi32, #tpu.memory_space<vmem>>
    %dma_start3A_2013 = arith.constant 0 : i32
    %dma_start3A_2014 = arith.constant 0 : i32
    %dma_start3A_2015 = tpu.memref_slice %arg3[%dma_start3A_2013, %dma_start3A_2014] : memref<2981888x32xf32, #tpu.memory_space<hbm>> -> memref<2981888x32xf32, #tpu.memory_space<hbm>>
    tpu.enqueue_indirect_dma source(%dma_start3A_2015 : memref<2981888x32xf32, #tpu.memory_space<hbm>>) target(%dma_start3A_2009 : memref<128x32xf32, #tpu.memory_space<vmem>>) offsets(%dma_start3A_2012 : memref<128xi32, #tpu.memory_space<vmem>>) semaphore(%arg7 : memref<!tpu.dma_semaphore, #tpu.memory_space<semaphore_mem>>)
    %dma_start3A_2016 = arith.constant 90 : i32
    %dma_start3A_2017 = arith.constant 0 : i32
    %dma_start3A_2018 = arith.constant 1536 : i32
    %dma_start3A_2019 = arith.constant 0 : i32
    %dma_start3A_2020 = tpu.memref_slice %arg6[%dma_start3A_2017, %dma_start3A_2018, %dma_start3A_2019] : memref<2x1664x32xf32, #tpu.memory_space<vmem>> -> memref<1x128x32xf32, #tpu.memory_space<vmem>>
    %dma_start3A_2021 = tpu.memref_squeeze %dma_start3A_2020 : memref<1x128x32xf32, #tpu.memory_space<vmem>> -> memref<128x32xf32, #tpu.memory_space<vmem>>
    %dma_start3A_2022 = arith.constant 0 : i32
    %dma_start3A_2023 = tpu.memref_slice %arg5[%dma_start3A_2016, %dma_start3A_2022] : memref<104x128xi32, #tpu.memory_space<vmem>> -> memref<1x128xi32, #tpu.memory_space<vmem>>
    %dma_start3A_2024 = tpu.memref_squeeze %dma_start3A_2023 : memref<1x128xi32, #tpu.memory_space<vmem>> -> memref<128xi32, #tpu.memory_space<vmem>>
    %dma_start3A_2025 = arith.constant 0 : i32
    %dma_start3A_2026 = arith.constant 0 : i32
    %dma_start3A_2027 = tpu.memref_slice %arg3[%dma_start3A_2025, %dma_start3A_2026] : memref<2981888x32xf32, #tpu.memory_space<hbm>> -> memref<2981888x32xf32, #tpu.memory_space<hbm>>
    tpu.enqueue_indirect_dma source(%dma_start3A_2027 : memref<2981888x32xf32, #tpu.memory_space<hbm>>) target(%dma_start3A_2021 : memref<128x32xf32, #tpu.memory_space<vmem>>) offsets(%dma_start3A_2024 : memref<128xi32, #tpu.memory_space<vmem>>) semaphore(%arg7 : memref<!tpu.dma_semaphore, #tpu.memory_space<semaphore_mem>>)
    %dma_wait3A_2028 = arith.constant 65 : i32
    %dma_wait3A_2029 = arith.constant 1 : i32
    %dma_wait3A_2030 = arith.constant 0 : i32
    %dma_wait3A_2031 = arith.constant 0 : i32
    %dma_wait3A_2032 = tpu.memref_slice %arg6[%dma_wait3A_2029, %dma_wait3A_2030, %dma_wait3A_2031] : memref<2x1664x32xf32, #tpu.memory_space<vmem>> -> memref<1x128x32xf32, #tpu.memory_space<vmem>>
    %dma_wait3A_2033 = tpu.memref_squeeze %dma_wait3A_2032 : memref<1x128x32xf32, #tpu.memory_space<vmem>> -> memref<128x32xf32, #tpu.memory_space<vmem>>
    %dma_wait3A_2034 = arith.constant 0 : i32
    %dma_wait3A_2035 = tpu.memref_slice %arg5[%dma_wait3A_2028, %dma_wait3A_2034] : memref<104x128xi32, #tpu.memory_space<vmem>> -> memref<1x128xi32, #tpu.memory_space<vmem>>
    %dma_wait3A_2036 = tpu.memref_squeeze %dma_wait3A_2035 : memref<1x128xi32, #tpu.memory_space<vmem>> -> memref<128xi32, #tpu.memory_space<vmem>>
    %dma_wait3A_2037 = arith.constant 0 : i32
    %dma_wait3A_2038 = arith.constant 0 : i32
    %dma_wait3A_2039 = tpu.memref_slice %arg3[%dma_wait3A_2037, %dma_wait3A_2038] : memref<2981888x32xf32, #tpu.memory_space<hbm>> -> memref<2981888x32xf32, #tpu.memory_space<hbm>>
    tpu.wait_indirect_dma semaphore(%arg8 : memref<!tpu.dma_semaphore, #tpu.memory_space<semaphore_mem>>) src(%dma_wait3A_2039 : memref<2981888x32xf32, #tpu.memory_space<hbm>>) dst(%dma_wait3A_2033 : memref<128x32xf32, #tpu.memory_space<vmem>>)
    %dma_wait3A_2040 = arith.constant 66 : i32
    %dma_wait3A_2041 = arith.constant 1 : i32
    %dma_wait3A_2042 = arith.constant 128 : i32
    %dma_wait3A_2043 = arith.constant 0 : i32
    %dma_wait3A_2044 = tpu.memref_slice %arg6[%dma_wait3A_2041, %dma_wait3A_2042, %dma_wait3A_2043] : memref<2x1664x32xf32, #tpu.memory_space<vmem>> -> memref<1x128x32xf32, #tpu.memory_space<vmem>>
    %dma_wait3A_2045 = tpu.memref_squeeze %dma_wait3A_2044 : memref<1x128x32xf32, #tpu.memory_space<vmem>> -> memref<128x32xf32, #tpu.memory_space<vmem>>
    %dma_wait3A_2046 = arith.constant 0 : i32
    %dma_wait3A_2047 = tpu.memref_slice %arg5[%dma_wait3A_2040, %dma_wait3A_2046] : memref<104x128xi32, #tpu.memory_space<vmem>> -> memref<1x128xi32, #tpu.memory_space<vmem>>
    %dma_wait3A_2048 = tpu.memref_squeeze %dma_wait3A_2047 : memref<1x128xi32, #tpu.memory_space<vmem>> -> memref<128xi32, #tpu.memory_space<vmem>>
    %dma_wait3A_2049 = arith.constant 0 : i32
    %dma_wait3A_2050 = arith.constant 0 : i32
    %dma_wait3A_2051 = tpu.memref_slice %arg3[%dma_wait3A_2049, %dma_wait3A_2050] : memref<2981888x32xf32, #tpu.memory_space<hbm>> -> memref<2981888x32xf32, #tpu.memory_space<hbm>>
    tpu.wait_indirect_dma semaphore(%arg8 : memref<!tpu.dma_semaphore, #tpu.memory_space<semaphore_mem>>) src(%dma_wait3A_2051 : memref<2981888x32xf32, #tpu.memory_space<hbm>>) dst(%dma_wait3A_2045 : memref<128x32xf32, #tpu.memory_space<vmem>>)
    %dma_wait3A_2052 = arith.constant 67 : i32
    %dma_wait3A_2053 = arith.constant 1 : i32
    %dma_wait3A_2054 = arith.constant 256 : i32
    %dma_wait3A_2055 = arith.constant 0 : i32
    %dma_wait3A_2056 = tpu.memref_slice %arg6[%dma_wait3A_2053, %dma_wait3A_2054, %dma_wait3A_2055] : memref<2x1664x32xf32, #tpu.memory_space<vmem>> -> memref<1x128x32xf32, #tpu.memory_space<vmem>>
    %dma_wait3A_2057 = tpu.memref_squeeze %dma_wait3A_2056 : memref<1x128x32xf32, #tpu.memory_space<vmem>> -> memref<128x32xf32, #tpu.memory_space<vmem>>
    %dma_wait3A_2058 = arith.constant 0 : i32
    %dma_wait3A_2059 = tpu.memref_slice %arg5[%dma_wait3A_2052, %dma_wait3A_2058] : memref<104x128xi32, #tpu.memory_space<vmem>> -> memref<1x128xi32, #tpu.memory_space<vmem>>
    %dma_wait3A_2060 = tpu.memref_squeeze %dma_wait3A_2059 : memref<1x128xi32, #tpu.memory_space<vmem>> -> memref<128xi32, #tpu.memory_space<vmem>>
    %dma_wait3A_2061 = arith.constant 0 : i32
    %dma_wait3A_2062 = arith.constant 0 : i32
    %dma_wait3A_2063 = tpu.memref_slice %arg3[%dma_wait3A_2061, %dma_wait3A_2062] : memref<2981888x32xf32, #tpu.memory_space<hbm>> -> memref<2981888x32xf32, #tpu.memory_space<hbm>>
    tpu.wait_indirect_dma semaphore(%arg8 : memref<!tpu.dma_semaphore, #tpu.memory_space<semaphore_mem>>) src(%dma_wait3A_2063 : memref<2981888x32xf32, #tpu.memory_space<hbm>>) dst(%dma_wait3A_2057 : memref<128x32xf32, #tpu.memory_space<vmem>>)
    %dma_wait3A_2064 = arith.constant 68 : i32
    %dma_wait3A_2065 = arith.constant 1 : i32
    %dma_wait3A_2066 = arith.constant 384 : i32
    %dma_wait3A_2067 = arith.constant 0 : i32
    %dma_wait3A_2068 = tpu.memref_slice %arg6[%dma_wait3A_2065, %dma_wait3A_2066, %dma_wait3A_2067] : memref<2x1664x32xf32, #tpu.memory_space<vmem>> -> memref<1x128x32xf32, #tpu.memory_space<vmem>>
    %dma_wait3A_2069 = tpu.memref_squeeze %dma_wait3A_2068 : memref<1x128x32xf32, #tpu.memory_space<vmem>> -> memref<128x32xf32, #tpu.memory_space<vmem>>
    %dma_wait3A_2070 = arith.constant 0 : i32
    %dma_wait3A_2071 = tpu.memref_slice %arg5[%dma_wait3A_2064, %dma_wait3A_2070] : memref<104x128xi32, #tpu.memory_space<vmem>> -> memref<1x128xi32, #tpu.memory_space<vmem>>
    %dma_wait3A_2072 = tpu.memref_squeeze %dma_wait3A_2071 : memref<1x128xi32, #tpu.memory_space<vmem>> -> memref<128xi32, #tpu.memory_space<vmem>>
    %dma_wait3A_2073 = arith.constant 0 : i32
    %dma_wait3A_2074 = arith.constant 0 : i32
    %dma_wait3A_2075 = tpu.memref_slice %arg3[%dma_wait3A_2073, %dma_wait3A_2074] : memref<2981888x32xf32, #tpu.memory_space<hbm>> -> memref<2981888x32xf32, #tpu.memory_space<hbm>>
    tpu.wait_indirect_dma semaphore(%arg8 : memref<!tpu.dma_semaphore, #tpu.memory_space<semaphore_mem>>) src(%dma_wait3A_2075 : memref<2981888x32xf32, #tpu.memory_space<hbm>>) dst(%dma_wait3A_2069 : memref<128x32xf32, #tpu.memory_space<vmem>>)
    %dma_wait3A_2076 = arith.constant 69 : i32
    %dma_wait3A_2077 = arith.constant 1 : i32
    %dma_wait3A_2078 = arith.constant 512 : i32
    %dma_wait3A_2079 = arith.constant 0 : i32
    %dma_wait3A_2080 = tpu.memref_slice %arg6[%dma_wait3A_2077, %dma_wait3A_2078, %dma_wait3A_2079] : memref<2x1664x32xf32, #tpu.memory_space<vmem>> -> memref<1x128x32xf32, #tpu.memory_space<vmem>>
    %dma_wait3A_2081 = tpu.memref_squeeze %dma_wait3A_2080 : memref<1x128x32xf32, #tpu.memory_space<vmem>> -> memref<128x32xf32, #tpu.memory_space<vmem>>
    %dma_wait3A_2082 = arith.constant 0 : i32
    %dma_wait3A_2083 = tpu.memref_slice %arg5[%dma_wait3A_2076, %dma_wait3A_2082] : memref<104x128xi32, #tpu.memory_space<vmem>> -> memref<1x128xi32, #tpu.memory_space<vmem>>
    %dma_wait3A_2084 = tpu.memref_squeeze %dma_wait3A_2083 : memref<1x128xi32, #tpu.memory_space<vmem>> -> memref<128xi32, #tpu.memory_space<vmem>>
    %dma_wait3A_2085 = arith.constant 0 : i32
    %dma_wait3A_2086 = arith.constant 0 : i32
    %dma_wait3A_2087 = tpu.memref_slice %arg3[%dma_wait3A_2085, %dma_wait3A_2086] : memref<2981888x32xf32, #tpu.memory_space<hbm>> -> memref<2981888x32xf32, #tpu.memory_space<hbm>>
    tpu.wait_indirect_dma semaphore(%arg8 : memref<!tpu.dma_semaphore, #tpu.memory_space<semaphore_mem>>) src(%dma_wait3A_2087 : memref<2981888x32xf32, #tpu.memory_space<hbm>>) dst(%dma_wait3A_2081 : memref<128x32xf32, #tpu.memory_space<vmem>>)
    %dma_wait3A_2088 = arith.constant 70 : i32
    %dma_wait3A_2089 = arith.constant 1 : i32
    %dma_wait3A_2090 = arith.constant 640 : i32
    %dma_wait3A_2091 = arith.constant 0 : i32
    %dma_wait3A_2092 = tpu.memref_slice %arg6[%dma_wait3A_2089, %dma_wait3A_2090, %dma_wait3A_2091] : memref<2x1664x32xf32, #tpu.memory_space<vmem>> -> memref<1x128x32xf32, #tpu.memory_space<vmem>>
    %dma_wait3A_2093 = tpu.memref_squeeze %dma_wait3A_2092 : memref<1x128x32xf32, #tpu.memory_space<vmem>> -> memref<128x32xf32, #tpu.memory_space<vmem>>
    %dma_wait3A_2094 = arith.constant 0 : i32
    %dma_wait3A_2095 = tpu.memref_slice %arg5[%dma_wait3A_2088, %dma_wait3A_2094] : memref<104x128xi32, #tpu.memory_space<vmem>> -> memref<1x128xi32, #tpu.memory_space<vmem>>
    %dma_wait3A_2096 = tpu.memref_squeeze %dma_wait3A_2095 : memref<1x128xi32, #tpu.memory_space<vmem>> -> memref<128xi32, #tpu.memory_space<vmem>>
    %dma_wait3A_2097 = arith.constant 0 : i32
    %dma_wait3A_2098 = arith.constant 0 : i32
    %dma_wait3A_2099 = tpu.memref_slice %arg3[%dma_wait3A_2097, %dma_wait3A_2098] : memref<2981888x32xf32, #tpu.memory_space<hbm>> -> memref<2981888x32xf32, #tpu.memory_space<hbm>>
    tpu.wait_indirect_dma semaphore(%arg8 : memref<!tpu.dma_semaphore, #tpu.memory_space<semaphore_mem>>) src(%dma_wait3A_2099 : memref<2981888x32xf32, #tpu.memory_space<hbm>>) dst(%dma_wait3A_2093 : memref<128x32xf32, #tpu.memory_space<vmem>>)
    %dma_wait3A_2100 = arith.constant 71 : i32
    %dma_wait3A_2101 = arith.constant 1 : i32
    %dma_wait3A_2102 = arith.constant 768 : i32
    %dma_wait3A_2103 = arith.constant 0 : i32
    %dma_wait3A_2104 = tpu.memref_slice %arg6[%dma_wait3A_2101, %dma_wait3A_2102, %dma_wait3A_2103] : memref<2x1664x32xf32, #tpu.memory_space<vmem>> -> memref<1x128x32xf32, #tpu.memory_space<vmem>>
    %dma_wait3A_2105 = tpu.memref_squeeze %dma_wait3A_2104 : memref<1x128x32xf32, #tpu.memory_space<vmem>> -> memref<128x32xf32, #tpu.memory_space<vmem>>
    %dma_wait3A_2106 = arith.constant 0 : i32
    %dma_wait3A_2107 = tpu.memref_slice %arg5[%dma_wait3A_2100, %dma_wait3A_2106] : memref<104x128xi32, #tpu.memory_space<vmem>> -> memref<1x128xi32, #tpu.memory_space<vmem>>
    %dma_wait3A_2108 = tpu.memref_squeeze %dma_wait3A_2107 : memref<1x128xi32, #tpu.memory_space<vmem>> -> memref<128xi32, #tpu.memory_space<vmem>>
    %dma_wait3A_2109 = arith.constant 0 : i32
    %dma_wait3A_2110 = arith.constant 0 : i32
    %dma_wait3A_2111 = tpu.memref_slice %arg3[%dma_wait3A_2109, %dma_wait3A_2110] : memref<2981888x32xf32, #tpu.memory_space<hbm>> -> memref<2981888x32xf32, #tpu.memory_space<hbm>>
    tpu.wait_indirect_dma semaphore(%arg8 : memref<!tpu.dma_semaphore, #tpu.memory_space<semaphore_mem>>) src(%dma_wait3A_2111 : memref<2981888x32xf32, #tpu.memory_space<hbm>>) dst(%dma_wait3A_2105 : memref<128x32xf32, #tpu.memory_space<vmem>>)
    %dma_wait3A_2112 = arith.constant 72 : i32
    %dma_wait3A_2113 = arith.constant 1 : i32
    %dma_wait3A_2114 = arith.constant 896 : i32
    %dma_wait3A_2115 = arith.constant 0 : i32
    %dma_wait3A_2116 = tpu.memref_slice %arg6[%dma_wait3A_2113, %dma_wait3A_2114, %dma_wait3A_2115] : memref<2x1664x32xf32, #tpu.memory_space<vmem>> -> memref<1x128x32xf32, #tpu.memory_space<vmem>>
    %dma_wait3A_2117 = tpu.memref_squeeze %dma_wait3A_2116 : memref<1x128x32xf32, #tpu.memory_space<vmem>> -> memref<128x32xf32, #tpu.memory_space<vmem>>
    %dma_wait3A_2118 = arith.constant 0 : i32
    %dma_wait3A_2119 = tpu.memref_slice %arg5[%dma_wait3A_2112, %dma_wait3A_2118] : memref<104x128xi32, #tpu.memory_space<vmem>> -> memref<1x128xi32, #tpu.memory_space<vmem>>
    %dma_wait3A_2120 = tpu.memref_squeeze %dma_wait3A_2119 : memref<1x128xi32, #tpu.memory_space<vmem>> -> memref<128xi32, #tpu.memory_space<vmem>>
    %dma_wait3A_2121 = arith.constant 0 : i32
    %dma_wait3A_2122 = arith.constant 0 : i32
    %dma_wait3A_2123 = tpu.memref_slice %arg3[%dma_wait3A_2121, %dma_wait3A_2122] : memref<2981888x32xf32, #tpu.memory_space<hbm>> -> memref<2981888x32xf32, #tpu.memory_space<hbm>>
    tpu.wait_indirect_dma semaphore(%arg8 : memref<!tpu.dma_semaphore, #tpu.memory_space<semaphore_mem>>) src(%dma_wait3A_2123 : memref<2981888x32xf32, #tpu.memory_space<hbm>>) dst(%dma_wait3A_2117 : memref<128x32xf32, #tpu.memory_space<vmem>>)
    %dma_wait3A_2124 = arith.constant 73 : i32
    %dma_wait3A_2125 = arith.constant 1 : i32
    %dma_wait3A_2126 = arith.constant 1024 : i32
    %dma_wait3A_2127 = arith.constant 0 : i32
    %dma_wait3A_2128 = tpu.memref_slice %arg6[%dma_wait3A_2125, %dma_wait3A_2126, %dma_wait3A_2127] : memref<2x1664x32xf32, #tpu.memory_space<vmem>> -> memref<1x128x32xf32, #tpu.memory_space<vmem>>
    %dma_wait3A_2129 = tpu.memref_squeeze %dma_wait3A_2128 : memref<1x128x32xf32, #tpu.memory_space<vmem>> -> memref<128x32xf32, #tpu.memory_space<vmem>>
    %dma_wait3A_2130 = arith.constant 0 : i32
    %dma_wait3A_2131 = tpu.memref_slice %arg5[%dma_wait3A_2124, %dma_wait3A_2130] : memref<104x128xi32, #tpu.memory_space<vmem>> -> memref<1x128xi32, #tpu.memory_space<vmem>>
    %dma_wait3A_2132 = tpu.memref_squeeze %dma_wait3A_2131 : memref<1x128xi32, #tpu.memory_space<vmem>> -> memref<128xi32, #tpu.memory_space<vmem>>
    %dma_wait3A_2133 = arith.constant 0 : i32
    %dma_wait3A_2134 = arith.constant 0 : i32
    %dma_wait3A_2135 = tpu.memref_slice %arg3[%dma_wait3A_2133, %dma_wait3A_2134] : memref<2981888x32xf32, #tpu.memory_space<hbm>> -> memref<2981888x32xf32, #tpu.memory_space<hbm>>
    tpu.wait_indirect_dma semaphore(%arg8 : memref<!tpu.dma_semaphore, #tpu.memory_space<semaphore_mem>>) src(%dma_wait3A_2135 : memref<2981888x32xf32, #tpu.memory_space<hbm>>) dst(%dma_wait3A_2129 : memref<128x32xf32, #tpu.memory_space<vmem>>)
    %dma_wait3A_2136 = arith.constant 74 : i32
    %dma_wait3A_2137 = arith.constant 1 : i32
    %dma_wait3A_2138 = arith.constant 1152 : i32
    %dma_wait3A_2139 = arith.constant 0 : i32
    %dma_wait3A_2140 = tpu.memref_slice %arg6[%dma_wait3A_2137, %dma_wait3A_2138, %dma_wait3A_2139] : memref<2x1664x32xf32, #tpu.memory_space<vmem>> -> memref<1x128x32xf32, #tpu.memory_space<vmem>>
    %dma_wait3A_2141 = tpu.memref_squeeze %dma_wait3A_2140 : memref<1x128x32xf32, #tpu.memory_space<vmem>> -> memref<128x32xf32, #tpu.memory_space<vmem>>
    %dma_wait3A_2142 = arith.constant 0 : i32
    %dma_wait3A_2143 = tpu.memref_slice %arg5[%dma_wait3A_2136, %dma_wait3A_2142] : memref<104x128xi32, #tpu.memory_space<vmem>> -> memref<1x128xi32, #tpu.memory_space<vmem>>
    %dma_wait3A_2144 = tpu.memref_squeeze %dma_wait3A_2143 : memref<1x128xi32, #tpu.memory_space<vmem>> -> memref<128xi32, #tpu.memory_space<vmem>>
    %dma_wait3A_2145 = arith.constant 0 : i32
    %dma_wait3A_2146 = arith.constant 0 : i32
    %dma_wait3A_2147 = tpu.memref_slice %arg3[%dma_wait3A_2145, %dma_wait3A_2146] : memref<2981888x32xf32, #tpu.memory_space<hbm>> -> memref<2981888x32xf32, #tpu.memory_space<hbm>>
    tpu.wait_indirect_dma semaphore(%arg8 : memref<!tpu.dma_semaphore, #tpu.memory_space<semaphore_mem>>) src(%dma_wait3A_2147 : memref<2981888x32xf32, #tpu.memory_space<hbm>>) dst(%dma_wait3A_2141 : memref<128x32xf32, #tpu.memory_space<vmem>>)
    %dma_wait3A_2148 = arith.constant 75 : i32
    %dma_wait3A_2149 = arith.constant 1 : i32
    %dma_wait3A_2150 = arith.constant 1280 : i32
    %dma_wait3A_2151 = arith.constant 0 : i32
    %dma_wait3A_2152 = tpu.memref_slice %arg6[%dma_wait3A_2149, %dma_wait3A_2150, %dma_wait3A_2151] : memref<2x1664x32xf32, #tpu.memory_space<vmem>> -> memref<1x128x32xf32, #tpu.memory_space<vmem>>
    %dma_wait3A_2153 = tpu.memref_squeeze %dma_wait3A_2152 : memref<1x128x32xf32, #tpu.memory_space<vmem>> -> memref<128x32xf32, #tpu.memory_space<vmem>>
    %dma_wait3A_2154 = arith.constant 0 : i32
    %dma_wait3A_2155 = tpu.memref_slice %arg5[%dma_wait3A_2148, %dma_wait3A_2154] : memref<104x128xi32, #tpu.memory_space<vmem>> -> memref<1x128xi32, #tpu.memory_space<vmem>>
    %dma_wait3A_2156 = tpu.memref_squeeze %dma_wait3A_2155 : memref<1x128xi32, #tpu.memory_space<vmem>> -> memref<128xi32, #tpu.memory_space<vmem>>
    %dma_wait3A_2157 = arith.constant 0 : i32
    %dma_wait3A_2158 = arith.constant 0 : i32
    %dma_wait3A_2159 = tpu.memref_slice %arg3[%dma_wait3A_2157, %dma_wait3A_2158] : memref<2981888x32xf32, #tpu.memory_space<hbm>> -> memref<2981888x32xf32, #tpu.memory_space<hbm>>
    tpu.wait_indirect_dma semaphore(%arg8 : memref<!tpu.dma_semaphore, #tpu.memory_space<semaphore_mem>>) src(%dma_wait3A_2159 : memref<2981888x32xf32, #tpu.memory_space<hbm>>) dst(%dma_wait3A_2153 : memref<128x32xf32, #tpu.memory_space<vmem>>)
    %dma_wait3A_2160 = arith.constant 76 : i32
    %dma_wait3A_2161 = arith.constant 1 : i32
    %dma_wait3A_2162 = arith.constant 1408 : i32
    %dma_wait3A_2163 = arith.constant 0 : i32
    %dma_wait3A_2164 = tpu.memref_slice %arg6[%dma_wait3A_2161, %dma_wait3A_2162, %dma_wait3A_2163] : memref<2x1664x32xf32, #tpu.memory_space<vmem>> -> memref<1x128x32xf32, #tpu.memory_space<vmem>>
    %dma_wait3A_2165 = tpu.memref_squeeze %dma_wait3A_2164 : memref<1x128x32xf32, #tpu.memory_space<vmem>> -> memref<128x32xf32, #tpu.memory_space<vmem>>
    %dma_wait3A_2166 = arith.constant 0 : i32
    %dma_wait3A_2167 = tpu.memref_slice %arg5[%dma_wait3A_2160, %dma_wait3A_2166] : memref<104x128xi32, #tpu.memory_space<vmem>> -> memref<1x128xi32, #tpu.memory_space<vmem>>
    %dma_wait3A_2168 = tpu.memref_squeeze %dma_wait3A_2167 : memref<1x128xi32, #tpu.memory_space<vmem>> -> memref<128xi32, #tpu.memory_space<vmem>>
    %dma_wait3A_2169 = arith.constant 0 : i32
    %dma_wait3A_2170 = arith.constant 0 : i32
    %dma_wait3A_2171 = tpu.memref_slice %arg3[%dma_wait3A_2169, %dma_wait3A_2170] : memref<2981888x32xf32, #tpu.memory_space<hbm>> -> memref<2981888x32xf32, #tpu.memory_space<hbm>>
    tpu.wait_indirect_dma semaphore(%arg8 : memref<!tpu.dma_semaphore, #tpu.memory_space<semaphore_mem>>) src(%dma_wait3A_2171 : memref<2981888x32xf32, #tpu.memory_space<hbm>>) dst(%dma_wait3A_2165 : memref<128x32xf32, #tpu.memory_space<vmem>>)
    %dma_wait3A_2172 = arith.constant 77 : i32
    %dma_wait3A_2173 = arith.constant 1 : i32
    %dma_wait3A_2174 = arith.constant 1536 : i32
    %dma_wait3A_2175 = arith.constant 0 : i32
    %dma_wait3A_2176 = tpu.memref_slice %arg6[%dma_wait3A_2173, %dma_wait3A_2174, %dma_wait3A_2175] : memref<2x1664x32xf32, #tpu.memory_space<vmem>> -> memref<1x128x32xf32, #tpu.memory_space<vmem>>
    %dma_wait3A_2177 = tpu.memref_squeeze %dma_wait3A_2176 : memref<1x128x32xf32, #tpu.memory_space<vmem>> -> memref<128x32xf32, #tpu.memory_space<vmem>>
    %dma_wait3A_2178 = arith.constant 0 : i32
    %dma_wait3A_2179 = tpu.memref_slice %arg5[%dma_wait3A_2172, %dma_wait3A_2178] : memref<104x128xi32, #tpu.memory_space<vmem>> -> memref<1x128xi32, #tpu.memory_space<vmem>>
    %dma_wait3A_2180 = tpu.memref_squeeze %dma_wait3A_2179 : memref<1x128xi32, #tpu.memory_space<vmem>> -> memref<128xi32, #tpu.memory_space<vmem>>
    %dma_wait3A_2181 = arith.constant 0 : i32
    %dma_wait3A_2182 = arith.constant 0 : i32
    %dma_wait3A_2183 = tpu.memref_slice %arg3[%dma_wait3A_2181, %dma_wait3A_2182] : memref<2981888x32xf32, #tpu.memory_space<hbm>> -> memref<2981888x32xf32, #tpu.memory_space<hbm>>
    tpu.wait_indirect_dma semaphore(%arg8 : memref<!tpu.dma_semaphore, #tpu.memory_space<semaphore_mem>>) src(%dma_wait3A_2183 : memref<2981888x32xf32, #tpu.memory_space<hbm>>) dst(%dma_wait3A_2177 : memref<128x32xf32, #tpu.memory_space<vmem>>)
    %mul3A_2184 = arith.constant 13312 : i32
    %mul3A_2185 = arith.muli %add3A, %mul3A_2184 : i32
    %add3A_2186 = arith.constant 8320 : i32
    %add3A_2187 = arith.addi %mul3A_2185, %add3A_2186 : i32
    %dma_start3A_2188 = arith.constant 1 : i32
    %dma_start3A_2189 = arith.constant 0 : i32
    %dma_start3A_2190 = arith.constant 0 : i32
    %dma_start3A_2191 = tpu.memref_slice %arg6[%dma_start3A_2188, %dma_start3A_2189, %dma_start3A_2190] : memref<2x1664x32xf32, #tpu.memory_space<vmem>> -> memref<1x1664x32xf32, #tpu.memory_space<vmem>>
    %dma_start3A_2192 = tpu.memref_squeeze %dma_start3A_2191 : memref<1x1664x32xf32, #tpu.memory_space<vmem>> -> memref<1664x32xf32, #tpu.memory_space<vmem>>
    %dma_start3A_2193 = arith.constant 0 : i32
    %dma_start3A_2194 = tpu.memref_slice %arg4[%add3A_2187, %dma_start3A_2193] : memref<425984x32xf32, #tpu.memory_space<hbm>> -> memref<1664x32xf32, #tpu.memory_space<hbm>>
    %dma_start3A_2195 = arith.constant 0 : i32
    %dma_start3A_2196 = tpu.memref_slice %arg4[%add3A_2187, %dma_start3A_2195] : memref<425984x32xf32, #tpu.memory_space<hbm>> -> memref<1664x32xf32, #tpu.memory_space<hbm>>
    %dma_start3A_2197 = arith.constant 0 : i32
    %dma_start3A_2198 = arith.constant 0 : i32
    %dma_start3A_2199 = tpu.memref_slice %arg6[%dma_start3A_2188, %dma_start3A_2197, %dma_start3A_2198] : memref<2x1664x32xf32, #tpu.memory_space<vmem>> -> memref<1x1664x32xf32, #tpu.memory_space<vmem>>
    %dma_start3A_2200 = tpu.memref_squeeze %dma_start3A_2199 : memref<1x1664x32xf32, #tpu.memory_space<vmem>> -> memref<1664x32xf32, #tpu.memory_space<vmem>>
    tpu.enqueue_dma source(%dma_start3A_2200 : memref<1664x32xf32, #tpu.memory_space<vmem>>) target(%dma_start3A_2196 : memref<1664x32xf32, #tpu.memory_space<hbm>>) target_semaphore(%arg10 : memref<!tpu.dma_semaphore, #tpu.memory_space<semaphore_mem>>)
    %dma_wait3A_2201 = arith.constant 1 : i32
    %dma_wait3A_2202 = arith.constant 0 : i32
    %dma_wait3A_2203 = arith.constant 0 : i32
    %dma_wait3A_2204 = tpu.memref_slice %arg6[%dma_wait3A_2201, %dma_wait3A_2202, %dma_wait3A_2203] : memref<2x1664x32xf32, #tpu.memory_space<vmem>> -> memref<1x1664x32xf32, #tpu.memory_space<vmem>>
    %dma_wait3A_2205 = tpu.memref_squeeze %dma_wait3A_2204 : memref<1x1664x32xf32, #tpu.memory_space<vmem>> -> memref<1664x32xf32, #tpu.memory_space<vmem>>
    %dma_wait3A_2206 = arith.constant 0 : i32
    %dma_wait3A_2207 = tpu.memref_slice %arg4[%add3A_2187, %dma_wait3A_2206] : memref<425984x32xf32, #tpu.memory_space<hbm>> -> memref<1664x32xf32, #tpu.memory_space<hbm>>
    %dma_wait3A_2208 = arith.constant 0 : i32
    %dma_wait3A_2209 = tpu.memref_slice %arg4[%add3A_2187, %dma_wait3A_2208] : memref<425984x32xf32, #tpu.memory_space<hbm>> -> memref<1664x32xf32, #tpu.memory_space<hbm>>
    %dma_wait3A_2210 = arith.constant 0 : i32
    %dma_wait3A_2211 = arith.constant 0 : i32
    %dma_wait3A_2212 = tpu.memref_slice %arg6[%dma_wait3A_2201, %dma_wait3A_2210, %dma_wait3A_2211] : memref<2x1664x32xf32, #tpu.memory_space<vmem>> -> memref<1x1664x32xf32, #tpu.memory_space<vmem>>
    %dma_wait3A_2213 = tpu.memref_squeeze %dma_wait3A_2212 : memref<1x1664x32xf32, #tpu.memory_space<vmem>> -> memref<1664x32xf32, #tpu.memory_space<vmem>>
    tpu.wait_dma2 semaphore(%arg10 : memref<!tpu.dma_semaphore, #tpu.memory_space<semaphore_mem>>) src(%dma_wait3A_2213 : memref<1664x32xf32, #tpu.memory_space<vmem>>) dst(%dma_wait3A_2209 : memref<1664x32xf32, #tpu.memory_space<hbm>>)
    %dma_start3A_2214 = arith.constant 91 : i32
    %dma_start3A_2215 = arith.constant 1 : i32
    %dma_start3A_2216 = arith.constant 0 : i32
    %dma_start3A_2217 = arith.constant 0 : i32
    %dma_start3A_2218 = tpu.memref_slice %arg6[%dma_start3A_2215, %dma_start3A_2216, %dma_start3A_2217] : memref<2x1664x32xf32, #tpu.memory_space<vmem>> -> memref<1x128x32xf32, #tpu.memory_space<vmem>>
    %dma_start3A_2219 = tpu.memref_squeeze %dma_start3A_2218 : memref<1x128x32xf32, #tpu.memory_space<vmem>> -> memref<128x32xf32, #tpu.memory_space<vmem>>
    %dma_start3A_2220 = arith.constant 0 : i32
    %dma_start3A_2221 = tpu.memref_slice %arg5[%dma_start3A_2214, %dma_start3A_2220] : memref<104x128xi32, #tpu.memory_space<vmem>> -> memref<1x128xi32, #tpu.memory_space<vmem>>
    %dma_start3A_2222 = tpu.memref_squeeze %dma_start3A_2221 : memref<1x128xi32, #tpu.memory_space<vmem>> -> memref<128xi32, #tpu.memory_space<vmem>>
    %dma_start3A_2223 = arith.constant 0 : i32
    %dma_start3A_2224 = arith.constant 0 : i32
    %dma_start3A_2225 = tpu.memref_slice %arg3[%dma_start3A_2223, %dma_start3A_2224] : memref<2981888x32xf32, #tpu.memory_space<hbm>> -> memref<2981888x32xf32, #tpu.memory_space<hbm>>
    tpu.enqueue_indirect_dma source(%dma_start3A_2225 : memref<2981888x32xf32, #tpu.memory_space<hbm>>) target(%dma_start3A_2219 : memref<128x32xf32, #tpu.memory_space<vmem>>) offsets(%dma_start3A_2222 : memref<128xi32, #tpu.memory_space<vmem>>) semaphore(%arg8 : memref<!tpu.dma_semaphore, #tpu.memory_space<semaphore_mem>>)
    %dma_start3A_2226 = arith.constant 92 : i32
    %dma_start3A_2227 = arith.constant 1 : i32
    %dma_start3A_2228 = arith.constant 128 : i32
    %dma_start3A_2229 = arith.constant 0 : i32
    %dma_start3A_2230 = tpu.memref_slice %arg6[%dma_start3A_2227, %dma_start3A_2228, %dma_start3A_2229] : memref<2x1664x32xf32, #tpu.memory_space<vmem>> -> memref<1x128x32xf32, #tpu.memory_space<vmem>>
    %dma_start3A_2231 = tpu.memref_squeeze %dma_start3A_2230 : memref<1x128x32xf32, #tpu.memory_space<vmem>> -> memref<128x32xf32, #tpu.memory_space<vmem>>
    %dma_start3A_2232 = arith.constant 0 : i32
    %dma_start3A_2233 = tpu.memref_slice %arg5[%dma_start3A_2226, %dma_start3A_2232] : memref<104x128xi32, #tpu.memory_space<vmem>> -> memref<1x128xi32, #tpu.memory_space<vmem>>
    %dma_start3A_2234 = tpu.memref_squeeze %dma_start3A_2233 : memref<1x128xi32, #tpu.memory_space<vmem>> -> memref<128xi32, #tpu.memory_space<vmem>>
    %dma_start3A_2235 = arith.constant 0 : i32
    %dma_start3A_2236 = arith.constant 0 : i32
    %dma_start3A_2237 = tpu.memref_slice %arg3[%dma_start3A_2235, %dma_start3A_2236] : memref<2981888x32xf32, #tpu.memory_space<hbm>> -> memref<2981888x32xf32, #tpu.memory_space<hbm>>
    tpu.enqueue_indirect_dma source(%dma_start3A_2237 : memref<2981888x32xf32, #tpu.memory_space<hbm>>) target(%dma_start3A_2231 : memref<128x32xf32, #tpu.memory_space<vmem>>) offsets(%dma_start3A_2234 : memref<128xi32, #tpu.memory_space<vmem>>) semaphore(%arg8 : memref<!tpu.dma_semaphore, #tpu.memory_space<semaphore_mem>>)
    %dma_start3A_2238 = arith.constant 93 : i32
    %dma_start3A_2239 = arith.constant 1 : i32
    %dma_start3A_2240 = arith.constant 256 : i32
    %dma_start3A_2241 = arith.constant 0 : i32
    %dma_start3A_2242 = tpu.memref_slice %arg6[%dma_start3A_2239, %dma_start3A_2240, %dma_start3A_2241] : memref<2x1664x32xf32, #tpu.memory_space<vmem>> -> memref<1x128x32xf32, #tpu.memory_space<vmem>>
    %dma_start3A_2243 = tpu.memref_squeeze %dma_start3A_2242 : memref<1x128x32xf32, #tpu.memory_space<vmem>> -> memref<128x32xf32, #tpu.memory_space<vmem>>
    %dma_start3A_2244 = arith.constant 0 : i32
    %dma_start3A_2245 = tpu.memref_slice %arg5[%dma_start3A_2238, %dma_start3A_2244] : memref<104x128xi32, #tpu.memory_space<vmem>> -> memref<1x128xi32, #tpu.memory_space<vmem>>
    %dma_start3A_2246 = tpu.memref_squeeze %dma_start3A_2245 : memref<1x128xi32, #tpu.memory_space<vmem>> -> memref<128xi32, #tpu.memory_space<vmem>>
    %dma_start3A_2247 = arith.constant 0 : i32
    %dma_start3A_2248 = arith.constant 0 : i32
    %dma_start3A_2249 = tpu.memref_slice %arg3[%dma_start3A_2247, %dma_start3A_2248] : memref<2981888x32xf32, #tpu.memory_space<hbm>> -> memref<2981888x32xf32, #tpu.memory_space<hbm>>
    tpu.enqueue_indirect_dma source(%dma_start3A_2249 : memref<2981888x32xf32, #tpu.memory_space<hbm>>) target(%dma_start3A_2243 : memref<128x32xf32, #tpu.memory_space<vmem>>) offsets(%dma_start3A_2246 : memref<128xi32, #tpu.memory_space<vmem>>) semaphore(%arg8 : memref<!tpu.dma_semaphore, #tpu.memory_space<semaphore_mem>>)
    %dma_start3A_2250 = arith.constant 94 : i32
    %dma_start3A_2251 = arith.constant 1 : i32
    %dma_start3A_2252 = arith.constant 384 : i32
    %dma_start3A_2253 = arith.constant 0 : i32
    %dma_start3A_2254 = tpu.memref_slice %arg6[%dma_start3A_2251, %dma_start3A_2252, %dma_start3A_2253] : memref<2x1664x32xf32, #tpu.memory_space<vmem>> -> memref<1x128x32xf32, #tpu.memory_space<vmem>>
    %dma_start3A_2255 = tpu.memref_squeeze %dma_start3A_2254 : memref<1x128x32xf32, #tpu.memory_space<vmem>> -> memref<128x32xf32, #tpu.memory_space<vmem>>
    %dma_start3A_2256 = arith.constant 0 : i32
    %dma_start3A_2257 = tpu.memref_slice %arg5[%dma_start3A_2250, %dma_start3A_2256] : memref<104x128xi32, #tpu.memory_space<vmem>> -> memref<1x128xi32, #tpu.memory_space<vmem>>
    %dma_start3A_2258 = tpu.memref_squeeze %dma_start3A_2257 : memref<1x128xi32, #tpu.memory_space<vmem>> -> memref<128xi32, #tpu.memory_space<vmem>>
    %dma_start3A_2259 = arith.constant 0 : i32
    %dma_start3A_2260 = arith.constant 0 : i32
    %dma_start3A_2261 = tpu.memref_slice %arg3[%dma_start3A_2259, %dma_start3A_2260] : memref<2981888x32xf32, #tpu.memory_space<hbm>> -> memref<2981888x32xf32, #tpu.memory_space<hbm>>
    tpu.enqueue_indirect_dma source(%dma_start3A_2261 : memref<2981888x32xf32, #tpu.memory_space<hbm>>) target(%dma_start3A_2255 : memref<128x32xf32, #tpu.memory_space<vmem>>) offsets(%dma_start3A_2258 : memref<128xi32, #tpu.memory_space<vmem>>) semaphore(%arg8 : memref<!tpu.dma_semaphore, #tpu.memory_space<semaphore_mem>>)
    %dma_start3A_2262 = arith.constant 95 : i32
    %dma_start3A_2263 = arith.constant 1 : i32
    %dma_start3A_2264 = arith.constant 512 : i32
    %dma_start3A_2265 = arith.constant 0 : i32
    %dma_start3A_2266 = tpu.memref_slice %arg6[%dma_start3A_2263, %dma_start3A_2264, %dma_start3A_2265] : memref<2x1664x32xf32, #tpu.memory_space<vmem>> -> memref<1x128x32xf32, #tpu.memory_space<vmem>>
    %dma_start3A_2267 = tpu.memref_squeeze %dma_start3A_2266 : memref<1x128x32xf32, #tpu.memory_space<vmem>> -> memref<128x32xf32, #tpu.memory_space<vmem>>
    %dma_start3A_2268 = arith.constant 0 : i32
    %dma_start3A_2269 = tpu.memref_slice %arg5[%dma_start3A_2262, %dma_start3A_2268] : memref<104x128xi32, #tpu.memory_space<vmem>> -> memref<1x128xi32, #tpu.memory_space<vmem>>
    %dma_start3A_2270 = tpu.memref_squeeze %dma_start3A_2269 : memref<1x128xi32, #tpu.memory_space<vmem>> -> memref<128xi32, #tpu.memory_space<vmem>>
    %dma_start3A_2271 = arith.constant 0 : i32
    %dma_start3A_2272 = arith.constant 0 : i32
    %dma_start3A_2273 = tpu.memref_slice %arg3[%dma_start3A_2271, %dma_start3A_2272] : memref<2981888x32xf32, #tpu.memory_space<hbm>> -> memref<2981888x32xf32, #tpu.memory_space<hbm>>
    tpu.enqueue_indirect_dma source(%dma_start3A_2273 : memref<2981888x32xf32, #tpu.memory_space<hbm>>) target(%dma_start3A_2267 : memref<128x32xf32, #tpu.memory_space<vmem>>) offsets(%dma_start3A_2270 : memref<128xi32, #tpu.memory_space<vmem>>) semaphore(%arg8 : memref<!tpu.dma_semaphore, #tpu.memory_space<semaphore_mem>>)
    %dma_start3A_2274 = arith.constant 96 : i32
    %dma_start3A_2275 = arith.constant 1 : i32
    %dma_start3A_2276 = arith.constant 640 : i32
    %dma_start3A_2277 = arith.constant 0 : i32
    %dma_start3A_2278 = tpu.memref_slice %arg6[%dma_start3A_2275, %dma_start3A_2276, %dma_start3A_2277] : memref<2x1664x32xf32, #tpu.memory_space<vmem>> -> memref<1x128x32xf32, #tpu.memory_space<vmem>>
    %dma_start3A_2279 = tpu.memref_squeeze %dma_start3A_2278 : memref<1x128x32xf32, #tpu.memory_space<vmem>> -> memref<128x32xf32, #tpu.memory_space<vmem>>
    %dma_start3A_2280 = arith.constant 0 : i32
    %dma_start3A_2281 = tpu.memref_slice %arg5[%dma_start3A_2274, %dma_start3A_2280] : memref<104x128xi32, #tpu.memory_space<vmem>> -> memref<1x128xi32, #tpu.memory_space<vmem>>
    %dma_start3A_2282 = tpu.memref_squeeze %dma_start3A_2281 : memref<1x128xi32, #tpu.memory_space<vmem>> -> memref<128xi32, #tpu.memory_space<vmem>>
    %dma_start3A_2283 = arith.constant 0 : i32
    %dma_start3A_2284 = arith.constant 0 : i32
    %dma_start3A_2285 = tpu.memref_slice %arg3[%dma_start3A_2283, %dma_start3A_2284] : memref<2981888x32xf32, #tpu.memory_space<hbm>> -> memref<2981888x32xf32, #tpu.memory_space<hbm>>
    tpu.enqueue_indirect_dma source(%dma_start3A_2285 : memref<2981888x32xf32, #tpu.memory_space<hbm>>) target(%dma_start3A_2279 : memref<128x32xf32, #tpu.memory_space<vmem>>) offsets(%dma_start3A_2282 : memref<128xi32, #tpu.memory_space<vmem>>) semaphore(%arg8 : memref<!tpu.dma_semaphore, #tpu.memory_space<semaphore_mem>>)
    %dma_start3A_2286 = arith.constant 97 : i32
    %dma_start3A_2287 = arith.constant 1 : i32
    %dma_start3A_2288 = arith.constant 768 : i32
    %dma_start3A_2289 = arith.constant 0 : i32
    %dma_start3A_2290 = tpu.memref_slice %arg6[%dma_start3A_2287, %dma_start3A_2288, %dma_start3A_2289] : memref<2x1664x32xf32, #tpu.memory_space<vmem>> -> memref<1x128x32xf32, #tpu.memory_space<vmem>>
    %dma_start3A_2291 = tpu.memref_squeeze %dma_start3A_2290 : memref<1x128x32xf32, #tpu.memory_space<vmem>> -> memref<128x32xf32, #tpu.memory_space<vmem>>
    %dma_start3A_2292 = arith.constant 0 : i32
    %dma_start3A_2293 = tpu.memref_slice %arg5[%dma_start3A_2286, %dma_start3A_2292] : memref<104x128xi32, #tpu.memory_space<vmem>> -> memref<1x128xi32, #tpu.memory_space<vmem>>
    %dma_start3A_2294 = tpu.memref_squeeze %dma_start3A_2293 : memref<1x128xi32, #tpu.memory_space<vmem>> -> memref<128xi32, #tpu.memory_space<vmem>>
    %dma_start3A_2295 = arith.constant 0 : i32
    %dma_start3A_2296 = arith.constant 0 : i32
    %dma_start3A_2297 = tpu.memref_slice %arg3[%dma_start3A_2295, %dma_start3A_2296] : memref<2981888x32xf32, #tpu.memory_space<hbm>> -> memref<2981888x32xf32, #tpu.memory_space<hbm>>
    tpu.enqueue_indirect_dma source(%dma_start3A_2297 : memref<2981888x32xf32, #tpu.memory_space<hbm>>) target(%dma_start3A_2291 : memref<128x32xf32, #tpu.memory_space<vmem>>) offsets(%dma_start3A_2294 : memref<128xi32, #tpu.memory_space<vmem>>) semaphore(%arg8 : memref<!tpu.dma_semaphore, #tpu.memory_space<semaphore_mem>>)
    %dma_start3A_2298 = arith.constant 98 : i32
    %dma_start3A_2299 = arith.constant 1 : i32
    %dma_start3A_2300 = arith.constant 896 : i32
    %dma_start3A_2301 = arith.constant 0 : i32
    %dma_start3A_2302 = tpu.memref_slice %arg6[%dma_start3A_2299, %dma_start3A_2300, %dma_start3A_2301] : memref<2x1664x32xf32, #tpu.memory_space<vmem>> -> memref<1x128x32xf32, #tpu.memory_space<vmem>>
    %dma_start3A_2303 = tpu.memref_squeeze %dma_start3A_2302 : memref<1x128x32xf32, #tpu.memory_space<vmem>> -> memref<128x32xf32, #tpu.memory_space<vmem>>
    %dma_start3A_2304 = arith.constant 0 : i32
    %dma_start3A_2305 = tpu.memref_slice %arg5[%dma_start3A_2298, %dma_start3A_2304] : memref<104x128xi32, #tpu.memory_space<vmem>> -> memref<1x128xi32, #tpu.memory_space<vmem>>
    %dma_start3A_2306 = tpu.memref_squeeze %dma_start3A_2305 : memref<1x128xi32, #tpu.memory_space<vmem>> -> memref<128xi32, #tpu.memory_space<vmem>>
    %dma_start3A_2307 = arith.constant 0 : i32
    %dma_start3A_2308 = arith.constant 0 : i32
    %dma_start3A_2309 = tpu.memref_slice %arg3[%dma_start3A_2307, %dma_start3A_2308] : memref<2981888x32xf32, #tpu.memory_space<hbm>> -> memref<2981888x32xf32, #tpu.memory_space<hbm>>
    tpu.enqueue_indirect_dma source(%dma_start3A_2309 : memref<2981888x32xf32, #tpu.memory_space<hbm>>) target(%dma_start3A_2303 : memref<128x32xf32, #tpu.memory_space<vmem>>) offsets(%dma_start3A_2306 : memref<128xi32, #tpu.memory_space<vmem>>) semaphore(%arg8 : memref<!tpu.dma_semaphore, #tpu.memory_space<semaphore_mem>>)
    %dma_start3A_2310 = arith.constant 99 : i32
    %dma_start3A_2311 = arith.constant 1 : i32
    %dma_start3A_2312 = arith.constant 1024 : i32
    %dma_start3A_2313 = arith.constant 0 : i32
    %dma_start3A_2314 = tpu.memref_slice %arg6[%dma_start3A_2311, %dma_start3A_2312, %dma_start3A_2313] : memref<2x1664x32xf32, #tpu.memory_space<vmem>> -> memref<1x128x32xf32, #tpu.memory_space<vmem>>
    %dma_start3A_2315 = tpu.memref_squeeze %dma_start3A_2314 : memref<1x128x32xf32, #tpu.memory_space<vmem>> -> memref<128x32xf32, #tpu.memory_space<vmem>>
    %dma_start3A_2316 = arith.constant 0 : i32
    %dma_start3A_2317 = tpu.memref_slice %arg5[%dma_start3A_2310, %dma_start3A_2316] : memref<104x128xi32, #tpu.memory_space<vmem>> -> memref<1x128xi32, #tpu.memory_space<vmem>>
    %dma_start3A_2318 = tpu.memref_squeeze %dma_start3A_2317 : memref<1x128xi32, #tpu.memory_space<vmem>> -> memref<128xi32, #tpu.memory_space<vmem>>
    %dma_start3A_2319 = arith.constant 0 : i32
    %dma_start3A_2320 = arith.constant 0 : i32
    %dma_start3A_2321 = tpu.memref_slice %arg3[%dma_start3A_2319, %dma_start3A_2320] : memref<2981888x32xf32, #tpu.memory_space<hbm>> -> memref<2981888x32xf32, #tpu.memory_space<hbm>>
    tpu.enqueue_indirect_dma source(%dma_start3A_2321 : memref<2981888x32xf32, #tpu.memory_space<hbm>>) target(%dma_start3A_2315 : memref<128x32xf32, #tpu.memory_space<vmem>>) offsets(%dma_start3A_2318 : memref<128xi32, #tpu.memory_space<vmem>>) semaphore(%arg8 : memref<!tpu.dma_semaphore, #tpu.memory_space<semaphore_mem>>)
    %dma_start3A_2322 = arith.constant 100 : i32
    %dma_start3A_2323 = arith.constant 1 : i32
    %dma_start3A_2324 = arith.constant 1152 : i32
    %dma_start3A_2325 = arith.constant 0 : i32
    %dma_start3A_2326 = tpu.memref_slice %arg6[%dma_start3A_2323, %dma_start3A_2324, %dma_start3A_2325] : memref<2x1664x32xf32, #tpu.memory_space<vmem>> -> memref<1x128x32xf32, #tpu.memory_space<vmem>>
    %dma_start3A_2327 = tpu.memref_squeeze %dma_start3A_2326 : memref<1x128x32xf32, #tpu.memory_space<vmem>> -> memref<128x32xf32, #tpu.memory_space<vmem>>
    %dma_start3A_2328 = arith.constant 0 : i32
    %dma_start3A_2329 = tpu.memref_slice %arg5[%dma_start3A_2322, %dma_start3A_2328] : memref<104x128xi32, #tpu.memory_space<vmem>> -> memref<1x128xi32, #tpu.memory_space<vmem>>
    %dma_start3A_2330 = tpu.memref_squeeze %dma_start3A_2329 : memref<1x128xi32, #tpu.memory_space<vmem>> -> memref<128xi32, #tpu.memory_space<vmem>>
    %dma_start3A_2331 = arith.constant 0 : i32
    %dma_start3A_2332 = arith.constant 0 : i32
    %dma_start3A_2333 = tpu.memref_slice %arg3[%dma_start3A_2331, %dma_start3A_2332] : memref<2981888x32xf32, #tpu.memory_space<hbm>> -> memref<2981888x32xf32, #tpu.memory_space<hbm>>
    tpu.enqueue_indirect_dma source(%dma_start3A_2333 : memref<2981888x32xf32, #tpu.memory_space<hbm>>) target(%dma_start3A_2327 : memref<128x32xf32, #tpu.memory_space<vmem>>) offsets(%dma_start3A_2330 : memref<128xi32, #tpu.memory_space<vmem>>) semaphore(%arg8 : memref<!tpu.dma_semaphore, #tpu.memory_space<semaphore_mem>>)
    %dma_start3A_2334 = arith.constant 101 : i32
    %dma_start3A_2335 = arith.constant 1 : i32
    %dma_start3A_2336 = arith.constant 1280 : i32
    %dma_start3A_2337 = arith.constant 0 : i32
    %dma_start3A_2338 = tpu.memref_slice %arg6[%dma_start3A_2335, %dma_start3A_2336, %dma_start3A_2337] : memref<2x1664x32xf32, #tpu.memory_space<vmem>> -> memref<1x128x32xf32, #tpu.memory_space<vmem>>
    %dma_start3A_2339 = tpu.memref_squeeze %dma_start3A_2338 : memref<1x128x32xf32, #tpu.memory_space<vmem>> -> memref<128x32xf32, #tpu.memory_space<vmem>>
    %dma_start3A_2340 = arith.constant 0 : i32
    %dma_start3A_2341 = tpu.memref_slice %arg5[%dma_start3A_2334, %dma_start3A_2340] : memref<104x128xi32, #tpu.memory_space<vmem>> -> memref<1x128xi32, #tpu.memory_space<vmem>>
    %dma_start3A_2342 = tpu.memref_squeeze %dma_start3A_2341 : memref<1x128xi32, #tpu.memory_space<vmem>> -> memref<128xi32, #tpu.memory_space<vmem>>
    %dma_start3A_2343 = arith.constant 0 : i32
    %dma_start3A_2344 = arith.constant 0 : i32
    %dma_start3A_2345 = tpu.memref_slice %arg3[%dma_start3A_2343, %dma_start3A_2344] : memref<2981888x32xf32, #tpu.memory_space<hbm>> -> memref<2981888x32xf32, #tpu.memory_space<hbm>>
    tpu.enqueue_indirect_dma source(%dma_start3A_2345 : memref<2981888x32xf32, #tpu.memory_space<hbm>>) target(%dma_start3A_2339 : memref<128x32xf32, #tpu.memory_space<vmem>>) offsets(%dma_start3A_2342 : memref<128xi32, #tpu.memory_space<vmem>>) semaphore(%arg8 : memref<!tpu.dma_semaphore, #tpu.memory_space<semaphore_mem>>)
    %dma_start3A_2346 = arith.constant 102 : i32
    %dma_start3A_2347 = arith.constant 1 : i32
    %dma_start3A_2348 = arith.constant 1408 : i32
    %dma_start3A_2349 = arith.constant 0 : i32
    %dma_start3A_2350 = tpu.memref_slice %arg6[%dma_start3A_2347, %dma_start3A_2348, %dma_start3A_2349] : memref<2x1664x32xf32, #tpu.memory_space<vmem>> -> memref<1x128x32xf32, #tpu.memory_space<vmem>>
    %dma_start3A_2351 = tpu.memref_squeeze %dma_start3A_2350 : memref<1x128x32xf32, #tpu.memory_space<vmem>> -> memref<128x32xf32, #tpu.memory_space<vmem>>
    %dma_start3A_2352 = arith.constant 0 : i32
    %dma_start3A_2353 = tpu.memref_slice %arg5[%dma_start3A_2346, %dma_start3A_2352] : memref<104x128xi32, #tpu.memory_space<vmem>> -> memref<1x128xi32, #tpu.memory_space<vmem>>
    %dma_start3A_2354 = tpu.memref_squeeze %dma_start3A_2353 : memref<1x128xi32, #tpu.memory_space<vmem>> -> memref<128xi32, #tpu.memory_space<vmem>>
    %dma_start3A_2355 = arith.constant 0 : i32
    %dma_start3A_2356 = arith.constant 0 : i32
    %dma_start3A_2357 = tpu.memref_slice %arg3[%dma_start3A_2355, %dma_start3A_2356] : memref<2981888x32xf32, #tpu.memory_space<hbm>> -> memref<2981888x32xf32, #tpu.memory_space<hbm>>
    tpu.enqueue_indirect_dma source(%dma_start3A_2357 : memref<2981888x32xf32, #tpu.memory_space<hbm>>) target(%dma_start3A_2351 : memref<128x32xf32, #tpu.memory_space<vmem>>) offsets(%dma_start3A_2354 : memref<128xi32, #tpu.memory_space<vmem>>) semaphore(%arg8 : memref<!tpu.dma_semaphore, #tpu.memory_space<semaphore_mem>>)
    %dma_start3A_2358 = arith.constant 103 : i32
    %dma_start3A_2359 = arith.constant 1 : i32
    %dma_start3A_2360 = arith.constant 1536 : i32
    %dma_start3A_2361 = arith.constant 0 : i32
    %dma_start3A_2362 = tpu.memref_slice %arg6[%dma_start3A_2359, %dma_start3A_2360, %dma_start3A_2361] : memref<2x1664x32xf32, #tpu.memory_space<vmem>> -> memref<1x128x32xf32, #tpu.memory_space<vmem>>
    %dma_start3A_2363 = tpu.memref_squeeze %dma_start3A_2362 : memref<1x128x32xf32, #tpu.memory_space<vmem>> -> memref<128x32xf32, #tpu.memory_space<vmem>>
    %dma_start3A_2364 = arith.constant 0 : i32
    %dma_start3A_2365 = tpu.memref_slice %arg5[%dma_start3A_2358, %dma_start3A_2364] : memref<104x128xi32, #tpu.memory_space<vmem>> -> memref<1x128xi32, #tpu.memory_space<vmem>>
    %dma_start3A_2366 = tpu.memref_squeeze %dma_start3A_2365 : memref<1x128xi32, #tpu.memory_space<vmem>> -> memref<128xi32, #tpu.memory_space<vmem>>
    %dma_start3A_2367 = arith.constant 0 : i32
    %dma_start3A_2368 = arith.constant 0 : i32
    %dma_start3A_2369 = tpu.memref_slice %arg3[%dma_start3A_2367, %dma_start3A_2368] : memref<2981888x32xf32, #tpu.memory_space<hbm>> -> memref<2981888x32xf32, #tpu.memory_space<hbm>>
    tpu.enqueue_indirect_dma source(%dma_start3A_2369 : memref<2981888x32xf32, #tpu.memory_space<hbm>>) target(%dma_start3A_2363 : memref<128x32xf32, #tpu.memory_space<vmem>>) offsets(%dma_start3A_2366 : memref<128xi32, #tpu.memory_space<vmem>>) semaphore(%arg8 : memref<!tpu.dma_semaphore, #tpu.memory_space<semaphore_mem>>)
    %dma_wait3A_2370 = arith.constant 78 : i32
    %dma_wait3A_2371 = arith.constant 0 : i32
    %dma_wait3A_2372 = arith.constant 0 : i32
    %dma_wait3A_2373 = arith.constant 0 : i32
    %dma_wait3A_2374 = tpu.memref_slice %arg6[%dma_wait3A_2371, %dma_wait3A_2372, %dma_wait3A_2373] : memref<2x1664x32xf32, #tpu.memory_space<vmem>> -> memref<1x128x32xf32, #tpu.memory_space<vmem>>
    %dma_wait3A_2375 = tpu.memref_squeeze %dma_wait3A_2374 : memref<1x128x32xf32, #tpu.memory_space<vmem>> -> memref<128x32xf32, #tpu.memory_space<vmem>>
    %dma_wait3A_2376 = arith.constant 0 : i32
    %dma_wait3A_2377 = tpu.memref_slice %arg5[%dma_wait3A_2370, %dma_wait3A_2376] : memref<104x128xi32, #tpu.memory_space<vmem>> -> memref<1x128xi32, #tpu.memory_space<vmem>>
    %dma_wait3A_2378 = tpu.memref_squeeze %dma_wait3A_2377 : memref<1x128xi32, #tpu.memory_space<vmem>> -> memref<128xi32, #tpu.memory_space<vmem>>
    %dma_wait3A_2379 = arith.constant 0 : i32
    %dma_wait3A_2380 = arith.constant 0 : i32
    %dma_wait3A_2381 = tpu.memref_slice %arg3[%dma_wait3A_2379, %dma_wait3A_2380] : memref<2981888x32xf32, #tpu.memory_space<hbm>> -> memref<2981888x32xf32, #tpu.memory_space<hbm>>
    tpu.wait_indirect_dma semaphore(%arg7 : memref<!tpu.dma_semaphore, #tpu.memory_space<semaphore_mem>>) src(%dma_wait3A_2381 : memref<2981888x32xf32, #tpu.memory_space<hbm>>) dst(%dma_wait3A_2375 : memref<128x32xf32, #tpu.memory_space<vmem>>)
    %dma_wait3A_2382 = arith.constant 79 : i32
    %dma_wait3A_2383 = arith.constant 0 : i32
    %dma_wait3A_2384 = arith.constant 128 : i32
    %dma_wait3A_2385 = arith.constant 0 : i32
    %dma_wait3A_2386 = tpu.memref_slice %arg6[%dma_wait3A_2383, %dma_wait3A_2384, %dma_wait3A_2385] : memref<2x1664x32xf32, #tpu.memory_space<vmem>> -> memref<1x128x32xf32, #tpu.memory_space<vmem>>
    %dma_wait3A_2387 = tpu.memref_squeeze %dma_wait3A_2386 : memref<1x128x32xf32, #tpu.memory_space<vmem>> -> memref<128x32xf32, #tpu.memory_space<vmem>>
    %dma_wait3A_2388 = arith.constant 0 : i32
    %dma_wait3A_2389 = tpu.memref_slice %arg5[%dma_wait3A_2382, %dma_wait3A_2388] : memref<104x128xi32, #tpu.memory_space<vmem>> -> memref<1x128xi32, #tpu.memory_space<vmem>>
    %dma_wait3A_2390 = tpu.memref_squeeze %dma_wait3A_2389 : memref<1x128xi32, #tpu.memory_space<vmem>> -> memref<128xi32, #tpu.memory_space<vmem>>
    %dma_wait3A_2391 = arith.constant 0 : i32
    %dma_wait3A_2392 = arith.constant 0 : i32
    %dma_wait3A_2393 = tpu.memref_slice %arg3[%dma_wait3A_2391, %dma_wait3A_2392] : memref<2981888x32xf32, #tpu.memory_space<hbm>> -> memref<2981888x32xf32, #tpu.memory_space<hbm>>
    tpu.wait_indirect_dma semaphore(%arg7 : memref<!tpu.dma_semaphore, #tpu.memory_space<semaphore_mem>>) src(%dma_wait3A_2393 : memref<2981888x32xf32, #tpu.memory_space<hbm>>) dst(%dma_wait3A_2387 : memref<128x32xf32, #tpu.memory_space<vmem>>)
    %dma_wait3A_2394 = arith.constant 80 : i32
    %dma_wait3A_2395 = arith.constant 0 : i32
    %dma_wait3A_2396 = arith.constant 256 : i32
    %dma_wait3A_2397 = arith.constant 0 : i32
    %dma_wait3A_2398 = tpu.memref_slice %arg6[%dma_wait3A_2395, %dma_wait3A_2396, %dma_wait3A_2397] : memref<2x1664x32xf32, #tpu.memory_space<vmem>> -> memref<1x128x32xf32, #tpu.memory_space<vmem>>
    %dma_wait3A_2399 = tpu.memref_squeeze %dma_wait3A_2398 : memref<1x128x32xf32, #tpu.memory_space<vmem>> -> memref<128x32xf32, #tpu.memory_space<vmem>>
    %dma_wait3A_2400 = arith.constant 0 : i32
    %dma_wait3A_2401 = tpu.memref_slice %arg5[%dma_wait3A_2394, %dma_wait3A_2400] : memref<104x128xi32, #tpu.memory_space<vmem>> -> memref<1x128xi32, #tpu.memory_space<vmem>>
    %dma_wait3A_2402 = tpu.memref_squeeze %dma_wait3A_2401 : memref<1x128xi32, #tpu.memory_space<vmem>> -> memref<128xi32, #tpu.memory_space<vmem>>
    %dma_wait3A_2403 = arith.constant 0 : i32
    %dma_wait3A_2404 = arith.constant 0 : i32
    %dma_wait3A_2405 = tpu.memref_slice %arg3[%dma_wait3A_2403, %dma_wait3A_2404] : memref<2981888x32xf32, #tpu.memory_space<hbm>> -> memref<2981888x32xf32, #tpu.memory_space<hbm>>
    tpu.wait_indirect_dma semaphore(%arg7 : memref<!tpu.dma_semaphore, #tpu.memory_space<semaphore_mem>>) src(%dma_wait3A_2405 : memref<2981888x32xf32, #tpu.memory_space<hbm>>) dst(%dma_wait3A_2399 : memref<128x32xf32, #tpu.memory_space<vmem>>)
    %dma_wait3A_2406 = arith.constant 81 : i32
    %dma_wait3A_2407 = arith.constant 0 : i32
    %dma_wait3A_2408 = arith.constant 384 : i32
    %dma_wait3A_2409 = arith.constant 0 : i32
    %dma_wait3A_2410 = tpu.memref_slice %arg6[%dma_wait3A_2407, %dma_wait3A_2408, %dma_wait3A_2409] : memref<2x1664x32xf32, #tpu.memory_space<vmem>> -> memref<1x128x32xf32, #tpu.memory_space<vmem>>
    %dma_wait3A_2411 = tpu.memref_squeeze %dma_wait3A_2410 : memref<1x128x32xf32, #tpu.memory_space<vmem>> -> memref<128x32xf32, #tpu.memory_space<vmem>>
    %dma_wait3A_2412 = arith.constant 0 : i32
    %dma_wait3A_2413 = tpu.memref_slice %arg5[%dma_wait3A_2406, %dma_wait3A_2412] : memref<104x128xi32, #tpu.memory_space<vmem>> -> memref<1x128xi32, #tpu.memory_space<vmem>>
    %dma_wait3A_2414 = tpu.memref_squeeze %dma_wait3A_2413 : memref<1x128xi32, #tpu.memory_space<vmem>> -> memref<128xi32, #tpu.memory_space<vmem>>
    %dma_wait3A_2415 = arith.constant 0 : i32
    %dma_wait3A_2416 = arith.constant 0 : i32
    %dma_wait3A_2417 = tpu.memref_slice %arg3[%dma_wait3A_2415, %dma_wait3A_2416] : memref<2981888x32xf32, #tpu.memory_space<hbm>> -> memref<2981888x32xf32, #tpu.memory_space<hbm>>
    tpu.wait_indirect_dma semaphore(%arg7 : memref<!tpu.dma_semaphore, #tpu.memory_space<semaphore_mem>>) src(%dma_wait3A_2417 : memref<2981888x32xf32, #tpu.memory_space<hbm>>) dst(%dma_wait3A_2411 : memref<128x32xf32, #tpu.memory_space<vmem>>)
    %dma_wait3A_2418 = arith.constant 82 : i32
    %dma_wait3A_2419 = arith.constant 0 : i32
    %dma_wait3A_2420 = arith.constant 512 : i32
    %dma_wait3A_2421 = arith.constant 0 : i32
    %dma_wait3A_2422 = tpu.memref_slice %arg6[%dma_wait3A_2419, %dma_wait3A_2420, %dma_wait3A_2421] : memref<2x1664x32xf32, #tpu.memory_space<vmem>> -> memref<1x128x32xf32, #tpu.memory_space<vmem>>
    %dma_wait3A_2423 = tpu.memref_squeeze %dma_wait3A_2422 : memref<1x128x32xf32, #tpu.memory_space<vmem>> -> memref<128x32xf32, #tpu.memory_space<vmem>>
    %dma_wait3A_2424 = arith.constant 0 : i32
    %dma_wait3A_2425 = tpu.memref_slice %arg5[%dma_wait3A_2418, %dma_wait3A_2424] : memref<104x128xi32, #tpu.memory_space<vmem>> -> memref<1x128xi32, #tpu.memory_space<vmem>>
    %dma_wait3A_2426 = tpu.memref_squeeze %dma_wait3A_2425 : memref<1x128xi32, #tpu.memory_space<vmem>> -> memref<128xi32, #tpu.memory_space<vmem>>
    %dma_wait3A_2427 = arith.constant 0 : i32
    %dma_wait3A_2428 = arith.constant 0 : i32
    %dma_wait3A_2429 = tpu.memref_slice %arg3[%dma_wait3A_2427, %dma_wait3A_2428] : memref<2981888x32xf32, #tpu.memory_space<hbm>> -> memref<2981888x32xf32, #tpu.memory_space<hbm>>
    tpu.wait_indirect_dma semaphore(%arg7 : memref<!tpu.dma_semaphore, #tpu.memory_space<semaphore_mem>>) src(%dma_wait3A_2429 : memref<2981888x32xf32, #tpu.memory_space<hbm>>) dst(%dma_wait3A_2423 : memref<128x32xf32, #tpu.memory_space<vmem>>)
    %dma_wait3A_2430 = arith.constant 83 : i32
    %dma_wait3A_2431 = arith.constant 0 : i32
    %dma_wait3A_2432 = arith.constant 640 : i32
    %dma_wait3A_2433 = arith.constant 0 : i32
    %dma_wait3A_2434 = tpu.memref_slice %arg6[%dma_wait3A_2431, %dma_wait3A_2432, %dma_wait3A_2433] : memref<2x1664x32xf32, #tpu.memory_space<vmem>> -> memref<1x128x32xf32, #tpu.memory_space<vmem>>
    %dma_wait3A_2435 = tpu.memref_squeeze %dma_wait3A_2434 : memref<1x128x32xf32, #tpu.memory_space<vmem>> -> memref<128x32xf32, #tpu.memory_space<vmem>>
    %dma_wait3A_2436 = arith.constant 0 : i32
    %dma_wait3A_2437 = tpu.memref_slice %arg5[%dma_wait3A_2430, %dma_wait3A_2436] : memref<104x128xi32, #tpu.memory_space<vmem>> -> memref<1x128xi32, #tpu.memory_space<vmem>>
    %dma_wait3A_2438 = tpu.memref_squeeze %dma_wait3A_2437 : memref<1x128xi32, #tpu.memory_space<vmem>> -> memref<128xi32, #tpu.memory_space<vmem>>
    %dma_wait3A_2439 = arith.constant 0 : i32
    %dma_wait3A_2440 = arith.constant 0 : i32
    %dma_wait3A_2441 = tpu.memref_slice %arg3[%dma_wait3A_2439, %dma_wait3A_2440] : memref<2981888x32xf32, #tpu.memory_space<hbm>> -> memref<2981888x32xf32, #tpu.memory_space<hbm>>
    tpu.wait_indirect_dma semaphore(%arg7 : memref<!tpu.dma_semaphore, #tpu.memory_space<semaphore_mem>>) src(%dma_wait3A_2441 : memref<2981888x32xf32, #tpu.memory_space<hbm>>) dst(%dma_wait3A_2435 : memref<128x32xf32, #tpu.memory_space<vmem>>)
    %dma_wait3A_2442 = arith.constant 84 : i32
    %dma_wait3A_2443 = arith.constant 0 : i32
    %dma_wait3A_2444 = arith.constant 768 : i32
    %dma_wait3A_2445 = arith.constant 0 : i32
    %dma_wait3A_2446 = tpu.memref_slice %arg6[%dma_wait3A_2443, %dma_wait3A_2444, %dma_wait3A_2445] : memref<2x1664x32xf32, #tpu.memory_space<vmem>> -> memref<1x128x32xf32, #tpu.memory_space<vmem>>
    %dma_wait3A_2447 = tpu.memref_squeeze %dma_wait3A_2446 : memref<1x128x32xf32, #tpu.memory_space<vmem>> -> memref<128x32xf32, #tpu.memory_space<vmem>>
    %dma_wait3A_2448 = arith.constant 0 : i32
    %dma_wait3A_2449 = tpu.memref_slice %arg5[%dma_wait3A_2442, %dma_wait3A_2448] : memref<104x128xi32, #tpu.memory_space<vmem>> -> memref<1x128xi32, #tpu.memory_space<vmem>>
    %dma_wait3A_2450 = tpu.memref_squeeze %dma_wait3A_2449 : memref<1x128xi32, #tpu.memory_space<vmem>> -> memref<128xi32, #tpu.memory_space<vmem>>
    %dma_wait3A_2451 = arith.constant 0 : i32
    %dma_wait3A_2452 = arith.constant 0 : i32
    %dma_wait3A_2453 = tpu.memref_slice %arg3[%dma_wait3A_2451, %dma_wait3A_2452] : memref<2981888x32xf32, #tpu.memory_space<hbm>> -> memref<2981888x32xf32, #tpu.memory_space<hbm>>
    tpu.wait_indirect_dma semaphore(%arg7 : memref<!tpu.dma_semaphore, #tpu.memory_space<semaphore_mem>>) src(%dma_wait3A_2453 : memref<2981888x32xf32, #tpu.memory_space<hbm>>) dst(%dma_wait3A_2447 : memref<128x32xf32, #tpu.memory_space<vmem>>)
    %dma_wait3A_2454 = arith.constant 85 : i32
    %dma_wait3A_2455 = arith.constant 0 : i32
    %dma_wait3A_2456 = arith.constant 896 : i32
    %dma_wait3A_2457 = arith.constant 0 : i32
    %dma_wait3A_2458 = tpu.memref_slice %arg6[%dma_wait3A_2455, %dma_wait3A_2456, %dma_wait3A_2457] : memref<2x1664x32xf32, #tpu.memory_space<vmem>> -> memref<1x128x32xf32, #tpu.memory_space<vmem>>
    %dma_wait3A_2459 = tpu.memref_squeeze %dma_wait3A_2458 : memref<1x128x32xf32, #tpu.memory_space<vmem>> -> memref<128x32xf32, #tpu.memory_space<vmem>>
    %dma_wait3A_2460 = arith.constant 0 : i32
    %dma_wait3A_2461 = tpu.memref_slice %arg5[%dma_wait3A_2454, %dma_wait3A_2460] : memref<104x128xi32, #tpu.memory_space<vmem>> -> memref<1x128xi32, #tpu.memory_space<vmem>>
    %dma_wait3A_2462 = tpu.memref_squeeze %dma_wait3A_2461 : memref<1x128xi32, #tpu.memory_space<vmem>> -> memref<128xi32, #tpu.memory_space<vmem>>
    %dma_wait3A_2463 = arith.constant 0 : i32
    %dma_wait3A_2464 = arith.constant 0 : i32
    %dma_wait3A_2465 = tpu.memref_slice %arg3[%dma_wait3A_2463, %dma_wait3A_2464] : memref<2981888x32xf32, #tpu.memory_space<hbm>> -> memref<2981888x32xf32, #tpu.memory_space<hbm>>
    tpu.wait_indirect_dma semaphore(%arg7 : memref<!tpu.dma_semaphore, #tpu.memory_space<semaphore_mem>>) src(%dma_wait3A_2465 : memref<2981888x32xf32, #tpu.memory_space<hbm>>) dst(%dma_wait3A_2459 : memref<128x32xf32, #tpu.memory_space<vmem>>)
    %dma_wait3A_2466 = arith.constant 86 : i32
    %dma_wait3A_2467 = arith.constant 0 : i32
    %dma_wait3A_2468 = arith.constant 1024 : i32
    %dma_wait3A_2469 = arith.constant 0 : i32
    %dma_wait3A_2470 = tpu.memref_slice %arg6[%dma_wait3A_2467, %dma_wait3A_2468, %dma_wait3A_2469] : memref<2x1664x32xf32, #tpu.memory_space<vmem>> -> memref<1x128x32xf32, #tpu.memory_space<vmem>>
    %dma_wait3A_2471 = tpu.memref_squeeze %dma_wait3A_2470 : memref<1x128x32xf32, #tpu.memory_space<vmem>> -> memref<128x32xf32, #tpu.memory_space<vmem>>
    %dma_wait3A_2472 = arith.constant 0 : i32
    %dma_wait3A_2473 = tpu.memref_slice %arg5[%dma_wait3A_2466, %dma_wait3A_2472] : memref<104x128xi32, #tpu.memory_space<vmem>> -> memref<1x128xi32, #tpu.memory_space<vmem>>
    %dma_wait3A_2474 = tpu.memref_squeeze %dma_wait3A_2473 : memref<1x128xi32, #tpu.memory_space<vmem>> -> memref<128xi32, #tpu.memory_space<vmem>>
    %dma_wait3A_2475 = arith.constant 0 : i32
    %dma_wait3A_2476 = arith.constant 0 : i32
    %dma_wait3A_2477 = tpu.memref_slice %arg3[%dma_wait3A_2475, %dma_wait3A_2476] : memref<2981888x32xf32, #tpu.memory_space<hbm>> -> memref<2981888x32xf32, #tpu.memory_space<hbm>>
    tpu.wait_indirect_dma semaphore(%arg7 : memref<!tpu.dma_semaphore, #tpu.memory_space<semaphore_mem>>) src(%dma_wait3A_2477 : memref<2981888x32xf32, #tpu.memory_space<hbm>>) dst(%dma_wait3A_2471 : memref<128x32xf32, #tpu.memory_space<vmem>>)
    %dma_wait3A_2478 = arith.constant 87 : i32
    %dma_wait3A_2479 = arith.constant 0 : i32
    %dma_wait3A_2480 = arith.constant 1152 : i32
    %dma_wait3A_2481 = arith.constant 0 : i32
    %dma_wait3A_2482 = tpu.memref_slice %arg6[%dma_wait3A_2479, %dma_wait3A_2480, %dma_wait3A_2481] : memref<2x1664x32xf32, #tpu.memory_space<vmem>> -> memref<1x128x32xf32, #tpu.memory_space<vmem>>
    %dma_wait3A_2483 = tpu.memref_squeeze %dma_wait3A_2482 : memref<1x128x32xf32, #tpu.memory_space<vmem>> -> memref<128x32xf32, #tpu.memory_space<vmem>>
    %dma_wait3A_2484 = arith.constant 0 : i32
    %dma_wait3A_2485 = tpu.memref_slice %arg5[%dma_wait3A_2478, %dma_wait3A_2484] : memref<104x128xi32, #tpu.memory_space<vmem>> -> memref<1x128xi32, #tpu.memory_space<vmem>>
    %dma_wait3A_2486 = tpu.memref_squeeze %dma_wait3A_2485 : memref<1x128xi32, #tpu.memory_space<vmem>> -> memref<128xi32, #tpu.memory_space<vmem>>
    %dma_wait3A_2487 = arith.constant 0 : i32
    %dma_wait3A_2488 = arith.constant 0 : i32
    %dma_wait3A_2489 = tpu.memref_slice %arg3[%dma_wait3A_2487, %dma_wait3A_2488] : memref<2981888x32xf32, #tpu.memory_space<hbm>> -> memref<2981888x32xf32, #tpu.memory_space<hbm>>
    tpu.wait_indirect_dma semaphore(%arg7 : memref<!tpu.dma_semaphore, #tpu.memory_space<semaphore_mem>>) src(%dma_wait3A_2489 : memref<2981888x32xf32, #tpu.memory_space<hbm>>) dst(%dma_wait3A_2483 : memref<128x32xf32, #tpu.memory_space<vmem>>)
    %dma_wait3A_2490 = arith.constant 88 : i32
    %dma_wait3A_2491 = arith.constant 0 : i32
    %dma_wait3A_2492 = arith.constant 1280 : i32
    %dma_wait3A_2493 = arith.constant 0 : i32
    %dma_wait3A_2494 = tpu.memref_slice %arg6[%dma_wait3A_2491, %dma_wait3A_2492, %dma_wait3A_2493] : memref<2x1664x32xf32, #tpu.memory_space<vmem>> -> memref<1x128x32xf32, #tpu.memory_space<vmem>>
    %dma_wait3A_2495 = tpu.memref_squeeze %dma_wait3A_2494 : memref<1x128x32xf32, #tpu.memory_space<vmem>> -> memref<128x32xf32, #tpu.memory_space<vmem>>
    %dma_wait3A_2496 = arith.constant 0 : i32
    %dma_wait3A_2497 = tpu.memref_slice %arg5[%dma_wait3A_2490, %dma_wait3A_2496] : memref<104x128xi32, #tpu.memory_space<vmem>> -> memref<1x128xi32, #tpu.memory_space<vmem>>
    %dma_wait3A_2498 = tpu.memref_squeeze %dma_wait3A_2497 : memref<1x128xi32, #tpu.memory_space<vmem>> -> memref<128xi32, #tpu.memory_space<vmem>>
    %dma_wait3A_2499 = arith.constant 0 : i32
    %dma_wait3A_2500 = arith.constant 0 : i32
    %dma_wait3A_2501 = tpu.memref_slice %arg3[%dma_wait3A_2499, %dma_wait3A_2500] : memref<2981888x32xf32, #tpu.memory_space<hbm>> -> memref<2981888x32xf32, #tpu.memory_space<hbm>>
    tpu.wait_indirect_dma semaphore(%arg7 : memref<!tpu.dma_semaphore, #tpu.memory_space<semaphore_mem>>) src(%dma_wait3A_2501 : memref<2981888x32xf32, #tpu.memory_space<hbm>>) dst(%dma_wait3A_2495 : memref<128x32xf32, #tpu.memory_space<vmem>>)
    %dma_wait3A_2502 = arith.constant 89 : i32
    %dma_wait3A_2503 = arith.constant 0 : i32
    %dma_wait3A_2504 = arith.constant 1408 : i32
    %dma_wait3A_2505 = arith.constant 0 : i32
    %dma_wait3A_2506 = tpu.memref_slice %arg6[%dma_wait3A_2503, %dma_wait3A_2504, %dma_wait3A_2505] : memref<2x1664x32xf32, #tpu.memory_space<vmem>> -> memref<1x128x32xf32, #tpu.memory_space<vmem>>
    %dma_wait3A_2507 = tpu.memref_squeeze %dma_wait3A_2506 : memref<1x128x32xf32, #tpu.memory_space<vmem>> -> memref<128x32xf32, #tpu.memory_space<vmem>>
    %dma_wait3A_2508 = arith.constant 0 : i32
    %dma_wait3A_2509 = tpu.memref_slice %arg5[%dma_wait3A_2502, %dma_wait3A_2508] : memref<104x128xi32, #tpu.memory_space<vmem>> -> memref<1x128xi32, #tpu.memory_space<vmem>>
    %dma_wait3A_2510 = tpu.memref_squeeze %dma_wait3A_2509 : memref<1x128xi32, #tpu.memory_space<vmem>> -> memref<128xi32, #tpu.memory_space<vmem>>
    %dma_wait3A_2511 = arith.constant 0 : i32
    %dma_wait3A_2512 = arith.constant 0 : i32
    %dma_wait3A_2513 = tpu.memref_slice %arg3[%dma_wait3A_2511, %dma_wait3A_2512] : memref<2981888x32xf32, #tpu.memory_space<hbm>> -> memref<2981888x32xf32, #tpu.memory_space<hbm>>
    tpu.wait_indirect_dma semaphore(%arg7 : memref<!tpu.dma_semaphore, #tpu.memory_space<semaphore_mem>>) src(%dma_wait3A_2513 : memref<2981888x32xf32, #tpu.memory_space<hbm>>) dst(%dma_wait3A_2507 : memref<128x32xf32, #tpu.memory_space<vmem>>)
    %dma_wait3A_2514 = arith.constant 90 : i32
    %dma_wait3A_2515 = arith.constant 0 : i32
    %dma_wait3A_2516 = arith.constant 1536 : i32
    %dma_wait3A_2517 = arith.constant 0 : i32
    %dma_wait3A_2518 = tpu.memref_slice %arg6[%dma_wait3A_2515, %dma_wait3A_2516, %dma_wait3A_2517] : memref<2x1664x32xf32, #tpu.memory_space<vmem>> -> memref<1x128x32xf32, #tpu.memory_space<vmem>>
    %dma_wait3A_2519 = tpu.memref_squeeze %dma_wait3A_2518 : memref<1x128x32xf32, #tpu.memory_space<vmem>> -> memref<128x32xf32, #tpu.memory_space<vmem>>
    %dma_wait3A_2520 = arith.constant 0 : i32
    %dma_wait3A_2521 = tpu.memref_slice %arg5[%dma_wait3A_2514, %dma_wait3A_2520] : memref<104x128xi32, #tpu.memory_space<vmem>> -> memref<1x128xi32, #tpu.memory_space<vmem>>
    %dma_wait3A_2522 = tpu.memref_squeeze %dma_wait3A_2521 : memref<1x128xi32, #tpu.memory_space<vmem>> -> memref<128xi32, #tpu.memory_space<vmem>>
    %dma_wait3A_2523 = arith.constant 0 : i32
    %dma_wait3A_2524 = arith.constant 0 : i32
    %dma_wait3A_2525 = tpu.memref_slice %arg3[%dma_wait3A_2523, %dma_wait3A_2524] : memref<2981888x32xf32, #tpu.memory_space<hbm>> -> memref<2981888x32xf32, #tpu.memory_space<hbm>>
    tpu.wait_indirect_dma semaphore(%arg7 : memref<!tpu.dma_semaphore, #tpu.memory_space<semaphore_mem>>) src(%dma_wait3A_2525 : memref<2981888x32xf32, #tpu.memory_space<hbm>>) dst(%dma_wait3A_2519 : memref<128x32xf32, #tpu.memory_space<vmem>>)
    %mul3A_2526 = arith.constant 13312 : i32
    %mul3A_2527 = arith.muli %add3A, %mul3A_2526 : i32
    %add3A_2528 = arith.constant 9984 : i32
    %add3A_2529 = arith.addi %mul3A_2527, %add3A_2528 : i32
    %dma_start3A_2530 = arith.constant 0 : i32
    %dma_start3A_2531 = arith.constant 0 : i32
    %dma_start3A_2532 = arith.constant 0 : i32
    %dma_start3A_2533 = tpu.memref_slice %arg6[%dma_start3A_2530, %dma_start3A_2531, %dma_start3A_2532] : memref<2x1664x32xf32, #tpu.memory_space<vmem>> -> memref<1x1664x32xf32, #tpu.memory_space<vmem>>
    %dma_start3A_2534 = tpu.memref_squeeze %dma_start3A_2533 : memref<1x1664x32xf32, #tpu.memory_space<vmem>> -> memref<1664x32xf32, #tpu.memory_space<vmem>>
    %dma_start3A_2535 = arith.constant 0 : i32
    %dma_start3A_2536 = tpu.memref_slice %arg4[%add3A_2529, %dma_start3A_2535] : memref<425984x32xf32, #tpu.memory_space<hbm>> -> memref<1664x32xf32, #tpu.memory_space<hbm>>
    %dma_start3A_2537 = arith.constant 0 : i32
    %dma_start3A_2538 = tpu.memref_slice %arg4[%add3A_2529, %dma_start3A_2537] : memref<425984x32xf32, #tpu.memory_space<hbm>> -> memref<1664x32xf32, #tpu.memory_space<hbm>>
    %dma_start3A_2539 = arith.constant 0 : i32
    %dma_start3A_2540 = arith.constant 0 : i32
    %dma_start3A_2541 = tpu.memref_slice %arg6[%dma_start3A_2530, %dma_start3A_2539, %dma_start3A_2540] : memref<2x1664x32xf32, #tpu.memory_space<vmem>> -> memref<1x1664x32xf32, #tpu.memory_space<vmem>>
    %dma_start3A_2542 = tpu.memref_squeeze %dma_start3A_2541 : memref<1x1664x32xf32, #tpu.memory_space<vmem>> -> memref<1664x32xf32, #tpu.memory_space<vmem>>
    tpu.enqueue_dma source(%dma_start3A_2542 : memref<1664x32xf32, #tpu.memory_space<vmem>>) target(%dma_start3A_2538 : memref<1664x32xf32, #tpu.memory_space<hbm>>) target_semaphore(%arg9 : memref<!tpu.dma_semaphore, #tpu.memory_space<semaphore_mem>>)
    %dma_wait3A_2543 = arith.constant 91 : i32
    %dma_wait3A_2544 = arith.constant 1 : i32
    %dma_wait3A_2545 = arith.constant 0 : i32
    %dma_wait3A_2546 = arith.constant 0 : i32
    %dma_wait3A_2547 = tpu.memref_slice %arg6[%dma_wait3A_2544, %dma_wait3A_2545, %dma_wait3A_2546] : memref<2x1664x32xf32, #tpu.memory_space<vmem>> -> memref<1x128x32xf32, #tpu.memory_space<vmem>>
    %dma_wait3A_2548 = tpu.memref_squeeze %dma_wait3A_2547 : memref<1x128x32xf32, #tpu.memory_space<vmem>> -> memref<128x32xf32, #tpu.memory_space<vmem>>
    %dma_wait3A_2549 = arith.constant 0 : i32
    %dma_wait3A_2550 = tpu.memref_slice %arg5[%dma_wait3A_2543, %dma_wait3A_2549] : memref<104x128xi32, #tpu.memory_space<vmem>> -> memref<1x128xi32, #tpu.memory_space<vmem>>
    %dma_wait3A_2551 = tpu.memref_squeeze %dma_wait3A_2550 : memref<1x128xi32, #tpu.memory_space<vmem>> -> memref<128xi32, #tpu.memory_space<vmem>>
    %dma_wait3A_2552 = arith.constant 0 : i32
    %dma_wait3A_2553 = arith.constant 0 : i32
    %dma_wait3A_2554 = tpu.memref_slice %arg3[%dma_wait3A_2552, %dma_wait3A_2553] : memref<2981888x32xf32, #tpu.memory_space<hbm>> -> memref<2981888x32xf32, #tpu.memory_space<hbm>>
    tpu.wait_indirect_dma semaphore(%arg8 : memref<!tpu.dma_semaphore, #tpu.memory_space<semaphore_mem>>) src(%dma_wait3A_2554 : memref<2981888x32xf32, #tpu.memory_space<hbm>>) dst(%dma_wait3A_2548 : memref<128x32xf32, #tpu.memory_space<vmem>>)
    %dma_wait3A_2555 = arith.constant 92 : i32
    %dma_wait3A_2556 = arith.constant 1 : i32
    %dma_wait3A_2557 = arith.constant 128 : i32
    %dma_wait3A_2558 = arith.constant 0 : i32
    %dma_wait3A_2559 = tpu.memref_slice %arg6[%dma_wait3A_2556, %dma_wait3A_2557, %dma_wait3A_2558] : memref<2x1664x32xf32, #tpu.memory_space<vmem>> -> memref<1x128x32xf32, #tpu.memory_space<vmem>>
    %dma_wait3A_2560 = tpu.memref_squeeze %dma_wait3A_2559 : memref<1x128x32xf32, #tpu.memory_space<vmem>> -> memref<128x32xf32, #tpu.memory_space<vmem>>
    %dma_wait3A_2561 = arith.constant 0 : i32
    %dma_wait3A_2562 = tpu.memref_slice %arg5[%dma_wait3A_2555, %dma_wait3A_2561] : memref<104x128xi32, #tpu.memory_space<vmem>> -> memref<1x128xi32, #tpu.memory_space<vmem>>
    %dma_wait3A_2563 = tpu.memref_squeeze %dma_wait3A_2562 : memref<1x128xi32, #tpu.memory_space<vmem>> -> memref<128xi32, #tpu.memory_space<vmem>>
    %dma_wait3A_2564 = arith.constant 0 : i32
    %dma_wait3A_2565 = arith.constant 0 : i32
    %dma_wait3A_2566 = tpu.memref_slice %arg3[%dma_wait3A_2564, %dma_wait3A_2565] : memref<2981888x32xf32, #tpu.memory_space<hbm>> -> memref<2981888x32xf32, #tpu.memory_space<hbm>>
    tpu.wait_indirect_dma semaphore(%arg8 : memref<!tpu.dma_semaphore, #tpu.memory_space<semaphore_mem>>) src(%dma_wait3A_2566 : memref<2981888x32xf32, #tpu.memory_space<hbm>>) dst(%dma_wait3A_2560 : memref<128x32xf32, #tpu.memory_space<vmem>>)
    %dma_wait3A_2567 = arith.constant 93 : i32
    %dma_wait3A_2568 = arith.constant 1 : i32
    %dma_wait3A_2569 = arith.constant 256 : i32
    %dma_wait3A_2570 = arith.constant 0 : i32
    %dma_wait3A_2571 = tpu.memref_slice %arg6[%dma_wait3A_2568, %dma_wait3A_2569, %dma_wait3A_2570] : memref<2x1664x32xf32, #tpu.memory_space<vmem>> -> memref<1x128x32xf32, #tpu.memory_space<vmem>>
    %dma_wait3A_2572 = tpu.memref_squeeze %dma_wait3A_2571 : memref<1x128x32xf32, #tpu.memory_space<vmem>> -> memref<128x32xf32, #tpu.memory_space<vmem>>
    %dma_wait3A_2573 = arith.constant 0 : i32
    %dma_wait3A_2574 = tpu.memref_slice %arg5[%dma_wait3A_2567, %dma_wait3A_2573] : memref<104x128xi32, #tpu.memory_space<vmem>> -> memref<1x128xi32, #tpu.memory_space<vmem>>
    %dma_wait3A_2575 = tpu.memref_squeeze %dma_wait3A_2574 : memref<1x128xi32, #tpu.memory_space<vmem>> -> memref<128xi32, #tpu.memory_space<vmem>>
    %dma_wait3A_2576 = arith.constant 0 : i32
    %dma_wait3A_2577 = arith.constant 0 : i32
    %dma_wait3A_2578 = tpu.memref_slice %arg3[%dma_wait3A_2576, %dma_wait3A_2577] : memref<2981888x32xf32, #tpu.memory_space<hbm>> -> memref<2981888x32xf32, #tpu.memory_space<hbm>>
    tpu.wait_indirect_dma semaphore(%arg8 : memref<!tpu.dma_semaphore, #tpu.memory_space<semaphore_mem>>) src(%dma_wait3A_2578 : memref<2981888x32xf32, #tpu.memory_space<hbm>>) dst(%dma_wait3A_2572 : memref<128x32xf32, #tpu.memory_space<vmem>>)
    %dma_wait3A_2579 = arith.constant 94 : i32
    %dma_wait3A_2580 = arith.constant 1 : i32
    %dma_wait3A_2581 = arith.constant 384 : i32
    %dma_wait3A_2582 = arith.constant 0 : i32
    %dma_wait3A_2583 = tpu.memref_slice %arg6[%dma_wait3A_2580, %dma_wait3A_2581, %dma_wait3A_2582] : memref<2x1664x32xf32, #tpu.memory_space<vmem>> -> memref<1x128x32xf32, #tpu.memory_space<vmem>>
    %dma_wait3A_2584 = tpu.memref_squeeze %dma_wait3A_2583 : memref<1x128x32xf32, #tpu.memory_space<vmem>> -> memref<128x32xf32, #tpu.memory_space<vmem>>
    %dma_wait3A_2585 = arith.constant 0 : i32
    %dma_wait3A_2586 = tpu.memref_slice %arg5[%dma_wait3A_2579, %dma_wait3A_2585] : memref<104x128xi32, #tpu.memory_space<vmem>> -> memref<1x128xi32, #tpu.memory_space<vmem>>
    %dma_wait3A_2587 = tpu.memref_squeeze %dma_wait3A_2586 : memref<1x128xi32, #tpu.memory_space<vmem>> -> memref<128xi32, #tpu.memory_space<vmem>>
    %dma_wait3A_2588 = arith.constant 0 : i32
    %dma_wait3A_2589 = arith.constant 0 : i32
    %dma_wait3A_2590 = tpu.memref_slice %arg3[%dma_wait3A_2588, %dma_wait3A_2589] : memref<2981888x32xf32, #tpu.memory_space<hbm>> -> memref<2981888x32xf32, #tpu.memory_space<hbm>>
    tpu.wait_indirect_dma semaphore(%arg8 : memref<!tpu.dma_semaphore, #tpu.memory_space<semaphore_mem>>) src(%dma_wait3A_2590 : memref<2981888x32xf32, #tpu.memory_space<hbm>>) dst(%dma_wait3A_2584 : memref<128x32xf32, #tpu.memory_space<vmem>>)
    %dma_wait3A_2591 = arith.constant 95 : i32
    %dma_wait3A_2592 = arith.constant 1 : i32
    %dma_wait3A_2593 = arith.constant 512 : i32
    %dma_wait3A_2594 = arith.constant 0 : i32
    %dma_wait3A_2595 = tpu.memref_slice %arg6[%dma_wait3A_2592, %dma_wait3A_2593, %dma_wait3A_2594] : memref<2x1664x32xf32, #tpu.memory_space<vmem>> -> memref<1x128x32xf32, #tpu.memory_space<vmem>>
    %dma_wait3A_2596 = tpu.memref_squeeze %dma_wait3A_2595 : memref<1x128x32xf32, #tpu.memory_space<vmem>> -> memref<128x32xf32, #tpu.memory_space<vmem>>
    %dma_wait3A_2597 = arith.constant 0 : i32
    %dma_wait3A_2598 = tpu.memref_slice %arg5[%dma_wait3A_2591, %dma_wait3A_2597] : memref<104x128xi32, #tpu.memory_space<vmem>> -> memref<1x128xi32, #tpu.memory_space<vmem>>
    %dma_wait3A_2599 = tpu.memref_squeeze %dma_wait3A_2598 : memref<1x128xi32, #tpu.memory_space<vmem>> -> memref<128xi32, #tpu.memory_space<vmem>>
    %dma_wait3A_2600 = arith.constant 0 : i32
    %dma_wait3A_2601 = arith.constant 0 : i32
    %dma_wait3A_2602 = tpu.memref_slice %arg3[%dma_wait3A_2600, %dma_wait3A_2601] : memref<2981888x32xf32, #tpu.memory_space<hbm>> -> memref<2981888x32xf32, #tpu.memory_space<hbm>>
    tpu.wait_indirect_dma semaphore(%arg8 : memref<!tpu.dma_semaphore, #tpu.memory_space<semaphore_mem>>) src(%dma_wait3A_2602 : memref<2981888x32xf32, #tpu.memory_space<hbm>>) dst(%dma_wait3A_2596 : memref<128x32xf32, #tpu.memory_space<vmem>>)
    %dma_wait3A_2603 = arith.constant 96 : i32
    %dma_wait3A_2604 = arith.constant 1 : i32
    %dma_wait3A_2605 = arith.constant 640 : i32
    %dma_wait3A_2606 = arith.constant 0 : i32
    %dma_wait3A_2607 = tpu.memref_slice %arg6[%dma_wait3A_2604, %dma_wait3A_2605, %dma_wait3A_2606] : memref<2x1664x32xf32, #tpu.memory_space<vmem>> -> memref<1x128x32xf32, #tpu.memory_space<vmem>>
    %dma_wait3A_2608 = tpu.memref_squeeze %dma_wait3A_2607 : memref<1x128x32xf32, #tpu.memory_space<vmem>> -> memref<128x32xf32, #tpu.memory_space<vmem>>
    %dma_wait3A_2609 = arith.constant 0 : i32
    %dma_wait3A_2610 = tpu.memref_slice %arg5[%dma_wait3A_2603, %dma_wait3A_2609] : memref<104x128xi32, #tpu.memory_space<vmem>> -> memref<1x128xi32, #tpu.memory_space<vmem>>
    %dma_wait3A_2611 = tpu.memref_squeeze %dma_wait3A_2610 : memref<1x128xi32, #tpu.memory_space<vmem>> -> memref<128xi32, #tpu.memory_space<vmem>>
    %dma_wait3A_2612 = arith.constant 0 : i32
    %dma_wait3A_2613 = arith.constant 0 : i32
    %dma_wait3A_2614 = tpu.memref_slice %arg3[%dma_wait3A_2612, %dma_wait3A_2613] : memref<2981888x32xf32, #tpu.memory_space<hbm>> -> memref<2981888x32xf32, #tpu.memory_space<hbm>>
    tpu.wait_indirect_dma semaphore(%arg8 : memref<!tpu.dma_semaphore, #tpu.memory_space<semaphore_mem>>) src(%dma_wait3A_2614 : memref<2981888x32xf32, #tpu.memory_space<hbm>>) dst(%dma_wait3A_2608 : memref<128x32xf32, #tpu.memory_space<vmem>>)
    %dma_wait3A_2615 = arith.constant 97 : i32
    %dma_wait3A_2616 = arith.constant 1 : i32
    %dma_wait3A_2617 = arith.constant 768 : i32
    %dma_wait3A_2618 = arith.constant 0 : i32
    %dma_wait3A_2619 = tpu.memref_slice %arg6[%dma_wait3A_2616, %dma_wait3A_2617, %dma_wait3A_2618] : memref<2x1664x32xf32, #tpu.memory_space<vmem>> -> memref<1x128x32xf32, #tpu.memory_space<vmem>>
    %dma_wait3A_2620 = tpu.memref_squeeze %dma_wait3A_2619 : memref<1x128x32xf32, #tpu.memory_space<vmem>> -> memref<128x32xf32, #tpu.memory_space<vmem>>
    %dma_wait3A_2621 = arith.constant 0 : i32
    %dma_wait3A_2622 = tpu.memref_slice %arg5[%dma_wait3A_2615, %dma_wait3A_2621] : memref<104x128xi32, #tpu.memory_space<vmem>> -> memref<1x128xi32, #tpu.memory_space<vmem>>
    %dma_wait3A_2623 = tpu.memref_squeeze %dma_wait3A_2622 : memref<1x128xi32, #tpu.memory_space<vmem>> -> memref<128xi32, #tpu.memory_space<vmem>>
    %dma_wait3A_2624 = arith.constant 0 : i32
    %dma_wait3A_2625 = arith.constant 0 : i32
    %dma_wait3A_2626 = tpu.memref_slice %arg3[%dma_wait3A_2624, %dma_wait3A_2625] : memref<2981888x32xf32, #tpu.memory_space<hbm>> -> memref<2981888x32xf32, #tpu.memory_space<hbm>>
    tpu.wait_indirect_dma semaphore(%arg8 : memref<!tpu.dma_semaphore, #tpu.memory_space<semaphore_mem>>) src(%dma_wait3A_2626 : memref<2981888x32xf32, #tpu.memory_space<hbm>>) dst(%dma_wait3A_2620 : memref<128x32xf32, #tpu.memory_space<vmem>>)
    %dma_wait3A_2627 = arith.constant 98 : i32
    %dma_wait3A_2628 = arith.constant 1 : i32
    %dma_wait3A_2629 = arith.constant 896 : i32
    %dma_wait3A_2630 = arith.constant 0 : i32
    %dma_wait3A_2631 = tpu.memref_slice %arg6[%dma_wait3A_2628, %dma_wait3A_2629, %dma_wait3A_2630] : memref<2x1664x32xf32, #tpu.memory_space<vmem>> -> memref<1x128x32xf32, #tpu.memory_space<vmem>>
    %dma_wait3A_2632 = tpu.memref_squeeze %dma_wait3A_2631 : memref<1x128x32xf32, #tpu.memory_space<vmem>> -> memref<128x32xf32, #tpu.memory_space<vmem>>
    %dma_wait3A_2633 = arith.constant 0 : i32
    %dma_wait3A_2634 = tpu.memref_slice %arg5[%dma_wait3A_2627, %dma_wait3A_2633] : memref<104x128xi32, #tpu.memory_space<vmem>> -> memref<1x128xi32, #tpu.memory_space<vmem>>
    %dma_wait3A_2635 = tpu.memref_squeeze %dma_wait3A_2634 : memref<1x128xi32, #tpu.memory_space<vmem>> -> memref<128xi32, #tpu.memory_space<vmem>>
    %dma_wait3A_2636 = arith.constant 0 : i32
    %dma_wait3A_2637 = arith.constant 0 : i32
    %dma_wait3A_2638 = tpu.memref_slice %arg3[%dma_wait3A_2636, %dma_wait3A_2637] : memref<2981888x32xf32, #tpu.memory_space<hbm>> -> memref<2981888x32xf32, #tpu.memory_space<hbm>>
    tpu.wait_indirect_dma semaphore(%arg8 : memref<!tpu.dma_semaphore, #tpu.memory_space<semaphore_mem>>) src(%dma_wait3A_2638 : memref<2981888x32xf32, #tpu.memory_space<hbm>>) dst(%dma_wait3A_2632 : memref<128x32xf32, #tpu.memory_space<vmem>>)
    %dma_wait3A_2639 = arith.constant 99 : i32
    %dma_wait3A_2640 = arith.constant 1 : i32
    %dma_wait3A_2641 = arith.constant 1024 : i32
    %dma_wait3A_2642 = arith.constant 0 : i32
    %dma_wait3A_2643 = tpu.memref_slice %arg6[%dma_wait3A_2640, %dma_wait3A_2641, %dma_wait3A_2642] : memref<2x1664x32xf32, #tpu.memory_space<vmem>> -> memref<1x128x32xf32, #tpu.memory_space<vmem>>
    %dma_wait3A_2644 = tpu.memref_squeeze %dma_wait3A_2643 : memref<1x128x32xf32, #tpu.memory_space<vmem>> -> memref<128x32xf32, #tpu.memory_space<vmem>>
    %dma_wait3A_2645 = arith.constant 0 : i32
    %dma_wait3A_2646 = tpu.memref_slice %arg5[%dma_wait3A_2639, %dma_wait3A_2645] : memref<104x128xi32, #tpu.memory_space<vmem>> -> memref<1x128xi32, #tpu.memory_space<vmem>>
    %dma_wait3A_2647 = tpu.memref_squeeze %dma_wait3A_2646 : memref<1x128xi32, #tpu.memory_space<vmem>> -> memref<128xi32, #tpu.memory_space<vmem>>
    %dma_wait3A_2648 = arith.constant 0 : i32
    %dma_wait3A_2649 = arith.constant 0 : i32
    %dma_wait3A_2650 = tpu.memref_slice %arg3[%dma_wait3A_2648, %dma_wait3A_2649] : memref<2981888x32xf32, #tpu.memory_space<hbm>> -> memref<2981888x32xf32, #tpu.memory_space<hbm>>
    tpu.wait_indirect_dma semaphore(%arg8 : memref<!tpu.dma_semaphore, #tpu.memory_space<semaphore_mem>>) src(%dma_wait3A_2650 : memref<2981888x32xf32, #tpu.memory_space<hbm>>) dst(%dma_wait3A_2644 : memref<128x32xf32, #tpu.memory_space<vmem>>)
    %dma_wait3A_2651 = arith.constant 100 : i32
    %dma_wait3A_2652 = arith.constant 1 : i32
    %dma_wait3A_2653 = arith.constant 1152 : i32
    %dma_wait3A_2654 = arith.constant 0 : i32
    %dma_wait3A_2655 = tpu.memref_slice %arg6[%dma_wait3A_2652, %dma_wait3A_2653, %dma_wait3A_2654] : memref<2x1664x32xf32, #tpu.memory_space<vmem>> -> memref<1x128x32xf32, #tpu.memory_space<vmem>>
    %dma_wait3A_2656 = tpu.memref_squeeze %dma_wait3A_2655 : memref<1x128x32xf32, #tpu.memory_space<vmem>> -> memref<128x32xf32, #tpu.memory_space<vmem>>
    %dma_wait3A_2657 = arith.constant 0 : i32
    %dma_wait3A_2658 = tpu.memref_slice %arg5[%dma_wait3A_2651, %dma_wait3A_2657] : memref<104x128xi32, #tpu.memory_space<vmem>> -> memref<1x128xi32, #tpu.memory_space<vmem>>
    %dma_wait3A_2659 = tpu.memref_squeeze %dma_wait3A_2658 : memref<1x128xi32, #tpu.memory_space<vmem>> -> memref<128xi32, #tpu.memory_space<vmem>>
    %dma_wait3A_2660 = arith.constant 0 : i32
    %dma_wait3A_2661 = arith.constant 0 : i32
    %dma_wait3A_2662 = tpu.memref_slice %arg3[%dma_wait3A_2660, %dma_wait3A_2661] : memref<2981888x32xf32, #tpu.memory_space<hbm>> -> memref<2981888x32xf32, #tpu.memory_space<hbm>>
    tpu.wait_indirect_dma semaphore(%arg8 : memref<!tpu.dma_semaphore, #tpu.memory_space<semaphore_mem>>) src(%dma_wait3A_2662 : memref<2981888x32xf32, #tpu.memory_space<hbm>>) dst(%dma_wait3A_2656 : memref<128x32xf32, #tpu.memory_space<vmem>>)
    %dma_wait3A_2663 = arith.constant 101 : i32
    %dma_wait3A_2664 = arith.constant 1 : i32
    %dma_wait3A_2665 = arith.constant 1280 : i32
    %dma_wait3A_2666 = arith.constant 0 : i32
    %dma_wait3A_2667 = tpu.memref_slice %arg6[%dma_wait3A_2664, %dma_wait3A_2665, %dma_wait3A_2666] : memref<2x1664x32xf32, #tpu.memory_space<vmem>> -> memref<1x128x32xf32, #tpu.memory_space<vmem>>
    %dma_wait3A_2668 = tpu.memref_squeeze %dma_wait3A_2667 : memref<1x128x32xf32, #tpu.memory_space<vmem>> -> memref<128x32xf32, #tpu.memory_space<vmem>>
    %dma_wait3A_2669 = arith.constant 0 : i32
    %dma_wait3A_2670 = tpu.memref_slice %arg5[%dma_wait3A_2663, %dma_wait3A_2669] : memref<104x128xi32, #tpu.memory_space<vmem>> -> memref<1x128xi32, #tpu.memory_space<vmem>>
    %dma_wait3A_2671 = tpu.memref_squeeze %dma_wait3A_2670 : memref<1x128xi32, #tpu.memory_space<vmem>> -> memref<128xi32, #tpu.memory_space<vmem>>
    %dma_wait3A_2672 = arith.constant 0 : i32
    %dma_wait3A_2673 = arith.constant 0 : i32
    %dma_wait3A_2674 = tpu.memref_slice %arg3[%dma_wait3A_2672, %dma_wait3A_2673] : memref<2981888x32xf32, #tpu.memory_space<hbm>> -> memref<2981888x32xf32, #tpu.memory_space<hbm>>
    tpu.wait_indirect_dma semaphore(%arg8 : memref<!tpu.dma_semaphore, #tpu.memory_space<semaphore_mem>>) src(%dma_wait3A_2674 : memref<2981888x32xf32, #tpu.memory_space<hbm>>) dst(%dma_wait3A_2668 : memref<128x32xf32, #tpu.memory_space<vmem>>)
    %dma_wait3A_2675 = arith.constant 102 : i32
    %dma_wait3A_2676 = arith.constant 1 : i32
    %dma_wait3A_2677 = arith.constant 1408 : i32
    %dma_wait3A_2678 = arith.constant 0 : i32
    %dma_wait3A_2679 = tpu.memref_slice %arg6[%dma_wait3A_2676, %dma_wait3A_2677, %dma_wait3A_2678] : memref<2x1664x32xf32, #tpu.memory_space<vmem>> -> memref<1x128x32xf32, #tpu.memory_space<vmem>>
    %dma_wait3A_2680 = tpu.memref_squeeze %dma_wait3A_2679 : memref<1x128x32xf32, #tpu.memory_space<vmem>> -> memref<128x32xf32, #tpu.memory_space<vmem>>
    %dma_wait3A_2681 = arith.constant 0 : i32
    %dma_wait3A_2682 = tpu.memref_slice %arg5[%dma_wait3A_2675, %dma_wait3A_2681] : memref<104x128xi32, #tpu.memory_space<vmem>> -> memref<1x128xi32, #tpu.memory_space<vmem>>
    %dma_wait3A_2683 = tpu.memref_squeeze %dma_wait3A_2682 : memref<1x128xi32, #tpu.memory_space<vmem>> -> memref<128xi32, #tpu.memory_space<vmem>>
    %dma_wait3A_2684 = arith.constant 0 : i32
    %dma_wait3A_2685 = arith.constant 0 : i32
    %dma_wait3A_2686 = tpu.memref_slice %arg3[%dma_wait3A_2684, %dma_wait3A_2685] : memref<2981888x32xf32, #tpu.memory_space<hbm>> -> memref<2981888x32xf32, #tpu.memory_space<hbm>>
    tpu.wait_indirect_dma semaphore(%arg8 : memref<!tpu.dma_semaphore, #tpu.memory_space<semaphore_mem>>) src(%dma_wait3A_2686 : memref<2981888x32xf32, #tpu.memory_space<hbm>>) dst(%dma_wait3A_2680 : memref<128x32xf32, #tpu.memory_space<vmem>>)
    %dma_wait3A_2687 = arith.constant 103 : i32
    %dma_wait3A_2688 = arith.constant 1 : i32
    %dma_wait3A_2689 = arith.constant 1536 : i32
    %dma_wait3A_2690 = arith.constant 0 : i32
    %dma_wait3A_2691 = tpu.memref_slice %arg6[%dma_wait3A_2688, %dma_wait3A_2689, %dma_wait3A_2690] : memref<2x1664x32xf32, #tpu.memory_space<vmem>> -> memref<1x128x32xf32, #tpu.memory_space<vmem>>
    %dma_wait3A_2692 = tpu.memref_squeeze %dma_wait3A_2691 : memref<1x128x32xf32, #tpu.memory_space<vmem>> -> memref<128x32xf32, #tpu.memory_space<vmem>>
    %dma_wait3A_2693 = arith.constant 0 : i32
    %dma_wait3A_2694 = tpu.memref_slice %arg5[%dma_wait3A_2687, %dma_wait3A_2693] : memref<104x128xi32, #tpu.memory_space<vmem>> -> memref<1x128xi32, #tpu.memory_space<vmem>>
    %dma_wait3A_2695 = tpu.memref_squeeze %dma_wait3A_2694 : memref<1x128xi32, #tpu.memory_space<vmem>> -> memref<128xi32, #tpu.memory_space<vmem>>
    %dma_wait3A_2696 = arith.constant 0 : i32
    %dma_wait3A_2697 = arith.constant 0 : i32
    %dma_wait3A_2698 = tpu.memref_slice %arg3[%dma_wait3A_2696, %dma_wait3A_2697] : memref<2981888x32xf32, #tpu.memory_space<hbm>> -> memref<2981888x32xf32, #tpu.memory_space<hbm>>
    tpu.wait_indirect_dma semaphore(%arg8 : memref<!tpu.dma_semaphore, #tpu.memory_space<semaphore_mem>>) src(%dma_wait3A_2698 : memref<2981888x32xf32, #tpu.memory_space<hbm>>) dst(%dma_wait3A_2692 : memref<128x32xf32, #tpu.memory_space<vmem>>)
    %mul3A_2699 = arith.constant 13312 : i32
    %mul3A_2700 = arith.muli %add3A, %mul3A_2699 : i32
    %add3A_2701 = arith.constant 11648 : i32
    %add3A_2702 = arith.addi %mul3A_2700, %add3A_2701 : i32
    %dma_start3A_2703 = arith.constant 1 : i32
    %dma_start3A_2704 = arith.constant 0 : i32
    %dma_start3A_2705 = arith.constant 0 : i32
    %dma_start3A_2706 = tpu.memref_slice %arg6[%dma_start3A_2703, %dma_start3A_2704, %dma_start3A_2705] : memref<2x1664x32xf32, #tpu.memory_space<vmem>> -> memref<1x1664x32xf32, #tpu.memory_space<vmem>>
    %dma_start3A_2707 = tpu.memref_squeeze %dma_start3A_2706 : memref<1x1664x32xf32, #tpu.memory_space<vmem>> -> memref<1664x32xf32, #tpu.memory_space<vmem>>
    %dma_start3A_2708 = arith.constant 0 : i32
    %dma_start3A_2709 = tpu.memref_slice %arg4[%add3A_2702, %dma_start3A_2708] : memref<425984x32xf32, #tpu.memory_space<hbm>> -> memref<1664x32xf32, #tpu.memory_space<hbm>>
    %dma_start3A_2710 = arith.constant 0 : i32
    %dma_start3A_2711 = tpu.memref_slice %arg4[%add3A_2702, %dma_start3A_2710] : memref<425984x32xf32, #tpu.memory_space<hbm>> -> memref<1664x32xf32, #tpu.memory_space<hbm>>
    %dma_start3A_2712 = arith.constant 0 : i32
    %dma_start3A_2713 = arith.constant 0 : i32
    %dma_start3A_2714 = tpu.memref_slice %arg6[%dma_start3A_2703, %dma_start3A_2712, %dma_start3A_2713] : memref<2x1664x32xf32, #tpu.memory_space<vmem>> -> memref<1x1664x32xf32, #tpu.memory_space<vmem>>
    %dma_start3A_2715 = tpu.memref_squeeze %dma_start3A_2714 : memref<1x1664x32xf32, #tpu.memory_space<vmem>> -> memref<1664x32xf32, #tpu.memory_space<vmem>>
    tpu.enqueue_dma source(%dma_start3A_2715 : memref<1664x32xf32, #tpu.memory_space<vmem>>) target(%dma_start3A_2711 : memref<1664x32xf32, #tpu.memory_space<hbm>>) target_semaphore(%arg10 : memref<!tpu.dma_semaphore, #tpu.memory_space<semaphore_mem>>)
    %dma_wait3A_2716 = arith.constant 0 : i32
    %dma_wait3A_2717 = arith.constant 0 : i32
    %dma_wait3A_2718 = arith.constant 0 : i32
    %dma_wait3A_2719 = tpu.memref_slice %arg6[%dma_wait3A_2716, %dma_wait3A_2717, %dma_wait3A_2718] : memref<2x1664x32xf32, #tpu.memory_space<vmem>> -> memref<1x1664x32xf32, #tpu.memory_space<vmem>>
    %dma_wait3A_2720 = tpu.memref_squeeze %dma_wait3A_2719 : memref<1x1664x32xf32, #tpu.memory_space<vmem>> -> memref<1664x32xf32, #tpu.memory_space<vmem>>
    %dma_wait3A_2721 = arith.constant 0 : i32
    %dma_wait3A_2722 = tpu.memref_slice %arg4[%add3A_2529, %dma_wait3A_2721] : memref<425984x32xf32, #tpu.memory_space<hbm>> -> memref<1664x32xf32, #tpu.memory_space<hbm>>
    %dma_wait3A_2723 = arith.constant 0 : i32
    %dma_wait3A_2724 = tpu.memref_slice %arg4[%add3A_2529, %dma_wait3A_2723] : memref<425984x32xf32, #tpu.memory_space<hbm>> -> memref<1664x32xf32, #tpu.memory_space<hbm>>
    %dma_wait3A_2725 = arith.constant 0 : i32
    %dma_wait3A_2726 = arith.constant 0 : i32
    %dma_wait3A_2727 = tpu.memref_slice %arg6[%dma_wait3A_2716, %dma_wait3A_2725, %dma_wait3A_2726] : memref<2x1664x32xf32, #tpu.memory_space<vmem>> -> memref<1x1664x32xf32, #tpu.memory_space<vmem>>
    %dma_wait3A_2728 = tpu.memref_squeeze %dma_wait3A_2727 : memref<1x1664x32xf32, #tpu.memory_space<vmem>> -> memref<1664x32xf32, #tpu.memory_space<vmem>>
    tpu.wait_dma2 semaphore(%arg9 : memref<!tpu.dma_semaphore, #tpu.memory_space<semaphore_mem>>) src(%dma_wait3A_2728 : memref<1664x32xf32, #tpu.memory_space<vmem>>) dst(%dma_wait3A_2724 : memref<1664x32xf32, #tpu.memory_space<hbm>>)
    %dma_wait3A_2729 = arith.constant 1 : i32
    %dma_wait3A_2730 = arith.constant 0 : i32
    %dma_wait3A_2731 = arith.constant 0 : i32
    %dma_wait3A_2732 = tpu.memref_slice %arg6[%dma_wait3A_2729, %dma_wait3A_2730, %dma_wait3A_2731] : memref<2x1664x32xf32, #tpu.memory_space<vmem>> -> memref<1x1664x32xf32, #tpu.memory_space<vmem>>
    %dma_wait3A_2733 = tpu.memref_squeeze %dma_wait3A_2732 : memref<1x1664x32xf32, #tpu.memory_space<vmem>> -> memref<1664x32xf32, #tpu.memory_space<vmem>>
    %dma_wait3A_2734 = arith.constant 0 : i32
    %dma_wait3A_2735 = tpu.memref_slice %arg4[%add3A_2702, %dma_wait3A_2734] : memref<425984x32xf32, #tpu.memory_space<hbm>> -> memref<1664x32xf32, #tpu.memory_space<hbm>>
    %dma_wait3A_2736 = arith.constant 0 : i32
    %dma_wait3A_2737 = tpu.memref_slice %arg4[%add3A_2702, %dma_wait3A_2736] : memref<425984x32xf32, #tpu.memory_space<hbm>> -> memref<1664x32xf32, #tpu.memory_space<hbm>>
    %dma_wait3A_2738 = arith.constant 0 : i32
    %dma_wait3A_2739 = arith.constant 0 : i32
    %dma_wait3A_2740 = tpu.memref_slice %arg6[%dma_wait3A_2729, %dma_wait3A_2738, %dma_wait3A_2739] : memref<2x1664x32xf32, #tpu.memory_space<vmem>> -> memref<1x1664x32xf32, #tpu.memory_space<vmem>>
    %dma_wait3A_2741 = tpu.memref_squeeze %dma_wait3A_2740 : memref<1x1664x32xf32, #tpu.memory_space<vmem>> -> memref<1664x32xf32, #tpu.memory_space<vmem>>
    tpu.wait_dma2 semaphore(%arg10 : memref<!tpu.dma_semaphore, #tpu.memory_space<semaphore_mem>>) src(%dma_wait3A_2741 : memref<1664x32xf32, #tpu.memory_space<vmem>>) dst(%dma_wait3A_2737 : memref<1664x32xf32, #tpu.memory_space<hbm>>)
    return
  }
}

module attributes {stable_mosaic.version = 14 : i64} {
  func.func @_transpose_body(%arg0: i32, %arg1: i32, %arg2: memref<128x8192xf32, #tpu.memory_space<vmem>>, %arg3: memref<8192x128xf32, #tpu.memory_space<vmem>>) attributes {dimension_semantics = [#tpu.dimension_semantics<arbitrary>, #tpu.dimension_semantics<arbitrary>], iteration_bounds = array<i64: 7, 13>, scalar_prefetch = 0 : i64, scratch_operands = 0 : i64, tpu.core_type = #tpu.core_type<tc>, window_params = [{transform_indices = @transform_0, window_bounds = array<i64: 128, 8192>}, {transform_indices = @transform_1, window_bounds = array<i64: 8192, 128>}]} {
    %get3A = arith.constant 0 : index
    %get3A_0 = arith.constant 0 : index
    %get3A_1 = vector.load %arg2[%get3A, %get3A_0] : memref<128x8192xf32, #tpu.memory_space<vmem>>, vector<128x8192xf32>
    %transpose3A = tpu.transpose %get3A_1, [1, 0] : vector<128x8192xf32> -> vector<8192x128xf32>
    %swap3A = arith.constant 0 : index
    %swap3A_2 = arith.constant 0 : index
    %swap3A_3 = vector.load %arg3[%swap3A, %swap3A_2] : memref<8192x128xf32, #tpu.memory_space<vmem>>, vector<8192x128xf32>
    tpu.vector_store %arg3[%swap3A, %swap3A_2], %transpose3A {strides = array<i32>} : memref<8192x128xf32, #tpu.memory_space<vmem>>, vector<8192x128xf32>,
    return
  }
  func.func @transform_0(%arg0: i32, %arg1: i32) -> (i32, i32) {
    %c0_i32 = arith.constant 0 : i32
    return %arg0, %arg1 : i32, i32
  }
  func.func @transform_1(%arg0: i32, %arg1: i32) -> (i32, i32) {
    %mul3A = arith.constant 13 : i32
    %mul3A_0 = arith.muli %arg0, %mul3A : i32
    %add3A = arith.addi %mul3A_0, %arg1 : i32
    %c0_i32 = arith.constant 0 : i32
    %c0_i32_1 = arith.constant 0 : i32
    return %add3A, %c0_i32 : i32, i32
  }
}

</mosaic_0001>

<sc_bundles>
// kernel: kernel.4.cloned.1.call-start
scs
__scs_entry_jumppad:
0x0: {  	(pc) =	sbr.rel $0x88, $3  }
0x1: {  	(tag) =	ssettag $0x0;
	lr =	simm.s32 $0x1  }
0x2: {  	[smem:$0x3F9F] =	sst lr;
	_ =	strace $0xD0000000  }
0x3: {  	_ = 	snop  }
0x4: {  	_ = 	snop  }
0x5: {  	_ = 	snop  }
0x6: {  	_ = 	snop  }
0x7: {  	_ = 	snop  }
__scs_overlays_trampoline_lowered:
0x8: {  	[smem:$0x3FAE] =	sst s0  }
0x9: {  	[smem:$0x3FAF] =	sst s1  }
0xa: {  	[smem:$0x3FB0] =	sst s2  }
0xb: {  	[smem:$0x3FB1] =	sst s3  }
0xc: {  	[smem:$0x3FB2] =	sst s4  }
0xd: {  	[smem:$0x3FB3] =	sst s5  }
0xe: {  	[smem:$0x3FB4] =	sst s6  }
0xf: {  	[smem:$0x3FB5] =	sst s7  }
0x10: {  	[smem:$0x3FB6] =	sst s8  }
0x11: {  	[smem:$0x3FB7] =	sst s9;
	s0 =	simm.s32 @!p0 $0x0  }
0x12: {  	s1 =	sld [smem:$0x3F9D];
	s0 =	simm.s32 @p0 $0x1  }
0x13: {  	[smem:$0x3FB8] =	sst s0;
	s0 =	simm.s32 @!p1 $0x0  }
0x14: {  	s2 =	sld [smem:$0x3F9C];
	s0 =	simm.s32 @p1 $0x1  }
0x15: {  	[smem:$0x3FB9] =	sst s0;
	s0 =	simm.s32 @!p2 $0x0  }
0x16: {  	s3 =	sld [smem:$0x3FDB];
	s0 =	simm.s32 @p2 $0x1  }
0x17: {  	s4 =	simm.s32 $0x1BF5;
	[smem:$0x3FBB] =	sst s0  }
0x18: {  	s0 =	sld [smem:$0x3F9E];
	_ =	swait.ge [sflag:s4], $0x0  }
0x19: {  	s7 =	sld [smem:$0x3F9F]  }
0x1a: {  	s8 =	sadd.s32 $0xFFFFE003, lr  }
0x1b: {  	s9 =	sadd.s32 $0xFFFFFEF7, lr;
	s5 =	simm.s32 $0xFFFFFFFF;
	p2 =	slt.u32 s8, $0xFFFFF086  }
0x1c: {  	p1 =	slt.u32 s9, $0xF7A;
	s5 =	simm.s32 @!p2 $0x0  }
0x1d: {  	s5 =	simm.s32 @p1 $0x1;
	p0 =	seq.s32 s7, s2  }
0x1e: {  	s7 =	smul.u32 @!p0 $0xF7A, s2;
	p2 =	seq.s32 @!p0 s5, $0x0  }
0x1f: {  	s9 =	smul.u32 $0xF7A, s1;
	s8 =	simm.s32 @!p0 $0x1BF5;
	p2 =	por !p2, p0  }
0x20: {  	[sflag:s8] =	ssyncset.s32 @!p0 $0xFFFFF086;
	s6 =	sadd.s32 @!p0 s3, s7;
	s7 =	simm.s32 @!p0 $0x108  }
0x21: {  	s3 =	sadd.s32 s3, s9;
	s6 =	sadd.s32 @!p0 $0x88, s6;
	s7 =	simm.s32 @p2 $0x1082  }
0x22: {  	[simem:s7], [sflag:s8] =	dma.local @!p0 [hbm:s6], $0xF7A  }
0x23: {  	s9 =	sor.u32 $0xD0000000, s2;
	s6 =	simm.s32 $0x108;
	_ =	swait.ge @!p0 [sflag:s8], $0x0  }
0x24: {  	s3 =	sadd.s32 $0x88, s3;
	s6 =	simm.s32 @!p1 $0x1082;
	[sflag:s4] =	ssyncset.s32 $0xFFFFF086  }
0x25: {  	[simem:s6], [sflag:s4] =	dma.local [hbm:s3], $0xF7A  }
0x26: {  	[smem:$0x3F9F] =	sst s1;
	(tag) =	ssettag s2;
	_ =	strace s9  }
0x27: {  	s1 =	sld [smem:$0x3FAF]  }
0x28: {  	s2 =	sld [smem:$0x3FB0]  }
0x29: {  	s4 =	sld [smem:$0x3FB2]  }
0x2a: {  	p0 =	seq.s32 s5, $0x0;
	s5 =	sld [smem:$0x3FB3]  }
0x2b: {  	s6 =	sld [smem:$0x3FB4]  }
0x2c: {  	s7 =	sld [smem:$0x3FB5]  }
0x2d: {  	s3 =	simm.s32 $0x108;
	s8 =	sld [smem:$0x3FB6]  }
0x2e: {  	s3 =	simm.s32 @!p0 $0x1082;
	s9 =	sld [smem:$0x3FB7]  }
0x2f: {  	lr =	sadd.s32 s0, s3;
	s0 =	sld [smem:$0x3FAE]  }
0x30: {  	s3 =	sld [smem:$0x3FB1]  }
0x31: {  	[smem:$0x3FBA] =	sst s10  }
0x32: {  	s10 =	sld [smem:$0x3FB8];
	_ =	sdelay $0x3  }
0x33: {  	p0 =	seq.s32 s10, $0x1;
	s10 =	sld [smem:$0x3FBA];
	_ =	sdelay $0x3  }
0x34: {  	[smem:$0x3FBA] =	sst s10  }
0x35: {  	s10 =	sld [smem:$0x3FB9];
	_ =	sdelay $0x3  }
0x36: {  	p1 =	seq.s32 s10, $0x1;
	s10 =	sld [smem:$0x3FBA];
	_ =	sdelay $0x3  }
0x37: {  	[smem:$0x3FBA] =	sst s10  }
0x38: {  	s10 =	sld [smem:$0x3FBB]  }
0x39: {  	_ = 	snop;
	(pc) =	sbr.ind lr, $3  }
0x3a: {  	_ = 	snop  }
0x3b: {  	_ = 	snop  }
0x3c: {  	p2 =	seq.s32 s10, $0x1;
	s10 =	sld [smem:$0x3FBA]  }
0x3d: {  	_ =	shalt  }
0x3e: {  	_ =	shalt  }
0x3f: {  	_ =	shalt  }
0x40: {  	_ =	shalt  }
0x41: {  	_ =	shalt  }
0x42: {  	_ =	shalt  }
0x43: {  	_ =	shalt  }
0x44: {  	_ =	shalt  }
0x45: {  	_ =	shalt  }
0x46: {  	_ =	shalt  }
0x47: {  	_ =	shalt  }
0x48: {  	_ =	shalt  }
0x49: {  	_ =	shalt  }
0x4a: {  	_ =	shalt  }
0x4b: {  	_ =	shalt  }
0x4c: {  	_ =	shalt  }
0x4d: {  	_ =	shalt  }
0x4e: {  	_ =	shalt  }
0x4f: {  	_ =	shalt  }
0x50: {  	_ =	shalt  }
0x51: {  	_ =	shalt  }
0x52: {  	_ =	shalt  }
0x53: {  	_ =	shalt  }
0x54: {  	_ =	shalt  }
0x55: {  	_ =	shalt  }
0x56: {  	_ =	shalt  }
0x57: {  	_ =	shalt  }
0x58: {  	_ =	shalt  }
0x59: {  	_ =	shalt  }
0x5a: {  	_ =	shalt  }
0x5b: {  	_ =	shalt  }
0x5c: {  	_ =	shalt  }
0x5d: {  	_ =	shalt  }
0x5e: {  	_ =	shalt  }
0x5f: {  	_ =	shalt  }
0x60: {  	_ =	shalt  }
0x61: {  	_ =	shalt  }
0x62: {  	_ =	shalt  }
0x63: {  	_ =	shalt  }
0x64: {  	_ =	shalt  }
0x65: {  	_ =	shalt  }
0x66: {  	_ =	shalt  }
0x67: {  	_ =	shalt  }
0x68: {  	_ =	shalt  }
0x69: {  	_ =	shalt  }
0x6a: {  	_ =	shalt  }
0x6b: {  	_ =	shalt  }
0x6c: {  	_ =	shalt  }
0x6d: {  	_ =	shalt  }
0x6e: {  	_ =	shalt  }
0x6f: {  	_ =	shalt  }
0x70: {  	_ =	shalt  }
0x71: {  	_ =	shalt  }
0x72: {  	_ =	shalt  }
0x73: {  	_ =	shalt  }
0x74: {  	_ =	shalt  }
0x75: {  	_ =	shalt  }
0x76: {  	_ =	shalt  }
0x77: {  	_ =	shalt  }
0x78: {  	_ =	shalt  }
0x79: {  	_ =	shalt  }
0x7a: {  	_ =	shalt  }
0x7b: {  	_ =	shalt  }
0x7c: {  	_ =	shalt  }
0x7d: {  	_ =	shalt  }
0x7e: {  	_ =	shalt  }
0x7f: {  	_ =	shalt  }
0x80: {  	_ =	shalt  }
0x81: {  	_ =	shalt  }
0x82: {  	_ =	shalt  }
0x83: {  	_ =	shalt  }
0x84: {  	_ =	shalt  }
0x85: {  	_ =	shalt  }
0x86: {  	_ =	shalt  }
0x87: {  	_ =	shalt  }
.Lfunc_end0:
.L_simem_size_0:
called_computation.1_lowered:
.L_overlay_start_0:
0x88: {  	s2 =	sld [smem:$0x3FD9]  }
0x89: {  	s3 =	sld [smem:$0x3FFE];
	_ =	sdelay $0x1  }
0x8a: {  	s1 =	srdreg.scid  }
0x8b: {  	s0 =	sand.u32 $0x1, s1  }
0x8c: {  	s17 =	sshll.u32 s0, $0xA;
	s2 =	sadd.s32 s3, s2  }
0x8d: {  	s2 =	sadd.s32 s2, s17  }
0x8e: {  	[smem:$0x3FC6] =	sst s2  }
0x8f: {  	_ = 	snop  }
0x90: {  	s2 =	sld [smem:$0x3FD0];
	(tm) =	ssettm $0x1  }
0x91: {  	s18 =	sld [smem:$0x3FFB];
	_ =	sdelay $0x3  }
0x92: {  	_ =	strace s18  }
0x93: {  	s3 =	sld [smem:$0x3FFC];
	_ =	sdelay $0x3  }
0x94: {  	_ =	strace s3  }
0x95: {  	s3 =	sld [smem:$0x3FFD];
	_ =	sdelay $0x3  }
0x96: {  	_ =	strace s3  }
0x97: {  	_ =	strace $0x8FFFFFFF  }
0x98: {  	s19 =	sld [smem:$0x3FDB];
	_ =	sdelay $0x1  }
0x99: {  	s4 =	simm.s32 $_scs_section_size  }
0x9a: {  	s5 =	simm.s32 $_size__tile_overlayer_lowered;
	s6 =	simm.s32 $_tile_overlayer_lowered  }
0x9b: {  	s22 =	simm.s32 $0x1BFF;
	s21 =	sshll.u32 s6, $0x1;
	s3 =	sadd.s32 s4, s19  }
0x9c: {  	s7 =	simm.s32 $0x0;
	s20 =	sshll.u32 s5, $0x1;
	s5 =	sadd.s32 s21, s3  }
0x9d: {  	[timem:s7], [sflag:s22] =	dma.local [hbm:s5], s20  }
0x9e: {  	_ =	swait.ge [sflag:s22], s20  }
0x9f: {  	s4 =	ssub.s32 $0x0, s20;
	[sflag:s22] =	ssyncset.done $0x0  }
0xa0: {  	[sflag:s22] =	ssyncadd.s32 s4;
	_ =	sdelay $0x1  }
0xa1: {  	s23 =	simm.s32 $0x1B8B  }
0xa2: {  	_ =	swait.ge [sflag:s23], $0x1  }
0xa3: {  	[sflag:s23] =	ssyncset.done $0x0  }
0xa4: {  	s25 =	simm.s32 $0x1B8E;
	s24 =	sld [smem:$0x3FFE];
	[sflag:s23] =	ssyncadd.s32 $0xFFFFFFFF  }
0xa5: {  	s26 =	simm.s32 $execute0_lowered;
	[smem:$0x3FD2] =	sst s25  }
0xa6: {  	s5 =	sshll.u32 s26, $0x1;
	_ =	strace $0x80000046;
	[dreg:$0x1] =	wrdreg $0xFFFFFFFF  }
0xa7: {  	s28 =	simm.s32 $_size_execute0_lowered;
	s3 =	sadd.s32 s3, s5;
	[dreg:$0x0] =	wrdreg $0x0  }
0xa8: {  	s5 =	sshll.u32 s28, $0x1;
	[dreg:$0x2] =	wrdreg s3  }
0xa9: {  	[dreg:$0x3] =	wrdreg s5  }
0xaa: {  	[dreg:$0x4] =	wrdreg $0xC0  }
0xab: {  	_ =	task [dreg:s7], $0x5FFFF  }
0xac: {  	[dreg:$0x1] =	wrdreg $0xFFFFFFFF  }
0xad: {  	[dreg:$0x0] =	wrdreg $0x60  }
0xae: {  	[dreg:$0x2] =	wrdreg s24  }
0xaf: {  	[dreg:$0x3] =	wrdreg s2  }
0xb0: {  	[dreg:$0x4] =	wrdreg $0x9  }
0xb1: {  	_ =	task.clear_ibuf [dreg:s7], $0x5FFFF;
	_ =	strace $0x90000046  }
0xb2: {  	s29 =	simm.s32 $0x9;
	_ =	strace $0x80000048  }
0xb3: {  	_ =	swait.ge [sflag:s29], $0x1  }
0xb4: {  	[sflag:s29] =	ssyncadd.s32 $0xFFFFFFFF  }
0xb5: {  	_ =	strace $0x90000048  }
0xb6: {  	_ =	sfence  }
0xb7: {  	s30 =	sld [smem:$0x0];
	_ =	sdelay $0x2  }
0xb8: {  	s31 =	sshll.u32 s1, $0xD;
	s1 =	sshrl.u32 s1, $0x2  }
0xb9: {  	s3 =	sand.u32 $0x4000, s31;
	s1 =	sadd.s32 s1, s30  }
0xba: {  	s0 =	sor.u32 s3, s0;
	s1 =	sshll.u32 s1, $0x11  }
0xbb: {  	s0 =	sor.u32 s1, s0  }
0xbc: {  	s0 =	sadd.s32 $0x8F2B, s0  }
0xbd: {  	[sflag:s0] =	ssyncadd.remote.s32 $0x1  }
0xbe: {  	_ =	sfence.sel $0xFFFF  }
0xbf: {  	[dreg:$0x0] =	wrdreg $0xFFFFFFFF;
	(pc) =	sbr.abs _section_cstart, $3  }
0xc0: {  	[dreg:$0x1] =	wrdreg $0xFFFFFFFF  }
0xc1: {  	_ =	task.clear_ibuf [dreg:s7], $0x2FFFF;
	_ =	strace $0x9FFFFFFF  }
0xc2: {  	(tm) =	ssettm $0x7FFFFFFF  }
0xc3: {  	_ =	shalt  }
tec
execute0_lowered:
.L_overlay_start_1:
0x0: {  	(tag) =	ssettag $0x1  }
0x1: {  	s1 =	srdreg.scid;
	s2 =	stileid.u32  }
0x2: {  	s0 =	rddreg [dreg:$0x0];
	s1 =	sand.u32 $0x1, s1;
	s3 =	sshll.u32 s2, $0x1  }
0x3: {  	s4 =	rddreg [dreg:$0x1];
	s2 =	simm.s32 $0x0;
	s5 =	sor.u32 s1, s3  }
0x4: {  	[smem:$0x7FF] =	sst s2;
	s20 =	ssub.s32 $0x2, s1;
	s3 =	smul.u32 $0x680, s5  }
0x5: {  	_ =	strace $0x80000047;
	s6 =	smul.u32 $0x68000, s5;
	s1 =	sshrl.u32 s20, $0x1  }
0x6: {  	s5 =	smul.u32 $0xD000, s5;
	s7 =	sadd.s32 s3, s0;
	s3 =	sadd.s32 $0xD800, s0  }
0x7: {  	s6 =	sshrl.u32 s6, $0x3;
	s0 =	ssub.s32 s20, s1;
	s21 =	sadd.s32 $0x800, s7  }
0x8: {  	s22 =	sadd.s32 s4, s6;
	s4 =	sadd.s32 s4, s5;
	[dreg:$0x3] =	wrdreg s21  }
0x9: {  	s15 =	simm.s32 $0x80;
	s0 =	smax.u32 s0, $0x1;
	[dreg:$0x4] =	wrdreg s4  }
0xa: {  	s13 =	simm.s32 $0x1;
	s23 =	sadd.s32 $0x1A00, s22;
	[dreg:$0xc] =	wrdreg s0  }
0xb: {  	s17 =	simm.s32 $0x2;
	s24 =	sadd.s32 $0x3400, s22;
	[dreg:$0x5] =	wrdreg s23  }
0xc: {  	s31 =	simm.s32 $0xB400;
	s25 =	sadd.s32 $0x4E00, s22;
	[dreg:$0x6] =	wrdreg s24  }
0xd: {  	s29 =	simm.s32 $0xC400;
	s26 =	sadd.s32 $0x6800, s22;
	[dreg:$0x7] =	wrdreg s25  }
0xe: {  	s14 =	simm.s32 $0x0;
	s28 =	sadd.s32 $0x8200, s22;
	[dreg:$0x8] =	wrdreg s26  }
0xf: {  	s20 =	simm.s32 $0x3400;
	s30 =	sadd.s32 $0x9C00, s22;
	[dreg:$0x9] =	wrdreg s28  }
0x10: {  	s5 =	simm.s32 $0x0;
	s1 =	sadd.s32 $0xB600, s22;
	[dreg:$0xa] =	wrdreg s30  }
0x11: {  	v0 =	vlaneseq.u32;
	s21 =	simm.s32 $0x4;
	[dreg:$0xb] =	wrdreg s1;
	s24 =	simm.s32 $0xD400  }
.LBB2_1:
0x12: {  	s18 =	simm.s32 $0x30  }
0x13: {  	s1 =	rddreg [dreg:$0x3];
	s19 =	simm.s32 $0x20;
	v5 =	vor.u32 s18, v0  }
0x14: {  	s16 =	simm.s32 $0x5;
	s28 =	simm.s32 $0x10;
	s30 =	simm.s32 $0x40;
	v7 =	vor.u32 s19, v0;
	v8 =	vmulhi.u32 $0x4EC4EC4F, v5  }
0x15: {  	[tilespmem:s2], [sflag:$0x5] =	stream.linear.gather [hbm4b:s1+s2], $0x3400, $0x38;
	v4 =	vor.u32 s28, v0;
	v11 =	vmulhi.u32 $0x4EC4EC4F, v7;
	[tilespmem:$0x1D400] =	vst v63  }
0x16: {  	s25 =	simm.s32 $0x0;
	s22 =	simm.s32 $0x60;
	v6 =	vor.u32 s30, v0;
	_ =	swait.ge [sflag:s16], $0x3400;
	v14 =	vmulhi.u32 $0x4EC4EC4F, v4  }
0x17: {  	s26 =	simm.s32 $0x50;
	v2 =	vor.u32 s25, v0;
	s28 =	simm.s32 $0x70;
	v9 =	vor.u32 s22, v0;
	v21 =	vmulhi.u32 $0x4EC4EC4F, v6;
	[sflag:s16] =	ssyncset.done $0x0  }
0x18: {  	s23 =	simm.s32 $0x40;
	v12 =	vor.u32 s26, v0;
	v13 =	vor.u32 s28, v0;
	v17 =	vmulhi.u32 $0x4EC4EC4F, v2;
	[sflag:s16] =	ssyncadd.s32 $0xFFFFCC00  }
0x19: {  	v11 =	vshrl.u32 v11, $0x3;
	v8 =	vshrl.u32 v8, $0x3;
	v21 =	vshrl.u32 v21, $0x3;
	v1 =	vld [tilespmem:s23+$0xFFFFFFD0]  }
0x1a: {  	v17 =	vshrl.u32 v17, $0x3;
	v3 =	vld [tilespmem:s23+$0xFFFFFFC0];
	v11 =	vmul.u32 $0x1A, v11;
	v8 =	vmul.u32 $0x1A, v8  }
0x1b: {  	v53 =	vmulhi.u32 $0x4EC4EC4F, v13;
	v10 =	vld [tilespmem:s23+$0x30];
	v42 =	vmul.u32 $0x1A, v21;
	v17 =	vmul.u32 $0x1A, v17  }
0x1c: {  	v16 =	vld [tilespmem:s23+$0x0];
	v7 =	vsub.s32 v7, v11;
	v5 =	vsub.s32 v5, v8;
	v8 =	vmulhi.u32 $0x4EC4EC4F, v12  }
0x1d: {  	v41 =	vld [tilespmem:s23+$0x20];
	v6 =	vsub.s32 v6, v42;
	v2 =	vsub.s32 v2, v17;
	v25 =	vshrl.u32 v7, $0x2  }
0x1e: {  	v23 =	vld [tilespmem:s23+$0xFFFFFFF0];
	v27 =	vshrl.u32 v5, $0x2;
	v29 =	vshrl.u32 v6, $0x2;
	v6 =	vand.u32 $0x3, v6  }
0x1f: {  	v24 =	vld [tilespmem:s23+$0x10];
	v5 =	vand.u32 $0x3, v5;
	v47 =	vshrl.u32 v2, $0x2;
	v2 =	vand.u32 $0x3, v2  }
0x20: {  	v26 =	vld [tilespmem:s23+$0xFFFFFFE0];
	v27 =	vmul.u32 $0xD, v27;
	v8 =	vshrl.u32 v8, $0x3;
	v25 =	vmul.u32 $0xD, v25  }
0x21: {  	v49 =	vmul.u32 $0xD, v47;
	v15 =	vshrl.u32 v1, $0xD;
	v1 =	vshll.u32 v1, $0x2  }
0x22: {  	v18 =	vshll.u32 v3, $0x2;
	v20 =	vshrl.u32 v3, $0xD;
	v3 =	vshrl.u32 v14, $0x3  }
0x23: {  	v22 =	vshll.u32 v10, $0x2;
	v43 =	vshll.u32 v16, $0x2;
	v28 =	vshrl.u32 v41, $0xD  }
0x24: {  	v44 =	vshll.u32 v23, $0x2;
	v8 =	vmul.u32 $0x1A, v8;
	v23 =	vshrl.u32 v23, $0xD  }
0x25: {  	v30 =	vshll.u32 v24, $0x2;
	v31 =	vshrl.u32 v26, $0xD;
	v26 =	vshll.u32 v26, $0x2  }
0x26: {  	v16 =	vshrl.u32 v16, $0xD;
	v14 =	vshll.u32 v41, $0x2;
	v19 =	vand.u32 $0x7FFC, v1  }
0x27: {  	v1 =	vmulhi.u32 $0x4EC4EC4F, v9;
	v22 =	vand.u32 $0x7FFC, v22;
	v18 =	vand.u32 $0x7FFC, v18  }
0x28: {  	v11 =	vand.u32 $0x7FFC, v44;
	v25 =	vadd.s32 v25, v31;
	v46 =	vand.u32 $0x7FFC, v26  }
0x29: {  	v50 =	vmul.u32 $0x1A, v3;
	v51 =	vand.u32 $0x7FFC, v43;
	v3 =	vand.u32 $0x7FFC, v30  }
0x2a: {  	v23 =	vadd.s32 v27, v23;
	v14 =	vand.u32 $0x7FFC, v14;
	v45 =	vshll.u32 v25, $0xF  }
0x2b: {  	v25 =	vshrl.u32 v53, $0x3;
	v23 =	vshll.u32 v23, $0xF;
	v1 =	vshrl.u32 v1, $0x3  }
0x2c: {  	v17 =	vor.u32 v46, v45;
	v4 =	vsub.s32 v4, v50;
	v25 =	vmul.u32 $0x1A, v25  }
0x2d: {  	v11 =	vor.u32 v11, v23;
	v48 =	vmul.u32 $0x1A, v1;
	v1 =	vand.u32 $0x3, v7  }
0x2e: {  	v7 =	vmul.u32 $0xD, v29;
	v55 =	vshrl.u32 v4, $0x2;
	v5 =	vor.u32 v5, v11  }
0x2f: {  	v62 =	vand.u32 $0x3, v4;
	v17 =	vor.u32 v1, v17;
	v1 =	vsub.s32 v12, v8  }
0x30: {  	v8 =	vshrl.u32 v24, $0xD;
	v12 =	vadd.s32 v49, v20;
	v57 =	vmul.u32 $0xD, v55  }
0x31: {  	v13 =	vsub.s32 v13, v25;
	v7 =	vadd.s32 v7, v16;
	v9 =	vsub.s32 v9, v48  }
0x32: {  	v52 =	vshrl.u32 v1, $0x2;
	v60 =	vshrl.u32 v13, $0x2;
	v54 =	vshrl.u32 v9, $0x2  }
0x33: {  	v63 =	vshll.u32 v12, $0xF;
	v9 =	vand.u32 $0x3, v9;
	v24 =	vmul.u32 $0xD, v54  }
0x34: {  	v7 =	vshll.u32 v7, $0xF;
	v58 =	vadd.s32 v57, v15;
	v59 =	vmul.u32 $0xD, v52  }
0x35: {  	v15 =	vmul.u32 $0xD, v60;
	v7 =	vor.u32 v51, v7;
	v56 =	vadd.s32 v24, v28  }
0x36: {  	[tilespmem:s23+$0xFFFFFFF0] =	vst v5;
	v61 =	vshll.u32 v58, $0xF;
	v4 =	vadd.s32 v59, v8;
	v20 =	vshll.u32 v56, $0xF  }
0x37: {  	[tilespmem:s23+$0xFFFFFFE0] =	vst v17;
	v8 =	vshrl.u32 v10, $0xD;
	v6 =	vor.u32 v6, v7;
	v14 =	vor.u32 v14, v20  }
0x38: {  	v5 =	vor.u32 v19, v61;
	v8 =	vadd.s32 v15, v8;
	[tilespmem:s23+$0x0] =	vst v6;
	v9 =	vor.u32 v9, v14  }
0x39: {  	v5 =	vor.u32 v62, v5;
	v7 =	vshll.u32 v8, $0xF;
	[tilespmem:s23+$0x20] =	vst v9;
	v9 =	vor.u32 v18, v63  }
0x3a: {  	s25 =	simm.s32 $0xF0;
	s28 =	simm.s32 $0xC0;
	v6 =	vand.u32 $0x3, v13;
	[tilespmem:s23+$0xFFFFFFD0] =	vst v5;
	v5 =	vor.u32 v2, v9;
	v2 =	vor.u32 v22, v7  }
.LBB2_2:
0x3b: {  	s1 =	sadd.s32 $0xFFFFFF90, s25  }
0x3c: {  	s30 =	sadd.s32 $0xFFFFFFA0, s25;
	v7 =	vld [tilespmem:s28+$0xFFFFFFD0];
	s18 =	sadd.s32 $0xFFFFFFB0, s25;
	[tilespmem:s23+$0xFFFFFFC0] =	vst v5;
	v4 =	vshll.u32 v4, $0xF;
	v1 =	vand.u32 $0x3, v1;
	v2 =	vor.u32 v6, v2;
	s22 =	smov.u32 s25  }
0x3d: {  	s26 =	sadd.s32 $0xFFFFFFE0, s25;
	v5 =	vor.u32 s1, v0;
	v6 =	vld [tilespmem:s28+$0xFFFFFFC0];
	v8 =	vor.u32 s30, v0;
	s1 =	sadd.s32 $0xFFFFFFC0, s25;
	s30 =	sadd.s32 $0xFFFFFFD0, s25;
	v3 =	vor.u32 v3, v4  }
0x3e: {  	p0 =	sne.s32 s25, $0x33F0;
	s25 =	sadd.s32 $0x80, s25;
	v4 =	vor.u32 s1, v0;
	v9 =	vor.u32 s30, v0;
	v10 =	vld [tilespmem:s28+$0x0];
	s1 =	sadd.s32 $0xFFFFFFF0, s22;
	v1 =	vor.u32 v1, v3;
	[tilespmem:s23+$0x30] =	vst v2  }
0x3f: {  	v3 =	vor.u32 s18, v0;
	v11 =	vmulhi.u32 $0x4EC4EC4F, v4;
	v12 =	vor.u32 s1, v0;
	v2 =	vld [tilespmem:s28+$0x30];
	[tilespmem:s23+$0x10] =	vst v1;
	s23 =	smov.u32 s28  }
0x40: {  	v13 =	vor.u32 s26, v0;
	v14 =	vor.u32 s22, v0;
	v1 =	vmulhi.u32 $0x4EC4EC4F, v3  }
0x41: {  	v15 =	vmulhi.u32 $0x4EC4EC4F, v8;
	v16 =	vshrl.u32 v7, $0xD;
	v7 =	vshll.u32 v7, $0x2  }
0x42: {  	v17 =	vmulhi.u32 $0x4EC4EC4F, v5;
	v18 =	vshll.u32 v6, $0x2;
	v7 =	vand.u32 $0x7FFC, v7  }
0x43: {  	v15 =	vshrl.u32 v15, $0x3;
	v19 =	vmulhi.u32 $0x4EC4EC4F, v12;
	v6 =	vshrl.u32 v6, $0xD;
	v20 =	vld [tilespmem:s28+$0x20]  }
0x44: {  	v21 =	vmulhi.u32 $0x4EC4EC4F, v9;
	v1 =	vshrl.u32 v1, $0x3;
	v22 =	vshll.u32 v2, $0x2  }
0x45: {  	v11 =	vshrl.u32 v11, $0x3;
	v1 =	vmul.u32 $0x1A, v1;
	v22 =	vand.u32 $0x7FFC, v22  }
0x46: {  	v21 =	vshrl.u32 v21, $0x3;
	v11 =	vmul.u32 $0x1A, v11;
	v18 =	vand.u32 $0x7FFC, v18;
	v23 =	vld [tilespmem:s28+$0xFFFFFFF0]  }
0x47: {  	v1 =	vsub.s32 v3, v1;
	v3 =	vmul.u32 $0x1A, v21;
	v21 =	vshll.u32 v10, $0x2;
	v24 =	vld [tilespmem:s28+$0x10]  }
0x48: {  	v4 =	vsub.s32 v4, v11;
	v11 =	vmulhi.u32 $0x4EC4EC4F, v13;
	v25 =	vshrl.u32 v1, $0x2  }
0x49: {  	v19 =	vshrl.u32 v19, $0x3;
	v27 =	vshrl.u32 v4, $0x2;
	v28 =	vshrl.u32 v20, $0xD;
	v26 =	vld [tilespmem:s28+$0xFFFFFFE0]  }
0x4a: {  	v27 =	vmul.u32 $0xD, v27;
	v3 =	vsub.s32 v9, v3;
	v9 =	vshrl.u32 v11, $0x3  }
0x4b: {  	v29 =	vshrl.u32 v3, $0x2;
	v9 =	vmul.u32 $0x1A, v9;
	v11 =	vshll.u32 v23, $0x2  }
0x4c: {  	v17 =	vshrl.u32 v17, $0x3;
	v23 =	vshrl.u32 v23, $0xD;
	v30 =	vshll.u32 v24, $0x2  }
0x4d: {  	v25 =	vmul.u32 $0xD, v25;
	v31 =	vand.u32 $0x3, v3;
	v11 =	vand.u32 $0x7FFC, v11  }
0x4e: {  	v4 =	vand.u32 $0x3, v4;
	v3 =	vmul.u32 $0x1A, v17;
	v17 =	vshrl.u32 v26, $0xD  }
0x4f: {  	v10 =	vshrl.u32 v10, $0xD;
	v17 =	vadd.s32 v25, v17;
	v25 =	vshll.u32 v26, $0x2  }
0x50: {  	v3 =	vsub.s32 v5, v3;
	v5 =	vshll.u32 v17, $0xF;
	v17 =	vand.u32 $0x7FFC, v25  }
0x51: {  	v25 =	vshrl.u32 v3, $0x2;
	v5 =	vor.u32 v17, v5;
	v17 =	vmul.u32 $0x1A, v19  }
0x52: {  	v1 =	vand.u32 $0x3, v1;
	v19 =	vand.u32 $0x3, v3;
	v3 =	vmul.u32 $0xD, v29  }
0x53: {  	v5 =	vor.u32 v1, v5;
	v1 =	vsub.s32 v13, v9;
	v9 =	vshrl.u32 v24, $0xD  }
0x54: {  	v15 =	vmul.u32 $0x1A, v15;
	v13 =	vmul.u32 $0xD, v25;
	v10 =	vadd.s32 v3, v10  }
0x55: {  	v21 =	vand.u32 $0x7FFC, v21;
	v24 =	vshrl.u32 v1, $0x2;
	v3 =	vand.u32 $0x7FFC, v30  }
0x56: {  	v23 =	vadd.s32 v27, v23;
	v12 =	vsub.s32 v12, v17;
	v17 =	vmulhi.u32 $0x4EC4EC4F, v14  }
0x57: {  	v8 =	vsub.s32 v8, v15;
	v20 =	vshll.u32 v20, $0x2;
	v15 =	vshrl.u32 v12, $0x2  }
0x58: {  	v12 =	vand.u32 $0x3, v12;
	v15 =	vmul.u32 $0xD, v15;
	v17 =	vshrl.u32 v17, $0x3  }
0x59: {  	v23 =	vshll.u32 v23, $0xF;
	v25 =	vshrl.u32 v8, $0x2;
	v17 =	vmul.u32 $0x1A, v17  }
0x5a: {  	v6 =	vadd.s32 v13, v6;
	v10 =	vshll.u32 v10, $0xF;
	v13 =	vadd.s32 v15, v28  }
0x5b: {  	v20 =	vand.u32 $0x7FFC, v20;
	v15 =	vmul.u32 $0xD, v25;
	v13 =	vshll.u32 v13, $0xF  }
0x5c: {  	v11 =	vor.u32 v11, v23;
	v14 =	vsub.s32 v14, v17;
	v13 =	vor.u32 v20, v13  }
0x5d: {  	v4 =	vor.u32 v4, v11;
	v10 =	vor.u32 v21, v10;
	v11 =	vor.u32 v12, v13  }
0x5e: {  	v12 =	vadd.s32 v15, v16;
	v13 =	vmul.u32 $0xD, v24;
	[tilespmem:s28+$0x20] =	vst v11;
	v11 =	vshrl.u32 v14, $0x2  }
.Ltmp0:
0x5f: {  	v8 =	vand.u32 $0x3, v8;
	v12 =	vshll.u32 v12, $0xF;
	[tilespmem:s28+$0xFFFFFFF0] =	vst v4;
	v11 =	vmul.u32 $0xD, v11;
	(pc) =	sbr.rel @p0 .LBB2_2-.Ltmp0, $4  }
0x60: {  	v2 =	vshrl.u32 v2, $0xD;
	v7 =	vor.u32 v7, v12;
	v4 =	vadd.s32 v13, v9;
	[tilespmem:s28+$0xFFFFFFE0] =	vst v5  }
0x61: {  	v5 =	vshll.u32 v6, $0xF;
	v6 =	vor.u32 v8, v7;
	v2 =	vadd.s32 v11, v2  }
0x62: {  	v5 =	vor.u32 v18, v5;
	[tilespmem:s28+$0xFFFFFFD0] =	vst v6;
	v6 =	vor.u32 v31, v10;
	v2 =	vshll.u32 v2, $0xF  }
0x63: {  	v5 =	vor.u32 v19, v5;
	s28 =	sadd.s32 $0x80, s28;
	[tilespmem:s23+$0x0] =	vst v6;
	v2 =	vor.u32 v22, v2;
	v6 =	vand.u32 $0x3, v14  }
0x64: {  	v4 =	vshll.u32 v4, $0xF  }
0x65: {  	[tilespmem:s23+$0xFFFFFFC0] =	vst v5;
	v1 =	vand.u32 $0x3, v1;
	v2 =	vor.u32 v6, v2;
	v3 =	vor.u32 v3, v4  }
0x66: {  	[tilespmem:s23+$0x30] =	vst v2;
	v1 =	vor.u32 v1, v3  }
0x67: {  	[tilespmem:s23+$0x10] =	vst v1  }
0x68: {  	[tilespmem:s20], [sflag:$0x1] =	stream.indirect.gather [hbm4b:s3+s15], $0x20, s2, s15, $0xb8;
	[tilespmem:$0x1D400] =	vst v63  }
0x69: {  	s0 =	simm.s32 $0x4400  }
0x6a: {  	[tilespmem:s0], [sflag:$0x1] =	stream.indirect.gather [hbm4b:s3+s15], $0x20, s15, s15, $0xb8;
	[tilespmem:$0x1D400] =	vst v63  }
0x6b: {  	s1 =	simm.s32 $0x100;
	s22 =	simm.s32 $0x5400  }
0x6c: {  	[tilespmem:s22], [sflag:$0x1] =	stream.indirect.gather [hbm4b:s3+s15], $0x20, s1, s15, $0xb8;
	[tilespmem:$0x1D400] =	vst v63  }
0x6d: {  	s26 =	simm.s32 $0x180;
	s23 =	simm.s32 $0x6400  }
0x6e: {  	[tilespmem:s23], [sflag:$0x1] =	stream.indirect.gather [hbm4b:s3+s15], $0x20, s26, s15, $0xb8;
	[tilespmem:$0x1D400] =	vst v63  }
0x6f: {  	s28 =	simm.s32 $0x200;
	s25 =	simm.s32 $0x7400  }
0x70: {  	[tilespmem:s25], [sflag:$0x1] =	stream.indirect.gather [hbm4b:s3+s15], $0x20, s28, s15, $0xb8;
	[tilespmem:$0x1D400] =	vst v63  }
0x71: {  	s30 =	simm.s32 $0x280;
	s26 =	simm.s32 $0x8400  }
0x72: {  	[tilespmem:s26], [sflag:$0x1] =	stream.indirect.gather [hbm4b:s3+s15], $0x20, s30, s15, $0xb8;
	[tilespmem:$0x1D400] =	vst v63  }
0x73: {  	s0 =	simm.s32 $0x300;
	s28 =	simm.s32 $0x9400  }
0x74: {  	[tilespmem:s28], [sflag:$0x1] =	stream.indirect.gather [hbm4b:s3+s15], $0x20, s0, s15, $0xb8;
	[tilespmem:$0x1D400] =	vst v63  }
0x75: {  	s2 =	simm.s32 $0x380;
	s30 =	simm.s32 $0xA400  }
0x76: {  	[tilespmem:s30], [sflag:$0x1] =	stream.indirect.gather [hbm4b:s3+s15], $0x20, s2, s15, $0xb8;
	[tilespmem:$0x1D400] =	vst v63  }
0x77: {  	s4 =	simm.s32 $0x400  }
0x78: {  	[tilespmem:s31], [sflag:$0x1] =	stream.indirect.gather [hbm4b:s3+s15], $0x20, s4, s15, $0xb8;
	[tilespmem:$0x1D400] =	vst v63  }
0x79: {  	s6 =	simm.s32 $0x480  }
0x7a: {  	[tilespmem:s29], [sflag:$0x1] =	stream.indirect.gather [hbm4b:s3+s15], $0x20, s6, s15, $0xb8;
	[tilespmem:$0x1D400] =	vst v63  }
0x7b: {  	s8 =	simm.s32 $0x500  }
0x7c: {  	[tilespmem:s24], [sflag:$0x1] =	stream.indirect.gather [hbm4b:s3+s15], $0x20, s8, s15, $0xb8;
	[tilespmem:$0x1D400] =	vst v63  }
0x7d: {  	s9 =	simm.s32 $0x580;
	s10 =	simm.s32 $0xE400  }
0x7e: {  	[tilespmem:s10], [sflag:$0x1] =	stream.indirect.gather [hbm4b:s3+s15], $0x20, s9, s15, $0xb8;
	[tilespmem:$0x1D400] =	vst v63  }
0x7f: {  	s11 =	simm.s32 $0x600;
	s18 =	simm.s32 $0xF400  }
0x80: {  	[tilespmem:s18], [sflag:$0x1] =	stream.indirect.gather [hbm4b:s3+s15], $0x20, s11, s15, $0xb8;
	[tilespmem:$0x1D400] =	vst v63  }
0x81: {  	s12 =	simm.s32 $0x680;
	s2 =	simm.s32 $0x10400  }
0x82: {  	[tilespmem:s2], [sflag:$0x2] =	stream.indirect.gather [hbm4b:s3+s15], $0x20, s12, s15, $0xb8;
	[tilespmem:$0x1D400] =	vst v63  }
0x83: {  	s16 =	simm.s32 $0x700;
	s19 =	simm.s32 $0x11400  }
0x84: {  	[tilespmem:s19], [sflag:$0x2] =	stream.indirect.gather [hbm4b:s3+s15], $0x20, s16, s15, $0xb8;
	[tilespmem:$0x1D400] =	vst v63  }
0x85: {  	s6 =	simm.s32 $0x780;
	s8 =	simm.s32 $0x12400  }
0x86: {  	[tilespmem:s8], [sflag:$0x2] =	stream.indirect.gather [hbm4b:s3+s15], $0x20, s6, s15, $0xb8;
	[tilespmem:$0x1D400] =	vst v63  }
0x87: {  	s9 =	simm.s32 $0x800;
	s10 =	simm.s32 $0x13400  }
0x88: {  	[tilespmem:s10], [sflag:$0x2] =	stream.indirect.gather [hbm4b:s3+s15], $0x20, s9, s15, $0xb8;
	[tilespmem:$0x1D400] =	vst v63  }
0x89: {  	s11 =	simm.s32 $0x880;
	s12 =	simm.s32 $0x14400  }
0x8a: {  	[tilespmem:s12], [sflag:$0x2] =	stream.indirect.gather [hbm4b:s3+s15], $0x20, s11, s15, $0xb8;
	[tilespmem:$0x1D400] =	vst v63  }
0x8b: {  	s16 =	simm.s32 $0x900;
	s19 =	simm.s32 $0x15400  }
0x8c: {  	[tilespmem:s19], [sflag:$0x2] =	stream.indirect.gather [hbm4b:s3+s15], $0x20, s16, s15, $0xb8;
	[tilespmem:$0x1D400] =	vst v63  }
0x8d: {  	s0 =	simm.s32 $0x980;
	s6 =	simm.s32 $0x16400  }
0x8e: {  	[tilespmem:s6], [sflag:$0x2] =	stream.indirect.gather [hbm4b:s3+s15], $0x20, s0, s15, $0xb8;
	[tilespmem:$0x1D400] =	vst v63  }
0x8f: {  	s8 =	simm.s32 $0xA00;
	s9 =	simm.s32 $0x17400  }
0x90: {  	[tilespmem:s9], [sflag:$0x2] =	stream.indirect.gather [hbm4b:s3+s15], $0x20, s8, s15, $0xb8;
	[tilespmem:$0x1D400] =	vst v63  }
0x91: {  	s10 =	simm.s32 $0xA80;
	s11 =	simm.s32 $0x18400  }
0x92: {  	[tilespmem:s11], [sflag:$0x2] =	stream.indirect.gather [hbm4b:s3+s15], $0x20, s10, s15, $0xb8;
	[tilespmem:$0x1D400] =	vst v63  }
0x93: {  	s0 =	simm.s32 $0xB00;
	s6 =	simm.s32 $0x19400  }
0x94: {  	[tilespmem:s6], [sflag:$0x2] =	stream.indirect.gather [hbm4b:s3+s15], $0x20, s0, s15, $0xb8;
	[tilespmem:$0x1D400] =	vst v63  }
0x95: {  	s9 =	simm.s32 $0xB80;
	s11 =	simm.s32 $0x1A400  }
0x96: {  	[tilespmem:s11], [sflag:$0x2] =	stream.indirect.gather [hbm4b:s3+s15], $0x20, s9, s15, $0xb8;
	[tilespmem:$0x1D400] =	vst v63  }
0x97: {  	s6 =	simm.s32 $0xC00;
	s11 =	simm.s32 $0x1B400  }
0x98: {  	[tilespmem:s11], [sflag:$0x2] =	stream.indirect.gather [hbm4b:s3+s15], $0x20, s6, s15, $0xb8;
	[tilespmem:$0x1D400] =	vst v63  }
0x99: {  	s0 =	simm.s32 $0xC80;
	s6 =	simm.s32 $0x1C400  }
0x9a: {  	[tilespmem:s6], [sflag:$0x2] =	stream.indirect.gather [hbm4b:s3+s15], $0x20, s0, s15, $0xb8;
	[tilespmem:$0x1D400] =	vst v63  }
0x9b: {  	_ =	swait.ge [sflag:s13], $0x1000  }
0x9c: {  	[sflag:s13] =	ssyncset.done $0x0  }
0x9d: {  	[sflag:s13] =	ssyncadd.s32 $0xFFFFF000  }
0x9e: {  	_ =	swait.ge [sflag:s13], $0x1000  }
0x9f: {  	[sflag:s13] =	ssyncset.done $0x0  }
0xa0: {  	[sflag:s13] =	ssyncadd.s32 $0xFFFFF000  }
0xa1: {  	_ =	swait.ge [sflag:s13], $0x1000  }
0xa2: {  	[sflag:s13] =	ssyncset.done $0x0  }
0xa3: {  	[sflag:s13] =	ssyncadd.s32 $0xFFFFF000  }
0xa4: {  	_ =	swait.ge [sflag:s13], $0x1000  }
0xa5: {  	[sflag:s13] =	ssyncset.done $0x0  }
0xa6: {  	[sflag:s13] =	ssyncadd.s32 $0xFFFFF000  }
0xa7: {  	_ =	swait.ge [sflag:s13], $0x1000  }
0xa8: {  	[sflag:s13] =	ssyncset.done $0x0  }
0xa9: {  	[sflag:s13] =	ssyncadd.s32 $0xFFFFF000  }
0xaa: {  	_ =	swait.ge [sflag:s13], $0x1000  }
0xab: {  	[sflag:s13] =	ssyncset.done $0x0  }
0xac: {  	[sflag:s13] =	ssyncadd.s32 $0xFFFFF000  }
0xad: {  	_ =	swait.ge [sflag:s13], $0x1000  }
0xae: {  	[sflag:s13] =	ssyncset.done $0x0  }
0xaf: {  	[sflag:s13] =	ssyncadd.s32 $0xFFFFF000  }
0xb0: {  	_ =	swait.ge [sflag:s13], $0x1000  }
0xb1: {  	[sflag:s13] =	ssyncset.done $0x0  }
0xb2: {  	[sflag:s13] =	ssyncadd.s32 $0xFFFFF000  }
0xb3: {  	_ =	swait.ge [sflag:s13], $0x1000  }
0xb4: {  	[sflag:s13] =	ssyncset.done $0x0  }
0xb5: {  	[sflag:s13] =	ssyncadd.s32 $0xFFFFF000  }
0xb6: {  	_ =	swait.ge [sflag:s13], $0x1000  }
0xb7: {  	[sflag:s13] =	ssyncset.done $0x0  }
0xb8: {  	[sflag:s13] =	ssyncadd.s32 $0xFFFFF000  }
0xb9: {  	_ =	swait.ge [sflag:s13], $0x1000  }
0xba: {  	[sflag:s13] =	ssyncset.done $0x0  }
0xbb: {  	[sflag:s13] =	ssyncadd.s32 $0xFFFFF000  }
0xbc: {  	_ =	swait.ge [sflag:s13], $0x1000  }
0xbd: {  	[sflag:s13] =	ssyncset.done $0x0  }
0xbe: {  	[sflag:s13] =	ssyncadd.s32 $0xFFFFF000  }
0xbf: {  	_ =	swait.ge [sflag:s13], $0x1000  }
0xc0: {  	[sflag:s13] =	ssyncset.done $0x0  }
0xc1: {  	s0 =	rddreg [dreg:$0x4];
	[sflag:s13] =	ssyncadd.s32 $0xFFFFF000  }
0xc2: {  	[hbm4b:s0+s14] =	stream.linear.scatter [tilespmem:s20], [sflag:$0x3], $0xD000, $0x38;
	[tilespmem:$0x1D400] =	vst v63  }
0xc3: {  	s0 =	simm.s32 $0x3  }
0xc4: {  	_ =	swait.ge [sflag:s0], $0xD000  }
0xc5: {  	[sflag:s0] =	ssyncset.done $0x0  }
0xc6: {  	s1 =	simm.s32 $0xD00;
	[sflag:s0] =	ssyncadd.s32 $0xFFFF3000  }
0xc7: {  	[tilespmem:s20], [sflag:$0x1] =	stream.indirect.gather [hbm4b:s3+s15], $0x20, s1, s15, $0xb8;
	[tilespmem:$0x1D400] =	vst v63  }
0xc8: {  	s7 =	simm.s32 $0x4400;
	s1 =	simm.s32 $0xD80  }
0xc9: {  	[tilespmem:s7], [sflag:$0x1] =	stream.indirect.gather [hbm4b:s3+s15], $0x20, s1, s15, $0xb8;
	[tilespmem:$0x1D400] =	vst v63  }
0xca: {  	s1 =	simm.s32 $0xE00  }
0xcb: {  	[tilespmem:s22], [sflag:$0x1] =	stream.indirect.gather [hbm4b:s3+s15], $0x20, s1, s15, $0xb8;
	[tilespmem:$0x1D400] =	vst v63  }
0xcc: {  	s1 =	simm.s32 $0xE80  }
0xcd: {  	[tilespmem:s23], [sflag:$0x1] =	stream.indirect.gather [hbm4b:s3+s15], $0x20, s1, s15, $0xb8;
	[tilespmem:$0x1D400] =	vst v63  }
0xce: {  	s1 =	simm.s32 $0xF00  }
0xcf: {  	[tilespmem:s25], [sflag:$0x1] =	stream.indirect.gather [hbm4b:s3+s15], $0x20, s1, s15, $0xb8;
	[tilespmem:$0x1D400] =	vst v63  }
0xd0: {  	s1 =	simm.s32 $0xF80  }
0xd1: {  	[tilespmem:s26], [sflag:$0x1] =	stream.indirect.gather [hbm4b:s3+s15], $0x20, s1, s15, $0xb8;
	[tilespmem:$0x1D400] =	vst v63  }
0xd2: {  	s1 =	simm.s32 $0x1000  }
0xd3: {  	[tilespmem:s28], [sflag:$0x1] =	stream.indirect.gather [hbm4b:s3+s15], $0x20, s1, s15, $0xb8;
	[tilespmem:$0x1D400] =	vst v63  }
0xd4: {  	s1 =	simm.s32 $0x1080  }
0xd5: {  	[tilespmem:s30], [sflag:$0x1] =	stream.indirect.gather [hbm4b:s3+s15], $0x20, s1, s15, $0xb8;
	[tilespmem:$0x1D400] =	vst v63  }
0xd6: {  	s1 =	simm.s32 $0x1100  }
0xd7: {  	[tilespmem:s31], [sflag:$0x1] =	stream.indirect.gather [hbm4b:s3+s15], $0x20, s1, s15, $0xb8;
	[tilespmem:$0x1D400] =	vst v63  }
0xd8: {  	s1 =	simm.s32 $0x1180  }
0xd9: {  	[tilespmem:s29], [sflag:$0x1] =	stream.indirect.gather [hbm4b:s3+s15], $0x20, s1, s15, $0xb8;
	[tilespmem:$0x1D400] =	vst v63  }
0xda: {  	s1 =	simm.s32 $0x1200  }
0xdb: {  	[tilespmem:s24], [sflag:$0x1] =	stream.indirect.gather [hbm4b:s3+s15], $0x20, s1, s15, $0xb8;
	[tilespmem:$0x1D400] =	vst v63  }
0xdc: {  	s4 =	simm.s32 $0xE400;
	s1 =	simm.s32 $0x1280  }
0xdd: {  	[tilespmem:s4], [sflag:$0x1] =	stream.indirect.gather [hbm4b:s3+s15], $0x20, s1, s15, $0xb8;
	[tilespmem:$0x1D400] =	vst v63  }
0xde: {  	s4 =	simm.s32 $0x1300  }
0xdf: {  	[tilespmem:s18], [sflag:$0x1] =	stream.indirect.gather [hbm4b:s3+s15], $0x20, s4, s15, $0xb8;
	[tilespmem:$0x1D400] =	vst v63  }
0xe0: {  	_ =	swait.ge [sflag:s17], $0x1000  }
0xe1: {  	[sflag:s17] =	ssyncset.done $0x0  }
0xe2: {  	[sflag:s17] =	ssyncadd.s32 $0xFFFFF000  }
0xe3: {  	_ =	swait.ge [sflag:s17], $0x1000  }
0xe4: {  	[sflag:s17] =	ssyncset.done $0x0  }
0xe5: {  	[sflag:s17] =	ssyncadd.s32 $0xFFFFF000  }
0xe6: {  	_ =	swait.ge [sflag:s17], $0x1000  }
0xe7: {  	[sflag:s17] =	ssyncset.done $0x0  }
0xe8: {  	[sflag:s17] =	ssyncadd.s32 $0xFFFFF000  }
0xe9: {  	_ =	swait.ge [sflag:s17], $0x1000  }
0xea: {  	[sflag:s17] =	ssyncset.done $0x0  }
0xeb: {  	[sflag:s17] =	ssyncadd.s32 $0xFFFFF000  }
0xec: {  	_ =	swait.ge [sflag:s17], $0x1000  }
0xed: {  	[sflag:s17] =	ssyncset.done $0x0  }
0xee: {  	[sflag:s17] =	ssyncadd.s32 $0xFFFFF000  }
0xef: {  	_ =	swait.ge [sflag:s17], $0x1000  }
0xf0: {  	[sflag:s17] =	ssyncset.done $0x0  }
0xf1: {  	[sflag:s17] =	ssyncadd.s32 $0xFFFFF000  }
0xf2: {  	_ =	swait.ge [sflag:s17], $0x1000  }
0xf3: {  	[sflag:s17] =	ssyncset.done $0x0  }
0xf4: {  	[sflag:s17] =	ssyncadd.s32 $0xFFFFF000  }
0xf5: {  	_ =	swait.ge [sflag:s17], $0x1000  }
0xf6: {  	[sflag:s17] =	ssyncset.done $0x0  }
0xf7: {  	[sflag:s17] =	ssyncadd.s32 $0xFFFFF000  }
0xf8: {  	_ =	swait.ge [sflag:s17], $0x1000  }
0xf9: {  	[sflag:s17] =	ssyncset.done $0x0  }
0xfa: {  	[sflag:s17] =	ssyncadd.s32 $0xFFFFF000  }
0xfb: {  	_ =	swait.ge [sflag:s17], $0x1000  }
0xfc: {  	[sflag:s17] =	ssyncset.done $0x0  }
0xfd: {  	[sflag:s17] =	ssyncadd.s32 $0xFFFFF000  }
0xfe: {  	_ =	swait.ge [sflag:s17], $0x1000  }
0xff: {  	[sflag:s17] =	ssyncset.done $0x0  }
0x100: {  	[sflag:s17] =	ssyncadd.s32 $0xFFFFF000  }
0x101: {  	_ =	swait.ge [sflag:s17], $0x1000  }
0x102: {  	[sflag:s17] =	ssyncset.done $0x0  }
0x103: {  	[sflag:s17] =	ssyncadd.s32 $0xFFFFF000  }
0x104: {  	_ =	swait.ge [sflag:s17], $0x1000  }
0x105: {  	[sflag:s17] =	ssyncset.done $0x0  }
0x106: {  	s4 =	rddreg [dreg:$0x5];
	[sflag:s17] =	ssyncadd.s32 $0xFFFFF000  }
0x107: {  	[hbm4b:s4+s14] =	stream.linear.scatter [tilespmem:s2], [sflag:$0x4], $0xD000, $0x38;
	[tilespmem:$0x1D400] =	vst v63  }
0x108: {  	_ =	swait.ge [sflag:s21], $0xD000  }
0x109: {  	[sflag:s21] =	ssyncset.done $0x0  }
0x10a: {  	s4 =	simm.s32 $0x1380;
	[sflag:s21] =	ssyncadd.s32 $0xFFFF3000  }
0x10b: {  	[tilespmem:s2], [sflag:$0x2] =	stream.indirect.gather [hbm4b:s3+s15], $0x20, s4, s15, $0xb8;
	[tilespmem:$0x1D400] =	vst v63  }
0x10c: {  	s1 =	simm.s32 $0x1400;
	s4 =	simm.s32 $0x11400  }
0x10d: {  	[tilespmem:s4], [sflag:$0x2] =	stream.indirect.gather [hbm4b:s3+s15], $0x20, s1, s15, $0xb8;
	[tilespmem:$0x1D400] =	vst v63  }
0x10e: {  	s1 =	simm.s32 $0x1480;
	s4 =	simm.s32 $0x12400  }
0x10f: {  	[tilespmem:s4], [sflag:$0x2] =	stream.indirect.gather [hbm4b:s3+s15], $0x20, s1, s15, $0xb8;
	[tilespmem:$0x1D400] =	vst v63  }
0x110: {  	s1 =	simm.s32 $0x1500;
	s4 =	simm.s32 $0x13400  }
0x111: {  	[tilespmem:s4], [sflag:$0x2] =	stream.indirect.gather [hbm4b:s3+s15], $0x20, s1, s15, $0xb8;
	[tilespmem:$0x1D400] =	vst v63  }
0x112: {  	s1 =	simm.s32 $0x1580;
	s4 =	simm.s32 $0x14400  }
0x113: {  	[tilespmem:s4], [sflag:$0x2] =	stream.indirect.gather [hbm4b:s3+s15], $0x20, s1, s15, $0xb8;
	[tilespmem:$0x1D400] =	vst v63  }
0x114: {  	s19 =	simm.s32 $0x15400;
	s4 =	simm.s32 $0x1600  }
0x115: {  	[tilespmem:s19], [sflag:$0x2] =	stream.indirect.gather [hbm4b:s3+s15], $0x20, s4, s15, $0xb8;
	[tilespmem:$0x1D400] =	vst v63  }
0x116: {  	s16 =	simm.s32 $0x16400;
	s4 =	simm.s32 $0x1680  }
0x117: {  	[tilespmem:s16], [sflag:$0x2] =	stream.indirect.gather [hbm4b:s3+s15], $0x20, s4, s15, $0xb8;
	[tilespmem:$0x1D400] =	vst v63  }
0x118: {  	s12 =	simm.s32 $0x17400;
	s16 =	simm.s32 $0x1700  }
0x119: {  	[tilespmem:s12], [sflag:$0x2] =	stream.indirect.gather [hbm4b:s3+s15], $0x20, s16, s15, $0xb8;
	[tilespmem:$0x1D400] =	vst v63  }
0x11a: {  	s8 =	simm.s32 $0x18400;
	s4 =	simm.s32 $0x1780  }
0x11b: {  	[tilespmem:s8], [sflag:$0x2] =	stream.indirect.gather [hbm4b:s3+s15], $0x20, s4, s15, $0xb8;
	[tilespmem:$0x1D400] =	vst v63  }
0x11c: {  	s10 =	simm.s32 $0x19400;
	s16 =	simm.s32 $0x1800  }
0x11d: {  	[tilespmem:s10], [sflag:$0x2] =	stream.indirect.gather [hbm4b:s3+s15], $0x20, s16, s15, $0xb8;
	[tilespmem:$0x1D400] =	vst v63  }
0x11e: {  	s9 =	simm.s32 $0x1A400;
	s4 =	simm.s32 $0x1880  }
0x11f: {  	[tilespmem:s9], [sflag:$0x2] =	stream.indirect.gather [hbm4b:s3+s15], $0x20, s4, s15, $0xb8;
	[tilespmem:$0x1D400] =	vst v63  }
0x120: {  	s11 =	simm.s32 $0x1B400;
	s8 =	simm.s32 $0x1900  }
0x121: {  	[tilespmem:s11], [sflag:$0x2] =	stream.indirect.gather [hbm4b:s3+s15], $0x20, s8, s15, $0xb8;
	[tilespmem:$0x1D400] =	vst v63  }
0x122: {  	s6 =	simm.s32 $0x1C400;
	s9 =	simm.s32 $0x1980  }
0x123: {  	[tilespmem:s6], [sflag:$0x2] =	stream.indirect.gather [hbm4b:s3+s15], $0x20, s9, s15, $0xb8;
	[tilespmem:$0x1D400] =	vst v63  }
0x124: {  	_ =	swait.ge [sflag:s13], $0x1000  }
0x125: {  	[sflag:s13] =	ssyncset.done $0x0  }
0x126: {  	[sflag:s13] =	ssyncadd.s32 $0xFFFFF000  }
0x127: {  	_ =	swait.ge [sflag:s13], $0x1000  }
0x128: {  	[sflag:s13] =	ssyncset.done $0x0  }
0x129: {  	[sflag:s13] =	ssyncadd.s32 $0xFFFFF000  }
0x12a: {  	_ =	swait.ge [sflag:s13], $0x1000  }
0x12b: {  	[sflag:s13] =	ssyncset.done $0x0  }
0x12c: {  	[sflag:s13] =	ssyncadd.s32 $0xFFFFF000  }
0x12d: {  	_ =	swait.ge [sflag:s13], $0x1000  }
0x12e: {  	[sflag:s13] =	ssyncset.done $0x0  }
0x12f: {  	[sflag:s13] =	ssyncadd.s32 $0xFFFFF000  }
0x130: {  	_ =	swait.ge [sflag:s13], $0x1000  }
0x131: {  	[sflag:s13] =	ssyncset.done $0x0  }
0x132: {  	[sflag:s13] =	ssyncadd.s32 $0xFFFFF000  }
0x133: {  	_ =	swait.ge [sflag:s13], $0x1000  }
0x134: {  	[sflag:s13] =	ssyncset.done $0x0  }
0x135: {  	[sflag:s13] =	ssyncadd.s32 $0xFFFFF000  }
0x136: {  	_ =	swait.ge [sflag:s13], $0x1000  }
0x137: {  	[sflag:s13] =	ssyncset.done $0x0  }
0x138: {  	[sflag:s13] =	ssyncadd.s32 $0xFFFFF000  }
0x139: {  	_ =	swait.ge [sflag:s13], $0x1000  }
0x13a: {  	[sflag:s13] =	ssyncset.done $0x0  }
0x13b: {  	[sflag:s13] =	ssyncadd.s32 $0xFFFFF000  }
0x13c: {  	_ =	swait.ge [sflag:s13], $0x1000  }
0x13d: {  	[sflag:s13] =	ssyncset.done $0x0  }
0x13e: {  	[sflag:s13] =	ssyncadd.s32 $0xFFFFF000  }
0x13f: {  	_ =	swait.ge [sflag:s13], $0x1000  }
0x140: {  	[sflag:s13] =	ssyncset.done $0x0  }
0x141: {  	[sflag:s13] =	ssyncadd.s32 $0xFFFFF000  }
0x142: {  	_ =	swait.ge [sflag:s13], $0x1000  }
0x143: {  	[sflag:s13] =	ssyncset.done $0x0  }
0x144: {  	[sflag:s13] =	ssyncadd.s32 $0xFFFFF000  }
0x145: {  	_ =	swait.ge [sflag:s13], $0x1000  }
0x146: {  	[sflag:s13] =	ssyncset.done $0x0  }
0x147: {  	[sflag:s13] =	ssyncadd.s32 $0xFFFFF000  }
0x148: {  	_ =	swait.ge [sflag:s13], $0x1000  }
0x149: {  	[sflag:s13] =	ssyncset.done $0x0  }
0x14a: {  	s10 =	rddreg [dreg:$0x6];
	[sflag:s13] =	ssyncadd.s32 $0xFFFFF000  }
0x14b: {  	[hbm4b:s10+s14] =	stream.linear.scatter [tilespmem:s20], [sflag:$0x3], $0xD000, $0x38;
	[tilespmem:$0x1D400] =	vst v63  }
0x14c: {  	_ =	swait.ge [sflag:s0], $0xD000  }
0x14d: {  	[sflag:s0] =	ssyncset.done $0x0  }
0x14e: {  	s11 =	simm.s32 $0x1A00;
	[sflag:s0] =	ssyncadd.s32 $0xFFFF3000  }
0x14f: {  	[tilespmem:s20], [sflag:$0x1] =	stream.indirect.gather [hbm4b:s3+s15], $0x20, s11, s15, $0xb8;
	[tilespmem:$0x1D400] =	vst v63  }
0x150: {  	s7 =	simm.s32 $0x4400;
	s16 =	simm.s32 $0x1A80  }
0x151: {  	[tilespmem:s7], [sflag:$0x1] =	stream.indirect.gather [hbm4b:s3+s15], $0x20, s16, s15, $0xb8;
	[tilespmem:$0x1D400] =	vst v63  }
0x152: {  	s4 =	simm.s32 $0x1B00  }
0x153: {  	[tilespmem:s22], [sflag:$0x1] =	stream.indirect.gather [hbm4b:s3+s15], $0x20, s4, s15, $0xb8;
	[tilespmem:$0x1D400] =	vst v63  }
0x154: {  	s6 =	simm.s32 $0x1B80  }
0x155: {  	[tilespmem:s23], [sflag:$0x1] =	stream.indirect.gather [hbm4b:s3+s15], $0x20, s6, s15, $0xb8;
	[tilespmem:$0x1D400] =	vst v63  }
0x156: {  	s7 =	simm.s32 $0x1C00  }
0x157: {  	[tilespmem:s25], [sflag:$0x1] =	stream.indirect.gather [hbm4b:s3+s15], $0x20, s7, s15, $0xb8;
	[tilespmem:$0x1D400] =	vst v63  }
0x158: {  	s8 =	simm.s32 $0x1C80  }
0x159: {  	[tilespmem:s26], [sflag:$0x1] =	stream.indirect.gather [hbm4b:s3+s15], $0x20, s8, s15, $0xb8;
	[tilespmem:$0x1D400] =	vst v63  }
0x15a: {  	s9 =	simm.s32 $0x1D00  }
0x15b: {  	[tilespmem:s28], [sflag:$0x1] =	stream.indirect.gather [hbm4b:s3+s15], $0x20, s9, s15, $0xb8;
	[tilespmem:$0x1D400] =	vst v63  }
0x15c: {  	s10 =	simm.s32 $0x1D80  }
0x15d: {  	[tilespmem:s30], [sflag:$0x1] =	stream.indirect.gather [hbm4b:s3+s15], $0x20, s10, s15, $0xb8;
	[tilespmem:$0x1D400] =	vst v63  }
0x15e: {  	s11 =	simm.s32 $0x1E00  }
0x15f: {  	[tilespmem:s31], [sflag:$0x1] =	stream.indirect.gather [hbm4b:s3+s15], $0x20, s11, s15, $0xb8;
	[tilespmem:$0x1D400] =	vst v63  }
0x160: {  	s16 =	simm.s32 $0x1E80  }
0x161: {  	[tilespmem:s29], [sflag:$0x1] =	stream.indirect.gather [hbm4b:s3+s15], $0x20, s16, s15, $0xb8;
	[tilespmem:$0x1D400] =	vst v63  }
0x162: {  	s4 =	simm.s32 $0x1F00  }
0x163: {  	[tilespmem:s24], [sflag:$0x1] =	stream.indirect.gather [hbm4b:s3+s15], $0x20, s4, s15, $0xb8;
	[tilespmem:$0x1D400] =	vst v63  }
0x164: {  	s6 =	simm.s32 $0x1F80;
	s7 =	simm.s32 $0xE400  }
0x165: {  	[tilespmem:s7], [sflag:$0x1] =	stream.indirect.gather [hbm4b:s3+s15], $0x20, s6, s15, $0xb8;
	[tilespmem:$0x1D400] =	vst v63  }
0x166: {  	s8 =	simm.s32 $0x2000  }
0x167: {  	[tilespmem:s18], [sflag:$0x1] =	stream.indirect.gather [hbm4b:s3+s15], $0x20, s8, s15, $0xb8;
	[tilespmem:$0x1D400] =	vst v63  }
0x168: {  	_ =	swait.ge [sflag:s17], $0x1000  }
0x169: {  	[sflag:s17] =	ssyncset.done $0x0  }
0x16a: {  	[sflag:s17] =	ssyncadd.s32 $0xFFFFF000  }
0x16b: {  	_ =	swait.ge [sflag:s17], $0x1000  }
0x16c: {  	[sflag:s17] =	ssyncset.done $0x0  }
0x16d: {  	[sflag:s17] =	ssyncadd.s32 $0xFFFFF000  }
0x16e: {  	_ =	swait.ge [sflag:s17], $0x1000  }
0x16f: {  	[sflag:s17] =	ssyncset.done $0x0  }
0x170: {  	[sflag:s17] =	ssyncadd.s32 $0xFFFFF000  }
0x171: {  	_ =	swait.ge [sflag:s17], $0x1000  }
0x172: {  	[sflag:s17] =	ssyncset.done $0x0  }
0x173: {  	[sflag:s17] =	ssyncadd.s32 $0xFFFFF000  }
0x174: {  	_ =	swait.ge [sflag:s17], $0x1000  }
0x175: {  	[sflag:s17] =	ssyncset.done $0x0  }
0x176: {  	[sflag:s17] =	ssyncadd.s32 $0xFFFFF000  }
0x177: {  	_ =	swait.ge [sflag:s17], $0x1000  }
0x178: {  	[sflag:s17] =	ssyncset.done $0x0  }
0x179: {  	[sflag:s17] =	ssyncadd.s32 $0xFFFFF000  }
0x17a: {  	_ =	swait.ge [sflag:s17], $0x1000  }
0x17b: {  	[sflag:s17] =	ssyncset.done $0x0  }
0x17c: {  	[sflag:s17] =	ssyncadd.s32 $0xFFFFF000  }
0x17d: {  	_ =	swait.ge [sflag:s17], $0x1000  }
0x17e: {  	[sflag:s17] =	ssyncset.done $0x0  }
0x17f: {  	[sflag:s17] =	ssyncadd.s32 $0xFFFFF000  }
0x180: {  	_ =	swait.ge [sflag:s17], $0x1000  }
0x181: {  	[sflag:s17] =	ssyncset.done $0x0  }
0x182: {  	[sflag:s17] =	ssyncadd.s32 $0xFFFFF000  }
0x183: {  	_ =	swait.ge [sflag:s17], $0x1000  }
0x184: {  	[sflag:s17] =	ssyncset.done $0x0  }
0x185: {  	[sflag:s17] =	ssyncadd.s32 $0xFFFFF000  }
0x186: {  	_ =	swait.ge [sflag:s17], $0x1000  }
0x187: {  	[sflag:s17] =	ssyncset.done $0x0  }
0x188: {  	[sflag:s17] =	ssyncadd.s32 $0xFFFFF000  }
0x189: {  	_ =	swait.ge [sflag:s17], $0x1000  }
0x18a: {  	[sflag:s17] =	ssyncset.done $0x0  }
0x18b: {  	[sflag:s17] =	ssyncadd.s32 $0xFFFFF000  }
0x18c: {  	_ =	swait.ge [sflag:s17], $0x1000  }
0x18d: {  	[sflag:s17] =	ssyncset.done $0x0  }
0x18e: {  	s9 =	rddreg [dreg:$0x7];
	[sflag:s17] =	ssyncadd.s32 $0xFFFFF000  }
0x18f: {  	[hbm4b:s9+s14] =	stream.linear.scatter [tilespmem:s2], [sflag:$0x4], $0xD000, $0x38;
	[tilespmem:$0x1D400] =	vst v63  }
0x190: {  	_ =	swait.ge [sflag:s21], $0xD000  }
0x191: {  	[sflag:s21] =	ssyncset.done $0x0  }
0x192: {  	s10 =	simm.s32 $0x2080;
	[sflag:s21] =	ssyncadd.s32 $0xFFFF3000  }
0x193: {  	[tilespmem:s2], [sflag:$0x2] =	stream.indirect.gather [hbm4b:s3+s15], $0x20, s10, s15, $0xb8;
	[tilespmem:$0x1D400] =	vst v63  }
0x194: {  	s11 =	simm.s32 $0x2100;
	s16 =	simm.s32 $0x11400  }
0x195: {  	[tilespmem:s16], [sflag:$0x2] =	stream.indirect.gather [hbm4b:s3+s15], $0x20, s11, s15, $0xb8;
	[tilespmem:$0x1D400] =	vst v63  }
0x196: {  	s4 =	simm.s32 $0x2180;
	s6 =	simm.s32 $0x12400  }
0x197: {  	[tilespmem:s6], [sflag:$0x2] =	stream.indirect.gather [hbm4b:s3+s15], $0x20, s4, s15, $0xb8;
	[tilespmem:$0x1D400] =	vst v63  }
0x198: {  	s7 =	simm.s32 $0x2200;
	s8 =	simm.s32 $0x13400  }
0x199: {  	[tilespmem:s8], [sflag:$0x2] =	stream.indirect.gather [hbm4b:s3+s15], $0x20, s7, s15, $0xb8;
	[tilespmem:$0x1D400] =	vst v63  }
0x19a: {  	s11 =	simm.s32 $0x2280;
	s4 =	simm.s32 $0x14400  }
0x19b: {  	[tilespmem:s4], [sflag:$0x2] =	stream.indirect.gather [hbm4b:s3+s15], $0x20, s11, s15, $0xb8;
	[tilespmem:$0x1D400] =	vst v63  }
0x19c: {  	s19 =	simm.s32 $0x15400;
	s6 =	simm.s32 $0x2300  }
0x19d: {  	[tilespmem:s19], [sflag:$0x2] =	stream.indirect.gather [hbm4b:s3+s15], $0x20, s6, s15, $0xb8;
	[tilespmem:$0x1D400] =	vst v63  }
0x19e: {  	s7 =	simm.s32 $0x2380;
	s8 =	simm.s32 $0x16400  }
0x19f: {  	[tilespmem:s8], [sflag:$0x2] =	stream.indirect.gather [hbm4b:s3+s15], $0x20, s7, s15, $0xb8;
	[tilespmem:$0x1D400] =	vst v63  }
0x1a0: {  	s12 =	simm.s32 $0x17400;
	s11 =	simm.s32 $0x2400  }
0x1a1: {  	[tilespmem:s12], [sflag:$0x2] =	stream.indirect.gather [hbm4b:s3+s15], $0x20, s11, s15, $0xb8;
	[tilespmem:$0x1D400] =	vst v63  }
0x1a2: {  	s4 =	simm.s32 $0x2480;
	s12 =	simm.s32 $0x18400  }
0x1a3: {  	[tilespmem:s12], [sflag:$0x2] =	stream.indirect.gather [hbm4b:s3+s15], $0x20, s4, s15, $0xb8;
	[tilespmem:$0x1D400] =	vst v63  }
0x1a4: {  	s6 =	simm.s32 $0x2500;
	s8 =	simm.s32 $0x19400  }
0x1a5: {  	[tilespmem:s8], [sflag:$0x2] =	stream.indirect.gather [hbm4b:s3+s15], $0x20, s6, s15, $0xb8;
	[tilespmem:$0x1D400] =	vst v63  }
0x1a6: {  	s7 =	simm.s32 $0x2580;
	s11 =	simm.s32 $0x1A400  }
0x1a7: {  	[tilespmem:s11], [sflag:$0x2] =	stream.indirect.gather [hbm4b:s3+s15], $0x20, s7, s15, $0xb8;
	[tilespmem:$0x1D400] =	vst v63  }
0x1a8: {  	s4 =	simm.s32 $0x2600;
	s7 =	simm.s32 $0x1B400  }
0x1a9: {  	[tilespmem:s7], [sflag:$0x2] =	stream.indirect.gather [hbm4b:s3+s15], $0x20, s4, s15, $0xb8;
	[tilespmem:$0x1D400] =	vst v63  }
0x1aa: {  	s6 =	simm.s32 $0x2680;
	s4 =	simm.s32 $0x1C400  }
0x1ab: {  	[tilespmem:s4], [sflag:$0x2] =	stream.indirect.gather [hbm4b:s3+s15], $0x20, s6, s15, $0xb8;
	[tilespmem:$0x1D400] =	vst v63  }
0x1ac: {  	_ =	swait.ge [sflag:s13], $0x1000  }
0x1ad: {  	[sflag:s13] =	ssyncset.done $0x0  }
0x1ae: {  	[sflag:s13] =	ssyncadd.s32 $0xFFFFF000  }
0x1af: {  	_ =	swait.ge [sflag:s13], $0x1000  }
0x1b0: {  	[sflag:s13] =	ssyncset.done $0x0  }
0x1b1: {  	[sflag:s13] =	ssyncadd.s32 $0xFFFFF000  }
0x1b2: {  	_ =	swait.ge [sflag:s13], $0x1000  }
0x1b3: {  	[sflag:s13] =	ssyncset.done $0x0  }
0x1b4: {  	[sflag:s13] =	ssyncadd.s32 $0xFFFFF000  }
0x1b5: {  	_ =	swait.ge [sflag:s13], $0x1000  }
0x1b6: {  	[sflag:s13] =	ssyncset.done $0x0  }
0x1b7: {  	[sflag:s13] =	ssyncadd.s32 $0xFFFFF000  }
0x1b8: {  	_ =	swait.ge [sflag:s13], $0x1000  }
0x1b9: {  	[sflag:s13] =	ssyncset.done $0x0  }
0x1ba: {  	[sflag:s13] =	ssyncadd.s32 $0xFFFFF000  }
0x1bb: {  	_ =	swait.ge [sflag:s13], $0x1000  }
0x1bc: {  	[sflag:s13] =	ssyncset.done $0x0  }
0x1bd: {  	[sflag:s13] =	ssyncadd.s32 $0xFFFFF000  }
0x1be: {  	_ =	swait.ge [sflag:s13], $0x1000  }
0x1bf: {  	[sflag:s13] =	ssyncset.done $0x0  }
0x1c0: {  	[sflag:s13] =	ssyncadd.s32 $0xFFFFF000  }
0x1c1: {  	_ =	swait.ge [sflag:s13], $0x1000  }
0x1c2: {  	[sflag:s13] =	ssyncset.done $0x0  }
0x1c3: {  	[sflag:s13] =	ssyncadd.s32 $0xFFFFF000  }
0x1c4: {  	_ =	swait.ge [sflag:s13], $0x1000  }
0x1c5: {  	[sflag:s13] =	ssyncset.done $0x0  }
0x1c6: {  	[sflag:s13] =	ssyncadd.s32 $0xFFFFF000  }
0x1c7: {  	_ =	swait.ge [sflag:s13], $0x1000  }
0x1c8: {  	[sflag:s13] =	ssyncset.done $0x0  }
0x1c9: {  	[sflag:s13] =	ssyncadd.s32 $0xFFFFF000  }
0x1ca: {  	_ =	swait.ge [sflag:s13], $0x1000  }
0x1cb: {  	[sflag:s13] =	ssyncset.done $0x0  }
0x1cc: {  	[sflag:s13] =	ssyncadd.s32 $0xFFFFF000  }
0x1cd: {  	_ =	swait.ge [sflag:s13], $0x1000  }
0x1ce: {  	[sflag:s13] =	ssyncset.done $0x0  }
0x1cf: {  	[sflag:s13] =	ssyncadd.s32 $0xFFFFF000  }
0x1d0: {  	_ =	swait.ge [sflag:s13], $0x1000  }
0x1d1: {  	[sflag:s13] =	ssyncset.done $0x0  }
0x1d2: {  	s6 =	rddreg [dreg:$0x8];
	[sflag:s13] =	ssyncadd.s32 $0xFFFFF000  }
0x1d3: {  	[hbm4b:s6+s14] =	stream.linear.scatter [tilespmem:s20], [sflag:$0x3], $0xD000, $0x38;
	[tilespmem:$0x1D400] =	vst v63  }
0x1d4: {  	_ =	swait.ge [sflag:s0], $0xD000  }
0x1d5: {  	[sflag:s0] =	ssyncset.done $0x0  }
0x1d6: {  	s6 =	simm.s32 $0x2700;
	[sflag:s0] =	ssyncadd.s32 $0xFFFF3000  }
0x1d7: {  	[tilespmem:s20], [sflag:$0x1] =	stream.indirect.gather [hbm4b:s3+s15], $0x20, s6, s15, $0xb8;
	[tilespmem:$0x1D400] =	vst v63  }
0x1d8: {  	s1 =	simm.s32 $0x2780;
	s6 =	simm.s32 $0x4400  }
0x1d9: {  	[tilespmem:s6], [sflag:$0x1] =	stream.indirect.gather [hbm4b:s3+s15], $0x20, s1, s15, $0xb8;
	[tilespmem:$0x1D400] =	vst v63  }
0x1da: {  	s6 =	simm.s32 $0x2800  }
0x1db: {  	[tilespmem:s22], [sflag:$0x1] =	stream.indirect.gather [hbm4b:s3+s15], $0x20, s6, s15, $0xb8;
	[tilespmem:$0x1D400] =	vst v63  }
0x1dc: {  	s22 =	simm.s32 $0x2880  }
0x1dd: {  	[tilespmem:s23], [sflag:$0x1] =	stream.indirect.gather [hbm4b:s3+s15], $0x20, s22, s15, $0xb8;
	[tilespmem:$0x1D400] =	vst v63  }
0x1de: {  	s23 =	simm.s32 $0x2900  }
0x1df: {  	[tilespmem:s25], [sflag:$0x1] =	stream.indirect.gather [hbm4b:s3+s15], $0x20, s23, s15, $0xb8;
	[tilespmem:$0x1D400] =	vst v63  }
0x1e0: {  	s25 =	simm.s32 $0x2980  }
0x1e1: {  	[tilespmem:s26], [sflag:$0x1] =	stream.indirect.gather [hbm4b:s3+s15], $0x20, s25, s15, $0xb8;
	[tilespmem:$0x1D400] =	vst v63  }
0x1e2: {  	s26 =	simm.s32 $0x2A00  }
0x1e3: {  	[tilespmem:s28], [sflag:$0x1] =	stream.indirect.gather [hbm4b:s3+s15], $0x20, s26, s15, $0xb8;
	[tilespmem:$0x1D400] =	vst v63  }
0x1e4: {  	s28 =	simm.s32 $0x2A80  }
0x1e5: {  	[tilespmem:s30], [sflag:$0x1] =	stream.indirect.gather [hbm4b:s3+s15], $0x20, s28, s15, $0xb8;
	[tilespmem:$0x1D400] =	vst v63  }
0x1e6: {  	s6 =	simm.s32 $0x2B00  }
0x1e7: {  	[tilespmem:s31], [sflag:$0x1] =	stream.indirect.gather [hbm4b:s3+s15], $0x20, s6, s15, $0xb8;
	[tilespmem:$0x1D400] =	vst v63  }
0x1e8: {  	s22 =	simm.s32 $0x2B80  }
0x1e9: {  	[tilespmem:s29], [sflag:$0x1] =	stream.indirect.gather [hbm4b:s3+s15], $0x20, s22, s15, $0xb8;
	[tilespmem:$0x1D400] =	vst v63  }
0x1ea: {  	s23 =	simm.s32 $0x2C00  }
0x1eb: {  	[tilespmem:s24], [sflag:$0x1] =	stream.indirect.gather [hbm4b:s3+s15], $0x20, s23, s15, $0xb8;
	[tilespmem:$0x1D400] =	vst v63  }
0x1ec: {  	s25 =	simm.s32 $0x2C80;
	s26 =	simm.s32 $0xE400  }
0x1ed: {  	[tilespmem:s26], [sflag:$0x1] =	stream.indirect.gather [hbm4b:s3+s15], $0x20, s25, s15, $0xb8;
	[tilespmem:$0x1D400] =	vst v63  }
0x1ee: {  	s28 =	simm.s32 $0x2D00  }
0x1ef: {  	[tilespmem:s18], [sflag:$0x1] =	stream.indirect.gather [hbm4b:s3+s15], $0x20, s28, s15, $0xb8;
	[tilespmem:$0x1D400] =	vst v63  }
0x1f0: {  	_ =	swait.ge [sflag:s17], $0x1000  }
0x1f1: {  	[sflag:s17] =	ssyncset.done $0x0  }
0x1f2: {  	[sflag:s17] =	ssyncadd.s32 $0xFFFFF000  }
0x1f3: {  	_ =	swait.ge [sflag:s17], $0x1000  }
0x1f4: {  	[sflag:s17] =	ssyncset.done $0x0  }
0x1f5: {  	[sflag:s17] =	ssyncadd.s32 $0xFFFFF000  }
0x1f6: {  	_ =	swait.ge [sflag:s17], $0x1000  }
0x1f7: {  	[sflag:s17] =	ssyncset.done $0x0  }
0x1f8: {  	[sflag:s17] =	ssyncadd.s32 $0xFFFFF000  }
0x1f9: {  	_ =	swait.ge [sflag:s17], $0x1000  }
0x1fa: {  	[sflag:s17] =	ssyncset.done $0x0  }
0x1fb: {  	[sflag:s17] =	ssyncadd.s32 $0xFFFFF000  }
0x1fc: {  	_ =	swait.ge [sflag:s17], $0x1000  }
0x1fd: {  	[sflag:s17] =	ssyncset.done $0x0  }
0x1fe: {  	[sflag:s17] =	ssyncadd.s32 $0xFFFFF000  }
0x1ff: {  	_ =	swait.ge [sflag:s17], $0x1000  }
0x200: {  	[sflag:s17] =	ssyncset.done $0x0  }
0x201: {  	[sflag:s17] =	ssyncadd.s32 $0xFFFFF000  }
0x202: {  	_ =	swait.ge [sflag:s17], $0x1000  }
0x203: {  	[sflag:s17] =	ssyncset.done $0x0  }
0x204: {  	[sflag:s17] =	ssyncadd.s32 $0xFFFFF000  }
0x205: {  	_ =	swait.ge [sflag:s17], $0x1000  }
0x206: {  	[sflag:s17] =	ssyncset.done $0x0  }
0x207: {  	[sflag:s17] =	ssyncadd.s32 $0xFFFFF000  }
0x208: {  	_ =	swait.ge [sflag:s17], $0x1000  }
0x209: {  	[sflag:s17] =	ssyncset.done $0x0  }
0x20a: {  	[sflag:s17] =	ssyncadd.s32 $0xFFFFF000  }
0x20b: {  	_ =	swait.ge [sflag:s17], $0x1000  }
0x20c: {  	[sflag:s17] =	ssyncset.done $0x0  }
0x20d: {  	[sflag:s17] =	ssyncadd.s32 $0xFFFFF000  }
0x20e: {  	_ =	swait.ge [sflag:s17], $0x1000  }
0x20f: {  	[sflag:s17] =	ssyncset.done $0x0  }
0x210: {  	[sflag:s17] =	ssyncadd.s32 $0xFFFFF000  }
0x211: {  	_ =	swait.ge [sflag:s17], $0x1000  }
0x212: {  	[sflag:s17] =	ssyncset.done $0x0  }
0x213: {  	[sflag:s17] =	ssyncadd.s32 $0xFFFFF000  }
0x214: {  	_ =	swait.ge [sflag:s17], $0x1000  }
0x215: {  	[sflag:s17] =	ssyncset.done $0x0  }
0x216: {  	s30 =	rddreg [dreg:$0x9];
	[sflag:s17] =	ssyncadd.s32 $0xFFFFF000  }
0x217: {  	[hbm4b:s30+s14] =	stream.linear.scatter [tilespmem:s2], [sflag:$0x4], $0xD000, $0x38;
	[tilespmem:$0x1D400] =	vst v63  }
0x218: {  	_ =	swait.ge [sflag:s21], $0xD000  }
0x219: {  	[sflag:s21] =	ssyncset.done $0x0  }
0x21a: {  	s6 =	simm.s32 $0x2D80;
	[sflag:s21] =	ssyncadd.s32 $0xFFFF3000  }
0x21b: {  	[tilespmem:s2], [sflag:$0x2] =	stream.indirect.gather [hbm4b:s3+s15], $0x20, s6, s15, $0xb8;
	[tilespmem:$0x1D400] =	vst v63  }
0x21c: {  	s9 =	simm.s32 $0x11400;
	s18 =	simm.s32 $0x2E00  }
0x21d: {  	[tilespmem:s9], [sflag:$0x2] =	stream.indirect.gather [hbm4b:s3+s15], $0x20, s18, s15, $0xb8;
	[tilespmem:$0x1D400] =	vst v63  }
0x21e: {  	s10 =	simm.s32 $0x12400;
	s22 =	simm.s32 $0x2E80  }
0x21f: {  	[tilespmem:s10], [sflag:$0x2] =	stream.indirect.gather [hbm4b:s3+s15], $0x20, s22, s15, $0xb8;
	[tilespmem:$0x1D400] =	vst v63  }
0x220: {  	s16 =	simm.s32 $0x13400;
	s23 =	simm.s32 $0x2F00  }
0x221: {  	[tilespmem:s16], [sflag:$0x2] =	stream.indirect.gather [hbm4b:s3+s15], $0x20, s23, s15, $0xb8;
	[tilespmem:$0x1D400] =	vst v63  }
0x222: {  	s25 =	simm.s32 $0x2F80;
	s26 =	simm.s32 $0x14400  }
0x223: {  	[tilespmem:s26], [sflag:$0x2] =	stream.indirect.gather [hbm4b:s3+s15], $0x20, s25, s15, $0xb8;
	[tilespmem:$0x1D400] =	vst v63  }
0x224: {  	s28 =	simm.s32 $0x3000;
	s30 =	simm.s32 $0x15400  }
0x225: {  	[tilespmem:s30], [sflag:$0x2] =	stream.indirect.gather [hbm4b:s3+s15], $0x20, s28, s15, $0xb8;
	[tilespmem:$0x1D400] =	vst v63  }
0x226: {  	s19 =	simm.s32 $0x16400;
	s9 =	simm.s32 $0x3080  }
0x227: {  	[tilespmem:s19], [sflag:$0x2] =	stream.indirect.gather [hbm4b:s3+s15], $0x20, s9, s15, $0xb8;
	[tilespmem:$0x1D400] =	vst v63  }
0x228: {  	s10 =	simm.s32 $0x3100;
	s16 =	simm.s32 $0x17400  }
0x229: {  	[tilespmem:s16], [sflag:$0x2] =	stream.indirect.gather [hbm4b:s3+s15], $0x20, s10, s15, $0xb8;
	[tilespmem:$0x1D400] =	vst v63  }
0x22a: {  	s18 =	simm.s32 $0x3180  }
0x22b: {  	[tilespmem:s12], [sflag:$0x2] =	stream.indirect.gather [hbm4b:s3+s15], $0x20, s18, s15, $0xb8;
	[tilespmem:$0x1D400] =	vst v63  }
0x22c: {  	s19 =	simm.s32 $0x3200  }
0x22d: {  	[tilespmem:s8], [sflag:$0x2] =	stream.indirect.gather [hbm4b:s3+s15], $0x20, s19, s15, $0xb8;
	[tilespmem:$0x1D400] =	vst v63  }
0x22e: {  	s22 =	simm.s32 $0x3280  }
0x22f: {  	[tilespmem:s11], [sflag:$0x2] =	stream.indirect.gather [hbm4b:s3+s15], $0x20, s22, s15, $0xb8;
	[tilespmem:$0x1D400] =	vst v63  }
0x230: {  	s23 =	simm.s32 $0x3300  }
0x231: {  	[tilespmem:s7], [sflag:$0x2] =	stream.indirect.gather [hbm4b:s3+s15], $0x20, s23, s15, $0xb8;
	[tilespmem:$0x1D400] =	vst v63  }
0x232: {  	s25 =	simm.s32 $0x3380  }
0x233: {  	[tilespmem:s4], [sflag:$0x2] =	stream.indirect.gather [hbm4b:s3+s15], $0x20, s25, s15, $0xb8;
	[tilespmem:$0x1D400] =	vst v63  }
0x234: {  	_ =	swait.ge [sflag:s13], $0x1000  }
0x235: {  	[sflag:s13] =	ssyncset.done $0x0  }
0x236: {  	[sflag:s13] =	ssyncadd.s32 $0xFFFFF000  }
0x237: {  	_ =	swait.ge [sflag:s13], $0x1000  }
0x238: {  	[sflag:s13] =	ssyncset.done $0x0  }
0x239: {  	[sflag:s13] =	ssyncadd.s32 $0xFFFFF000  }
0x23a: {  	_ =	swait.ge [sflag:s13], $0x1000  }
0x23b: {  	[sflag:s13] =	ssyncset.done $0x0  }
0x23c: {  	[sflag:s13] =	ssyncadd.s32 $0xFFFFF000  }
0x23d: {  	_ =	swait.ge [sflag:s13], $0x1000  }
0x23e: {  	[sflag:s13] =	ssyncset.done $0x0  }
0x23f: {  	[sflag:s13] =	ssyncadd.s32 $0xFFFFF000  }
0x240: {  	_ =	swait.ge [sflag:s13], $0x1000  }
0x241: {  	[sflag:s13] =	ssyncset.done $0x0  }
0x242: {  	[sflag:s13] =	ssyncadd.s32 $0xFFFFF000  }
0x243: {  	_ =	swait.ge [sflag:s13], $0x1000  }
0x244: {  	[sflag:s13] =	ssyncset.done $0x0  }
0x245: {  	[sflag:s13] =	ssyncadd.s32 $0xFFFFF000  }
0x246: {  	_ =	swait.ge [sflag:s13], $0x1000  }
0x247: {  	[sflag:s13] =	ssyncset.done $0x0  }
0x248: {  	[sflag:s13] =	ssyncadd.s32 $0xFFFFF000  }
0x249: {  	_ =	swait.ge [sflag:s13], $0x1000  }
0x24a: {  	[sflag:s13] =	ssyncset.done $0x0  }
0x24b: {  	[sflag:s13] =	ssyncadd.s32 $0xFFFFF000  }
0x24c: {  	_ =	swait.ge [sflag:s13], $0x1000  }
0x24d: {  	[sflag:s13] =	ssyncset.done $0x0  }
0x24e: {  	[sflag:s13] =	ssyncadd.s32 $0xFFFFF000  }
0x24f: {  	_ =	swait.ge [sflag:s13], $0x1000  }
0x250: {  	[sflag:s13] =	ssyncset.done $0x0  }
0x251: {  	[sflag:s13] =	ssyncadd.s32 $0xFFFFF000  }
0x252: {  	_ =	swait.ge [sflag:s13], $0x1000  }
0x253: {  	[sflag:s13] =	ssyncset.done $0x0  }
0x254: {  	[sflag:s13] =	ssyncadd.s32 $0xFFFFF000  }
0x255: {  	_ =	swait.ge [sflag:s13], $0x1000  }
0x256: {  	[sflag:s13] =	ssyncset.done $0x0  }
0x257: {  	[sflag:s13] =	ssyncadd.s32 $0xFFFFF000  }
0x258: {  	_ =	swait.ge [sflag:s13], $0x1000  }
0x259: {  	[sflag:s13] =	ssyncset.done $0x0  }
0x25a: {  	s26 =	rddreg [dreg:$0xa];
	[sflag:s13] =	ssyncadd.s32 $0xFFFFF000  }
0x25b: {  	[hbm4b:s26+s14] =	stream.linear.scatter [tilespmem:s20], [sflag:$0x3], $0xD000, $0x38;
	[tilespmem:$0x1D400] =	vst v63  }
0x25c: {  	_ =	swait.ge [sflag:s17], $0x1000  }
0x25d: {  	[sflag:s17] =	ssyncset.done $0x0  }
0x25e: {  	[sflag:s17] =	ssyncadd.s32 $0xFFFFF000  }
0x25f: {  	_ =	swait.ge [sflag:s17], $0x1000  }
0x260: {  	[sflag:s17] =	ssyncset.done $0x0  }
0x261: {  	[sflag:s17] =	ssyncadd.s32 $0xFFFFF000  }
0x262: {  	_ =	swait.ge [sflag:s17], $0x1000  }
0x263: {  	[sflag:s17] =	ssyncset.done $0x0  }
0x264: {  	[sflag:s17] =	ssyncadd.s32 $0xFFFFF000  }
0x265: {  	_ =	swait.ge [sflag:s17], $0x1000  }
0x266: {  	[sflag:s17] =	ssyncset.done $0x0  }
0x267: {  	[sflag:s17] =	ssyncadd.s32 $0xFFFFF000  }
0x268: {  	_ =	swait.ge [sflag:s17], $0x1000  }
0x269: {  	[sflag:s17] =	ssyncset.done $0x0  }
0x26a: {  	[sflag:s17] =	ssyncadd.s32 $0xFFFFF000  }
0x26b: {  	_ =	swait.ge [sflag:s17], $0x1000  }
0x26c: {  	[sflag:s17] =	ssyncset.done $0x0  }
0x26d: {  	[sflag:s17] =	ssyncadd.s32 $0xFFFFF000  }
0x26e: {  	_ =	swait.ge [sflag:s17], $0x1000  }
0x26f: {  	[sflag:s17] =	ssyncset.done $0x0  }
0x270: {  	[sflag:s17] =	ssyncadd.s32 $0xFFFFF000  }
0x271: {  	_ =	swait.ge [sflag:s17], $0x1000  }
0x272: {  	[sflag:s17] =	ssyncset.done $0x0  }
0x273: {  	[sflag:s17] =	ssyncadd.s32 $0xFFFFF000  }
0x274: {  	_ =	swait.ge [sflag:s17], $0x1000  }
0x275: {  	[sflag:s17] =	ssyncset.done $0x0  }
0x276: {  	[sflag:s17] =	ssyncadd.s32 $0xFFFFF000  }
0x277: {  	_ =	swait.ge [sflag:s17], $0x1000  }
0x278: {  	[sflag:s17] =	ssyncset.done $0x0  }
0x279: {  	[sflag:s17] =	ssyncadd.s32 $0xFFFFF000  }
0x27a: {  	_ =	swait.ge [sflag:s17], $0x1000  }
0x27b: {  	[sflag:s17] =	ssyncset.done $0x0  }
0x27c: {  	[sflag:s17] =	ssyncadd.s32 $0xFFFFF000  }
0x27d: {  	_ =	swait.ge [sflag:s17], $0x1000  }
0x27e: {  	[sflag:s17] =	ssyncset.done $0x0  }
0x27f: {  	[sflag:s17] =	ssyncadd.s32 $0xFFFFF000  }
0x280: {  	_ =	swait.ge [sflag:s17], $0x1000  }
0x281: {  	[sflag:s17] =	ssyncset.done $0x0  }
0x282: {  	s28 =	rddreg [dreg:$0xb];
	[sflag:s17] =	ssyncadd.s32 $0xFFFFF000  }
0x283: {  	[hbm4b:s28+s14] =	stream.linear.scatter [tilespmem:s2], [sflag:$0x4], $0xD000, $0x38;
	[tilespmem:$0x1D400] =	vst v63  }
0x284: {  	_ =	swait.ge [sflag:s0], $0xD000  }
0x285: {  	[sflag:s0] =	ssyncset.done $0x0  }
0x286: {  	[sflag:s0] =	ssyncadd.s32 $0xFFFF3000  }
0x287: {  	_ =	swait.ge [sflag:s21], $0xD000  }
0x288: {  	s5 =	sadd.s32 $0x1, s5;
	s30 =	rddreg [dreg:$0xc]  }
0x289: {  	p0 =	sne.s32 s5, s30  }
.Ltmp1:
0x28a: {  	_ = 	snop;
	(pc) =	sbr.rel @p0 .LBB2_1-.Ltmp1, $3  }
0x28b: {  	_ =	sdelay $0x1  }
0x28c: {  	[sflag:s21] =	ssyncset.done $0x0  }
0x28d: {  	s2 =	simm.s32 $0x0;
	[sflag:s21] =	ssyncadd.s32 $0xFFFF3000  }
0x28e: {  	_ =	sfence.sel $0x180000  }
0x28f: {  	[bflag:$0x0] =	sbarrier.arrive $0xFFFF  }
0x290: {  	_ =	strace $0x90000047  }
0x291: {  	s0 =	stileid.u32;
	[bflag:$0x2] =	sbarrier.arrive $0xFFFF  }
0x292: {  	p0 =	sne.s32 s0, $0x0;
	s0 =	rddreg [dreg:$0x2]  }
0x293: {  	s0 =	sadd.s32 @!p0 $0x100000, s0  }
0x294: {  	[sflag:s0] =	ssyncadd.tile.s32 @!p0 $0x1;
	_ =	shalt  }
.Lfunc_end2:
_tile_overlayer_lowered:
.L_overlay_start_2:
0x295: {  	(tag) =	ssettag $0x2  }
0x296: {  	s0 =	rddreg [dreg:$0x0];
	s2 =	stileid.u32  }
0x297: {  	s1 =	rddreg [dreg:$0x1];
	p0 =	sne.s32 s2, $0x0  }
0x298: {  	s3 =	rddreg [dreg:$0x2];
	[bflag:$0x3] =	sbarrier.arrive $0xFFFF;
	s2 =	simm.s32 @!p0 $0x1C05  }
0x299: {  	[timem:s3], [sflag:s2] =	dma.local @!p0 [hbm:s0], s1  }
0x29a: {  	s0 =	simm.s32 @!p0 $0x5  }
0x29b: {  	_ =	swait.ge @!p0 [sflag:s0], s1  }
0x29c: {  	s1 =	ssub.s32 @!p0 $0x0, s1;
	[sflag:s0] =	ssyncset.done @!p0 $0x0  }
0x29d: {  	[sflag:s0] =	ssyncadd.s32 @!p0 s1  }
0x29e: {  	[bflag:$0x3] =	sbarrier.arrive $0xFFFF  }
0x29f: {  	_ =	shalt  }

// kernel: sparse-core-data-format-call.cloned.1.call-start
scs
called_computation_lowered:
.L_overlay_start_0:
0x0: {  	s2 =	sld [smem:$0x3FD9]  }
0x1: {  	s3 =	sld [smem:$0x3FFE];
	_ =	sdelay $0x1  }
0x2: {  	s1 =	srdreg.scid  }
0x3: {  	s0 =	sand.u32 $0x1, s1  }
0x4: {  	s18 =	sshll.u32 s0, $0xA;
	s2 =	sadd.s32 s3, s2  }
0x5: {  	s2 =	sadd.s32 s2, s18  }
0x6: {  	[smem:$0x3FC6] =	sst s2  }
0x7: {  	_ = 	snop  }
0x8: {  	s2 =	sld [smem:$0x3FD0];
	(tm) =	ssettm $0x1  }
0x9: {  	s19 =	sld [smem:$0x3FFB];
	_ =	sdelay $0x3  }
0xa: {  	_ =	strace s19  }
0xb: {  	s3 =	sld [smem:$0x3FFC];
	_ =	sdelay $0x3  }
0xc: {  	_ =	strace s3  }
0xd: {  	s3 =	sld [smem:$0x3FFD];
	_ =	sdelay $0x3  }
0xe: {  	_ =	strace s3  }
0xf: {  	_ =	strace $0x8FFFFFFF  }
0x10: {  	s20 =	sld [smem:$0x3FDB];
	_ =	sdelay $0x1  }
0x11: {  	s4 =	simm.s32 $_scs_section_size  }
0x12: {  	s5 =	simm.s32 $_size__tile_overlayer_lowered;
	s6 =	simm.s32 $_tile_overlayer_lowered  }
0x13: {  	s23 =	simm.s32 $0x1BFF;
	s22 =	sshll.u32 s6, $0x1;
	s3 =	sadd.s32 s4, s20  }
0x14: {  	s7 =	simm.s32 $0x0;
	s21 =	sshll.u32 s5, $0x1;
	s5 =	sadd.s32 s22, s3  }
0x15: {  	[timem:s7], [sflag:s23] =	dma.local [hbm:s5], s21  }
0x16: {  	_ =	swait.ge [sflag:s23], s21  }
0x17: {  	s4 =	ssub.s32 $0x0, s21;
	[sflag:s23] =	ssyncset.done $0x0  }
0x18: {  	[sflag:s23] =	ssyncadd.s32 s4;
	_ =	sdelay $0x1  }
0x19: {  	s24 =	simm.s32 $0x1B8B  }
0x1a: {  	_ =	swait.ge [sflag:s24], $0x1  }
0x1b: {  	[sflag:s24] =	ssyncset.done $0x0  }
0x1c: {  	s26 =	simm.s32 $0x1B8E;
	s25 =	sld [smem:$0x3FFE];
	[sflag:s24] =	ssyncadd.s32 $0xFFFFFFFF  }
0x1d: {  	s27 =	simm.s32 $execute0_lowered;
	[smem:$0x3FD2] =	sst s26  }
0x1e: {  	s5 =	sshll.u32 s27, $0x1;
	_ =	strace $0x80000049;
	[dreg:$0x1] =	wrdreg $0xFFFFFFFF  }
0x1f: {  	s28 =	simm.s32 $_size_execute0_lowered;
	s3 =	sadd.s32 s3, s5;
	[dreg:$0x0] =	wrdreg $0x0  }
0x20: {  	s5 =	sshll.u32 s28, $0x1;
	[dreg:$0x2] =	wrdreg s3  }
0x21: {  	[dreg:$0x3] =	wrdreg s5  }
0x22: {  	[dreg:$0x4] =	wrdreg $0xC0  }
0x23: {  	_ =	task [dreg:s7], $0x5FFFF  }
0x24: {  	[dreg:$0x1] =	wrdreg $0xFFFFFFFF  }
0x25: {  	[dreg:$0x0] =	wrdreg $0x60  }
0x26: {  	[dreg:$0x2] =	wrdreg s25  }
0x27: {  	[dreg:$0x3] =	wrdreg s2  }
0x28: {  	[dreg:$0x4] =	wrdreg $0x9  }
0x29: {  	_ =	task.clear_ibuf [dreg:s7], $0x5FFFF;
	_ =	strace $0x90000049  }
0x2a: {  	s29 =	simm.s32 $0x9;
	_ =	strace $0x8000004B  }
0x2b: {  	_ =	swait.ge [sflag:s29], $0x1  }
0x2c: {  	[sflag:s29] =	ssyncadd.s32 $0xFFFFFFFF  }
0x2d: {  	_ =	strace $0x9000004B  }
0x2e: {  	_ =	sfence  }
0x2f: {  	s30 =	sld [smem:$0x0];
	_ =	sdelay $0x2  }
0x30: {  	s31 =	sshll.u32 s1, $0xD;
	s1 =	sshrl.u32 s1, $0x2  }
0x31: {  	s3 =	sand.u32 $0x4000, s31;
	s1 =	sadd.s32 s1, s30  }
0x32: {  	s0 =	sor.u32 s3, s0;
	s1 =	sshll.u32 s1, $0x11  }
0x33: {  	s0 =	sor.u32 s1, s0  }
0x34: {  	s0 =	sadd.s32 $0x8F2B, s0  }
0x35: {  	[sflag:s0] =	ssyncadd.remote.s32 $0x1  }
0x36: {  	_ =	sfence.sel $0xFFFF  }
0x37: {  	[dreg:$0x0] =	wrdreg $0xFFFFFFFF;
	(pc) =	sbr.abs _section_cstart, $3  }
0x38: {  	[dreg:$0x1] =	wrdreg $0xFFFFFFFF  }
0x39: {  	_ =	task.clear_ibuf [dreg:s7], $0x2FFFF;
	_ =	strace $0x9FFFFFFF  }
0x3a: {  	(tm) =	ssettm $0x7FFFFFFF  }
0x3b: {  	_ =	shalt  }
tec
execute0_lowered:
.L_overlay_start_1:
0x0: {  	(tag) =	ssettag $0x1  }
0x1: {  	s0 =	srdreg.scid  }
0x2: {  	s1 =	sshll.u32 s0, $0x4  }
0x3: {  	s6 =	rddreg [dreg:$0x0];
	s0 =	stileid.u32;
	s1 =	sand.u32 $0x10, s1  }
0x4: {  	s3 =	rddreg [dreg:$0x1];
	s1 =	sor.u32 s0, s1  }
0x5: {  	s5 =	simm.s32 $0x1;
	s31 =	simm.s32 $0x2;
	s2 =	sshll.u32 s1, $0x7  }
0x6: {  	s15 =	simm.s32 $0x0;
	s8 =	simm.s32 $0x20000;
	s4 =	ssub.s32 $0x4000, s2  }
0x7: {  	s14 =	simm.s32 $0x0;
	s9 =	simm.s32 $0x0;
	s30 =	sand.u32 $0xF80, s4  }
0x8: {  	s10 =	simm.s32 $0x0;
	s11 =	simm.s32 $0x0;
	p0 =	sne.s32 s30, $0x0  }
.Ltmp0:
0x9: {  	s7 =	sshrl.u32 s4, $0xC;
	s5 =	simm.s32 @!p0 $0x0;
	(pc) =	sbr.rel .LBB1_1-.Ltmp0, $4  }
0xa: {  	s13 =	simm.s32 $0x0;
	s1 =	rddreg [dreg:$0x2];
	s5 =	sadd.s32 s5, s7  }
0xb: {  	_ =	strace $0x8000004A;
	s4 =	simm.s32 $0x1;
	s5 =	smul.u32 $0x7, s5  }
0xc: {  	s6 =	sadd.s32 $0x800, s6;
	s12 =	smov.u32 s2;
	[sflag:s4] =	ssyncpa.u1 $0x0  }
0xd: {  	[sflag:s31] =	ssyncpa.u1 $0x0;
	p0 =	por $0x0, $0x0;
	s7 =	sadd.s32 $0x1, s5  }
.LBB1_4:
0xe: {  	s20 =	sshra.s32 s20, $0x2  }
0xf: {  	s28 =	sand.u32 $0x78, s10;
	s21 =	sshll.u32 s9, $0xE;
	s22 =	sshll.u32 s10, $0x3  }
0x10: {  	s24 =	sshll.u32 s9, $0x7;
	p1 =	sgt.s32 s9, $0x2C0;
	s30 =	sshra.s32 s9, $0x1F  }
0x11: {  	s26 =	sshra.s32 s10, $0x1F;
	s19 =	sadd.s32 s20, s19;
	s21 =	sand.u32 $0xFFFE0000, s21  }
0x12: {  	v5 =	vld [tilespmem:s17+$0xFFFFFFD0];
	[tilespmem:s18+$0x2040 ss:$0x81] =	vst.msk $0xffff, v4;
	s23 =	sand.u32 $0xFFFFFC00, s22;
	s29 =	sand.u32 $0x380, s24;
	s22 =	sand.u32 $0x3C00, s22  }
0x13: {  	v58 =	vld [tilespmem:s17+$0xFFFFFFE0];
	[tilespmem:s18+$0x2850 ss:$0x81] =	vst.msk $0xffff, v3;
	s21 =	sadd.s32 s23, s21;
	s20 =	sor.u32 s28, s22;
	s22 =	smov.u32 s9  }
0x14: {  	v59 =	vld [tilespmem:s17+$0xFFFFFFF0];
	[tilespmem:s18+$0x3060 ss:$0x81] =	vst.msk $0xffff, v2;
	s24 =	sand.u32 s30, s9;
	s21 =	sshrl.u32 s21, $0xE;
	s22 =	simm.s32 @!p1 $0x2C0  }
0x15: {  	v60 =	vld [tilespmem:s17+$0x0];
	[tilespmem:s18+$0x0 ss:$0x81] =	vst.msk $0xffff, v1;
	p1 =	sgt.s32 s10, $0x3F80;
	s31 =	ssub.s32 s22, s24;
	s22 =	smov.u32 s10  }
0x16: {  	v61 =	vld [tilespmem:s17+$0x10];
	[tilespmem:s19+$0x3870 ss:$0x81] =	vst.msk $0xffff, v0;
	s25 =	smulhi.u32 $0x4EC4ED, s21;
	s24 =	sand.u32 s26, s10;
	s22 =	simm.s32 @!p1 $0x3F80  }
0x17: {  	v62 =	vld [tilespmem:s17+$0x20];
	s20 =	sor.u32 s29, s20;
	[tilespmem:s19+$0x810 ss:$0x81] =	vst.msk $0xffff, v5;
	s27 =	sadd.s32 $0xFFFFFD40, s31;
	s22 =	ssub.s32 s22, s24  }
0x18: {  	v63 =	vld [tilespmem:s17+$0xFFFFFFC0];
	[tilespmem:s19+$0x1020 ss:$0x81] =	vst.msk $0xffff, v58;
	s18 =	ssub.s32 $0x340, s31;
	s28 =	smul.u32 $0x340, s25;
	s29 =	sadd.s32 $0xFFFFC080, s22  }
0x19: {  	[tilespmem:s19+$0x1830 ss:$0x81] =	vst.msk $0xffff, v59;
	p1 =	sgt.s32 s27, $0x7F;
	s22 =	ssub.s32 $0x4000, s22;
	p2 =	sgt.s32 s29, $0x7F  }
0x1a: {  	s30 =	sand.u32 $0x7, s10;
	[tilespmem:s19+$0x2040 ss:$0x81] =	vst.msk $0xffff, v60;
	s18 =	simm.s32 @p1 $0x0;
	s22 =	simm.s32 @p2 $0x0  }
0x1b: {  	s20 =	sshrl.u32 s20, $0x3;
	[tilespmem:s19+$0x2850 ss:$0x81] =	vst.msk $0xffff, v61;
	s17 =	ssub.s32 s21, s28;
	s18 =	smul.u32 s22, s18  }
0x1c: {  	[tilespmem:s19+$0x3060 ss:$0x81] =	vst.msk $0xffff, v62;
	s20 =	sadd.s32 s3, s20;
	s21 =	sshll.u32 s30, $0x12;
	s17 =	sshll.u32 s17, $0xB  }
0x1d: {  	[tilespmem:s19+$0x0 ss:$0x81] =	vst.msk $0xffff, v63;
	s31 =	sor.u32 $0x400, s21;
	s17 =	sadd.s32 s17, s20;
	s18 =	sand.u32 $0x3FFFFFFF, s18  }
0x1e: {  	[hbm4b:s17+s31] =	stream.strided.scatter [tilespmem:s16], [sflag:$0x2], s18, s8, s31, $0x20;
	[tilespmem:$0x10100] =	vst v63  }
.LBB1_5:
0x1f: {  	p1 =	slt.u32 s13, $0x2  }
0x20: {  	s17 =	smov.u32 s15;
	p2 =	sgt.s32 @!p1 s15, $0x2C0;
	s16 =	sshra.s32 @!p1 s15, $0x1F  }
0x21: {  	p3 =	sgt.s32 @!p1 s14, $0x3F80;
	s18 =	sshra.s32 @!p1 s14, $0x1F;
	p2 =	por !p2, p1  }
0x22: {  	s15 =	sand.u32 @!p1 s16, s15;
	p3 =	por !p3, p1;
	s16 =	smov.u32 s14  }
0x23: {  	s14 =	sand.u32 @!p1 s18, s14;
	s17 =	simm.s32 @p2 $0x2C0;
	s16 =	simm.s32 @p3 $0x3F80  }
0x24: {  	s15 =	ssub.s32 @!p1 s17, s15;
	s14 =	ssub.s32 @!p1 s16, s14  }
0x25: {  	s18 =	smov.u32 s12;
	s16 =	sadd.s32 @!p1 $0xFFFFFD40, s15;
	s17 =	sadd.s32 @!p1 $0xFFFFC080, s14  }
0x26: {  	s15 =	ssub.s32 @!p1 $0x340, s15;
	p2 =	sgt.s32 @!p1 s16, $0x7F;
	p3 =	sgt.s32 @!p1 s17, $0x7F  }
0x27: {  	s14 =	ssub.s32 @!p1 $0x4000, s14;
	p2 =	por !p2, p1;
	p3 =	por !p3, p1  }
0x28: {  	s16 =	sadd.s32 $0x80, s11;
	s15 =	simm.s32 @!p2 $0x0;
	s14 =	simm.s32 @!p3 $0x0  }
0x29: {  	p2 =	sgt.s32 s16, $0x33F;
	s14 =	smul.u32 @!p1 s14, s15;
	s15 =	sadd.s32 $0x1000, s12  }
0x2a: {  	s18 =	smov.u32 @p2 s15  }
0x2b: {  	s16 =	simm.s32 @p2 $0x0;
	p2 =	sgt.s32 s18, $0x3FFF  }
0x2c: {  	s18 =	smov.u32 @p2 s2;
	p2 =	sne.s32 s13, s7  }
.Ltmp1:
0x2d: {  	p0 =	por !p0, !p0;
	s17 =	simm.s32 @!p1 $0x2;
	(pc) =	sbr.rel @!p2 .LBB1_6-.Ltmp1, $4  }
0x2e: {  	s15 =	smov.u32 s9;
	s9 =	smov.u32 s11;
	s14 =	sand.u32 @!p1 $0x3FFFFFFF, s14  }
0x2f: {  	s11 =	smov.u32 s16;
	_ =	swait.ge @!p1 [sflag:s17], s14;
	s19 =	ssub.s32 @!p1 $0x0, s14  }
0x30: {  	s14 =	smov.u32 s10;
	s13 =	sadd.s32 $0x1, s13;
	[sflag:s17] =	ssyncset.done @!p1 $0x0  }
0x31: {  	s10 =	smov.u32 s12;
	s12 =	smov.u32 s18;
	[sflag:s17] =	ssyncadd.s32 @!p1 s19  }
.LBB1_1:
0x32: {  	p1 =	sge.u32 s13, s5  }
0x33: {  	s16 =	sshrl.u32 @!p1 s12, $0x3  }
0x34: {  	s17 =	sshll.u32 @!p1 s11, $0x3;
	s16 =	smul.u32 @!p1 $0x1C00, s16  }
0x35: {  	s18 =	sshll.u32 @!p1 s12, $0x7;
	s17 =	sand.u32 @!p1 $0xFFFFFC00, s17  }
0x36: {  	s16 =	sadd.s32 @!p1 s16, s17;
	s17 =	sand.u32 @!p1 $0x380, s18  }
0x37: {  	s16 =	sor.u32 @!p1 s17, s16  }
0x38: {  	s17 =	sshrl.u32 @!p1 s16, $0x7  }
0x39: {  	s17 =	smulhi.u32 @!p1 $0x24924925, s17;
	_ =	sdelay $0x1  }
0x3a: {  	s18 =	sand.u32 @!p1 $0x7F, s11;
	s19 =	smul.u32 @!p1 $0x380, s17  }
0x3b: {  	s31 =	sadd.s32 $0xFFFFFFFF, s13;
	s16 =	sor.u32 @!p1 s18, s16;
	s18 =	sxor.u32 @!p1 $0xFFFFFFFF, s13  }
0x3c: {  	s18 =	sshll.u32 @!p1 s18, $0xE;
	s17 =	sand.u32 @!p1 $0x3FFF, s17;
	s16 =	ssub.s32 @!p1 s16, s19  }
0x3d: {  	s17 =	smul.u32 @!p1 $0x70, s17;
	s19 =	sshrl.u32 @!p1 s16, $0x3;
	s16 =	sand.u32 @!p1 $0x7, s16  }
0x3e: {  	s18 =	sand.u32 @!p1 $0x4000, s18;
	s19 =	sadd.s32 @!p1 s6, s19;
	s16 =	sshll.u32 @!p1 s16, $0x12  }
0x3f: {  	s17 =	sadd.s32 @!p1 s17, s19;
	s16 =	sor.u32 @!p1 $0x400, s16;
	s19 =	simm.s32 @!p1 $0x1C00  }
0x40: {  	[tilespmem:s18], [sflag:$0x1] =	stream.strided.gather @!p1 [hbm4b:s17+s16], $0x4000, s19, s16, $0x38;
	[tilespmem:$0x10100] =	vst v63  }
0x41: {  	p1 =	sge.u32 s31, s5  }
.Ltmp2:
0x42: {  	_ = 	snop;
	(pc) =	sbr.rel @p1 .LBB1_5-.Ltmp2, $1  }
0x43: {  	_ =	sdelay $0x3  }
0x44: {  	s16 =	simm.s32 $0x1  }
0x45: {  	_ =	swait.ge [sflag:s4], $0x4000;
	s16 =	simm.s32 @!p0 $0x0  }
0x46: {  	[sflag:s4] =	ssyncset.done $0x0;
	s17 =	sshll.u32 s16, $0xE  }
0x47: {  	[sflag:s4] =	ssyncadd.s32 $0xFFFFC000;
	s17 =	sor.u32 $0x40, s17  }
0x48: {  	s16 =	smul.u32 $0x10200, s16;
	v0 =	vld [tilespmem:s17+$0x30]  }
0x49: {  	v1 =	vld [tilespmem:s17+$0xFFFFFFD0]  }
0x4a: {  	s16 =	sshrl.u32 s16, $0x2;
	v5 =	vld [tilespmem:s17+$0xFFFFFFE0]  }
0x4b: {  	v6 =	vld [tilespmem:s17+$0xFFFFFFF0];
	s19 =	sor.u32 $0x8000, s16  }
0x4c: {  	s31 =	sand.u32 $0x1, s13;
	v4 =	vld [tilespmem:s17+$0x0];
	s18 =	sadd.s32 $0x0, s19  }
0x4d: {  	v3 =	vld [tilespmem:s17+$0x10];
	s16 =	smul.u32 $0x10200, s31;
	[tilespmem:s18+$0x3870 ss:$0x81] =	vst.msk $0xffff, v0  }
0x4e: {  	v2 =	vld [tilespmem:s17+$0x20];
	[tilespmem:s18+$0x810 ss:$0x81] =	vst.msk $0xffff, v1  }
0x4f: {  	s16 =	sshrl.u32 s16, $0x2;
	v1 =	vld [tilespmem:s17+$0xFFFFFFC0];
	[tilespmem:s18+$0x1020 ss:$0x81] =	vst.msk $0xffff, v5;
	s17 =	sadd.s32 $0x80, s17  }
0x50: {  	s20 =	simm.s32 $0x4;
	s21 =	simm.s32 $0x8;
	s16 =	sor.u32 $0x8000, s16;
	[tilespmem:s18+$0x1830 ss:$0x81] =	vst.msk $0xffff, v6;
	v0 =	vld [tilespmem:s17+$0x30]  }
.LBB1_3:
0x51: {  	p1 =	sne.s32 s21, $0x1FC;
	v5 =	vld [tilespmem:s17+$0xFFFFFFD0];
	[tilespmem:s18+$0x2040 ss:$0x81] =	vst.msk $0xffff, v4  }
0x52: {  	v6 =	vld [tilespmem:s17+$0xFFFFFFE0];
	[tilespmem:s18+$0x2850 ss:$0x81] =	vst.msk $0xffff, v3  }
0x53: {  	s22 =	sshra.s32 s20, $0x2;
	s20 =	smov.u32 s21;
	v7 =	vld [tilespmem:s17+$0xFFFFFFF0];
	[tilespmem:s18+$0x3060 ss:$0x81] =	vst.msk $0xffff, v2  }
.Ltmp3:
0x54: {  	v4 =	vld [tilespmem:s17+$0x0];
	[tilespmem:s18+$0x0 ss:$0x81] =	vst.msk $0xffff, v1;
	s18 =	sadd.s32 s22, s19;
	(pc) =	sbr.rel @p1 .LBB1_3-.Ltmp3, $4  }
0x55: {  	v3 =	vld [tilespmem:s17+$0x10];
	[tilespmem:s18+$0x3870 ss:$0x81] =	vst.msk $0xffff, v0  }
0x56: {  	[tilespmem:s18+$0x810 ss:$0x81] =	vst.msk $0xffff, v5;
	v2 =	vld [tilespmem:s17+$0x20]  }
0x57: {  	v1 =	vld [tilespmem:s17+$0xFFFFFFC0];
	[tilespmem:s18+$0x1020 ss:$0x81] =	vst.msk $0xffff, v6;
	s17 =	sadd.s32 $0x80, s17  }
0x58: {  	s21 =	sadd.s32 $0x4, s21;
	v0 =	vld [tilespmem:s17+$0x30];
	[tilespmem:s18+$0x1830 ss:$0x81] =	vst.msk $0xffff, v7  }
.Ltmp4:
0x59: {  	_ = 	snop;
	(pc) =	sbr.rel .LBB1_4-.Ltmp4, $1  }
0x5a: {  	_ =	sdelay $0x3  }
.LBB1_6:
0x5b: {  	_ =	sfence.sel $0x180000  }
0x5c: {  	s2 =	simm.s32 $0x1;
	[bflag:$0x0] =	sbarrier.arrive $0xFFFF  }
0x5d: {  	s31 =	simm.s32 $0x2;
	[sflag:s2] =	ssyncpa.u1 $0x1  }
0x5e: {  	[sflag:s31] =	ssyncpa.u1 $0x1  }
0x5f: {  	p0 =	sne.s32 s0, $0x0;
	_ =	strace $0x9000004A  }
0x60: {  	s0 =	sadd.s32 @!p0 $0x100000, s1;
	[bflag:$0x2] =	sbarrier.arrive $0xFFFF  }
0x61: {  	[sflag:s0] =	ssyncadd.tile.s32 @!p0 $0x1;
	_ =	shalt  }
.Lfunc_end1:
_tile_overlayer_lowered:
.L_overlay_start_2:
0x62: {  	(tag) =	ssettag $0x2  }
0x63: {  	s0 =	rddreg [dreg:$0x0];
	s2 =	stileid.u32  }
0x64: {  	s1 =	rddreg [dreg:$0x1];
	p0 =	sne.s32 s2, $0x0  }
0x65: {  	s3 =	rddreg [dreg:$0x2];
	[bflag:$0x3] =	sbarrier.arrive $0xFFFF;
	s2 =	simm.s32 @!p0 $0x1C01  }
0x66: {  	[timem:s3], [sflag:s2] =	dma.local @!p0 [hbm:s0], s1  }
0x67: {  	s0 =	simm.s32 @!p0 $0x1  }
0x68: {  	_ =	swait.ge @!p0 [sflag:s0], s1  }
0x69: {  	s1 =	ssub.s32 @!p0 $0x0, s1;
	[sflag:s0] =	ssyncset.done @!p0 $0x0  }
0x6a: {  	[sflag:s0] =	ssyncadd.s32 @!p0 s1  }
0x6b: {  	[bflag:$0x3] =	sbarrier.arrive $0xFFFF  }
0x6c: {  	_ =	shalt  }

</sc_bundles>
